<compile_context>
chip_gen: v7x
topology: tpu7x:2x2x1
jax: 0.10.2.dev20260603
libtpu: 0.0.44.dev20260713+nightly
codegen_flags: <defaults>
</compile_context>

<pallas_src>
import functools

import jax
import jax.numpy as jnp
from jax import lax
from jax.experimental import pallas as pl
from jax.experimental.pallas import tpu as pltpu
from jax.experimental.pallas import tpu_sc as plsc

_NC, _NS = 2, 16
_NW = _NC * _NS
_GCHUNK = 128
_RING_ROWS = 640
_NBUF = 2


def _sc_gather(xf, word_table):
    N = xf.shape[0]
    V, D = word_table.shape
    n_per_w = N // _NW
    n_chunks = n_per_w // _RING_ROWS
    assert n_per_w * _NW == N and n_chunks * _RING_ROWS == n_per_w
    assert n_chunks % _NBUF == 0
    n_gath = _RING_ROWS // _GCHUNK

    mesh = plsc.VectorSubcoreMesh(core_axis_name="c", subcore_axis_name="s")

    @functools.partial(
        pl.kernel,
        out_type=jax.ShapeDtypeStruct((N, D), jnp.float32),
        mesh=mesh,
        scratch_types=[
            pltpu.VMEM((n_per_w,), jnp.int32),
            pltpu.VMEM((_NBUF, _RING_ROWS, D), jnp.float32),
            pltpu.SemaphoreType.DMA,
            pltpu.SemaphoreType.DMA,
            pltpu.SemaphoreType.DMA,
            pltpu.SemaphoreType.DMA,
        ],
        compiler_params=pltpu.CompilerParams(use_tc_tiling_on_sc=False),
    )
    def gather_kernel(x_hbm, word_hbm, out_hbm, idx_v, rows_v,
                      semg0, semg1, semw0, semw1):
        wid = lax.axis_index("s") * _NC + lax.axis_index("c")
        base = wid * n_per_w
        semg = (semg0, semg1)
        semw = (semw0, semw1)

        pltpu.sync_copy(x_hbm.at[pl.ds(base, n_per_w)], idx_v)

        def fire(buf, step):
            off = step * _RING_ROWS
            for j in range(n_gath):
                pltpu.async_copy(
                    word_hbm.at[idx_v.at[pl.ds(off + j * _GCHUNK, _GCHUNK)]],
                    rows_v.at[buf, pl.ds(j * _GCHUNK, _GCHUNK)],
                    semg[buf],
                )

        def drain_g(buf):
            pltpu.make_async_copy(
                word_hbm.at[pl.ds(0, _RING_ROWS)], rows_v.at[buf], semg[buf]
            ).wait()

        def write_async(buf, step):
            pltpu.async_copy(
                rows_v.at[buf],
                out_hbm.at[pl.ds(base + step * _RING_ROWS, _RING_ROWS)],
                semw[buf],
            )

        def wait_w(buf):
            pltpu.make_async_copy(
                rows_v.at[buf], out_hbm.at[pl.ds(0, _RING_ROWS)], semw[buf]
            ).wait()

        fire(0, 0)

        def outer(i, carry):
            s0 = i * _NBUF

            @pl.when(i > 0)
            def _():
                wait_w(1)

            fire(1, s0 + 1)
            drain_g(0)
            write_async(0, s0)

            @pl.when(s0 + 2 < n_chunks)
            def _():
                wait_w(0)
                fire(0, s0 + 2)

            drain_g(1)
            write_async(1, s0 + 1)
            return carry

        lax.fori_loop(0, n_chunks // _NBUF, outer, 0)
        wait_w(0)
        wait_w(1)

    return gather_kernel(xf, word_table)


_SBLK = 2
_P = 5


def _make_ln_body(B, D):
    def _ln_body(g_ref, pos_ref, gamma_ref, beta_ref, *rest):
        o_ref = rest[-1]
        for k in range(_SBLK):
            h = g_ref[pl.ds(k * B, B), :].T + pos_ref[pl.ds(k * D, D), :]
            mean = jnp.mean(h, axis=0, keepdims=True)
            d = h - mean
            var = jnp.mean(d * d, axis=0, keepdims=True)
            o_ref[k] = (
                d * lax.rsqrt(var + jnp.float32(1e-5)) * gamma_ref[...]
                + beta_ref[...]
            )

    return _ln_body


def _tc_layernorm_piece(g2, pos2, gammaT, betaT, prev, piece, S, B, D):
    Sp = g2.shape[0] // B
    blk_off = piece * (Sp // _SBLK)
    in_specs = [
        pl.BlockSpec((_SBLK * B, D), lambda s: (s, 0)),
        pl.BlockSpec((_SBLK * D, 1), lambda s: (s, 0)),
        pl.BlockSpec((D, 1), lambda s: (0, 0)),
        pl.BlockSpec((D, 1), lambda s: (0, 0)),
    ]
    args = [g2, pos2, gammaT, betaT]
    kwargs = {}
    if prev is not None:
        in_specs.append(pl.BlockSpec((_SBLK, D, B), lambda s: (0, 0, 0)))
        args.append(prev)
        kwargs["input_output_aliases"] = {4: 0}
    return pl.pallas_call(
        _make_ln_body(B, D),
        grid=(Sp // _SBLK,),
        in_specs=in_specs,
        out_specs=pl.BlockSpec((_SBLK, D, B), lambda s: (s + blk_off, 0, 0)),
        out_shape=jax.ShapeDtypeStruct((S, D, B), jnp.float32),
        **kwargs,
    )(*args)


def kernel(x, word_table, pos_table, gamma, beta):
    B, S = x.shape
    V, D = word_table.shape
    N = B * S
    xT = jnp.swapaxes(x, 0, 1).reshape(N)
    pos2 = pos_table.reshape(S * D, 1)
    gammaT = gamma.reshape(D, 1)
    betaT = beta.reshape(D, 1)
    Sp = S // _P
    out_phys = None
    for p in range(_P):
        xp = xT[p * Sp * B:(p + 1) * Sp * B]
        g = _sc_gather(xp, word_table)
        out_phys = _tc_layernorm_piece(
            g,
            pos2[p * Sp * D:(p + 1) * Sp * D],
            gammaT,
            betaT,
            out_phys,
            p,
            S, B, D,
        )
    return jnp.transpose(out_phys, (2, 0, 1))

# --- scband reference (transcript-rebuilt; emitter-appended) ---
"""Pipeline reference for scband-decoder-embeddings-20667382628561 (READ-ONLY COPY).

The authoritative reference and input builder live on the scoring server;
editing this copy changes nothing except your own understanding.
"""

import jax, jax.numpy as jnp
import numpy as np

VOCAB = 1000000
DIM = 64
PAD = 0
MAXPOS = 200
B = 4096
S = 200


def setup_inputs(seed: int = 0) -> dict:
    key = jax.random.key(seed)
    k1, k2, k3 = jax.random.split(key, 3)
    x = jax.random.randint(k1, (B, S), 0, VOCAB, dtype=jnp.int64 if jax.config.jax_enable_x64 else jnp.int32).astype(jnp.int32)
    word_table = jax.random.normal(k2, (VOCAB, DIM), dtype=jnp.float32) * 0.02
    # padding_idx row is zero in torch nn.Embedding
    word_table = word_table.at[PAD].set(0.0)
    pos_table = jax.random.normal(k3, (MAXPOS, DIM), dtype=jnp.float32) * 0.02
    gamma = jnp.ones((DIM,), dtype=jnp.float32)
    beta = jnp.zeros((DIM,), dtype=jnp.float32)
    return {"x": x, "word_table": word_table, "pos_table": pos_table, "gamma": gamma, "beta": beta}


def _layer_norm(h, gamma, beta, eps=1e-5):
    mean = jnp.mean(h, axis=-1, keepdims=True)
    var = jnp.mean((h - mean) ** 2, axis=-1, keepdims=True)
    return (h - mean) / jnp.sqrt(var + eps) * gamma + beta


def reference(x, word_table, pos_table, gamma, beta):
    seq_length = x.shape[1]
    position_ids = jnp.arange(seq_length, dtype=jnp.int32)[None, :]  # [1, S], broadcast over batch
    input_embeds = jnp.take(word_table, x, axis=0)          # gather [B, S, D]
    position_embeds = jnp.take(pos_table, position_ids, axis=0)  # [1, S, D]
    embeddings = input_embeds + position_embeds
    embeddings = _layer_norm(embeddings, gamma, beta)
    return embeddings

if __name__ == "__main__":
    import jax
    _d = setup_inputs()
    print(jax.jit(kernel)(*tuple(_d.values())))

</pallas_src>

<mosaic_0001>
#map = affine_map<(d0, d1) -> (0)>
#map1 = affine_map<(d0, d1) -> (0, 0)>
module attributes {stable_mosaic.version = 14 : i64} {
  func.func @gather_kernel(%arg0: i32, %arg1: i32, %arg2: memref<163840xi32, #tpu.memory_space<hbm>>, %arg3: memref<1000000x64xf32, #tpu.memory_space<hbm>>, %arg4: memref<163840x64xf32, #tpu.memory_space<hbm>>, %arg5: memref<5120xi32, #tpu.memory_space<vmem>>, %arg6: memref<2x640x64xf32, #tpu.memory_space<vmem>>, %arg7: memref<!tpu.dma_semaphore, #tpu.memory_space<semaphore_mem>>, %arg8: memref<!tpu.dma_semaphore, #tpu.memory_space<semaphore_mem>>, %arg9: memref<!tpu.dma_semaphore, #tpu.memory_space<semaphore_mem>>, %arg10: memref<!tpu.dma_semaphore, #tpu.memory_space<semaphore_mem>>) attributes {dimension_semantics = [#tpu.dimension_semantics<core_parallel>, #tpu.dimension_semantics<subcore_parallel>], iteration_bounds = array<i64: 2, 16>, scalar_prefetch = 0 : i64, scratch_operands = 6 : i64, tpu.core_type = #tpu.core_type<sc_vector_subcore>, window_params = [{transform_indices = #map}, {transform_indices = #map1}, {transform_indices = #map1}]} {
    %mul3A = arith.constant 2 : i32
    %mul3A_0 = arith.muli %arg1, %mul3A : i32
    %add3A = arith.addi %mul3A_0, %arg0 : i32
    %mul3A_1 = arith.constant 5120 : i32
    %mul3A_2 = arith.muli %add3A, %mul3A_1 : i32
    "tpu.region"() ({
      %run_scoped3A = tpu.sem_alloc : memref<!tpu.dma_semaphore, #tpu.memory_space<semaphore_mem>>
      %dma_start3A_86 = tpu.memref_slice %arg2[%mul3A_2] : memref<163840xi32, #tpu.memory_space<hbm>> -> memref<5120xi32, #tpu.memory_space<hbm>>
      %dma_start3A_87 = tpu.memref_slice %arg2[%mul3A_2] : memref<163840xi32, #tpu.memory_space<hbm>> -> memref<5120xi32, #tpu.memory_space<hbm>>
      tpu.enqueue_dma source(%dma_start3A_87 : memref<5120xi32, #tpu.memory_space<hbm>>) target(%arg5 : memref<5120xi32, #tpu.memory_space<vmem>>) target_semaphore(%run_scoped3A : memref<!tpu.dma_semaphore, #tpu.memory_space<semaphore_mem>>)
      %dma_wait3A_88 = tpu.memref_slice %arg2[%mul3A_2] : memref<163840xi32, #tpu.memory_space<hbm>> -> memref<5120xi32, #tpu.memory_space<hbm>>
      %dma_wait3A_89 = tpu.memref_slice %arg2[%mul3A_2] : memref<163840xi32, #tpu.memory_space<hbm>> -> memref<5120xi32, #tpu.memory_space<hbm>>
      tpu.wait_dma2 semaphore(%run_scoped3A : memref<!tpu.dma_semaphore, #tpu.memory_space<semaphore_mem>>) src(%dma_wait3A_89 : memref<5120xi32, #tpu.memory_space<hbm>>) dst(%arg5 : memref<5120xi32, #tpu.memory_space<vmem>>)
      tpu.yield
    }) : () -> ()
    %dma_start3A = arith.constant 0 : i32
    %dma_start3A_3 = arith.constant 0 : i32
    %dma_start3A_4 = arith.constant 0 : i32
    %dma_start3A_5 = tpu.memref_slice %arg6[%dma_start3A, %dma_start3A_3, %dma_start3A_4] : memref<2x640x64xf32, #tpu.memory_space<vmem>> -> memref<1x128x64xf32, #tpu.memory_space<vmem>>
    %dma_start3A_6 = tpu.memref_squeeze %dma_start3A_5 : memref<1x128x64xf32, #tpu.memory_space<vmem>> -> memref<128x64xf32, #tpu.memory_space<vmem>>
    %dma_start3A_7 = arith.constant 0 : i32
    %dma_start3A_8 = tpu.memref_slice %arg5[%dma_start3A_7] : memref<5120xi32, #tpu.memory_space<vmem>> -> memref<128xi32, #tpu.memory_space<vmem>>
    %dma_start3A_9 = arith.constant 0 : i32
    %dma_start3A_10 = arith.constant 0 : i32
    %dma_start3A_11 = tpu.memref_slice %arg3[%dma_start3A_9, %dma_start3A_10] : memref<1000000x64xf32, #tpu.memory_space<hbm>> -> memref<1000000x64xf32, #tpu.memory_space<hbm>>
    tpu.enqueue_indirect_dma source(%dma_start3A_11 : memref<1000000x64xf32, #tpu.memory_space<hbm>>) target(%dma_start3A_6 : memref<128x64xf32, #tpu.memory_space<vmem>>) offsets(%dma_start3A_8 : memref<128xi32, #tpu.memory_space<vmem>>) semaphore(%arg7 : memref<!tpu.dma_semaphore, #tpu.memory_space<semaphore_mem>>)
    %dma_start3A_12 = arith.constant 0 : i32
    %dma_start3A_13 = arith.constant 128 : i32
    %dma_start3A_14 = arith.constant 0 : i32
    %dma_start3A_15 = tpu.memref_slice %arg6[%dma_start3A_12, %dma_start3A_13, %dma_start3A_14] : memref<2x640x64xf32, #tpu.memory_space<vmem>> -> memref<1x128x64xf32, #tpu.memory_space<vmem>>
    %dma_start3A_16 = tpu.memref_squeeze %dma_start3A_15 : memref<1x128x64xf32, #tpu.memory_space<vmem>> -> memref<128x64xf32, #tpu.memory_space<vmem>>
    %dma_start3A_17 = arith.constant 128 : i32
    %dma_start3A_18 = tpu.memref_slice %arg5[%dma_start3A_17] : memref<5120xi32, #tpu.memory_space<vmem>> -> memref<128xi32, #tpu.memory_space<vmem>>
    %dma_start3A_19 = arith.constant 0 : i32
    %dma_start3A_20 = arith.constant 0 : i32
    %dma_start3A_21 = tpu.memref_slice %arg3[%dma_start3A_19, %dma_start3A_20] : memref<1000000x64xf32, #tpu.memory_space<hbm>> -> memref<1000000x64xf32, #tpu.memory_space<hbm>>
    tpu.enqueue_indirect_dma source(%dma_start3A_21 : memref<1000000x64xf32, #tpu.memory_space<hbm>>) target(%dma_start3A_16 : memref<128x64xf32, #tpu.memory_space<vmem>>) offsets(%dma_start3A_18 : memref<128xi32, #tpu.memory_space<vmem>>) semaphore(%arg7 : memref<!tpu.dma_semaphore, #tpu.memory_space<semaphore_mem>>)
    %dma_start3A_22 = arith.constant 0 : i32
    %dma_start3A_23 = arith.constant 256 : i32
    %dma_start3A_24 = arith.constant 0 : i32
    %dma_start3A_25 = tpu.memref_slice %arg6[%dma_start3A_22, %dma_start3A_23, %dma_start3A_24] : memref<2x640x64xf32, #tpu.memory_space<vmem>> -> memref<1x128x64xf32, #tpu.memory_space<vmem>>
    %dma_start3A_26 = tpu.memref_squeeze %dma_start3A_25 : memref<1x128x64xf32, #tpu.memory_space<vmem>> -> memref<128x64xf32, #tpu.memory_space<vmem>>
    %dma_start3A_27 = arith.constant 256 : i32
    %dma_start3A_28 = tpu.memref_slice %arg5[%dma_start3A_27] : memref<5120xi32, #tpu.memory_space<vmem>> -> memref<128xi32, #tpu.memory_space<vmem>>
    %dma_start3A_29 = arith.constant 0 : i32
    %dma_start3A_30 = arith.constant 0 : i32
    %dma_start3A_31 = tpu.memref_slice %arg3[%dma_start3A_29, %dma_start3A_30] : memref<1000000x64xf32, #tpu.memory_space<hbm>> -> memref<1000000x64xf32, #tpu.memory_space<hbm>>
    tpu.enqueue_indirect_dma source(%dma_start3A_31 : memref<1000000x64xf32, #tpu.memory_space<hbm>>) target(%dma_start3A_26 : memref<128x64xf32, #tpu.memory_space<vmem>>) offsets(%dma_start3A_28 : memref<128xi32, #tpu.memory_space<vmem>>) semaphore(%arg7 : memref<!tpu.dma_semaphore, #tpu.memory_space<semaphore_mem>>)
    %dma_start3A_32 = arith.constant 0 : i32
    %dma_start3A_33 = arith.constant 384 : i32
    %dma_start3A_34 = arith.constant 0 : i32
    %dma_start3A_35 = tpu.memref_slice %arg6[%dma_start3A_32, %dma_start3A_33, %dma_start3A_34] : memref<2x640x64xf32, #tpu.memory_space<vmem>> -> memref<1x128x64xf32, #tpu.memory_space<vmem>>
    %dma_start3A_36 = tpu.memref_squeeze %dma_start3A_35 : memref<1x128x64xf32, #tpu.memory_space<vmem>> -> memref<128x64xf32, #tpu.memory_space<vmem>>
    %dma_start3A_37 = arith.constant 384 : i32
    %dma_start3A_38 = tpu.memref_slice %arg5[%dma_start3A_37] : memref<5120xi32, #tpu.memory_space<vmem>> -> memref<128xi32, #tpu.memory_space<vmem>>
    %dma_start3A_39 = arith.constant 0 : i32
    %dma_start3A_40 = arith.constant 0 : i32
    %dma_start3A_41 = tpu.memref_slice %arg3[%dma_start3A_39, %dma_start3A_40] : memref<1000000x64xf32, #tpu.memory_space<hbm>> -> memref<1000000x64xf32, #tpu.memory_space<hbm>>
    tpu.enqueue_indirect_dma source(%dma_start3A_41 : memref<1000000x64xf32, #tpu.memory_space<hbm>>) target(%dma_start3A_36 : memref<128x64xf32, #tpu.memory_space<vmem>>) offsets(%dma_start3A_38 : memref<128xi32, #tpu.memory_space<vmem>>) semaphore(%arg7 : memref<!tpu.dma_semaphore, #tpu.memory_space<semaphore_mem>>)
    %dma_start3A_42 = arith.constant 0 : i32
    %dma_start3A_43 = arith.constant 512 : i32
    %dma_start3A_44 = arith.constant 0 : i32
    %dma_start3A_45 = tpu.memref_slice %arg6[%dma_start3A_42, %dma_start3A_43, %dma_start3A_44] : memref<2x640x64xf32, #tpu.memory_space<vmem>> -> memref<1x128x64xf32, #tpu.memory_space<vmem>>
    %dma_start3A_46 = tpu.memref_squeeze %dma_start3A_45 : memref<1x128x64xf32, #tpu.memory_space<vmem>> -> memref<128x64xf32, #tpu.memory_space<vmem>>
    %dma_start3A_47 = arith.constant 512 : i32
    %dma_start3A_48 = tpu.memref_slice %arg5[%dma_start3A_47] : memref<5120xi32, #tpu.memory_space<vmem>> -> memref<128xi32, #tpu.memory_space<vmem>>
    %dma_start3A_49 = arith.constant 0 : i32
    %dma_start3A_50 = arith.constant 0 : i32
    %dma_start3A_51 = tpu.memref_slice %arg3[%dma_start3A_49, %dma_start3A_50] : memref<1000000x64xf32, #tpu.memory_space<hbm>> -> memref<1000000x64xf32, #tpu.memory_space<hbm>>
    tpu.enqueue_indirect_dma source(%dma_start3A_51 : memref<1000000x64xf32, #tpu.memory_space<hbm>>) target(%dma_start3A_46 : memref<128x64xf32, #tpu.memory_space<vmem>>) offsets(%dma_start3A_48 : memref<128xi32, #tpu.memory_space<vmem>>) semaphore(%arg7 : memref<!tpu.dma_semaphore, #tpu.memory_space<semaphore_mem>>)
    %scan3A = arith.constant 0 : i32
    %scan3A_52 = arith.constant 0 : i32
    %scan3A_53 = arith.constant 4 : i32
    %scan3A_54 = arith.addi %scan3A_52, %scan3A_53 : i32
    %scan3A_55 = arith.constant 1 : i32
    scf.for %scan3A_86 = %scan3A_52 to %scan3A_54 step %scan3A_55  : i32 {
      %mul3A_87 = arith.constant 2 : i32
      %mul3A_88 = arith.muli %scan3A_86, %mul3A_87 : i32
      %gt3A = arith.constant 0 : i32
      %gt3A_89 = arith.cmpi sgt, %scan3A_86, %gt3A : i32
      %convert_element_type3A = arith.extui %gt3A_89 : i1 to i32
      %cond3A = arith.constant 0 : i32
      %cond3A_90 = arith.cmpi ne, %convert_element_type3A, %cond3A : i32
      scf.if %cond3A_90 {
        %dma_wait3A_220 = arith.constant 1 : i32
        %dma_wait3A_221 = arith.constant 0 : i32
        %dma_wait3A_222 = arith.constant 0 : i32
        %dma_wait3A_223 = tpu.memref_slice %arg6[%dma_wait3A_220, %dma_wait3A_221, %dma_wait3A_222] : memref<2x640x64xf32, #tpu.memory_space<vmem>> -> memref<1x640x64xf32, #tpu.memory_space<vmem>>
        %dma_wait3A_224 = tpu.memref_squeeze %dma_wait3A_223 : memref<1x640x64xf32, #tpu.memory_space<vmem>> -> memref<640x64xf32, #tpu.memory_space<vmem>>
        %dma_wait3A_225 = arith.constant 0 : i32
        %dma_wait3A_226 = arith.constant 0 : i32
        %dma_wait3A_227 = tpu.memref_slice %arg4[%dma_wait3A_225, %dma_wait3A_226] : memref<163840x64xf32, #tpu.memory_space<hbm>> -> memref<640x64xf32, #tpu.memory_space<hbm>>
        %dma_wait3A_228 = arith.constant 0 : i32
        %dma_wait3A_229 = arith.constant 0 : i32
        %dma_wait3A_230 = tpu.memref_slice %arg4[%dma_wait3A_228, %dma_wait3A_229] : memref<163840x64xf32, #tpu.memory_space<hbm>> -> memref<640x64xf32, #tpu.memory_space<hbm>>
        %dma_wait3A_231 = arith.constant 0 : i32
        %dma_wait3A_232 = arith.constant 0 : i32
        %dma_wait3A_233 = tpu.memref_slice %arg6[%dma_wait3A_220, %dma_wait3A_231, %dma_wait3A_232] : memref<2x640x64xf32, #tpu.memory_space<vmem>> -> memref<1x640x64xf32, #tpu.memory_space<vmem>>
        %dma_wait3A_234 = tpu.memref_squeeze %dma_wait3A_233 : memref<1x640x64xf32, #tpu.memory_space<vmem>> -> memref<640x64xf32, #tpu.memory_space<vmem>>
        tpu.wait_dma2 semaphore(%arg10 : memref<!tpu.dma_semaphore, #tpu.memory_space<semaphore_mem>>) src(%dma_wait3A_234 : memref<640x64xf32, #tpu.memory_space<vmem>>) dst(%dma_wait3A_230 : memref<640x64xf32, #tpu.memory_space<hbm>>)
      } else {
      }
      %add3A_91 = arith.constant 1 : i32
      %add3A_92 = arith.addi %mul3A_88, %add3A_91 : i32
      %mul3A_93 = arith.constant 640 : i32
      %mul3A_94 = arith.muli %add3A_92, %mul3A_93 : i32
      %add3A_95 = arith.constant 0 : i32
      %add3A_96 = arith.addi %mul3A_94, %add3A_95 : i32
      %dma_start3A_97 = arith.constant 1 : i32
      %dma_start3A_98 = arith.constant 0 : i32
      %dma_start3A_99 = arith.constant 0 : i32
      %dma_start3A_100 = tpu.memref_slice %arg6[%dma_start3A_97, %dma_start3A_98, %dma_start3A_99] : memref<2x640x64xf32, #tpu.memory_space<vmem>> -> memref<1x128x64xf32, #tpu.memory_space<vmem>>
      %dma_start3A_101 = tpu.memref_squeeze %dma_start3A_100 : memref<1x128x64xf32, #tpu.memory_space<vmem>> -> memref<128x64xf32, #tpu.memory_space<vmem>>
      %dma_start3A_102 = tpu.memref_slice %arg5[%add3A_96] : memref<5120xi32, #tpu.memory_space<vmem>> -> memref<128xi32, #tpu.memory_space<vmem>>
      %dma_start3A_103 = arith.constant 0 : i32
      %dma_start3A_104 = arith.constant 0 : i32
      %dma_start3A_105 = tpu.memref_slice %arg3[%dma_start3A_103, %dma_start3A_104] : memref<1000000x64xf32, #tpu.memory_space<hbm>> -> memref<1000000x64xf32, #tpu.memory_space<hbm>>
      tpu.enqueue_indirect_dma source(%dma_start3A_105 : memref<1000000x64xf32, #tpu.memory_space<hbm>>) target(%dma_start3A_101 : memref<128x64xf32, #tpu.memory_space<vmem>>) offsets(%dma_start3A_102 : memref<128xi32, #tpu.memory_space<vmem>>) semaphore(%arg8 : memref<!tpu.dma_semaphore, #tpu.memory_space<semaphore_mem>>)
      %add3A_106 = arith.constant 128 : i32
      %add3A_107 = arith.addi %mul3A_94, %add3A_106 : i32
      %dma_start3A_108 = arith.constant 1 : i32
      %dma_start3A_109 = arith.constant 128 : i32
      %dma_start3A_110 = arith.constant 0 : i32
      %dma_start3A_111 = tpu.memref_slice %arg6[%dma_start3A_108, %dma_start3A_109, %dma_start3A_110] : memref<2x640x64xf32, #tpu.memory_space<vmem>> -> memref<1x128x64xf32, #tpu.memory_space<vmem>>
      %dma_start3A_112 = tpu.memref_squeeze %dma_start3A_111 : memref<1x128x64xf32, #tpu.memory_space<vmem>> -> memref<128x64xf32, #tpu.memory_space<vmem>>
      %dma_start3A_113 = tpu.memref_slice %arg5[%add3A_107] : memref<5120xi32, #tpu.memory_space<vmem>> -> memref<128xi32, #tpu.memory_space<vmem>>
      %dma_start3A_114 = arith.constant 0 : i32
      %dma_start3A_115 = arith.constant 0 : i32
      %dma_start3A_116 = tpu.memref_slice %arg3[%dma_start3A_114, %dma_start3A_115] : memref<1000000x64xf32, #tpu.memory_space<hbm>> -> memref<1000000x64xf32, #tpu.memory_space<hbm>>
      tpu.enqueue_indirect_dma source(%dma_start3A_116 : memref<1000000x64xf32, #tpu.memory_space<hbm>>) target(%dma_start3A_112 : memref<128x64xf32, #tpu.memory_space<vmem>>) offsets(%dma_start3A_113 : memref<128xi32, #tpu.memory_space<vmem>>) semaphore(%arg8 : memref<!tpu.dma_semaphore, #tpu.memory_space<semaphore_mem>>)
      %add3A_117 = arith.constant 256 : i32
      %add3A_118 = arith.addi %mul3A_94, %add3A_117 : i32
      %dma_start3A_119 = arith.constant 1 : i32
      %dma_start3A_120 = arith.constant 256 : i32
      %dma_start3A_121 = arith.constant 0 : i32
      %dma_start3A_122 = tpu.memref_slice %arg6[%dma_start3A_119, %dma_start3A_120, %dma_start3A_121] : memref<2x640x64xf32, #tpu.memory_space<vmem>> -> memref<1x128x64xf32, #tpu.memory_space<vmem>>
      %dma_start3A_123 = tpu.memref_squeeze %dma_start3A_122 : memref<1x128x64xf32, #tpu.memory_space<vmem>> -> memref<128x64xf32, #tpu.memory_space<vmem>>
      %dma_start3A_124 = tpu.memref_slice %arg5[%add3A_118] : memref<5120xi32, #tpu.memory_space<vmem>> -> memref<128xi32, #tpu.memory_space<vmem>>
      %dma_start3A_125 = arith.constant 0 : i32
      %dma_start3A_126 = arith.constant 0 : i32
      %dma_start3A_127 = tpu.memref_slice %arg3[%dma_start3A_125, %dma_start3A_126] : memref<1000000x64xf32, #tpu.memory_space<hbm>> -> memref<1000000x64xf32, #tpu.memory_space<hbm>>
      tpu.enqueue_indirect_dma source(%dma_start3A_127 : memref<1000000x64xf32, #tpu.memory_space<hbm>>) target(%dma_start3A_123 : memref<128x64xf32, #tpu.memory_space<vmem>>) offsets(%dma_start3A_124 : memref<128xi32, #tpu.memory_space<vmem>>) semaphore(%arg8 : memref<!tpu.dma_semaphore, #tpu.memory_space<semaphore_mem>>)
      %add3A_128 = arith.constant 384 : i32
      %add3A_129 = arith.addi %mul3A_94, %add3A_128 : i32
      %dma_start3A_130 = arith.constant 1 : i32
      %dma_start3A_131 = arith.constant 384 : i32
      %dma_start3A_132 = arith.constant 0 : i32
      %dma_start3A_133 = tpu.memref_slice %arg6[%dma_start3A_130, %dma_start3A_131, %dma_start3A_132] : memref<2x640x64xf32, #tpu.memory_space<vmem>> -> memref<1x128x64xf32, #tpu.memory_space<vmem>>
      %dma_start3A_134 = tpu.memref_squeeze %dma_start3A_133 : memref<1x128x64xf32, #tpu.memory_space<vmem>> -> memref<128x64xf32, #tpu.memory_space<vmem>>
      %dma_start3A_135 = tpu.memref_slice %arg5[%add3A_129] : memref<5120xi32, #tpu.memory_space<vmem>> -> memref<128xi32, #tpu.memory_space<vmem>>
      %dma_start3A_136 = arith.constant 0 : i32
      %dma_start3A_137 = arith.constant 0 : i32
      %dma_start3A_138 = tpu.memref_slice %arg3[%dma_start3A_136, %dma_start3A_137] : memref<1000000x64xf32, #tpu.memory_space<hbm>> -> memref<1000000x64xf32, #tpu.memory_space<hbm>>
      tpu.enqueue_indirect_dma source(%dma_start3A_138 : memref<1000000x64xf32, #tpu.memory_space<hbm>>) target(%dma_start3A_134 : memref<128x64xf32, #tpu.memory_space<vmem>>) offsets(%dma_start3A_135 : memref<128xi32, #tpu.memory_space<vmem>>) semaphore(%arg8 : memref<!tpu.dma_semaphore, #tpu.memory_space<semaphore_mem>>)
      %add3A_139 = arith.constant 512 : i32
      %add3A_140 = arith.addi %mul3A_94, %add3A_139 : i32
      %dma_start3A_141 = arith.constant 1 : i32
      %dma_start3A_142 = arith.constant 512 : i32
      %dma_start3A_143 = arith.constant 0 : i32
      %dma_start3A_144 = tpu.memref_slice %arg6[%dma_start3A_141, %dma_start3A_142, %dma_start3A_143] : memref<2x640x64xf32, #tpu.memory_space<vmem>> -> memref<1x128x64xf32, #tpu.memory_space<vmem>>
      %dma_start3A_145 = tpu.memref_squeeze %dma_start3A_144 : memref<1x128x64xf32, #tpu.memory_space<vmem>> -> memref<128x64xf32, #tpu.memory_space<vmem>>
      %dma_start3A_146 = tpu.memref_slice %arg5[%add3A_140] : memref<5120xi32, #tpu.memory_space<vmem>> -> memref<128xi32, #tpu.memory_space<vmem>>
      %dma_start3A_147 = arith.constant 0 : i32
      %dma_start3A_148 = arith.constant 0 : i32
      %dma_start3A_149 = tpu.memref_slice %arg3[%dma_start3A_147, %dma_start3A_148] : memref<1000000x64xf32, #tpu.memory_space<hbm>> -> memref<1000000x64xf32, #tpu.memory_space<hbm>>
      tpu.enqueue_indirect_dma source(%dma_start3A_149 : memref<1000000x64xf32, #tpu.memory_space<hbm>>) target(%dma_start3A_145 : memref<128x64xf32, #tpu.memory_space<vmem>>) offsets(%dma_start3A_146 : memref<128xi32, #tpu.memory_space<vmem>>) semaphore(%arg8 : memref<!tpu.dma_semaphore, #tpu.memory_space<semaphore_mem>>)
      %dma_wait3A_150 = arith.constant 0 : i32
      %dma_wait3A_151 = arith.constant 0 : i32
      %dma_wait3A_152 = arith.constant 0 : i32
      %dma_wait3A_153 = tpu.memref_slice %arg6[%dma_wait3A_150, %dma_wait3A_151, %dma_wait3A_152] : memref<2x640x64xf32, #tpu.memory_space<vmem>> -> memref<1x640x64xf32, #tpu.memory_space<vmem>>
      %dma_wait3A_154 = tpu.memref_squeeze %dma_wait3A_153 : memref<1x640x64xf32, #tpu.memory_space<vmem>> -> memref<640x64xf32, #tpu.memory_space<vmem>>
      %dma_wait3A_155 = arith.constant 0 : i32
      %dma_wait3A_156 = arith.constant 0 : i32
      %dma_wait3A_157 = tpu.memref_slice %arg3[%dma_wait3A_155, %dma_wait3A_156] : memref<1000000x64xf32, #tpu.memory_space<hbm>> -> memref<640x64xf32, #tpu.memory_space<hbm>>
      %dma_wait3A_158 = arith.constant 0 : i32
      %dma_wait3A_159 = arith.constant 0 : i32
      %dma_wait3A_160 = tpu.memref_slice %arg6[%dma_wait3A_150, %dma_wait3A_158, %dma_wait3A_159] : memref<2x640x64xf32, #tpu.memory_space<vmem>> -> memref<1x640x64xf32, #tpu.memory_space<vmem>>
      %dma_wait3A_161 = tpu.memref_squeeze %dma_wait3A_160 : memref<1x640x64xf32, #tpu.memory_space<vmem>> -> memref<640x64xf32, #tpu.memory_space<vmem>>
      %dma_wait3A_162 = arith.constant 0 : i32
      %dma_wait3A_163 = arith.constant 0 : i32
      %dma_wait3A_164 = tpu.memref_slice %arg3[%dma_wait3A_162, %dma_wait3A_163] : memref<1000000x64xf32, #tpu.memory_space<hbm>> -> memref<640x64xf32, #tpu.memory_space<hbm>>
      tpu.wait_dma2 semaphore(%arg7 : memref<!tpu.dma_semaphore, #tpu.memory_space<semaphore_mem>>) src(%dma_wait3A_164 : memref<640x64xf32, #tpu.memory_space<hbm>>) dst(%dma_wait3A_161 : memref<640x64xf32, #tpu.memory_space<vmem>>)
      %mul3A_165 = arith.constant 640 : i32
      %mul3A_166 = arith.muli %mul3A_88, %mul3A_165 : i32
      %add3A_167 = arith.addi %mul3A_2, %mul3A_166 : i32
      %dma_start3A_168 = arith.constant 0 : i32
      %dma_start3A_169 = arith.constant 0 : i32
      %dma_start3A_170 = arith.constant 0 : i32
      %dma_start3A_171 = tpu.memref_slice %arg6[%dma_start3A_168, %dma_start3A_169, %dma_start3A_170] : memref<2x640x64xf32, #tpu.memory_space<vmem>> -> memref<1x640x64xf32, #tpu.memory_space<vmem>>
      %dma_start3A_172 = tpu.memref_squeeze %dma_start3A_171 : memref<1x640x64xf32, #tpu.memory_space<vmem>> -> memref<640x64xf32, #tpu.memory_space<vmem>>
      %dma_start3A_173 = arith.constant 0 : i32
      %dma_start3A_174 = tpu.memref_slice %arg4[%add3A_167, %dma_start3A_173] : memref<163840x64xf32, #tpu.memory_space<hbm>> -> memref<640x64xf32, #tpu.memory_space<hbm>>
      %dma_start3A_175 = arith.constant 0 : i32
      %dma_start3A_176 = tpu.memref_slice %arg4[%add3A_167, %dma_start3A_175] : memref<163840x64xf32, #tpu.memory_space<hbm>> -> memref<640x64xf32, #tpu.memory_space<hbm>>
      %dma_start3A_177 = arith.constant 0 : i32
      %dma_start3A_178 = arith.constant 0 : i32
      %dma_start3A_179 = tpu.memref_slice %arg6[%dma_start3A_168, %dma_start3A_177, %dma_start3A_178] : memref<2x640x64xf32, #tpu.memory_space<vmem>> -> memref<1x640x64xf32, #tpu.memory_space<vmem>>
      %dma_start3A_180 = tpu.memref_squeeze %dma_start3A_179 : memref<1x640x64xf32, #tpu.memory_space<vmem>> -> memref<640x64xf32, #tpu.memory_space<vmem>>
      tpu.enqueue_dma source(%dma_start3A_180 : memref<640x64xf32, #tpu.memory_space<vmem>>) target(%dma_start3A_176 : memref<640x64xf32, #tpu.memory_space<hbm>>) target_semaphore(%arg9 : memref<!tpu.dma_semaphore, #tpu.memory_space<semaphore_mem>>)
      %add3A_181 = arith.constant 2 : i32
      %add3A_182 = arith.addi %mul3A_88, %add3A_181 : i32
      %lt3A = arith.constant 8 : i32
      %lt3A_183 = arith.cmpi slt, %add3A_182, %lt3A : i32
      %convert_element_type3A_184 = arith.extui %lt3A_183 : i1 to i32
      %cond3A_185 = arith.constant 0 : i32
      %cond3A_186 = arith.cmpi ne, %convert_element_type3A_184, %cond3A_185 : i32
      scf.if %cond3A_186 {
        %dma_wait3A_220 = arith.constant 0 : i32
        %dma_wait3A_221 = arith.constant 0 : i32
        %dma_wait3A_222 = arith.constant 0 : i32
        %dma_wait3A_223 = tpu.memref_slice %arg6[%dma_wait3A_220, %dma_wait3A_221, %dma_wait3A_222] : memref<2x640x64xf32, #tpu.memory_space<vmem>> -> memref<1x640x64xf32, #tpu.memory_space<vmem>>
        %dma_wait3A_224 = tpu.memref_squeeze %dma_wait3A_223 : memref<1x640x64xf32, #tpu.memory_space<vmem>> -> memref<640x64xf32, #tpu.memory_space<vmem>>
        %dma_wait3A_225 = arith.constant 0 : i32
        %dma_wait3A_226 = arith.constant 0 : i32
        %dma_wait3A_227 = tpu.memref_slice %arg4[%dma_wait3A_225, %dma_wait3A_226] : memref<163840x64xf32, #tpu.memory_space<hbm>> -> memref<640x64xf32, #tpu.memory_space<hbm>>
        %dma_wait3A_228 = arith.constant 0 : i32
        %dma_wait3A_229 = arith.constant 0 : i32
        %dma_wait3A_230 = tpu.memref_slice %arg4[%dma_wait3A_228, %dma_wait3A_229] : memref<163840x64xf32, #tpu.memory_space<hbm>> -> memref<640x64xf32, #tpu.memory_space<hbm>>
        %dma_wait3A_231 = arith.constant 0 : i32
        %dma_wait3A_232 = arith.constant 0 : i32
        %dma_wait3A_233 = tpu.memref_slice %arg6[%dma_wait3A_220, %dma_wait3A_231, %dma_wait3A_232] : memref<2x640x64xf32, #tpu.memory_space<vmem>> -> memref<1x640x64xf32, #tpu.memory_space<vmem>>
        %dma_wait3A_234 = tpu.memref_squeeze %dma_wait3A_233 : memref<1x640x64xf32, #tpu.memory_space<vmem>> -> memref<640x64xf32, #tpu.memory_space<vmem>>
        tpu.wait_dma2 semaphore(%arg9 : memref<!tpu.dma_semaphore, #tpu.memory_space<semaphore_mem>>) src(%dma_wait3A_234 : memref<640x64xf32, #tpu.memory_space<vmem>>) dst(%dma_wait3A_230 : memref<640x64xf32, #tpu.memory_space<hbm>>)
        %add3A_235 = arith.constant 2 : i32
        %add3A_236 = arith.addi %mul3A_88, %add3A_235 : i32
        %mul3A_237 = arith.constant 640 : i32
        %mul3A_238 = arith.muli %add3A_236, %mul3A_237 : i32
        %add3A_239 = arith.constant 0 : i32
        %add3A_240 = arith.addi %mul3A_238, %add3A_239 : i32
        %dma_start3A_241 = arith.constant 0 : i32
        %dma_start3A_242 = arith.constant 0 : i32
        %dma_start3A_243 = arith.constant 0 : i32
        %dma_start3A_244 = tpu.memref_slice %arg6[%dma_start3A_241, %dma_start3A_242, %dma_start3A_243] : memref<2x640x64xf32, #tpu.memory_space<vmem>> -> memref<1x128x64xf32, #tpu.memory_space<vmem>>
        %dma_start3A_245 = tpu.memref_squeeze %dma_start3A_244 : memref<1x128x64xf32, #tpu.memory_space<vmem>> -> memref<128x64xf32, #tpu.memory_space<vmem>>
        %dma_start3A_246 = tpu.memref_slice %arg5[%add3A_240] : memref<5120xi32, #tpu.memory_space<vmem>> -> memref<128xi32, #tpu.memory_space<vmem>>
        %dma_start3A_247 = arith.constant 0 : i32
        %dma_start3A_248 = arith.constant 0 : i32
        %dma_start3A_249 = tpu.memref_slice %arg3[%dma_start3A_247, %dma_start3A_248] : memref<1000000x64xf32, #tpu.memory_space<hbm>> -> memref<1000000x64xf32, #tpu.memory_space<hbm>>
        tpu.enqueue_indirect_dma source(%dma_start3A_249 : memref<1000000x64xf32, #tpu.memory_space<hbm>>) target(%dma_start3A_245 : memref<128x64xf32, #tpu.memory_space<vmem>>) offsets(%dma_start3A_246 : memref<128xi32, #tpu.memory_space<vmem>>) semaphore(%arg7 : memref<!tpu.dma_semaphore, #tpu.memory_space<semaphore_mem>>)
        %add3A_250 = arith.constant 128 : i32
        %add3A_251 = arith.addi %mul3A_238, %add3A_250 : i32
        %dma_start3A_252 = arith.constant 0 : i32
        %dma_start3A_253 = arith.constant 128 : i32
        %dma_start3A_254 = arith.constant 0 : i32
        %dma_start3A_255 = tpu.memref_slice %arg6[%dma_start3A_252, %dma_start3A_253, %dma_start3A_254] : memref<2x640x64xf32, #tpu.memory_space<vmem>> -> memref<1x128x64xf32, #tpu.memory_space<vmem>>
        %dma_start3A_256 = tpu.memref_squeeze %dma_start3A_255 : memref<1x128x64xf32, #tpu.memory_space<vmem>> -> memref<128x64xf32, #tpu.memory_space<vmem>>
        %dma_start3A_257 = tpu.memref_slice %arg5[%add3A_251] : memref<5120xi32, #tpu.memory_space<vmem>> -> memref<128xi32, #tpu.memory_space<vmem>>
        %dma_start3A_258 = arith.constant 0 : i32
        %dma_start3A_259 = arith.constant 0 : i32
        %dma_start3A_260 = tpu.memref_slice %arg3[%dma_start3A_258, %dma_start3A_259] : memref<1000000x64xf32, #tpu.memory_space<hbm>> -> memref<1000000x64xf32, #tpu.memory_space<hbm>>
        tpu.enqueue_indirect_dma source(%dma_start3A_260 : memref<1000000x64xf32, #tpu.memory_space<hbm>>) target(%dma_start3A_256 : memref<128x64xf32, #tpu.memory_space<vmem>>) offsets(%dma_start3A_257 : memref<128xi32, #tpu.memory_space<vmem>>) semaphore(%arg7 : memref<!tpu.dma_semaphore, #tpu.memory_space<semaphore_mem>>)
        %add3A_261 = arith.constant 256 : i32
        %add3A_262 = arith.addi %mul3A_238, %add3A_261 : i32
        %dma_start3A_263 = arith.constant 0 : i32
        %dma_start3A_264 = arith.constant 256 : i32
        %dma_start3A_265 = arith.constant 0 : i32
        %dma_start3A_266 = tpu.memref_slice %arg6[%dma_start3A_263, %dma_start3A_264, %dma_start3A_265] : memref<2x640x64xf32, #tpu.memory_space<vmem>> -> memref<1x128x64xf32, #tpu.memory_space<vmem>>
        %dma_start3A_267 = tpu.memref_squeeze %dma_start3A_266 : memref<1x128x64xf32, #tpu.memory_space<vmem>> -> memref<128x64xf32, #tpu.memory_space<vmem>>
        %dma_start3A_268 = tpu.memref_slice %arg5[%add3A_262] : memref<5120xi32, #tpu.memory_space<vmem>> -> memref<128xi32, #tpu.memory_space<vmem>>
        %dma_start3A_269 = arith.constant 0 : i32
        %dma_start3A_270 = arith.constant 0 : i32
        %dma_start3A_271 = tpu.memref_slice %arg3[%dma_start3A_269, %dma_start3A_270] : memref<1000000x64xf32, #tpu.memory_space<hbm>> -> memref<1000000x64xf32, #tpu.memory_space<hbm>>
        tpu.enqueue_indirect_dma source(%dma_start3A_271 : memref<1000000x64xf32, #tpu.memory_space<hbm>>) target(%dma_start3A_267 : memref<128x64xf32, #tpu.memory_space<vmem>>) offsets(%dma_start3A_268 : memref<128xi32, #tpu.memory_space<vmem>>) semaphore(%arg7 : memref<!tpu.dma_semaphore, #tpu.memory_space<semaphore_mem>>)
        %add3A_272 = arith.constant 384 : i32
        %add3A_273 = arith.addi %mul3A_238, %add3A_272 : i32
        %dma_start3A_274 = arith.constant 0 : i32
        %dma_start3A_275 = arith.constant 384 : i32
        %dma_start3A_276 = arith.constant 0 : i32
        %dma_start3A_277 = tpu.memref_slice %arg6[%dma_start3A_274, %dma_start3A_275, %dma_start3A_276] : memref<2x640x64xf32, #tpu.memory_space<vmem>> -> memref<1x128x64xf32, #tpu.memory_space<vmem>>
        %dma_start3A_278 = tpu.memref_squeeze %dma_start3A_277 : memref<1x128x64xf32, #tpu.memory_space<vmem>> -> memref<128x64xf32, #tpu.memory_space<vmem>>
        %dma_start3A_279 = tpu.memref_slice %arg5[%add3A_273] : memref<5120xi32, #tpu.memory_space<vmem>> -> memref<128xi32, #tpu.memory_space<vmem>>
        %dma_start3A_280 = arith.constant 0 : i32
        %dma_start3A_281 = arith.constant 0 : i32
        %dma_start3A_282 = tpu.memref_slice %arg3[%dma_start3A_280, %dma_start3A_281] : memref<1000000x64xf32, #tpu.memory_space<hbm>> -> memref<1000000x64xf32, #tpu.memory_space<hbm>>
        tpu.enqueue_indirect_dma source(%dma_start3A_282 : memref<1000000x64xf32, #tpu.memory_space<hbm>>) target(%dma_start3A_278 : memref<128x64xf32, #tpu.memory_space<vmem>>) offsets(%dma_start3A_279 : memref<128xi32, #tpu.memory_space<vmem>>) semaphore(%arg7 : memref<!tpu.dma_semaphore, #tpu.memory_space<semaphore_mem>>)
        %add3A_283 = arith.constant 512 : i32
        %add3A_284 = arith.addi %mul3A_238, %add3A_283 : i32
        %dma_start3A_285 = arith.constant 0 : i32
        %dma_start3A_286 = arith.constant 512 : i32
        %dma_start3A_287 = arith.constant 0 : i32
        %dma_start3A_288 = tpu.memref_slice %arg6[%dma_start3A_285, %dma_start3A_286, %dma_start3A_287] : memref<2x640x64xf32, #tpu.memory_space<vmem>> -> memref<1x128x64xf32, #tpu.memory_space<vmem>>
        %dma_start3A_289 = tpu.memref_squeeze %dma_start3A_288 : memref<1x128x64xf32, #tpu.memory_space<vmem>> -> memref<128x64xf32, #tpu.memory_space<vmem>>
        %dma_start3A_290 = tpu.memref_slice %arg5[%add3A_284] : memref<5120xi32, #tpu.memory_space<vmem>> -> memref<128xi32, #tpu.memory_space<vmem>>
        %dma_start3A_291 = arith.constant 0 : i32
        %dma_start3A_292 = arith.constant 0 : i32
        %dma_start3A_293 = tpu.memref_slice %arg3[%dma_start3A_291, %dma_start3A_292] : memref<1000000x64xf32, #tpu.memory_space<hbm>> -> memref<1000000x64xf32, #tpu.memory_space<hbm>>
        tpu.enqueue_indirect_dma source(%dma_start3A_293 : memref<1000000x64xf32, #tpu.memory_space<hbm>>) target(%dma_start3A_289 : memref<128x64xf32, #tpu.memory_space<vmem>>) offsets(%dma_start3A_290 : memref<128xi32, #tpu.memory_space<vmem>>) semaphore(%arg7 : memref<!tpu.dma_semaphore, #tpu.memory_space<semaphore_mem>>)
      } else {
      }
      %dma_wait3A_187 = arith.constant 1 : i32
      %dma_wait3A_188 = arith.constant 0 : i32
      %dma_wait3A_189 = arith.constant 0 : i32
      %dma_wait3A_190 = tpu.memref_slice %arg6[%dma_wait3A_187, %dma_wait3A_188, %dma_wait3A_189] : memref<2x640x64xf32, #tpu.memory_space<vmem>> -> memref<1x640x64xf32, #tpu.memory_space<vmem>>
      %dma_wait3A_191 = tpu.memref_squeeze %dma_wait3A_190 : memref<1x640x64xf32, #tpu.memory_space<vmem>> -> memref<640x64xf32, #tpu.memory_space<vmem>>
      %dma_wait3A_192 = arith.constant 0 : i32
      %dma_wait3A_193 = arith.constant 0 : i32
      %dma_wait3A_194 = tpu.memref_slice %arg3[%dma_wait3A_192, %dma_wait3A_193] : memref<1000000x64xf32, #tpu.memory_space<hbm>> -> memref<640x64xf32, #tpu.memory_space<hbm>>
      %dma_wait3A_195 = arith.constant 0 : i32
      %dma_wait3A_196 = arith.constant 0 : i32
      %dma_wait3A_197 = tpu.memref_slice %arg6[%dma_wait3A_187, %dma_wait3A_195, %dma_wait3A_196] : memref<2x640x64xf32, #tpu.memory_space<vmem>> -> memref<1x640x64xf32, #tpu.memory_space<vmem>>
      %dma_wait3A_198 = tpu.memref_squeeze %dma_wait3A_197 : memref<1x640x64xf32, #tpu.memory_space<vmem>> -> memref<640x64xf32, #tpu.memory_space<vmem>>
      %dma_wait3A_199 = arith.constant 0 : i32
      %dma_wait3A_200 = arith.constant 0 : i32
      %dma_wait3A_201 = tpu.memref_slice %arg3[%dma_wait3A_199, %dma_wait3A_200] : memref<1000000x64xf32, #tpu.memory_space<hbm>> -> memref<640x64xf32, #tpu.memory_space<hbm>>
      tpu.wait_dma2 semaphore(%arg8 : memref<!tpu.dma_semaphore, #tpu.memory_space<semaphore_mem>>) src(%dma_wait3A_201 : memref<640x64xf32, #tpu.memory_space<hbm>>) dst(%dma_wait3A_198 : memref<640x64xf32, #tpu.memory_space<vmem>>)
      %add3A_202 = arith.constant 1 : i32
      %add3A_203 = arith.addi %mul3A_88, %add3A_202 : i32
      %mul3A_204 = arith.constant 640 : i32
      %mul3A_205 = arith.muli %add3A_203, %mul3A_204 : i32
      %add3A_206 = arith.addi %mul3A_2, %mul3A_205 : i32
      %dma_start3A_207 = arith.constant 1 : i32
      %dma_start3A_208 = arith.constant 0 : i32
      %dma_start3A_209 = arith.constant 0 : i32
      %dma_start3A_210 = tpu.memref_slice %arg6[%dma_start3A_207, %dma_start3A_208, %dma_start3A_209] : memref<2x640x64xf32, #tpu.memory_space<vmem>> -> memref<1x640x64xf32, #tpu.memory_space<vmem>>
      %dma_start3A_211 = tpu.memref_squeeze %dma_start3A_210 : memref<1x640x64xf32, #tpu.memory_space<vmem>> -> memref<640x64xf32, #tpu.memory_space<vmem>>
      %dma_start3A_212 = arith.constant 0 : i32
      %dma_start3A_213 = tpu.memref_slice %arg4[%add3A_206, %dma_start3A_212] : memref<163840x64xf32, #tpu.memory_space<hbm>> -> memref<640x64xf32, #tpu.memory_space<hbm>>
      %dma_start3A_214 = arith.constant 0 : i32
      %dma_start3A_215 = tpu.memref_slice %arg4[%add3A_206, %dma_start3A_214] : memref<163840x64xf32, #tpu.memory_space<hbm>> -> memref<640x64xf32, #tpu.memory_space<hbm>>
      %dma_start3A_216 = arith.constant 0 : i32
      %dma_start3A_217 = arith.constant 0 : i32
      %dma_start3A_218 = tpu.memref_slice %arg6[%dma_start3A_207, %dma_start3A_216, %dma_start3A_217] : memref<2x640x64xf32, #tpu.memory_space<vmem>> -> memref<1x640x64xf32, #tpu.memory_space<vmem>>
      %dma_start3A_219 = tpu.memref_squeeze %dma_start3A_218 : memref<1x640x64xf32, #tpu.memory_space<vmem>> -> memref<640x64xf32, #tpu.memory_space<vmem>>
      tpu.enqueue_dma source(%dma_start3A_219 : memref<640x64xf32, #tpu.memory_space<vmem>>) target(%dma_start3A_215 : memref<640x64xf32, #tpu.memory_space<hbm>>) target_semaphore(%arg10 : memref<!tpu.dma_semaphore, #tpu.memory_space<semaphore_mem>>)
    }
    %scan3A_56 = arith.constant 4 : i32
    %dma_wait3A = arith.constant 0 : i32
    %dma_wait3A_57 = arith.constant 0 : i32
    %dma_wait3A_58 = arith.constant 0 : i32
    %dma_wait3A_59 = tpu.memref_slice %arg6[%dma_wait3A, %dma_wait3A_57, %dma_wait3A_58] : memref<2x640x64xf32, #tpu.memory_space<vmem>> -> memref<1x640x64xf32, #tpu.memory_space<vmem>>
    %dma_wait3A_60 = tpu.memref_squeeze %dma_wait3A_59 : memref<1x640x64xf32, #tpu.memory_space<vmem>> -> memref<640x64xf32, #tpu.memory_space<vmem>>
    %dma_wait3A_61 = arith.constant 0 : i32
    %dma_wait3A_62 = arith.constant 0 : i32
    %dma_wait3A_63 = tpu.memref_slice %arg4[%dma_wait3A_61, %dma_wait3A_62] : memref<163840x64xf32, #tpu.memory_space<hbm>> -> memref<640x64xf32, #tpu.memory_space<hbm>>
    %dma_wait3A_64 = arith.constant 0 : i32
    %dma_wait3A_65 = arith.constant 0 : i32
    %dma_wait3A_66 = tpu.memref_slice %arg4[%dma_wait3A_64, %dma_wait3A_65] : memref<163840x64xf32, #tpu.memory_space<hbm>> -> memref<640x64xf32, #tpu.memory_space<hbm>>
    %dma_wait3A_67 = arith.constant 0 : i32
    %dma_wait3A_68 = arith.constant 0 : i32
    %dma_wait3A_69 = tpu.memref_slice %arg6[%dma_wait3A, %dma_wait3A_67, %dma_wait3A_68] : memref<2x640x64xf32, #tpu.memory_space<vmem>> -> memref<1x640x64xf32, #tpu.memory_space<vmem>>
    %dma_wait3A_70 = tpu.memref_squeeze %dma_wait3A_69 : memref<1x640x64xf32, #tpu.memory_space<vmem>> -> memref<640x64xf32, #tpu.memory_space<vmem>>
    tpu.wait_dma2 semaphore(%arg9 : memref<!tpu.dma_semaphore, #tpu.memory_space<semaphore_mem>>) src(%dma_wait3A_70 : memref<640x64xf32, #tpu.memory_space<vmem>>) dst(%dma_wait3A_66 : memref<640x64xf32, #tpu.memory_space<hbm>>)
    %dma_wait3A_71 = arith.constant 1 : i32
    %dma_wait3A_72 = arith.constant 0 : i32
    %dma_wait3A_73 = arith.constant 0 : i32
    %dma_wait3A_74 = tpu.memref_slice %arg6[%dma_wait3A_71, %dma_wait3A_72, %dma_wait3A_73] : memref<2x640x64xf32, #tpu.memory_space<vmem>> -> memref<1x640x64xf32, #tpu.memory_space<vmem>>
    %dma_wait3A_75 = tpu.memref_squeeze %dma_wait3A_74 : memref<1x640x64xf32, #tpu.memory_space<vmem>> -> memref<640x64xf32, #tpu.memory_space<vmem>>
    %dma_wait3A_76 = arith.constant 0 : i32
    %dma_wait3A_77 = arith.constant 0 : i32
    %dma_wait3A_78 = tpu.memref_slice %arg4[%dma_wait3A_76, %dma_wait3A_77] : memref<163840x64xf32, #tpu.memory_space<hbm>> -> memref<640x64xf32, #tpu.memory_space<hbm>>
    %dma_wait3A_79 = arith.constant 0 : i32
    %dma_wait3A_80 = arith.constant 0 : i32
    %dma_wait3A_81 = tpu.memref_slice %arg4[%dma_wait3A_79, %dma_wait3A_80] : memref<163840x64xf32, #tpu.memory_space<hbm>> -> memref<640x64xf32, #tpu.memory_space<hbm>>
    %dma_wait3A_82 = arith.constant 0 : i32
    %dma_wait3A_83 = arith.constant 0 : i32
    %dma_wait3A_84 = tpu.memref_slice %arg6[%dma_wait3A_71, %dma_wait3A_82, %dma_wait3A_83] : memref<2x640x64xf32, #tpu.memory_space<vmem>> -> memref<1x640x64xf32, #tpu.memory_space<vmem>>
    %dma_wait3A_85 = tpu.memref_squeeze %dma_wait3A_84 : memref<1x640x64xf32, #tpu.memory_space<vmem>> -> memref<640x64xf32, #tpu.memory_space<vmem>>
    tpu.wait_dma2 semaphore(%arg10 : memref<!tpu.dma_semaphore, #tpu.memory_space<semaphore_mem>>) src(%dma_wait3A_85 : memref<640x64xf32, #tpu.memory_space<vmem>>) dst(%dma_wait3A_81 : memref<640x64xf32, #tpu.memory_space<hbm>>)
    return
  }
}

#map = affine_map<(d0, d1) -> (0)>
#map1 = affine_map<(d0, d1) -> (0, 0)>
module attributes {stable_mosaic.version = 14 : i64} {
  func.func @gather_kernel(%arg0: i32, %arg1: i32, %arg2: memref<163840xi32, #tpu.memory_space<hbm>>, %arg3: memref<1000000x64xf32, #tpu.memory_space<hbm>>, %arg4: memref<163840x64xf32, #tpu.memory_space<hbm>>, %arg5: memref<5120xi32, #tpu.memory_space<vmem>>, %arg6: memref<2x640x64xf32, #tpu.memory_space<vmem>>, %arg7: memref<!tpu.dma_semaphore, #tpu.memory_space<semaphore_mem>>, %arg8: memref<!tpu.dma_semaphore, #tpu.memory_space<semaphore_mem>>, %arg9: memref<!tpu.dma_semaphore, #tpu.memory_space<semaphore_mem>>, %arg10: memref<!tpu.dma_semaphore, #tpu.memory_space<semaphore_mem>>) attributes {dimension_semantics = [#tpu.dimension_semantics<core_parallel>, #tpu.dimension_semantics<subcore_parallel>], iteration_bounds = array<i64: 2, 16>, scalar_prefetch = 0 : i64, scratch_operands = 6 : i64, tpu.core_type = #tpu.core_type<sc_vector_subcore>, window_params = [{transform_indices = #map}, {transform_indices = #map1}, {transform_indices = #map1}]} {
    %mul3A = arith.constant 2 : i32
    %mul3A_0 = arith.muli %arg1, %mul3A : i32
    %add3A = arith.addi %mul3A_0, %arg0 : i32
    %mul3A_1 = arith.constant 5120 : i32
    %mul3A_2 = arith.muli %add3A, %mul3A_1 : i32
    "tpu.region"() ({
      %run_scoped3A = tpu.sem_alloc : memref<!tpu.dma_semaphore, #tpu.memory_space<semaphore_mem>>
      %dma_start3A_86 = tpu.memref_slice %arg2[%mul3A_2] : memref<163840xi32, #tpu.memory_space<hbm>> -> memref<5120xi32, #tpu.memory_space<hbm>>
      %dma_start3A_87 = tpu.memref_slice %arg2[%mul3A_2] : memref<163840xi32, #tpu.memory_space<hbm>> -> memref<5120xi32, #tpu.memory_space<hbm>>
      tpu.enqueue_dma source(%dma_start3A_87 : memref<5120xi32, #tpu.memory_space<hbm>>) target(%arg5 : memref<5120xi32, #tpu.memory_space<vmem>>) target_semaphore(%run_scoped3A : memref<!tpu.dma_semaphore, #tpu.memory_space<semaphore_mem>>)
      %dma_wait3A_88 = tpu.memref_slice %arg2[%mul3A_2] : memref<163840xi32, #tpu.memory_space<hbm>> -> memref<5120xi32, #tpu.memory_space<hbm>>
      %dma_wait3A_89 = tpu.memref_slice %arg2[%mul3A_2] : memref<163840xi32, #tpu.memory_space<hbm>> -> memref<5120xi32, #tpu.memory_space<hbm>>
      tpu.wait_dma2 semaphore(%run_scoped3A : memref<!tpu.dma_semaphore, #tpu.memory_space<semaphore_mem>>) src(%dma_wait3A_89 : memref<5120xi32, #tpu.memory_space<hbm>>) dst(%arg5 : memref<5120xi32, #tpu.memory_space<vmem>>)
      tpu.yield
    }) : () -> ()
    %dma_start3A = arith.constant 0 : i32
    %dma_start3A_3 = arith.constant 0 : i32
    %dma_start3A_4 = arith.constant 0 : i32
    %dma_start3A_5 = tpu.memref_slice %arg6[%dma_start3A, %dma_start3A_3, %dma_start3A_4] : memref<2x640x64xf32, #tpu.memory_space<vmem>> -> memref<1x128x64xf32, #tpu.memory_space<vmem>>
    %dma_start3A_6 = tpu.memref_squeeze %dma_start3A_5 : memref<1x128x64xf32, #tpu.memory_space<vmem>> -> memref<128x64xf32, #tpu.memory_space<vmem>>
    %dma_start3A_7 = arith.constant 0 : i32
    %dma_start3A_8 = tpu.memref_slice %arg5[%dma_start3A_7] : memref<5120xi32, #tpu.memory_space<vmem>> -> memref<128xi32, #tpu.memory_space<vmem>>
    %dma_start3A_9 = arith.constant 0 : i32
    %dma_start3A_10 = arith.constant 0 : i32
    %dma_start3A_11 = tpu.memref_slice %arg3[%dma_start3A_9, %dma_start3A_10] : memref<1000000x64xf32, #tpu.memory_space<hbm>> -> memref<1000000x64xf32, #tpu.memory_space<hbm>>
    tpu.enqueue_indirect_dma source(%dma_start3A_11 : memref<1000000x64xf32, #tpu.memory_space<hbm>>) target(%dma_start3A_6 : memref<128x64xf32, #tpu.memory_space<vmem>>) offsets(%dma_start3A_8 : memref<128xi32, #tpu.memory_space<vmem>>) semaphore(%arg7 : memref<!tpu.dma_semaphore, #tpu.memory_space<semaphore_mem>>)
    %dma_start3A_12 = arith.constant 0 : i32
    %dma_start3A_13 = arith.constant 128 : i32
    %dma_start3A_14 = arith.constant 0 : i32
    %dma_start3A_15 = tpu.memref_slice %arg6[%dma_start3A_12, %dma_start3A_13, %dma_start3A_14] : memref<2x640x64xf32, #tpu.memory_space<vmem>> -> memref<1x128x64xf32, #tpu.memory_space<vmem>>
    %dma_start3A_16 = tpu.memref_squeeze %dma_start3A_15 : memref<1x128x64xf32, #tpu.memory_space<vmem>> -> memref<128x64xf32, #tpu.memory_space<vmem>>
    %dma_start3A_17 = arith.constant 128 : i32
    %dma_start3A_18 = tpu.memref_slice %arg5[%dma_start3A_17] : memref<5120xi32, #tpu.memory_space<vmem>> -> memref<128xi32, #tpu.memory_space<vmem>>
    %dma_start3A_19 = arith.constant 0 : i32
    %dma_start3A_20 = arith.constant 0 : i32
    %dma_start3A_21 = tpu.memref_slice %arg3[%dma_start3A_19, %dma_start3A_20] : memref<1000000x64xf32, #tpu.memory_space<hbm>> -> memref<1000000x64xf32, #tpu.memory_space<hbm>>
    tpu.enqueue_indirect_dma source(%dma_start3A_21 : memref<1000000x64xf32, #tpu.memory_space<hbm>>) target(%dma_start3A_16 : memref<128x64xf32, #tpu.memory_space<vmem>>) offsets(%dma_start3A_18 : memref<128xi32, #tpu.memory_space<vmem>>) semaphore(%arg7 : memref<!tpu.dma_semaphore, #tpu.memory_space<semaphore_mem>>)
    %dma_start3A_22 = arith.constant 0 : i32
    %dma_start3A_23 = arith.constant 256 : i32
    %dma_start3A_24 = arith.constant 0 : i32
    %dma_start3A_25 = tpu.memref_slice %arg6[%dma_start3A_22, %dma_start3A_23, %dma_start3A_24] : memref<2x640x64xf32, #tpu.memory_space<vmem>> -> memref<1x128x64xf32, #tpu.memory_space<vmem>>
    %dma_start3A_26 = tpu.memref_squeeze %dma_start3A_25 : memref<1x128x64xf32, #tpu.memory_space<vmem>> -> memref<128x64xf32, #tpu.memory_space<vmem>>
    %dma_start3A_27 = arith.constant 256 : i32
    %dma_start3A_28 = tpu.memref_slice %arg5[%dma_start3A_27] : memref<5120xi32, #tpu.memory_space<vmem>> -> memref<128xi32, #tpu.memory_space<vmem>>
    %dma_start3A_29 = arith.constant 0 : i32
    %dma_start3A_30 = arith.constant 0 : i32
    %dma_start3A_31 = tpu.memref_slice %arg3[%dma_start3A_29, %dma_start3A_30] : memref<1000000x64xf32, #tpu.memory_space<hbm>> -> memref<1000000x64xf32, #tpu.memory_space<hbm>>
    tpu.enqueue_indirect_dma source(%dma_start3A_31 : memref<1000000x64xf32, #tpu.memory_space<hbm>>) target(%dma_start3A_26 : memref<128x64xf32, #tpu.memory_space<vmem>>) offsets(%dma_start3A_28 : memref<128xi32, #tpu.memory_space<vmem>>) semaphore(%arg7 : memref<!tpu.dma_semaphore, #tpu.memory_space<semaphore_mem>>)
    %dma_start3A_32 = arith.constant 0 : i32
    %dma_start3A_33 = arith.constant 384 : i32
    %dma_start3A_34 = arith.constant 0 : i32
    %dma_start3A_35 = tpu.memref_slice %arg6[%dma_start3A_32, %dma_start3A_33, %dma_start3A_34] : memref<2x640x64xf32, #tpu.memory_space<vmem>> -> memref<1x128x64xf32, #tpu.memory_space<vmem>>
    %dma_start3A_36 = tpu.memref_squeeze %dma_start3A_35 : memref<1x128x64xf32, #tpu.memory_space<vmem>> -> memref<128x64xf32, #tpu.memory_space<vmem>>
    %dma_start3A_37 = arith.constant 384 : i32
    %dma_start3A_38 = tpu.memref_slice %arg5[%dma_start3A_37] : memref<5120xi32, #tpu.memory_space<vmem>> -> memref<128xi32, #tpu.memory_space<vmem>>
    %dma_start3A_39 = arith.constant 0 : i32
    %dma_start3A_40 = arith.constant 0 : i32
    %dma_start3A_41 = tpu.memref_slice %arg3[%dma_start3A_39, %dma_start3A_40] : memref<1000000x64xf32, #tpu.memory_space<hbm>> -> memref<1000000x64xf32, #tpu.memory_space<hbm>>
    tpu.enqueue_indirect_dma source(%dma_start3A_41 : memref<1000000x64xf32, #tpu.memory_space<hbm>>) target(%dma_start3A_36 : memref<128x64xf32, #tpu.memory_space<vmem>>) offsets(%dma_start3A_38 : memref<128xi32, #tpu.memory_space<vmem>>) semaphore(%arg7 : memref<!tpu.dma_semaphore, #tpu.memory_space<semaphore_mem>>)
    %dma_start3A_42 = arith.constant 0 : i32
    %dma_start3A_43 = arith.constant 512 : i32
    %dma_start3A_44 = arith.constant 0 : i32
    %dma_start3A_45 = tpu.memref_slice %arg6[%dma_start3A_42, %dma_start3A_43, %dma_start3A_44] : memref<2x640x64xf32, #tpu.memory_space<vmem>> -> memref<1x128x64xf32, #tpu.memory_space<vmem>>
    %dma_start3A_46 = tpu.memref_squeeze %dma_start3A_45 : memref<1x128x64xf32, #tpu.memory_space<vmem>> -> memref<128x64xf32, #tpu.memory_space<vmem>>
    %dma_start3A_47 = arith.constant 512 : i32
    %dma_start3A_48 = tpu.memref_slice %arg5[%dma_start3A_47] : memref<5120xi32, #tpu.memory_space<vmem>> -> memref<128xi32, #tpu.memory_space<vmem>>
    %dma_start3A_49 = arith.constant 0 : i32
    %dma_start3A_50 = arith.constant 0 : i32
    %dma_start3A_51 = tpu.memref_slice %arg3[%dma_start3A_49, %dma_start3A_50] : memref<1000000x64xf32, #tpu.memory_space<hbm>> -> memref<1000000x64xf32, #tpu.memory_space<hbm>>
    tpu.enqueue_indirect_dma source(%dma_start3A_51 : memref<1000000x64xf32, #tpu.memory_space<hbm>>) target(%dma_start3A_46 : memref<128x64xf32, #tpu.memory_space<vmem>>) offsets(%dma_start3A_48 : memref<128xi32, #tpu.memory_space<vmem>>) semaphore(%arg7 : memref<!tpu.dma_semaphore, #tpu.memory_space<semaphore_mem>>)
    %scan3A = arith.constant 0 : i32
    %scan3A_52 = arith.constant 0 : i32
    %scan3A_53 = arith.constant 4 : i32
    %scan3A_54 = arith.addi %scan3A_52, %scan3A_53 : i32
    %scan3A_55 = arith.constant 1 : i32
    scf.for %scan3A_86 = %scan3A_52 to %scan3A_54 step %scan3A_55  : i32 {
      %mul3A_87 = arith.constant 2 : i32
      %mul3A_88 = arith.muli %scan3A_86, %mul3A_87 : i32
      %gt3A = arith.constant 0 : i32
      %gt3A_89 = arith.cmpi sgt, %scan3A_86, %gt3A : i32
      %convert_element_type3A = arith.extui %gt3A_89 : i1 to i32
      %cond3A = arith.constant 0 : i32
      %cond3A_90 = arith.cmpi ne, %convert_element_type3A, %cond3A : i32
      scf.if %cond3A_90 {
        %dma_wait3A_220 = arith.constant 1 : i32
        %dma_wait3A_221 = arith.constant 0 : i32
        %dma_wait3A_222 = arith.constant 0 : i32
        %dma_wait3A_223 = tpu.memref_slice %arg6[%dma_wait3A_220, %dma_wait3A_221, %dma_wait3A_222] : memref<2x640x64xf32, #tpu.memory_space<vmem>> -> memref<1x640x64xf32, #tpu.memory_space<vmem>>
        %dma_wait3A_224 = tpu.memref_squeeze %dma_wait3A_223 : memref<1x640x64xf32, #tpu.memory_space<vmem>> -> memref<640x64xf32, #tpu.memory_space<vmem>>
        %dma_wait3A_225 = arith.constant 0 : i32
        %dma_wait3A_226 = arith.constant 0 : i32
        %dma_wait3A_227 = tpu.memref_slice %arg4[%dma_wait3A_225, %dma_wait3A_226] : memref<163840x64xf32, #tpu.memory_space<hbm>> -> memref<640x64xf32, #tpu.memory_space<hbm>>
        %dma_wait3A_228 = arith.constant 0 : i32
        %dma_wait3A_229 = arith.constant 0 : i32
        %dma_wait3A_230 = tpu.memref_slice %arg4[%dma_wait3A_228, %dma_wait3A_229] : memref<163840x64xf32, #tpu.memory_space<hbm>> -> memref<640x64xf32, #tpu.memory_space<hbm>>
        %dma_wait3A_231 = arith.constant 0 : i32
        %dma_wait3A_232 = arith.constant 0 : i32
        %dma_wait3A_233 = tpu.memref_slice %arg6[%dma_wait3A_220, %dma_wait3A_231, %dma_wait3A_232] : memref<2x640x64xf32, #tpu.memory_space<vmem>> -> memref<1x640x64xf32, #tpu.memory_space<vmem>>
        %dma_wait3A_234 = tpu.memref_squeeze %dma_wait3A_233 : memref<1x640x64xf32, #tpu.memory_space<vmem>> -> memref<640x64xf32, #tpu.memory_space<vmem>>
        tpu.wait_dma2 semaphore(%arg10 : memref<!tpu.dma_semaphore, #tpu.memory_space<semaphore_mem>>) src(%dma_wait3A_234 : memref<640x64xf32, #tpu.memory_space<vmem>>) dst(%dma_wait3A_230 : memref<640x64xf32, #tpu.memory_space<hbm>>)
      } else {
      }
      %add3A_91 = arith.constant 1 : i32
      %add3A_92 = arith.addi %mul3A_88, %add3A_91 : i32
      %mul3A_93 = arith.constant 640 : i32
      %mul3A_94 = arith.muli %add3A_92, %mul3A_93 : i32
      %add3A_95 = arith.constant 0 : i32
      %add3A_96 = arith.addi %mul3A_94, %add3A_95 : i32
      %dma_start3A_97 = arith.constant 1 : i32
      %dma_start3A_98 = arith.constant 0 : i32
      %dma_start3A_99 = arith.constant 0 : i32
      %dma_start3A_100 = tpu.memref_slice %arg6[%dma_start3A_97, %dma_start3A_98, %dma_start3A_99] : memref<2x640x64xf32, #tpu.memory_space<vmem>> -> memref<1x128x64xf32, #tpu.memory_space<vmem>>
      %dma_start3A_101 = tpu.memref_squeeze %dma_start3A_100 : memref<1x128x64xf32, #tpu.memory_space<vmem>> -> memref<128x64xf32, #tpu.memory_space<vmem>>
      %dma_start3A_102 = tpu.memref_slice %arg5[%add3A_96] : memref<5120xi32, #tpu.memory_space<vmem>> -> memref<128xi32, #tpu.memory_space<vmem>>
      %dma_start3A_103 = arith.constant 0 : i32
      %dma_start3A_104 = arith.constant 0 : i32
      %dma_start3A_105 = tpu.memref_slice %arg3[%dma_start3A_103, %dma_start3A_104] : memref<1000000x64xf32, #tpu.memory_space<hbm>> -> memref<1000000x64xf32, #tpu.memory_space<hbm>>
      tpu.enqueue_indirect_dma source(%dma_start3A_105 : memref<1000000x64xf32, #tpu.memory_space<hbm>>) target(%dma_start3A_101 : memref<128x64xf32, #tpu.memory_space<vmem>>) offsets(%dma_start3A_102 : memref<128xi32, #tpu.memory_space<vmem>>) semaphore(%arg8 : memref<!tpu.dma_semaphore, #tpu.memory_space<semaphore_mem>>)
      %add3A_106 = arith.constant 128 : i32
      %add3A_107 = arith.addi %mul3A_94, %add3A_106 : i32
      %dma_start3A_108 = arith.constant 1 : i32
      %dma_start3A_109 = arith.constant 128 : i32
      %dma_start3A_110 = arith.constant 0 : i32
      %dma_start3A_111 = tpu.memref_slice %arg6[%dma_start3A_108, %dma_start3A_109, %dma_start3A_110] : memref<2x640x64xf32, #tpu.memory_space<vmem>> -> memref<1x128x64xf32, #tpu.memory_space<vmem>>
      %dma_start3A_112 = tpu.memref_squeeze %dma_start3A_111 : memref<1x128x64xf32, #tpu.memory_space<vmem>> -> memref<128x64xf32, #tpu.memory_space<vmem>>
      %dma_start3A_113 = tpu.memref_slice %arg5[%add3A_107] : memref<5120xi32, #tpu.memory_space<vmem>> -> memref<128xi32, #tpu.memory_space<vmem>>
      %dma_start3A_114 = arith.constant 0 : i32
      %dma_start3A_115 = arith.constant 0 : i32
      %dma_start3A_116 = tpu.memref_slice %arg3[%dma_start3A_114, %dma_start3A_115] : memref<1000000x64xf32, #tpu.memory_space<hbm>> -> memref<1000000x64xf32, #tpu.memory_space<hbm>>
      tpu.enqueue_indirect_dma source(%dma_start3A_116 : memref<1000000x64xf32, #tpu.memory_space<hbm>>) target(%dma_start3A_112 : memref<128x64xf32, #tpu.memory_space<vmem>>) offsets(%dma_start3A_113 : memref<128xi32, #tpu.memory_space<vmem>>) semaphore(%arg8 : memref<!tpu.dma_semaphore, #tpu.memory_space<semaphore_mem>>)
      %add3A_117 = arith.constant 256 : i32
      %add3A_118 = arith.addi %mul3A_94, %add3A_117 : i32
      %dma_start3A_119 = arith.constant 1 : i32
      %dma_start3A_120 = arith.constant 256 : i32
      %dma_start3A_121 = arith.constant 0 : i32
      %dma_start3A_122 = tpu.memref_slice %arg6[%dma_start3A_119, %dma_start3A_120, %dma_start3A_121] : memref<2x640x64xf32, #tpu.memory_space<vmem>> -> memref<1x128x64xf32, #tpu.memory_space<vmem>>
      %dma_start3A_123 = tpu.memref_squeeze %dma_start3A_122 : memref<1x128x64xf32, #tpu.memory_space<vmem>> -> memref<128x64xf32, #tpu.memory_space<vmem>>
      %dma_start3A_124 = tpu.memref_slice %arg5[%add3A_118] : memref<5120xi32, #tpu.memory_space<vmem>> -> memref<128xi32, #tpu.memory_space<vmem>>
      %dma_start3A_125 = arith.constant 0 : i32
      %dma_start3A_126 = arith.constant 0 : i32
      %dma_start3A_127 = tpu.memref_slice %arg3[%dma_start3A_125, %dma_start3A_126] : memref<1000000x64xf32, #tpu.memory_space<hbm>> -> memref<1000000x64xf32, #tpu.memory_space<hbm>>
      tpu.enqueue_indirect_dma source(%dma_start3A_127 : memref<1000000x64xf32, #tpu.memory_space<hbm>>) target(%dma_start3A_123 : memref<128x64xf32, #tpu.memory_space<vmem>>) offsets(%dma_start3A_124 : memref<128xi32, #tpu.memory_space<vmem>>) semaphore(%arg8 : memref<!tpu.dma_semaphore, #tpu.memory_space<semaphore_mem>>)
      %add3A_128 = arith.constant 384 : i32
      %add3A_129 = arith.addi %mul3A_94, %add3A_128 : i32
      %dma_start3A_130 = arith.constant 1 : i32
      %dma_start3A_131 = arith.constant 384 : i32
      %dma_start3A_132 = arith.constant 0 : i32
      %dma_start3A_133 = tpu.memref_slice %arg6[%dma_start3A_130, %dma_start3A_131, %dma_start3A_132] : memref<2x640x64xf32, #tpu.memory_space<vmem>> -> memref<1x128x64xf32, #tpu.memory_space<vmem>>
      %dma_start3A_134 = tpu.memref_squeeze %dma_start3A_133 : memref<1x128x64xf32, #tpu.memory_space<vmem>> -> memref<128x64xf32, #tpu.memory_space<vmem>>
      %dma_start3A_135 = tpu.memref_slice %arg5[%add3A_129] : memref<5120xi32, #tpu.memory_space<vmem>> -> memref<128xi32, #tpu.memory_space<vmem>>
      %dma_start3A_136 = arith.constant 0 : i32
      %dma_start3A_137 = arith.constant 0 : i32
      %dma_start3A_138 = tpu.memref_slice %arg3[%dma_start3A_136, %dma_start3A_137] : memref<1000000x64xf32, #tpu.memory_space<hbm>> -> memref<1000000x64xf32, #tpu.memory_space<hbm>>
      tpu.enqueue_indirect_dma source(%dma_start3A_138 : memref<1000000x64xf32, #tpu.memory_space<hbm>>) target(%dma_start3A_134 : memref<128x64xf32, #tpu.memory_space<vmem>>) offsets(%dma_start3A_135 : memref<128xi32, #tpu.memory_space<vmem>>) semaphore(%arg8 : memref<!tpu.dma_semaphore, #tpu.memory_space<semaphore_mem>>)
      %add3A_139 = arith.constant 512 : i32
      %add3A_140 = arith.addi %mul3A_94, %add3A_139 : i32
      %dma_start3A_141 = arith.constant 1 : i32
      %dma_start3A_142 = arith.constant 512 : i32
      %dma_start3A_143 = arith.constant 0 : i32
      %dma_start3A_144 = tpu.memref_slice %arg6[%dma_start3A_141, %dma_start3A_142, %dma_start3A_143] : memref<2x640x64xf32, #tpu.memory_space<vmem>> -> memref<1x128x64xf32, #tpu.memory_space<vmem>>
      %dma_start3A_145 = tpu.memref_squeeze %dma_start3A_144 : memref<1x128x64xf32, #tpu.memory_space<vmem>> -> memref<128x64xf32, #tpu.memory_space<vmem>>
      %dma_start3A_146 = tpu.memref_slice %arg5[%add3A_140] : memref<5120xi32, #tpu.memory_space<vmem>> -> memref<128xi32, #tpu.memory_space<vmem>>
      %dma_start3A_147 = arith.constant 0 : i32
      %dma_start3A_148 = arith.constant 0 : i32
      %dma_start3A_149 = tpu.memref_slice %arg3[%dma_start3A_147, %dma_start3A_148] : memref<1000000x64xf32, #tpu.memory_space<hbm>> -> memref<1000000x64xf32, #tpu.memory_space<hbm>>
      tpu.enqueue_indirect_dma source(%dma_start3A_149 : memref<1000000x64xf32, #tpu.memory_space<hbm>>) target(%dma_start3A_145 : memref<128x64xf32, #tpu.memory_space<vmem>>) offsets(%dma_start3A_146 : memref<128xi32, #tpu.memory_space<vmem>>) semaphore(%arg8 : memref<!tpu.dma_semaphore, #tpu.memory_space<semaphore_mem>>)
      %dma_wait3A_150 = arith.constant 0 : i32
      %dma_wait3A_151 = arith.constant 0 : i32
      %dma_wait3A_152 = arith.constant 0 : i32
      %dma_wait3A_153 = tpu.memref_slice %arg6[%dma_wait3A_150, %dma_wait3A_151, %dma_wait3A_152] : memref<2x640x64xf32, #tpu.memory_space<vmem>> -> memref<1x640x64xf32, #tpu.memory_space<vmem>>
      %dma_wait3A_154 = tpu.memref_squeeze %dma_wait3A_153 : memref<1x640x64xf32, #tpu.memory_space<vmem>> -> memref<640x64xf32, #tpu.memory_space<vmem>>
      %dma_wait3A_155 = arith.constant 0 : i32
      %dma_wait3A_156 = arith.constant 0 : i32
      %dma_wait3A_157 = tpu.memref_slice %arg3[%dma_wait3A_155, %dma_wait3A_156] : memref<1000000x64xf32, #tpu.memory_space<hbm>> -> memref<640x64xf32, #tpu.memory_space<hbm>>
      %dma_wait3A_158 = arith.constant 0 : i32
      %dma_wait3A_159 = arith.constant 0 : i32
      %dma_wait3A_160 = tpu.memref_slice %arg6[%dma_wait3A_150, %dma_wait3A_158, %dma_wait3A_159] : memref<2x640x64xf32, #tpu.memory_space<vmem>> -> memref<1x640x64xf32, #tpu.memory_space<vmem>>
      %dma_wait3A_161 = tpu.memref_squeeze %dma_wait3A_160 : memref<1x640x64xf32, #tpu.memory_space<vmem>> -> memref<640x64xf32, #tpu.memory_space<vmem>>
      %dma_wait3A_162 = arith.constant 0 : i32
      %dma_wait3A_163 = arith.constant 0 : i32
      %dma_wait3A_164 = tpu.memref_slice %arg3[%dma_wait3A_162, %dma_wait3A_163] : memref<1000000x64xf32, #tpu.memory_space<hbm>> -> memref<640x64xf32, #tpu.memory_space<hbm>>
      tpu.wait_dma2 semaphore(%arg7 : memref<!tpu.dma_semaphore, #tpu.memory_space<semaphore_mem>>) src(%dma_wait3A_164 : memref<640x64xf32, #tpu.memory_space<hbm>>) dst(%dma_wait3A_161 : memref<640x64xf32, #tpu.memory_space<vmem>>)
      %mul3A_165 = arith.constant 640 : i32
      %mul3A_166 = arith.muli %mul3A_88, %mul3A_165 : i32
      %add3A_167 = arith.addi %mul3A_2, %mul3A_166 : i32
      %dma_start3A_168 = arith.constant 0 : i32
      %dma_start3A_169 = arith.constant 0 : i32
      %dma_start3A_170 = arith.constant 0 : i32
      %dma_start3A_171 = tpu.memref_slice %arg6[%dma_start3A_168, %dma_start3A_169, %dma_start3A_170] : memref<2x640x64xf32, #tpu.memory_space<vmem>> -> memref<1x640x64xf32, #tpu.memory_space<vmem>>
      %dma_start3A_172 = tpu.memref_squeeze %dma_start3A_171 : memref<1x640x64xf32, #tpu.memory_space<vmem>> -> memref<640x64xf32, #tpu.memory_space<vmem>>
      %dma_start3A_173 = arith.constant 0 : i32
      %dma_start3A_174 = tpu.memref_slice %arg4[%add3A_167, %dma_start3A_173] : memref<163840x64xf32, #tpu.memory_space<hbm>> -> memref<640x64xf32, #tpu.memory_space<hbm>>
      %dma_start3A_175 = arith.constant 0 : i32
      %dma_start3A_176 = tpu.memref_slice %arg4[%add3A_167, %dma_start3A_175] : memref<163840x64xf32, #tpu.memory_space<hbm>> -> memref<640x64xf32, #tpu.memory_space<hbm>>
      %dma_start3A_177 = arith.constant 0 : i32
      %dma_start3A_178 = arith.constant 0 : i32
      %dma_start3A_179 = tpu.memref_slice %arg6[%dma_start3A_168, %dma_start3A_177, %dma_start3A_178] : memref<2x640x64xf32, #tpu.memory_space<vmem>> -> memref<1x640x64xf32, #tpu.memory_space<vmem>>
      %dma_start3A_180 = tpu.memref_squeeze %dma_start3A_179 : memref<1x640x64xf32, #tpu.memory_space<vmem>> -> memref<640x64xf32, #tpu.memory_space<vmem>>
      tpu.enqueue_dma source(%dma_start3A_180 : memref<640x64xf32, #tpu.memory_space<vmem>>) target(%dma_start3A_176 : memref<640x64xf32, #tpu.memory_space<hbm>>) target_semaphore(%arg9 : memref<!tpu.dma_semaphore, #tpu.memory_space<semaphore_mem>>)
      %add3A_181 = arith.constant 2 : i32
      %add3A_182 = arith.addi %mul3A_88, %add3A_181 : i32
      %lt3A = arith.constant 8 : i32
      %lt3A_183 = arith.cmpi slt, %add3A_182, %lt3A : i32
      %convert_element_type3A_184 = arith.extui %lt3A_183 : i1 to i32
      %cond3A_185 = arith.constant 0 : i32
      %cond3A_186 = arith.cmpi ne, %convert_element_type3A_184, %cond3A_185 : i32
      scf.if %cond3A_186 {
        %dma_wait3A_220 = arith.constant 0 : i32
        %dma_wait3A_221 = arith.constant 0 : i32
        %dma_wait3A_222 = arith.constant 0 : i32
        %dma_wait3A_223 = tpu.memref_slice %arg6[%dma_wait3A_220, %dma_wait3A_221, %dma_wait3A_222] : memref<2x640x64xf32, #tpu.memory_space<vmem>> -> memref<1x640x64xf32, #tpu.memory_space<vmem>>
        %dma_wait3A_224 = tpu.memref_squeeze %dma_wait3A_223 : memref<1x640x64xf32, #tpu.memory_space<vmem>> -> memref<640x64xf32, #tpu.memory_space<vmem>>
        %dma_wait3A_225 = arith.constant 0 : i32
        %dma_wait3A_226 = arith.constant 0 : i32
        %dma_wait3A_227 = tpu.memref_slice %arg4[%dma_wait3A_225, %dma_wait3A_226] : memref<163840x64xf32, #tpu.memory_space<hbm>> -> memref<640x64xf32, #tpu.memory_space<hbm>>
        %dma_wait3A_228 = arith.constant 0 : i32
        %dma_wait3A_229 = arith.constant 0 : i32
        %dma_wait3A_230 = tpu.memref_slice %arg4[%dma_wait3A_228, %dma_wait3A_229] : memref<163840x64xf32, #tpu.memory_space<hbm>> -> memref<640x64xf32, #tpu.memory_space<hbm>>
        %dma_wait3A_231 = arith.constant 0 : i32
        %dma_wait3A_232 = arith.constant 0 : i32
        %dma_wait3A_233 = tpu.memref_slice %arg6[%dma_wait3A_220, %dma_wait3A_231, %dma_wait3A_232] : memref<2x640x64xf32, #tpu.memory_space<vmem>> -> memref<1x640x64xf32, #tpu.memory_space<vmem>>
        %dma_wait3A_234 = tpu.memref_squeeze %dma_wait3A_233 : memref<1x640x64xf32, #tpu.memory_space<vmem>> -> memref<640x64xf32, #tpu.memory_space<vmem>>
        tpu.wait_dma2 semaphore(%arg9 : memref<!tpu.dma_semaphore, #tpu.memory_space<semaphore_mem>>) src(%dma_wait3A_234 : memref<640x64xf32, #tpu.memory_space<vmem>>) dst(%dma_wait3A_230 : memref<640x64xf32, #tpu.memory_space<hbm>>)
        %add3A_235 = arith.constant 2 : i32
        %add3A_236 = arith.addi %mul3A_88, %add3A_235 : i32
        %mul3A_237 = arith.constant 640 : i32
        %mul3A_238 = arith.muli %add3A_236, %mul3A_237 : i32
        %add3A_239 = arith.constant 0 : i32
        %add3A_240 = arith.addi %mul3A_238, %add3A_239 : i32
        %dma_start3A_241 = arith.constant 0 : i32
        %dma_start3A_242 = arith.constant 0 : i32
        %dma_start3A_243 = arith.constant 0 : i32
        %dma_start3A_244 = tpu.memref_slice %arg6[%dma_start3A_241, %dma_start3A_242, %dma_start3A_243] : memref<2x640x64xf32, #tpu.memory_space<vmem>> -> memref<1x128x64xf32, #tpu.memory_space<vmem>>
        %dma_start3A_245 = tpu.memref_squeeze %dma_start3A_244 : memref<1x128x64xf32, #tpu.memory_space<vmem>> -> memref<128x64xf32, #tpu.memory_space<vmem>>
        %dma_start3A_246 = tpu.memref_slice %arg5[%add3A_240] : memref<5120xi32, #tpu.memory_space<vmem>> -> memref<128xi32, #tpu.memory_space<vmem>>
        %dma_start3A_247 = arith.constant 0 : i32
        %dma_start3A_248 = arith.constant 0 : i32
        %dma_start3A_249 = tpu.memref_slice %arg3[%dma_start3A_247, %dma_start3A_248] : memref<1000000x64xf32, #tpu.memory_space<hbm>> -> memref<1000000x64xf32, #tpu.memory_space<hbm>>
        tpu.enqueue_indirect_dma source(%dma_start3A_249 : memref<1000000x64xf32, #tpu.memory_space<hbm>>) target(%dma_start3A_245 : memref<128x64xf32, #tpu.memory_space<vmem>>) offsets(%dma_start3A_246 : memref<128xi32, #tpu.memory_space<vmem>>) semaphore(%arg7 : memref<!tpu.dma_semaphore, #tpu.memory_space<semaphore_mem>>)
        %add3A_250 = arith.constant 128 : i32
        %add3A_251 = arith.addi %mul3A_238, %add3A_250 : i32
        %dma_start3A_252 = arith.constant 0 : i32
        %dma_start3A_253 = arith.constant 128 : i32
        %dma_start3A_254 = arith.constant 0 : i32
        %dma_start3A_255 = tpu.memref_slice %arg6[%dma_start3A_252, %dma_start3A_253, %dma_start3A_254] : memref<2x640x64xf32, #tpu.memory_space<vmem>> -> memref<1x128x64xf32, #tpu.memory_space<vmem>>
        %dma_start3A_256 = tpu.memref_squeeze %dma_start3A_255 : memref<1x128x64xf32, #tpu.memory_space<vmem>> -> memref<128x64xf32, #tpu.memory_space<vmem>>
        %dma_start3A_257 = tpu.memref_slice %arg5[%add3A_251] : memref<5120xi32, #tpu.memory_space<vmem>> -> memref<128xi32, #tpu.memory_space<vmem>>
        %dma_start3A_258 = arith.constant 0 : i32
        %dma_start3A_259 = arith.constant 0 : i32
        %dma_start3A_260 = tpu.memref_slice %arg3[%dma_start3A_258, %dma_start3A_259] : memref<1000000x64xf32, #tpu.memory_space<hbm>> -> memref<1000000x64xf32, #tpu.memory_space<hbm>>
        tpu.enqueue_indirect_dma source(%dma_start3A_260 : memref<1000000x64xf32, #tpu.memory_space<hbm>>) target(%dma_start3A_256 : memref<128x64xf32, #tpu.memory_space<vmem>>) offsets(%dma_start3A_257 : memref<128xi32, #tpu.memory_space<vmem>>) semaphore(%arg7 : memref<!tpu.dma_semaphore, #tpu.memory_space<semaphore_mem>>)
        %add3A_261 = arith.constant 256 : i32
        %add3A_262 = arith.addi %mul3A_238, %add3A_261 : i32
        %dma_start3A_263 = arith.constant 0 : i32
        %dma_start3A_264 = arith.constant 256 : i32
        %dma_start3A_265 = arith.constant 0 : i32
        %dma_start3A_266 = tpu.memref_slice %arg6[%dma_start3A_263, %dma_start3A_264, %dma_start3A_265] : memref<2x640x64xf32, #tpu.memory_space<vmem>> -> memref<1x128x64xf32, #tpu.memory_space<vmem>>
        %dma_start3A_267 = tpu.memref_squeeze %dma_start3A_266 : memref<1x128x64xf32, #tpu.memory_space<vmem>> -> memref<128x64xf32, #tpu.memory_space<vmem>>
        %dma_start3A_268 = tpu.memref_slice %arg5[%add3A_262] : memref<5120xi32, #tpu.memory_space<vmem>> -> memref<128xi32, #tpu.memory_space<vmem>>
        %dma_start3A_269 = arith.constant 0 : i32
        %dma_start3A_270 = arith.constant 0 : i32
        %dma_start3A_271 = tpu.memref_slice %arg3[%dma_start3A_269, %dma_start3A_270] : memref<1000000x64xf32, #tpu.memory_space<hbm>> -> memref<1000000x64xf32, #tpu.memory_space<hbm>>
        tpu.enqueue_indirect_dma source(%dma_start3A_271 : memref<1000000x64xf32, #tpu.memory_space<hbm>>) target(%dma_start3A_267 : memref<128x64xf32, #tpu.memory_space<vmem>>) offsets(%dma_start3A_268 : memref<128xi32, #tpu.memory_space<vmem>>) semaphore(%arg7 : memref<!tpu.dma_semaphore, #tpu.memory_space<semaphore_mem>>)
        %add3A_272 = arith.constant 384 : i32
        %add3A_273 = arith.addi %mul3A_238, %add3A_272 : i32
        %dma_start3A_274 = arith.constant 0 : i32
        %dma_start3A_275 = arith.constant 384 : i32
        %dma_start3A_276 = arith.constant 0 : i32
        %dma_start3A_277 = tpu.memref_slice %arg6[%dma_start3A_274, %dma_start3A_275, %dma_start3A_276] : memref<2x640x64xf32, #tpu.memory_space<vmem>> -> memref<1x128x64xf32, #tpu.memory_space<vmem>>
        %dma_start3A_278 = tpu.memref_squeeze %dma_start3A_277 : memref<1x128x64xf32, #tpu.memory_space<vmem>> -> memref<128x64xf32, #tpu.memory_space<vmem>>
        %dma_start3A_279 = tpu.memref_slice %arg5[%add3A_273] : memref<5120xi32, #tpu.memory_space<vmem>> -> memref<128xi32, #tpu.memory_space<vmem>>
        %dma_start3A_280 = arith.constant 0 : i32
        %dma_start3A_281 = arith.constant 0 : i32
        %dma_start3A_282 = tpu.memref_slice %arg3[%dma_start3A_280, %dma_start3A_281] : memref<1000000x64xf32, #tpu.memory_space<hbm>> -> memref<1000000x64xf32, #tpu.memory_space<hbm>>
        tpu.enqueue_indirect_dma source(%dma_start3A_282 : memref<1000000x64xf32, #tpu.memory_space<hbm>>) target(%dma_start3A_278 : memref<128x64xf32, #tpu.memory_space<vmem>>) offsets(%dma_start3A_279 : memref<128xi32, #tpu.memory_space<vmem>>) semaphore(%arg7 : memref<!tpu.dma_semaphore, #tpu.memory_space<semaphore_mem>>)
        %add3A_283 = arith.constant 512 : i32
        %add3A_284 = arith.addi %mul3A_238, %add3A_283 : i32
        %dma_start3A_285 = arith.constant 0 : i32
        %dma_start3A_286 = arith.constant 512 : i32
        %dma_start3A_287 = arith.constant 0 : i32
        %dma_start3A_288 = tpu.memref_slice %arg6[%dma_start3A_285, %dma_start3A_286, %dma_start3A_287] : memref<2x640x64xf32, #tpu.memory_space<vmem>> -> memref<1x128x64xf32, #tpu.memory_space<vmem>>
        %dma_start3A_289 = tpu.memref_squeeze %dma_start3A_288 : memref<1x128x64xf32, #tpu.memory_space<vmem>> -> memref<128x64xf32, #tpu.memory_space<vmem>>
        %dma_start3A_290 = tpu.memref_slice %arg5[%add3A_284] : memref<5120xi32, #tpu.memory_space<vmem>> -> memref<128xi32, #tpu.memory_space<vmem>>
        %dma_start3A_291 = arith.constant 0 : i32
        %dma_start3A_292 = arith.constant 0 : i32
        %dma_start3A_293 = tpu.memref_slice %arg3[%dma_start3A_291, %dma_start3A_292] : memref<1000000x64xf32, #tpu.memory_space<hbm>> -> memref<1000000x64xf32, #tpu.memory_space<hbm>>
        tpu.enqueue_indirect_dma source(%dma_start3A_293 : memref<1000000x64xf32, #tpu.memory_space<hbm>>) target(%dma_start3A_289 : memref<128x64xf32, #tpu.memory_space<vmem>>) offsets(%dma_start3A_290 : memref<128xi32, #tpu.memory_space<vmem>>) semaphore(%arg7 : memref<!tpu.dma_semaphore, #tpu.memory_space<semaphore_mem>>)
      } else {
      }
      %dma_wait3A_187 = arith.constant 1 : i32
      %dma_wait3A_188 = arith.constant 0 : i32
      %dma_wait3A_189 = arith.constant 0 : i32
      %dma_wait3A_190 = tpu.memref_slice %arg6[%dma_wait3A_187, %dma_wait3A_188, %dma_wait3A_189] : memref<2x640x64xf32, #tpu.memory_space<vmem>> -> memref<1x640x64xf32, #tpu.memory_space<vmem>>
      %dma_wait3A_191 = tpu.memref_squeeze %dma_wait3A_190 : memref<1x640x64xf32, #tpu.memory_space<vmem>> -> memref<640x64xf32, #tpu.memory_space<vmem>>
      %dma_wait3A_192 = arith.constant 0 : i32
      %dma_wait3A_193 = arith.constant 0 : i32
      %dma_wait3A_194 = tpu.memref_slice %arg3[%dma_wait3A_192, %dma_wait3A_193] : memref<1000000x64xf32, #tpu.memory_space<hbm>> -> memref<640x64xf32, #tpu.memory_space<hbm>>
      %dma_wait3A_195 = arith.constant 0 : i32
      %dma_wait3A_196 = arith.constant 0 : i32
      %dma_wait3A_197 = tpu.memref_slice %arg6[%dma_wait3A_187, %dma_wait3A_195, %dma_wait3A_196] : memref<2x640x64xf32, #tpu.memory_space<vmem>> -> memref<1x640x64xf32, #tpu.memory_space<vmem>>
      %dma_wait3A_198 = tpu.memref_squeeze %dma_wait3A_197 : memref<1x640x64xf32, #tpu.memory_space<vmem>> -> memref<640x64xf32, #tpu.memory_space<vmem>>
      %dma_wait3A_199 = arith.constant 0 : i32
      %dma_wait3A_200 = arith.constant 0 : i32
      %dma_wait3A_201 = tpu.memref_slice %arg3[%dma_wait3A_199, %dma_wait3A_200] : memref<1000000x64xf32, #tpu.memory_space<hbm>> -> memref<640x64xf32, #tpu.memory_space<hbm>>
      tpu.wait_dma2 semaphore(%arg8 : memref<!tpu.dma_semaphore, #tpu.memory_space<semaphore_mem>>) src(%dma_wait3A_201 : memref<640x64xf32, #tpu.memory_space<hbm>>) dst(%dma_wait3A_198 : memref<640x64xf32, #tpu.memory_space<vmem>>)
      %add3A_202 = arith.constant 1 : i32
      %add3A_203 = arith.addi %mul3A_88, %add3A_202 : i32
      %mul3A_204 = arith.constant 640 : i32
      %mul3A_205 = arith.muli %add3A_203, %mul3A_204 : i32
      %add3A_206 = arith.addi %mul3A_2, %mul3A_205 : i32
      %dma_start3A_207 = arith.constant 1 : i32
      %dma_start3A_208 = arith.constant 0 : i32
      %dma_start3A_209 = arith.constant 0 : i32
      %dma_start3A_210 = tpu.memref_slice %arg6[%dma_start3A_207, %dma_start3A_208, %dma_start3A_209] : memref<2x640x64xf32, #tpu.memory_space<vmem>> -> memref<1x640x64xf32, #tpu.memory_space<vmem>>
      %dma_start3A_211 = tpu.memref_squeeze %dma_start3A_210 : memref<1x640x64xf32, #tpu.memory_space<vmem>> -> memref<640x64xf32, #tpu.memory_space<vmem>>
      %dma_start3A_212 = arith.constant 0 : i32
      %dma_start3A_213 = tpu.memref_slice %arg4[%add3A_206, %dma_start3A_212] : memref<163840x64xf32, #tpu.memory_space<hbm>> -> memref<640x64xf32, #tpu.memory_space<hbm>>
      %dma_start3A_214 = arith.constant 0 : i32
      %dma_start3A_215 = tpu.memref_slice %arg4[%add3A_206, %dma_start3A_214] : memref<163840x64xf32, #tpu.memory_space<hbm>> -> memref<640x64xf32, #tpu.memory_space<hbm>>
      %dma_start3A_216 = arith.constant 0 : i32
      %dma_start3A_217 = arith.constant 0 : i32
      %dma_start3A_218 = tpu.memref_slice %arg6[%dma_start3A_207, %dma_start3A_216, %dma_start3A_217] : memref<2x640x64xf32, #tpu.memory_space<vmem>> -> memref<1x640x64xf32, #tpu.memory_space<vmem>>
      %dma_start3A_219 = tpu.memref_squeeze %dma_start3A_218 : memref<1x640x64xf32, #tpu.memory_space<vmem>> -> memref<640x64xf32, #tpu.memory_space<vmem>>
      tpu.enqueue_dma source(%dma_start3A_219 : memref<640x64xf32, #tpu.memory_space<vmem>>) target(%dma_start3A_215 : memref<640x64xf32, #tpu.memory_space<hbm>>) target_semaphore(%arg10 : memref<!tpu.dma_semaphore, #tpu.memory_space<semaphore_mem>>)
    }
    %scan3A_56 = arith.constant 4 : i32
    %dma_wait3A = arith.constant 0 : i32
    %dma_wait3A_57 = arith.constant 0 : i32
    %dma_wait3A_58 = arith.constant 0 : i32
    %dma_wait3A_59 = tpu.memref_slice %arg6[%dma_wait3A, %dma_wait3A_57, %dma_wait3A_58] : memref<2x640x64xf32, #tpu.memory_space<vmem>> -> memref<1x640x64xf32, #tpu.memory_space<vmem>>
    %dma_wait3A_60 = tpu.memref_squeeze %dma_wait3A_59 : memref<1x640x64xf32, #tpu.memory_space<vmem>> -> memref<640x64xf32, #tpu.memory_space<vmem>>
    %dma_wait3A_61 = arith.constant 0 : i32
    %dma_wait3A_62 = arith.constant 0 : i32
    %dma_wait3A_63 = tpu.memref_slice %arg4[%dma_wait3A_61, %dma_wait3A_62] : memref<163840x64xf32, #tpu.memory_space<hbm>> -> memref<640x64xf32, #tpu.memory_space<hbm>>
    %dma_wait3A_64 = arith.constant 0 : i32
    %dma_wait3A_65 = arith.constant 0 : i32
    %dma_wait3A_66 = tpu.memref_slice %arg4[%dma_wait3A_64, %dma_wait3A_65] : memref<163840x64xf32, #tpu.memory_space<hbm>> -> memref<640x64xf32, #tpu.memory_space<hbm>>
    %dma_wait3A_67 = arith.constant 0 : i32
    %dma_wait3A_68 = arith.constant 0 : i32
    %dma_wait3A_69 = tpu.memref_slice %arg6[%dma_wait3A, %dma_wait3A_67, %dma_wait3A_68] : memref<2x640x64xf32, #tpu.memory_space<vmem>> -> memref<1x640x64xf32, #tpu.memory_space<vmem>>
    %dma_wait3A_70 = tpu.memref_squeeze %dma_wait3A_69 : memref<1x640x64xf32, #tpu.memory_space<vmem>> -> memref<640x64xf32, #tpu.memory_space<vmem>>
    tpu.wait_dma2 semaphore(%arg9 : memref<!tpu.dma_semaphore, #tpu.memory_space<semaphore_mem>>) src(%dma_wait3A_70 : memref<640x64xf32, #tpu.memory_space<vmem>>) dst(%dma_wait3A_66 : memref<640x64xf32, #tpu.memory_space<hbm>>)
    %dma_wait3A_71 = arith.constant 1 : i32
    %dma_wait3A_72 = arith.constant 0 : i32
    %dma_wait3A_73 = arith.constant 0 : i32
    %dma_wait3A_74 = tpu.memref_slice %arg6[%dma_wait3A_71, %dma_wait3A_72, %dma_wait3A_73] : memref<2x640x64xf32, #tpu.memory_space<vmem>> -> memref<1x640x64xf32, #tpu.memory_space<vmem>>
    %dma_wait3A_75 = tpu.memref_squeeze %dma_wait3A_74 : memref<1x640x64xf32, #tpu.memory_space<vmem>> -> memref<640x64xf32, #tpu.memory_space<vmem>>
    %dma_wait3A_76 = arith.constant 0 : i32
    %dma_wait3A_77 = arith.constant 0 : i32
    %dma_wait3A_78 = tpu.memref_slice %arg4[%dma_wait3A_76, %dma_wait3A_77] : memref<163840x64xf32, #tpu.memory_space<hbm>> -> memref<640x64xf32, #tpu.memory_space<hbm>>
    %dma_wait3A_79 = arith.constant 0 : i32
    %dma_wait3A_80 = arith.constant 0 : i32
    %dma_wait3A_81 = tpu.memref_slice %arg4[%dma_wait3A_79, %dma_wait3A_80] : memref<163840x64xf32, #tpu.memory_space<hbm>> -> memref<640x64xf32, #tpu.memory_space<hbm>>
    %dma_wait3A_82 = arith.constant 0 : i32
    %dma_wait3A_83 = arith.constant 0 : i32
    %dma_wait3A_84 = tpu.memref_slice %arg6[%dma_wait3A_71, %dma_wait3A_82, %dma_wait3A_83] : memref<2x640x64xf32, #tpu.memory_space<vmem>> -> memref<1x640x64xf32, #tpu.memory_space<vmem>>
    %dma_wait3A_85 = tpu.memref_squeeze %dma_wait3A_84 : memref<1x640x64xf32, #tpu.memory_space<vmem>> -> memref<640x64xf32, #tpu.memory_space<vmem>>
    tpu.wait_dma2 semaphore(%arg10 : memref<!tpu.dma_semaphore, #tpu.memory_space<semaphore_mem>>) src(%dma_wait3A_85 : memref<640x64xf32, #tpu.memory_space<vmem>>) dst(%dma_wait3A_81 : memref<640x64xf32, #tpu.memory_space<hbm>>)
    return
  }
}

#map = affine_map<(d0, d1) -> (0)>
#map1 = affine_map<(d0, d1) -> (0, 0)>
module attributes {stable_mosaic.version = 14 : i64} {
  func.func @gather_kernel(%arg0: i32, %arg1: i32, %arg2: memref<163840xi32, #tpu.memory_space<hbm>>, %arg3: memref<1000000x64xf32, #tpu.memory_space<hbm>>, %arg4: memref<163840x64xf32, #tpu.memory_space<hbm>>, %arg5: memref<5120xi32, #tpu.memory_space<vmem>>, %arg6: memref<2x640x64xf32, #tpu.memory_space<vmem>>, %arg7: memref<!tpu.dma_semaphore, #tpu.memory_space<semaphore_mem>>, %arg8: memref<!tpu.dma_semaphore, #tpu.memory_space<semaphore_mem>>, %arg9: memref<!tpu.dma_semaphore, #tpu.memory_space<semaphore_mem>>, %arg10: memref<!tpu.dma_semaphore, #tpu.memory_space<semaphore_mem>>) attributes {dimension_semantics = [#tpu.dimension_semantics<core_parallel>, #tpu.dimension_semantics<subcore_parallel>], iteration_bounds = array<i64: 2, 16>, scalar_prefetch = 0 : i64, scratch_operands = 6 : i64, tpu.core_type = #tpu.core_type<sc_vector_subcore>, window_params = [{transform_indices = #map}, {transform_indices = #map1}, {transform_indices = #map1}]} {
    %mul3A = arith.constant 2 : i32
    %mul3A_0 = arith.muli %arg1, %mul3A : i32
    %add3A = arith.addi %mul3A_0, %arg0 : i32
    %mul3A_1 = arith.constant 5120 : i32
    %mul3A_2 = arith.muli %add3A, %mul3A_1 : i32
    "tpu.region"() ({
      %run_scoped3A = tpu.sem_alloc : memref<!tpu.dma_semaphore, #tpu.memory_space<semaphore_mem>>
      %dma_start3A_86 = tpu.memref_slice %arg2[%mul3A_2] : memref<163840xi32, #tpu.memory_space<hbm>> -> memref<5120xi32, #tpu.memory_space<hbm>>
      %dma_start3A_87 = tpu.memref_slice %arg2[%mul3A_2] : memref<163840xi32, #tpu.memory_space<hbm>> -> memref<5120xi32, #tpu.memory_space<hbm>>
      tpu.enqueue_dma source(%dma_start3A_87 : memref<5120xi32, #tpu.memory_space<hbm>>) target(%arg5 : memref<5120xi32, #tpu.memory_space<vmem>>) target_semaphore(%run_scoped3A : memref<!tpu.dma_semaphore, #tpu.memory_space<semaphore_mem>>)
      %dma_wait3A_88 = tpu.memref_slice %arg2[%mul3A_2] : memref<163840xi32, #tpu.memory_space<hbm>> -> memref<5120xi32, #tpu.memory_space<hbm>>
      %dma_wait3A_89 = tpu.memref_slice %arg2[%mul3A_2] : memref<163840xi32, #tpu.memory_space<hbm>> -> memref<5120xi32, #tpu.memory_space<hbm>>
      tpu.wait_dma2 semaphore(%run_scoped3A : memref<!tpu.dma_semaphore, #tpu.memory_space<semaphore_mem>>) src(%dma_wait3A_89 : memref<5120xi32, #tpu.memory_space<hbm>>) dst(%arg5 : memref<5120xi32, #tpu.memory_space<vmem>>)
      tpu.yield
    }) : () -> ()
    %dma_start3A = arith.constant 0 : i32
    %dma_start3A_3 = arith.constant 0 : i32
    %dma_start3A_4 = arith.constant 0 : i32
    %dma_start3A_5 = tpu.memref_slice %arg6[%dma_start3A, %dma_start3A_3, %dma_start3A_4] : memref<2x640x64xf32, #tpu.memory_space<vmem>> -> memref<1x128x64xf32, #tpu.memory_space<vmem>>
    %dma_start3A_6 = tpu.memref_squeeze %dma_start3A_5 : memref<1x128x64xf32, #tpu.memory_space<vmem>> -> memref<128x64xf32, #tpu.memory_space<vmem>>
    %dma_start3A_7 = arith.constant 0 : i32
    %dma_start3A_8 = tpu.memref_slice %arg5[%dma_start3A_7] : memref<5120xi32, #tpu.memory_space<vmem>> -> memref<128xi32, #tpu.memory_space<vmem>>
    %dma_start3A_9 = arith.constant 0 : i32
    %dma_start3A_10 = arith.constant 0 : i32
    %dma_start3A_11 = tpu.memref_slice %arg3[%dma_start3A_9, %dma_start3A_10] : memref<1000000x64xf32, #tpu.memory_space<hbm>> -> memref<1000000x64xf32, #tpu.memory_space<hbm>>
    tpu.enqueue_indirect_dma source(%dma_start3A_11 : memref<1000000x64xf32, #tpu.memory_space<hbm>>) target(%dma_start3A_6 : memref<128x64xf32, #tpu.memory_space<vmem>>) offsets(%dma_start3A_8 : memref<128xi32, #tpu.memory_space<vmem>>) semaphore(%arg7 : memref<!tpu.dma_semaphore, #tpu.memory_space<semaphore_mem>>)
    %dma_start3A_12 = arith.constant 0 : i32
    %dma_start3A_13 = arith.constant 128 : i32
    %dma_start3A_14 = arith.constant 0 : i32
    %dma_start3A_15 = tpu.memref_slice %arg6[%dma_start3A_12, %dma_start3A_13, %dma_start3A_14] : memref<2x640x64xf32, #tpu.memory_space<vmem>> -> memref<1x128x64xf32, #tpu.memory_space<vmem>>
    %dma_start3A_16 = tpu.memref_squeeze %dma_start3A_15 : memref<1x128x64xf32, #tpu.memory_space<vmem>> -> memref<128x64xf32, #tpu.memory_space<vmem>>
    %dma_start3A_17 = arith.constant 128 : i32
    %dma_start3A_18 = tpu.memref_slice %arg5[%dma_start3A_17] : memref<5120xi32, #tpu.memory_space<vmem>> -> memref<128xi32, #tpu.memory_space<vmem>>
    %dma_start3A_19 = arith.constant 0 : i32
    %dma_start3A_20 = arith.constant 0 : i32
    %dma_start3A_21 = tpu.memref_slice %arg3[%dma_start3A_19, %dma_start3A_20] : memref<1000000x64xf32, #tpu.memory_space<hbm>> -> memref<1000000x64xf32, #tpu.memory_space<hbm>>
    tpu.enqueue_indirect_dma source(%dma_start3A_21 : memref<1000000x64xf32, #tpu.memory_space<hbm>>) target(%dma_start3A_16 : memref<128x64xf32, #tpu.memory_space<vmem>>) offsets(%dma_start3A_18 : memref<128xi32, #tpu.memory_space<vmem>>) semaphore(%arg7 : memref<!tpu.dma_semaphore, #tpu.memory_space<semaphore_mem>>)
    %dma_start3A_22 = arith.constant 0 : i32
    %dma_start3A_23 = arith.constant 256 : i32
    %dma_start3A_24 = arith.constant 0 : i32
    %dma_start3A_25 = tpu.memref_slice %arg6[%dma_start3A_22, %dma_start3A_23, %dma_start3A_24] : memref<2x640x64xf32, #tpu.memory_space<vmem>> -> memref<1x128x64xf32, #tpu.memory_space<vmem>>
    %dma_start3A_26 = tpu.memref_squeeze %dma_start3A_25 : memref<1x128x64xf32, #tpu.memory_space<vmem>> -> memref<128x64xf32, #tpu.memory_space<vmem>>
    %dma_start3A_27 = arith.constant 256 : i32
    %dma_start3A_28 = tpu.memref_slice %arg5[%dma_start3A_27] : memref<5120xi32, #tpu.memory_space<vmem>> -> memref<128xi32, #tpu.memory_space<vmem>>
    %dma_start3A_29 = arith.constant 0 : i32
    %dma_start3A_30 = arith.constant 0 : i32
    %dma_start3A_31 = tpu.memref_slice %arg3[%dma_start3A_29, %dma_start3A_30] : memref<1000000x64xf32, #tpu.memory_space<hbm>> -> memref<1000000x64xf32, #tpu.memory_space<hbm>>
    tpu.enqueue_indirect_dma source(%dma_start3A_31 : memref<1000000x64xf32, #tpu.memory_space<hbm>>) target(%dma_start3A_26 : memref<128x64xf32, #tpu.memory_space<vmem>>) offsets(%dma_start3A_28 : memref<128xi32, #tpu.memory_space<vmem>>) semaphore(%arg7 : memref<!tpu.dma_semaphore, #tpu.memory_space<semaphore_mem>>)
    %dma_start3A_32 = arith.constant 0 : i32
    %dma_start3A_33 = arith.constant 384 : i32
    %dma_start3A_34 = arith.constant 0 : i32
    %dma_start3A_35 = tpu.memref_slice %arg6[%dma_start3A_32, %dma_start3A_33, %dma_start3A_34] : memref<2x640x64xf32, #tpu.memory_space<vmem>> -> memref<1x128x64xf32, #tpu.memory_space<vmem>>
    %dma_start3A_36 = tpu.memref_squeeze %dma_start3A_35 : memref<1x128x64xf32, #tpu.memory_space<vmem>> -> memref<128x64xf32, #tpu.memory_space<vmem>>
    %dma_start3A_37 = arith.constant 384 : i32
    %dma_start3A_38 = tpu.memref_slice %arg5[%dma_start3A_37] : memref<5120xi32, #tpu.memory_space<vmem>> -> memref<128xi32, #tpu.memory_space<vmem>>
    %dma_start3A_39 = arith.constant 0 : i32
    %dma_start3A_40 = arith.constant 0 : i32
    %dma_start3A_41 = tpu.memref_slice %arg3[%dma_start3A_39, %dma_start3A_40] : memref<1000000x64xf32, #tpu.memory_space<hbm>> -> memref<1000000x64xf32, #tpu.memory_space<hbm>>
    tpu.enqueue_indirect_dma source(%dma_start3A_41 : memref<1000000x64xf32, #tpu.memory_space<hbm>>) target(%dma_start3A_36 : memref<128x64xf32, #tpu.memory_space<vmem>>) offsets(%dma_start3A_38 : memref<128xi32, #tpu.memory_space<vmem>>) semaphore(%arg7 : memref<!tpu.dma_semaphore, #tpu.memory_space<semaphore_mem>>)
    %dma_start3A_42 = arith.constant 0 : i32
    %dma_start3A_43 = arith.constant 512 : i32
    %dma_start3A_44 = arith.constant 0 : i32
    %dma_start3A_45 = tpu.memref_slice %arg6[%dma_start3A_42, %dma_start3A_43, %dma_start3A_44] : memref<2x640x64xf32, #tpu.memory_space<vmem>> -> memref<1x128x64xf32, #tpu.memory_space<vmem>>
    %dma_start3A_46 = tpu.memref_squeeze %dma_start3A_45 : memref<1x128x64xf32, #tpu.memory_space<vmem>> -> memref<128x64xf32, #tpu.memory_space<vmem>>
    %dma_start3A_47 = arith.constant 512 : i32
    %dma_start3A_48 = tpu.memref_slice %arg5[%dma_start3A_47] : memref<5120xi32, #tpu.memory_space<vmem>> -> memref<128xi32, #tpu.memory_space<vmem>>
    %dma_start3A_49 = arith.constant 0 : i32
    %dma_start3A_50 = arith.constant 0 : i32
    %dma_start3A_51 = tpu.memref_slice %arg3[%dma_start3A_49, %dma_start3A_50] : memref<1000000x64xf32, #tpu.memory_space<hbm>> -> memref<1000000x64xf32, #tpu.memory_space<hbm>>
    tpu.enqueue_indirect_dma source(%dma_start3A_51 : memref<1000000x64xf32, #tpu.memory_space<hbm>>) target(%dma_start3A_46 : memref<128x64xf32, #tpu.memory_space<vmem>>) offsets(%dma_start3A_48 : memref<128xi32, #tpu.memory_space<vmem>>) semaphore(%arg7 : memref<!tpu.dma_semaphore, #tpu.memory_space<semaphore_mem>>)
    %scan3A = arith.constant 0 : i32
    %scan3A_52 = arith.constant 0 : i32
    %scan3A_53 = arith.constant 4 : i32
    %scan3A_54 = arith.addi %scan3A_52, %scan3A_53 : i32
    %scan3A_55 = arith.constant 1 : i32
    scf.for %scan3A_86 = %scan3A_52 to %scan3A_54 step %scan3A_55  : i32 {
      %mul3A_87 = arith.constant 2 : i32
      %mul3A_88 = arith.muli %scan3A_86, %mul3A_87 : i32
      %gt3A = arith.constant 0 : i32
      %gt3A_89 = arith.cmpi sgt, %scan3A_86, %gt3A : i32
      %convert_element_type3A = arith.extui %gt3A_89 : i1 to i32
      %cond3A = arith.constant 0 : i32
      %cond3A_90 = arith.cmpi ne, %convert_element_type3A, %cond3A : i32
      scf.if %cond3A_90 {
        %dma_wait3A_220 = arith.constant 1 : i32
        %dma_wait3A_221 = arith.constant 0 : i32
        %dma_wait3A_222 = arith.constant 0 : i32
        %dma_wait3A_223 = tpu.memref_slice %arg6[%dma_wait3A_220, %dma_wait3A_221, %dma_wait3A_222] : memref<2x640x64xf32, #tpu.memory_space<vmem>> -> memref<1x640x64xf32, #tpu.memory_space<vmem>>
        %dma_wait3A_224 = tpu.memref_squeeze %dma_wait3A_223 : memref<1x640x64xf32, #tpu.memory_space<vmem>> -> memref<640x64xf32, #tpu.memory_space<vmem>>
        %dma_wait3A_225 = arith.constant 0 : i32
        %dma_wait3A_226 = arith.constant 0 : i32
        %dma_wait3A_227 = tpu.memref_slice %arg4[%dma_wait3A_225, %dma_wait3A_226] : memref<163840x64xf32, #tpu.memory_space<hbm>> -> memref<640x64xf32, #tpu.memory_space<hbm>>
        %dma_wait3A_228 = arith.constant 0 : i32
        %dma_wait3A_229 = arith.constant 0 : i32
        %dma_wait3A_230 = tpu.memref_slice %arg4[%dma_wait3A_228, %dma_wait3A_229] : memref<163840x64xf32, #tpu.memory_space<hbm>> -> memref<640x64xf32, #tpu.memory_space<hbm>>
        %dma_wait3A_231 = arith.constant 0 : i32
        %dma_wait3A_232 = arith.constant 0 : i32
        %dma_wait3A_233 = tpu.memref_slice %arg6[%dma_wait3A_220, %dma_wait3A_231, %dma_wait3A_232] : memref<2x640x64xf32, #tpu.memory_space<vmem>> -> memref<1x640x64xf32, #tpu.memory_space<vmem>>
        %dma_wait3A_234 = tpu.memref_squeeze %dma_wait3A_233 : memref<1x640x64xf32, #tpu.memory_space<vmem>> -> memref<640x64xf32, #tpu.memory_space<vmem>>
        tpu.wait_dma2 semaphore(%arg10 : memref<!tpu.dma_semaphore, #tpu.memory_space<semaphore_mem>>) src(%dma_wait3A_234 : memref<640x64xf32, #tpu.memory_space<vmem>>) dst(%dma_wait3A_230 : memref<640x64xf32, #tpu.memory_space<hbm>>)
      } else {
      }
      %add3A_91 = arith.constant 1 : i32
      %add3A_92 = arith.addi %mul3A_88, %add3A_91 : i32
      %mul3A_93 = arith.constant 640 : i32
      %mul3A_94 = arith.muli %add3A_92, %mul3A_93 : i32
      %add3A_95 = arith.constant 0 : i32
      %add3A_96 = arith.addi %mul3A_94, %add3A_95 : i32
      %dma_start3A_97 = arith.constant 1 : i32
      %dma_start3A_98 = arith.constant 0 : i32
      %dma_start3A_99 = arith.constant 0 : i32
      %dma_start3A_100 = tpu.memref_slice %arg6[%dma_start3A_97, %dma_start3A_98, %dma_start3A_99] : memref<2x640x64xf32, #tpu.memory_space<vmem>> -> memref<1x128x64xf32, #tpu.memory_space<vmem>>
      %dma_start3A_101 = tpu.memref_squeeze %dma_start3A_100 : memref<1x128x64xf32, #tpu.memory_space<vmem>> -> memref<128x64xf32, #tpu.memory_space<vmem>>
      %dma_start3A_102 = tpu.memref_slice %arg5[%add3A_96] : memref<5120xi32, #tpu.memory_space<vmem>> -> memref<128xi32, #tpu.memory_space<vmem>>
      %dma_start3A_103 = arith.constant 0 : i32
      %dma_start3A_104 = arith.constant 0 : i32
      %dma_start3A_105 = tpu.memref_slice %arg3[%dma_start3A_103, %dma_start3A_104] : memref<1000000x64xf32, #tpu.memory_space<hbm>> -> memref<1000000x64xf32, #tpu.memory_space<hbm>>
      tpu.enqueue_indirect_dma source(%dma_start3A_105 : memref<1000000x64xf32, #tpu.memory_space<hbm>>) target(%dma_start3A_101 : memref<128x64xf32, #tpu.memory_space<vmem>>) offsets(%dma_start3A_102 : memref<128xi32, #tpu.memory_space<vmem>>) semaphore(%arg8 : memref<!tpu.dma_semaphore, #tpu.memory_space<semaphore_mem>>)
      %add3A_106 = arith.constant 128 : i32
      %add3A_107 = arith.addi %mul3A_94, %add3A_106 : i32
      %dma_start3A_108 = arith.constant 1 : i32
      %dma_start3A_109 = arith.constant 128 : i32
      %dma_start3A_110 = arith.constant 0 : i32
      %dma_start3A_111 = tpu.memref_slice %arg6[%dma_start3A_108, %dma_start3A_109, %dma_start3A_110] : memref<2x640x64xf32, #tpu.memory_space<vmem>> -> memref<1x128x64xf32, #tpu.memory_space<vmem>>
      %dma_start3A_112 = tpu.memref_squeeze %dma_start3A_111 : memref<1x128x64xf32, #tpu.memory_space<vmem>> -> memref<128x64xf32, #tpu.memory_space<vmem>>
      %dma_start3A_113 = tpu.memref_slice %arg5[%add3A_107] : memref<5120xi32, #tpu.memory_space<vmem>> -> memref<128xi32, #tpu.memory_space<vmem>>
      %dma_start3A_114 = arith.constant 0 : i32
      %dma_start3A_115 = arith.constant 0 : i32
      %dma_start3A_116 = tpu.memref_slice %arg3[%dma_start3A_114, %dma_start3A_115] : memref<1000000x64xf32, #tpu.memory_space<hbm>> -> memref<1000000x64xf32, #tpu.memory_space<hbm>>
      tpu.enqueue_indirect_dma source(%dma_start3A_116 : memref<1000000x64xf32, #tpu.memory_space<hbm>>) target(%dma_start3A_112 : memref<128x64xf32, #tpu.memory_space<vmem>>) offsets(%dma_start3A_113 : memref<128xi32, #tpu.memory_space<vmem>>) semaphore(%arg8 : memref<!tpu.dma_semaphore, #tpu.memory_space<semaphore_mem>>)
      %add3A_117 = arith.constant 256 : i32
      %add3A_118 = arith.addi %mul3A_94, %add3A_117 : i32
      %dma_start3A_119 = arith.constant 1 : i32
      %dma_start3A_120 = arith.constant 256 : i32
      %dma_start3A_121 = arith.constant 0 : i32
      %dma_start3A_122 = tpu.memref_slice %arg6[%dma_start3A_119, %dma_start3A_120, %dma_start3A_121] : memref<2x640x64xf32, #tpu.memory_space<vmem>> -> memref<1x128x64xf32, #tpu.memory_space<vmem>>
      %dma_start3A_123 = tpu.memref_squeeze %dma_start3A_122 : memref<1x128x64xf32, #tpu.memory_space<vmem>> -> memref<128x64xf32, #tpu.memory_space<vmem>>
      %dma_start3A_124 = tpu.memref_slice %arg5[%add3A_118] : memref<5120xi32, #tpu.memory_space<vmem>> -> memref<128xi32, #tpu.memory_space<vmem>>
      %dma_start3A_125 = arith.constant 0 : i32
      %dma_start3A_126 = arith.constant 0 : i32
      %dma_start3A_127 = tpu.memref_slice %arg3[%dma_start3A_125, %dma_start3A_126] : memref<1000000x64xf32, #tpu.memory_space<hbm>> -> memref<1000000x64xf32, #tpu.memory_space<hbm>>
      tpu.enqueue_indirect_dma source(%dma_start3A_127 : memref<1000000x64xf32, #tpu.memory_space<hbm>>) target(%dma_start3A_123 : memref<128x64xf32, #tpu.memory_space<vmem>>) offsets(%dma_start3A_124 : memref<128xi32, #tpu.memory_space<vmem>>) semaphore(%arg8 : memref<!tpu.dma_semaphore, #tpu.memory_space<semaphore_mem>>)
      %add3A_128 = arith.constant 384 : i32
      %add3A_129 = arith.addi %mul3A_94, %add3A_128 : i32
      %dma_start3A_130 = arith.constant 1 : i32
      %dma_start3A_131 = arith.constant 384 : i32
      %dma_start3A_132 = arith.constant 0 : i32
      %dma_start3A_133 = tpu.memref_slice %arg6[%dma_start3A_130, %dma_start3A_131, %dma_start3A_132] : memref<2x640x64xf32, #tpu.memory_space<vmem>> -> memref<1x128x64xf32, #tpu.memory_space<vmem>>
      %dma_start3A_134 = tpu.memref_squeeze %dma_start3A_133 : memref<1x128x64xf32, #tpu.memory_space<vmem>> -> memref<128x64xf32, #tpu.memory_space<vmem>>
      %dma_start3A_135 = tpu.memref_slice %arg5[%add3A_129] : memref<5120xi32, #tpu.memory_space<vmem>> -> memref<128xi32, #tpu.memory_space<vmem>>
      %dma_start3A_136 = arith.constant 0 : i32
      %dma_start3A_137 = arith.constant 0 : i32
      %dma_start3A_138 = tpu.memref_slice %arg3[%dma_start3A_136, %dma_start3A_137] : memref<1000000x64xf32, #tpu.memory_space<hbm>> -> memref<1000000x64xf32, #tpu.memory_space<hbm>>
      tpu.enqueue_indirect_dma source(%dma_start3A_138 : memref<1000000x64xf32, #tpu.memory_space<hbm>>) target(%dma_start3A_134 : memref<128x64xf32, #tpu.memory_space<vmem>>) offsets(%dma_start3A_135 : memref<128xi32, #tpu.memory_space<vmem>>) semaphore(%arg8 : memref<!tpu.dma_semaphore, #tpu.memory_space<semaphore_mem>>)
      %add3A_139 = arith.constant 512 : i32
      %add3A_140 = arith.addi %mul3A_94, %add3A_139 : i32
      %dma_start3A_141 = arith.constant 1 : i32
      %dma_start3A_142 = arith.constant 512 : i32
      %dma_start3A_143 = arith.constant 0 : i32
      %dma_start3A_144 = tpu.memref_slice %arg6[%dma_start3A_141, %dma_start3A_142, %dma_start3A_143] : memref<2x640x64xf32, #tpu.memory_space<vmem>> -> memref<1x128x64xf32, #tpu.memory_space<vmem>>
      %dma_start3A_145 = tpu.memref_squeeze %dma_start3A_144 : memref<1x128x64xf32, #tpu.memory_space<vmem>> -> memref<128x64xf32, #tpu.memory_space<vmem>>
      %dma_start3A_146 = tpu.memref_slice %arg5[%add3A_140] : memref<5120xi32, #tpu.memory_space<vmem>> -> memref<128xi32, #tpu.memory_space<vmem>>
      %dma_start3A_147 = arith.constant 0 : i32
      %dma_start3A_148 = arith.constant 0 : i32
      %dma_start3A_149 = tpu.memref_slice %arg3[%dma_start3A_147, %dma_start3A_148] : memref<1000000x64xf32, #tpu.memory_space<hbm>> -> memref<1000000x64xf32, #tpu.memory_space<hbm>>
      tpu.enqueue_indirect_dma source(%dma_start3A_149 : memref<1000000x64xf32, #tpu.memory_space<hbm>>) target(%dma_start3A_145 : memref<128x64xf32, #tpu.memory_space<vmem>>) offsets(%dma_start3A_146 : memref<128xi32, #tpu.memory_space<vmem>>) semaphore(%arg8 : memref<!tpu.dma_semaphore, #tpu.memory_space<semaphore_mem>>)
      %dma_wait3A_150 = arith.constant 0 : i32
      %dma_wait3A_151 = arith.constant 0 : i32
      %dma_wait3A_152 = arith.constant 0 : i32
      %dma_wait3A_153 = tpu.memref_slice %arg6[%dma_wait3A_150, %dma_wait3A_151, %dma_wait3A_152] : memref<2x640x64xf32, #tpu.memory_space<vmem>> -> memref<1x640x64xf32, #tpu.memory_space<vmem>>
      %dma_wait3A_154 = tpu.memref_squeeze %dma_wait3A_153 : memref<1x640x64xf32, #tpu.memory_space<vmem>> -> memref<640x64xf32, #tpu.memory_space<vmem>>
      %dma_wait3A_155 = arith.constant 0 : i32
      %dma_wait3A_156 = arith.constant 0 : i32
      %dma_wait3A_157 = tpu.memref_slice %arg3[%dma_wait3A_155, %dma_wait3A_156] : memref<1000000x64xf32, #tpu.memory_space<hbm>> -> memref<640x64xf32, #tpu.memory_space<hbm>>
      %dma_wait3A_158 = arith.constant 0 : i32
      %dma_wait3A_159 = arith.constant 0 : i32
      %dma_wait3A_160 = tpu.memref_slice %arg6[%dma_wait3A_150, %dma_wait3A_158, %dma_wait3A_159] : memref<2x640x64xf32, #tpu.memory_space<vmem>> -> memref<1x640x64xf32, #tpu.memory_space<vmem>>
      %dma_wait3A_161 = tpu.memref_squeeze %dma_wait3A_160 : memref<1x640x64xf32, #tpu.memory_space<vmem>> -> memref<640x64xf32, #tpu.memory_space<vmem>>
      %dma_wait3A_162 = arith.constant 0 : i32
      %dma_wait3A_163 = arith.constant 0 : i32
      %dma_wait3A_164 = tpu.memref_slice %arg3[%dma_wait3A_162, %dma_wait3A_163] : memref<1000000x64xf32, #tpu.memory_space<hbm>> -> memref<640x64xf32, #tpu.memory_space<hbm>>
      tpu.wait_dma2 semaphore(%arg7 : memref<!tpu.dma_semaphore, #tpu.memory_space<semaphore_mem>>) src(%dma_wait3A_164 : memref<640x64xf32, #tpu.memory_space<hbm>>) dst(%dma_wait3A_161 : memref<640x64xf32, #tpu.memory_space<vmem>>)
      %mul3A_165 = arith.constant 640 : i32
      %mul3A_166 = arith.muli %mul3A_88, %mul3A_165 : i32
      %add3A_167 = arith.addi %mul3A_2, %mul3A_166 : i32
      %dma_start3A_168 = arith.constant 0 : i32
      %dma_start3A_169 = arith.constant 0 : i32
      %dma_start3A_170 = arith.constant 0 : i32
      %dma_start3A_171 = tpu.memref_slice %arg6[%dma_start3A_168, %dma_start3A_169, %dma_start3A_170] : memref<2x640x64xf32, #tpu.memory_space<vmem>> -> memref<1x640x64xf32, #tpu.memory_space<vmem>>
      %dma_start3A_172 = tpu.memref_squeeze %dma_start3A_171 : memref<1x640x64xf32, #tpu.memory_space<vmem>> -> memref<640x64xf32, #tpu.memory_space<vmem>>
      %dma_start3A_173 = arith.constant 0 : i32
      %dma_start3A_174 = tpu.memref_slice %arg4[%add3A_167, %dma_start3A_173] : memref<163840x64xf32, #tpu.memory_space<hbm>> -> memref<640x64xf32, #tpu.memory_space<hbm>>
      %dma_start3A_175 = arith.constant 0 : i32
      %dma_start3A_176 = tpu.memref_slice %arg4[%add3A_167, %dma_start3A_175] : memref<163840x64xf32, #tpu.memory_space<hbm>> -> memref<640x64xf32, #tpu.memory_space<hbm>>
      %dma_start3A_177 = arith.constant 0 : i32
      %dma_start3A_178 = arith.constant 0 : i32
      %dma_start3A_179 = tpu.memref_slice %arg6[%dma_start3A_168, %dma_start3A_177, %dma_start3A_178] : memref<2x640x64xf32, #tpu.memory_space<vmem>> -> memref<1x640x64xf32, #tpu.memory_space<vmem>>
      %dma_start3A_180 = tpu.memref_squeeze %dma_start3A_179 : memref<1x640x64xf32, #tpu.memory_space<vmem>> -> memref<640x64xf32, #tpu.memory_space<vmem>>
      tpu.enqueue_dma source(%dma_start3A_180 : memref<640x64xf32, #tpu.memory_space<vmem>>) target(%dma_start3A_176 : memref<640x64xf32, #tpu.memory_space<hbm>>) target_semaphore(%arg9 : memref<!tpu.dma_semaphore, #tpu.memory_space<semaphore_mem>>)
      %add3A_181 = arith.constant 2 : i32
      %add3A_182 = arith.addi %mul3A_88, %add3A_181 : i32
      %lt3A = arith.constant 8 : i32
      %lt3A_183 = arith.cmpi slt, %add3A_182, %lt3A : i32
      %convert_element_type3A_184 = arith.extui %lt3A_183 : i1 to i32
      %cond3A_185 = arith.constant 0 : i32
      %cond3A_186 = arith.cmpi ne, %convert_element_type3A_184, %cond3A_185 : i32
      scf.if %cond3A_186 {
        %dma_wait3A_220 = arith.constant 0 : i32
        %dma_wait3A_221 = arith.constant 0 : i32
        %dma_wait3A_222 = arith.constant 0 : i32
        %dma_wait3A_223 = tpu.memref_slice %arg6[%dma_wait3A_220, %dma_wait3A_221, %dma_wait3A_222] : memref<2x640x64xf32, #tpu.memory_space<vmem>> -> memref<1x640x64xf32, #tpu.memory_space<vmem>>
        %dma_wait3A_224 = tpu.memref_squeeze %dma_wait3A_223 : memref<1x640x64xf32, #tpu.memory_space<vmem>> -> memref<640x64xf32, #tpu.memory_space<vmem>>
        %dma_wait3A_225 = arith.constant 0 : i32
        %dma_wait3A_226 = arith.constant 0 : i32
        %dma_wait3A_227 = tpu.memref_slice %arg4[%dma_wait3A_225, %dma_wait3A_226] : memref<163840x64xf32, #tpu.memory_space<hbm>> -> memref<640x64xf32, #tpu.memory_space<hbm>>
        %dma_wait3A_228 = arith.constant 0 : i32
        %dma_wait3A_229 = arith.constant 0 : i32
        %dma_wait3A_230 = tpu.memref_slice %arg4[%dma_wait3A_228, %dma_wait3A_229] : memref<163840x64xf32, #tpu.memory_space<hbm>> -> memref<640x64xf32, #tpu.memory_space<hbm>>
        %dma_wait3A_231 = arith.constant 0 : i32
        %dma_wait3A_232 = arith.constant 0 : i32
        %dma_wait3A_233 = tpu.memref_slice %arg6[%dma_wait3A_220, %dma_wait3A_231, %dma_wait3A_232] : memref<2x640x64xf32, #tpu.memory_space<vmem>> -> memref<1x640x64xf32, #tpu.memory_space<vmem>>
        %dma_wait3A_234 = tpu.memref_squeeze %dma_wait3A_233 : memref<1x640x64xf32, #tpu.memory_space<vmem>> -> memref<640x64xf32, #tpu.memory_space<vmem>>
        tpu.wait_dma2 semaphore(%arg9 : memref<!tpu.dma_semaphore, #tpu.memory_space<semaphore_mem>>) src(%dma_wait3A_234 : memref<640x64xf32, #tpu.memory_space<vmem>>) dst(%dma_wait3A_230 : memref<640x64xf32, #tpu.memory_space<hbm>>)
        %add3A_235 = arith.constant 2 : i32
        %add3A_236 = arith.addi %mul3A_88, %add3A_235 : i32
        %mul3A_237 = arith.constant 640 : i32
        %mul3A_238 = arith.muli %add3A_236, %mul3A_237 : i32
        %add3A_239 = arith.constant 0 : i32
        %add3A_240 = arith.addi %mul3A_238, %add3A_239 : i32
        %dma_start3A_241 = arith.constant 0 : i32
        %dma_start3A_242 = arith.constant 0 : i32
        %dma_start3A_243 = arith.constant 0 : i32
        %dma_start3A_244 = tpu.memref_slice %arg6[%dma_start3A_241, %dma_start3A_242, %dma_start3A_243] : memref<2x640x64xf32, #tpu.memory_space<vmem>> -> memref<1x128x64xf32, #tpu.memory_space<vmem>>
        %dma_start3A_245 = tpu.memref_squeeze %dma_start3A_244 : memref<1x128x64xf32, #tpu.memory_space<vmem>> -> memref<128x64xf32, #tpu.memory_space<vmem>>
        %dma_start3A_246 = tpu.memref_slice %arg5[%add3A_240] : memref<5120xi32, #tpu.memory_space<vmem>> -> memref<128xi32, #tpu.memory_space<vmem>>
        %dma_start3A_247 = arith.constant 0 : i32
        %dma_start3A_248 = arith.constant 0 : i32
        %dma_start3A_249 = tpu.memref_slice %arg3[%dma_start3A_247, %dma_start3A_248] : memref<1000000x64xf32, #tpu.memory_space<hbm>> -> memref<1000000x64xf32, #tpu.memory_space<hbm>>
        tpu.enqueue_indirect_dma source(%dma_start3A_249 : memref<1000000x64xf32, #tpu.memory_space<hbm>>) target(%dma_start3A_245 : memref<128x64xf32, #tpu.memory_space<vmem>>) offsets(%dma_start3A_246 : memref<128xi32, #tpu.memory_space<vmem>>) semaphore(%arg7 : memref<!tpu.dma_semaphore, #tpu.memory_space<semaphore_mem>>)
        %add3A_250 = arith.constant 128 : i32
        %add3A_251 = arith.addi %mul3A_238, %add3A_250 : i32
        %dma_start3A_252 = arith.constant 0 : i32
        %dma_start3A_253 = arith.constant 128 : i32
        %dma_start3A_254 = arith.constant 0 : i32
        %dma_start3A_255 = tpu.memref_slice %arg6[%dma_start3A_252, %dma_start3A_253, %dma_start3A_254] : memref<2x640x64xf32, #tpu.memory_space<vmem>> -> memref<1x128x64xf32, #tpu.memory_space<vmem>>
        %dma_start3A_256 = tpu.memref_squeeze %dma_start3A_255 : memref<1x128x64xf32, #tpu.memory_space<vmem>> -> memref<128x64xf32, #tpu.memory_space<vmem>>
        %dma_start3A_257 = tpu.memref_slice %arg5[%add3A_251] : memref<5120xi32, #tpu.memory_space<vmem>> -> memref<128xi32, #tpu.memory_space<vmem>>
        %dma_start3A_258 = arith.constant 0 : i32
        %dma_start3A_259 = arith.constant 0 : i32
        %dma_start3A_260 = tpu.memref_slice %arg3[%dma_start3A_258, %dma_start3A_259] : memref<1000000x64xf32, #tpu.memory_space<hbm>> -> memref<1000000x64xf32, #tpu.memory_space<hbm>>
        tpu.enqueue_indirect_dma source(%dma_start3A_260 : memref<1000000x64xf32, #tpu.memory_space<hbm>>) target(%dma_start3A_256 : memref<128x64xf32, #tpu.memory_space<vmem>>) offsets(%dma_start3A_257 : memref<128xi32, #tpu.memory_space<vmem>>) semaphore(%arg7 : memref<!tpu.dma_semaphore, #tpu.memory_space<semaphore_mem>>)
        %add3A_261 = arith.constant 256 : i32
        %add3A_262 = arith.addi %mul3A_238, %add3A_261 : i32
        %dma_start3A_263 = arith.constant 0 : i32
        %dma_start3A_264 = arith.constant 256 : i32
        %dma_start3A_265 = arith.constant 0 : i32
        %dma_start3A_266 = tpu.memref_slice %arg6[%dma_start3A_263, %dma_start3A_264, %dma_start3A_265] : memref<2x640x64xf32, #tpu.memory_space<vmem>> -> memref<1x128x64xf32, #tpu.memory_space<vmem>>
        %dma_start3A_267 = tpu.memref_squeeze %dma_start3A_266 : memref<1x128x64xf32, #tpu.memory_space<vmem>> -> memref<128x64xf32, #tpu.memory_space<vmem>>
        %dma_start3A_268 = tpu.memref_slice %arg5[%add3A_262] : memref<5120xi32, #tpu.memory_space<vmem>> -> memref<128xi32, #tpu.memory_space<vmem>>
        %dma_start3A_269 = arith.constant 0 : i32
        %dma_start3A_270 = arith.constant 0 : i32
        %dma_start3A_271 = tpu.memref_slice %arg3[%dma_start3A_269, %dma_start3A_270] : memref<1000000x64xf32, #tpu.memory_space<hbm>> -> memref<1000000x64xf32, #tpu.memory_space<hbm>>
        tpu.enqueue_indirect_dma source(%dma_start3A_271 : memref<1000000x64xf32, #tpu.memory_space<hbm>>) target(%dma_start3A_267 : memref<128x64xf32, #tpu.memory_space<vmem>>) offsets(%dma_start3A_268 : memref<128xi32, #tpu.memory_space<vmem>>) semaphore(%arg7 : memref<!tpu.dma_semaphore, #tpu.memory_space<semaphore_mem>>)
        %add3A_272 = arith.constant 384 : i32
        %add3A_273 = arith.addi %mul3A_238, %add3A_272 : i32
        %dma_start3A_274 = arith.constant 0 : i32
        %dma_start3A_275 = arith.constant 384 : i32
        %dma_start3A_276 = arith.constant 0 : i32
        %dma_start3A_277 = tpu.memref_slice %arg6[%dma_start3A_274, %dma_start3A_275, %dma_start3A_276] : memref<2x640x64xf32, #tpu.memory_space<vmem>> -> memref<1x128x64xf32, #tpu.memory_space<vmem>>
        %dma_start3A_278 = tpu.memref_squeeze %dma_start3A_277 : memref<1x128x64xf32, #tpu.memory_space<vmem>> -> memref<128x64xf32, #tpu.memory_space<vmem>>
        %dma_start3A_279 = tpu.memref_slice %arg5[%add3A_273] : memref<5120xi32, #tpu.memory_space<vmem>> -> memref<128xi32, #tpu.memory_space<vmem>>
        %dma_start3A_280 = arith.constant 0 : i32
        %dma_start3A_281 = arith.constant 0 : i32
        %dma_start3A_282 = tpu.memref_slice %arg3[%dma_start3A_280, %dma_start3A_281] : memref<1000000x64xf32, #tpu.memory_space<hbm>> -> memref<1000000x64xf32, #tpu.memory_space<hbm>>
        tpu.enqueue_indirect_dma source(%dma_start3A_282 : memref<1000000x64xf32, #tpu.memory_space<hbm>>) target(%dma_start3A_278 : memref<128x64xf32, #tpu.memory_space<vmem>>) offsets(%dma_start3A_279 : memref<128xi32, #tpu.memory_space<vmem>>) semaphore(%arg7 : memref<!tpu.dma_semaphore, #tpu.memory_space<semaphore_mem>>)
        %add3A_283 = arith.constant 512 : i32
        %add3A_284 = arith.addi %mul3A_238, %add3A_283 : i32
        %dma_start3A_285 = arith.constant 0 : i32
        %dma_start3A_286 = arith.constant 512 : i32
        %dma_start3A_287 = arith.constant 0 : i32
        %dma_start3A_288 = tpu.memref_slice %arg6[%dma_start3A_285, %dma_start3A_286, %dma_start3A_287] : memref<2x640x64xf32, #tpu.memory_space<vmem>> -> memref<1x128x64xf32, #tpu.memory_space<vmem>>
        %dma_start3A_289 = tpu.memref_squeeze %dma_start3A_288 : memref<1x128x64xf32, #tpu.memory_space<vmem>> -> memref<128x64xf32, #tpu.memory_space<vmem>>
        %dma_start3A_290 = tpu.memref_slice %arg5[%add3A_284] : memref<5120xi32, #tpu.memory_space<vmem>> -> memref<128xi32, #tpu.memory_space<vmem>>
        %dma_start3A_291 = arith.constant 0 : i32
        %dma_start3A_292 = arith.constant 0 : i32
        %dma_start3A_293 = tpu.memref_slice %arg3[%dma_start3A_291, %dma_start3A_292] : memref<1000000x64xf32, #tpu.memory_space<hbm>> -> memref<1000000x64xf32, #tpu.memory_space<hbm>>
        tpu.enqueue_indirect_dma source(%dma_start3A_293 : memref<1000000x64xf32, #tpu.memory_space<hbm>>) target(%dma_start3A_289 : memref<128x64xf32, #tpu.memory_space<vmem>>) offsets(%dma_start3A_290 : memref<128xi32, #tpu.memory_space<vmem>>) semaphore(%arg7 : memref<!tpu.dma_semaphore, #tpu.memory_space<semaphore_mem>>)
      } else {
      }
      %dma_wait3A_187 = arith.constant 1 : i32
      %dma_wait3A_188 = arith.constant 0 : i32
      %dma_wait3A_189 = arith.constant 0 : i32
      %dma_wait3A_190 = tpu.memref_slice %arg6[%dma_wait3A_187, %dma_wait3A_188, %dma_wait3A_189] : memref<2x640x64xf32, #tpu.memory_space<vmem>> -> memref<1x640x64xf32, #tpu.memory_space<vmem>>
      %dma_wait3A_191 = tpu.memref_squeeze %dma_wait3A_190 : memref<1x640x64xf32, #tpu.memory_space<vmem>> -> memref<640x64xf32, #tpu.memory_space<vmem>>
      %dma_wait3A_192 = arith.constant 0 : i32
      %dma_wait3A_193 = arith.constant 0 : i32
      %dma_wait3A_194 = tpu.memref_slice %arg3[%dma_wait3A_192, %dma_wait3A_193] : memref<1000000x64xf32, #tpu.memory_space<hbm>> -> memref<640x64xf32, #tpu.memory_space<hbm>>
      %dma_wait3A_195 = arith.constant 0 : i32
      %dma_wait3A_196 = arith.constant 0 : i32
      %dma_wait3A_197 = tpu.memref_slice %arg6[%dma_wait3A_187, %dma_wait3A_195, %dma_wait3A_196] : memref<2x640x64xf32, #tpu.memory_space<vmem>> -> memref<1x640x64xf32, #tpu.memory_space<vmem>>
      %dma_wait3A_198 = tpu.memref_squeeze %dma_wait3A_197 : memref<1x640x64xf32, #tpu.memory_space<vmem>> -> memref<640x64xf32, #tpu.memory_space<vmem>>
      %dma_wait3A_199 = arith.constant 0 : i32
      %dma_wait3A_200 = arith.constant 0 : i32
      %dma_wait3A_201 = tpu.memref_slice %arg3[%dma_wait3A_199, %dma_wait3A_200] : memref<1000000x64xf32, #tpu.memory_space<hbm>> -> memref<640x64xf32, #tpu.memory_space<hbm>>
      tpu.wait_dma2 semaphore(%arg8 : memref<!tpu.dma_semaphore, #tpu.memory_space<semaphore_mem>>) src(%dma_wait3A_201 : memref<640x64xf32, #tpu.memory_space<hbm>>) dst(%dma_wait3A_198 : memref<640x64xf32, #tpu.memory_space<vmem>>)
      %add3A_202 = arith.constant 1 : i32
      %add3A_203 = arith.addi %mul3A_88, %add3A_202 : i32
      %mul3A_204 = arith.constant 640 : i32
      %mul3A_205 = arith.muli %add3A_203, %mul3A_204 : i32
      %add3A_206 = arith.addi %mul3A_2, %mul3A_205 : i32
      %dma_start3A_207 = arith.constant 1 : i32
      %dma_start3A_208 = arith.constant 0 : i32
      %dma_start3A_209 = arith.constant 0 : i32
      %dma_start3A_210 = tpu.memref_slice %arg6[%dma_start3A_207, %dma_start3A_208, %dma_start3A_209] : memref<2x640x64xf32, #tpu.memory_space<vmem>> -> memref<1x640x64xf32, #tpu.memory_space<vmem>>
      %dma_start3A_211 = tpu.memref_squeeze %dma_start3A_210 : memref<1x640x64xf32, #tpu.memory_space<vmem>> -> memref<640x64xf32, #tpu.memory_space<vmem>>
      %dma_start3A_212 = arith.constant 0 : i32
      %dma_start3A_213 = tpu.memref_slice %arg4[%add3A_206, %dma_start3A_212] : memref<163840x64xf32, #tpu.memory_space<hbm>> -> memref<640x64xf32, #tpu.memory_space<hbm>>
      %dma_start3A_214 = arith.constant 0 : i32
      %dma_start3A_215 = tpu.memref_slice %arg4[%add3A_206, %dma_start3A_214] : memref<163840x64xf32, #tpu.memory_space<hbm>> -> memref<640x64xf32, #tpu.memory_space<hbm>>
      %dma_start3A_216 = arith.constant 0 : i32
      %dma_start3A_217 = arith.constant 0 : i32
      %dma_start3A_218 = tpu.memref_slice %arg6[%dma_start3A_207, %dma_start3A_216, %dma_start3A_217] : memref<2x640x64xf32, #tpu.memory_space<vmem>> -> memref<1x640x64xf32, #tpu.memory_space<vmem>>
      %dma_start3A_219 = tpu.memref_squeeze %dma_start3A_218 : memref<1x640x64xf32, #tpu.memory_space<vmem>> -> memref<640x64xf32, #tpu.memory_space<vmem>>
      tpu.enqueue_dma source(%dma_start3A_219 : memref<640x64xf32, #tpu.memory_space<vmem>>) target(%dma_start3A_215 : memref<640x64xf32, #tpu.memory_space<hbm>>) target_semaphore(%arg10 : memref<!tpu.dma_semaphore, #tpu.memory_space<semaphore_mem>>)
    }
    %scan3A_56 = arith.constant 4 : i32
    %dma_wait3A = arith.constant 0 : i32
    %dma_wait3A_57 = arith.constant 0 : i32
    %dma_wait3A_58 = arith.constant 0 : i32
    %dma_wait3A_59 = tpu.memref_slice %arg6[%dma_wait3A, %dma_wait3A_57, %dma_wait3A_58] : memref<2x640x64xf32, #tpu.memory_space<vmem>> -> memref<1x640x64xf32, #tpu.memory_space<vmem>>
    %dma_wait3A_60 = tpu.memref_squeeze %dma_wait3A_59 : memref<1x640x64xf32, #tpu.memory_space<vmem>> -> memref<640x64xf32, #tpu.memory_space<vmem>>
    %dma_wait3A_61 = arith.constant 0 : i32
    %dma_wait3A_62 = arith.constant 0 : i32
    %dma_wait3A_63 = tpu.memref_slice %arg4[%dma_wait3A_61, %dma_wait3A_62] : memref<163840x64xf32, #tpu.memory_space<hbm>> -> memref<640x64xf32, #tpu.memory_space<hbm>>
    %dma_wait3A_64 = arith.constant 0 : i32
    %dma_wait3A_65 = arith.constant 0 : i32
    %dma_wait3A_66 = tpu.memref_slice %arg4[%dma_wait3A_64, %dma_wait3A_65] : memref<163840x64xf32, #tpu.memory_space<hbm>> -> memref<640x64xf32, #tpu.memory_space<hbm>>
    %dma_wait3A_67 = arith.constant 0 : i32
    %dma_wait3A_68 = arith.constant 0 : i32
    %dma_wait3A_69 = tpu.memref_slice %arg6[%dma_wait3A, %dma_wait3A_67, %dma_wait3A_68] : memref<2x640x64xf32, #tpu.memory_space<vmem>> -> memref<1x640x64xf32, #tpu.memory_space<vmem>>
    %dma_wait3A_70 = tpu.memref_squeeze %dma_wait3A_69 : memref<1x640x64xf32, #tpu.memory_space<vmem>> -> memref<640x64xf32, #tpu.memory_space<vmem>>
    tpu.wait_dma2 semaphore(%arg9 : memref<!tpu.dma_semaphore, #tpu.memory_space<semaphore_mem>>) src(%dma_wait3A_70 : memref<640x64xf32, #tpu.memory_space<vmem>>) dst(%dma_wait3A_66 : memref<640x64xf32, #tpu.memory_space<hbm>>)
    %dma_wait3A_71 = arith.constant 1 : i32
    %dma_wait3A_72 = arith.constant 0 : i32
    %dma_wait3A_73 = arith.constant 0 : i32
    %dma_wait3A_74 = tpu.memref_slice %arg6[%dma_wait3A_71, %dma_wait3A_72, %dma_wait3A_73] : memref<2x640x64xf32, #tpu.memory_space<vmem>> -> memref<1x640x64xf32, #tpu.memory_space<vmem>>
    %dma_wait3A_75 = tpu.memref_squeeze %dma_wait3A_74 : memref<1x640x64xf32, #tpu.memory_space<vmem>> -> memref<640x64xf32, #tpu.memory_space<vmem>>
    %dma_wait3A_76 = arith.constant 0 : i32
    %dma_wait3A_77 = arith.constant 0 : i32
    %dma_wait3A_78 = tpu.memref_slice %arg4[%dma_wait3A_76, %dma_wait3A_77] : memref<163840x64xf32, #tpu.memory_space<hbm>> -> memref<640x64xf32, #tpu.memory_space<hbm>>
    %dma_wait3A_79 = arith.constant 0 : i32
    %dma_wait3A_80 = arith.constant 0 : i32
    %dma_wait3A_81 = tpu.memref_slice %arg4[%dma_wait3A_79, %dma_wait3A_80] : memref<163840x64xf32, #tpu.memory_space<hbm>> -> memref<640x64xf32, #tpu.memory_space<hbm>>
    %dma_wait3A_82 = arith.constant 0 : i32
    %dma_wait3A_83 = arith.constant 0 : i32
    %dma_wait3A_84 = tpu.memref_slice %arg6[%dma_wait3A_71, %dma_wait3A_82, %dma_wait3A_83] : memref<2x640x64xf32, #tpu.memory_space<vmem>> -> memref<1x640x64xf32, #tpu.memory_space<vmem>>
    %dma_wait3A_85 = tpu.memref_squeeze %dma_wait3A_84 : memref<1x640x64xf32, #tpu.memory_space<vmem>> -> memref<640x64xf32, #tpu.memory_space<vmem>>
    tpu.wait_dma2 semaphore(%arg10 : memref<!tpu.dma_semaphore, #tpu.memory_space<semaphore_mem>>) src(%dma_wait3A_85 : memref<640x64xf32, #tpu.memory_space<vmem>>) dst(%dma_wait3A_81 : memref<640x64xf32, #tpu.memory_space<hbm>>)
    return
  }
}

#map = affine_map<(d0, d1) -> (0)>
#map1 = affine_map<(d0, d1) -> (0, 0)>
module attributes {stable_mosaic.version = 14 : i64} {
  func.func @gather_kernel(%arg0: i32, %arg1: i32, %arg2: memref<163840xi32, #tpu.memory_space<hbm>>, %arg3: memref<1000000x64xf32, #tpu.memory_space<hbm>>, %arg4: memref<163840x64xf32, #tpu.memory_space<hbm>>, %arg5: memref<5120xi32, #tpu.memory_space<vmem>>, %arg6: memref<2x640x64xf32, #tpu.memory_space<vmem>>, %arg7: memref<!tpu.dma_semaphore, #tpu.memory_space<semaphore_mem>>, %arg8: memref<!tpu.dma_semaphore, #tpu.memory_space<semaphore_mem>>, %arg9: memref<!tpu.dma_semaphore, #tpu.memory_space<semaphore_mem>>, %arg10: memref<!tpu.dma_semaphore, #tpu.memory_space<semaphore_mem>>) attributes {dimension_semantics = [#tpu.dimension_semantics<core_parallel>, #tpu.dimension_semantics<subcore_parallel>], iteration_bounds = array<i64: 2, 16>, scalar_prefetch = 0 : i64, scratch_operands = 6 : i64, tpu.core_type = #tpu.core_type<sc_vector_subcore>, window_params = [{transform_indices = #map}, {transform_indices = #map1}, {transform_indices = #map1}]} {
    %mul3A = arith.constant 2 : i32
    %mul3A_0 = arith.muli %arg1, %mul3A : i32
    %add3A = arith.addi %mul3A_0, %arg0 : i32
    %mul3A_1 = arith.constant 5120 : i32
    %mul3A_2 = arith.muli %add3A, %mul3A_1 : i32
    "tpu.region"() ({
      %run_scoped3A = tpu.sem_alloc : memref<!tpu.dma_semaphore, #tpu.memory_space<semaphore_mem>>
      %dma_start3A_86 = tpu.memref_slice %arg2[%mul3A_2] : memref<163840xi32, #tpu.memory_space<hbm>> -> memref<5120xi32, #tpu.memory_space<hbm>>
      %dma_start3A_87 = tpu.memref_slice %arg2[%mul3A_2] : memref<163840xi32, #tpu.memory_space<hbm>> -> memref<5120xi32, #tpu.memory_space<hbm>>
      tpu.enqueue_dma source(%dma_start3A_87 : memref<5120xi32, #tpu.memory_space<hbm>>) target(%arg5 : memref<5120xi32, #tpu.memory_space<vmem>>) target_semaphore(%run_scoped3A : memref<!tpu.dma_semaphore, #tpu.memory_space<semaphore_mem>>)
      %dma_wait3A_88 = tpu.memref_slice %arg2[%mul3A_2] : memref<163840xi32, #tpu.memory_space<hbm>> -> memref<5120xi32, #tpu.memory_space<hbm>>
      %dma_wait3A_89 = tpu.memref_slice %arg2[%mul3A_2] : memref<163840xi32, #tpu.memory_space<hbm>> -> memref<5120xi32, #tpu.memory_space<hbm>>
      tpu.wait_dma2 semaphore(%run_scoped3A : memref<!tpu.dma_semaphore, #tpu.memory_space<semaphore_mem>>) src(%dma_wait3A_89 : memref<5120xi32, #tpu.memory_space<hbm>>) dst(%arg5 : memref<5120xi32, #tpu.memory_space<vmem>>)
      tpu.yield
    }) : () -> ()
    %dma_start3A = arith.constant 0 : i32
    %dma_start3A_3 = arith.constant 0 : i32
    %dma_start3A_4 = arith.constant 0 : i32
    %dma_start3A_5 = tpu.memref_slice %arg6[%dma_start3A, %dma_start3A_3, %dma_start3A_4] : memref<2x640x64xf32, #tpu.memory_space<vmem>> -> memref<1x128x64xf32, #tpu.memory_space<vmem>>
    %dma_start3A_6 = tpu.memref_squeeze %dma_start3A_5 : memref<1x128x64xf32, #tpu.memory_space<vmem>> -> memref<128x64xf32, #tpu.memory_space<vmem>>
    %dma_start3A_7 = arith.constant 0 : i32
    %dma_start3A_8 = tpu.memref_slice %arg5[%dma_start3A_7] : memref<5120xi32, #tpu.memory_space<vmem>> -> memref<128xi32, #tpu.memory_space<vmem>>
    %dma_start3A_9 = arith.constant 0 : i32
    %dma_start3A_10 = arith.constant 0 : i32
    %dma_start3A_11 = tpu.memref_slice %arg3[%dma_start3A_9, %dma_start3A_10] : memref<1000000x64xf32, #tpu.memory_space<hbm>> -> memref<1000000x64xf32, #tpu.memory_space<hbm>>
    tpu.enqueue_indirect_dma source(%dma_start3A_11 : memref<1000000x64xf32, #tpu.memory_space<hbm>>) target(%dma_start3A_6 : memref<128x64xf32, #tpu.memory_space<vmem>>) offsets(%dma_start3A_8 : memref<128xi32, #tpu.memory_space<vmem>>) semaphore(%arg7 : memref<!tpu.dma_semaphore, #tpu.memory_space<semaphore_mem>>)
    %dma_start3A_12 = arith.constant 0 : i32
    %dma_start3A_13 = arith.constant 128 : i32
    %dma_start3A_14 = arith.constant 0 : i32
    %dma_start3A_15 = tpu.memref_slice %arg6[%dma_start3A_12, %dma_start3A_13, %dma_start3A_14] : memref<2x640x64xf32, #tpu.memory_space<vmem>> -> memref<1x128x64xf32, #tpu.memory_space<vmem>>
    %dma_start3A_16 = tpu.memref_squeeze %dma_start3A_15 : memref<1x128x64xf32, #tpu.memory_space<vmem>> -> memref<128x64xf32, #tpu.memory_space<vmem>>
    %dma_start3A_17 = arith.constant 128 : i32
    %dma_start3A_18 = tpu.memref_slice %arg5[%dma_start3A_17] : memref<5120xi32, #tpu.memory_space<vmem>> -> memref<128xi32, #tpu.memory_space<vmem>>
    %dma_start3A_19 = arith.constant 0 : i32
    %dma_start3A_20 = arith.constant 0 : i32
    %dma_start3A_21 = tpu.memref_slice %arg3[%dma_start3A_19, %dma_start3A_20] : memref<1000000x64xf32, #tpu.memory_space<hbm>> -> memref<1000000x64xf32, #tpu.memory_space<hbm>>
    tpu.enqueue_indirect_dma source(%dma_start3A_21 : memref<1000000x64xf32, #tpu.memory_space<hbm>>) target(%dma_start3A_16 : memref<128x64xf32, #tpu.memory_space<vmem>>) offsets(%dma_start3A_18 : memref<128xi32, #tpu.memory_space<vmem>>) semaphore(%arg7 : memref<!tpu.dma_semaphore, #tpu.memory_space<semaphore_mem>>)
    %dma_start3A_22 = arith.constant 0 : i32
    %dma_start3A_23 = arith.constant 256 : i32
    %dma_start3A_24 = arith.constant 0 : i32
    %dma_start3A_25 = tpu.memref_slice %arg6[%dma_start3A_22, %dma_start3A_23, %dma_start3A_24] : memref<2x640x64xf32, #tpu.memory_space<vmem>> -> memref<1x128x64xf32, #tpu.memory_space<vmem>>
    %dma_start3A_26 = tpu.memref_squeeze %dma_start3A_25 : memref<1x128x64xf32, #tpu.memory_space<vmem>> -> memref<128x64xf32, #tpu.memory_space<vmem>>
    %dma_start3A_27 = arith.constant 256 : i32
    %dma_start3A_28 = tpu.memref_slice %arg5[%dma_start3A_27] : memref<5120xi32, #tpu.memory_space<vmem>> -> memref<128xi32, #tpu.memory_space<vmem>>
    %dma_start3A_29 = arith.constant 0 : i32
    %dma_start3A_30 = arith.constant 0 : i32
    %dma_start3A_31 = tpu.memref_slice %arg3[%dma_start3A_29, %dma_start3A_30] : memref<1000000x64xf32, #tpu.memory_space<hbm>> -> memref<1000000x64xf32, #tpu.memory_space<hbm>>
    tpu.enqueue_indirect_dma source(%dma_start3A_31 : memref<1000000x64xf32, #tpu.memory_space<hbm>>) target(%dma_start3A_26 : memref<128x64xf32, #tpu.memory_space<vmem>>) offsets(%dma_start3A_28 : memref<128xi32, #tpu.memory_space<vmem>>) semaphore(%arg7 : memref<!tpu.dma_semaphore, #tpu.memory_space<semaphore_mem>>)
    %dma_start3A_32 = arith.constant 0 : i32
    %dma_start3A_33 = arith.constant 384 : i32
    %dma_start3A_34 = arith.constant 0 : i32
    %dma_start3A_35 = tpu.memref_slice %arg6[%dma_start3A_32, %dma_start3A_33, %dma_start3A_34] : memref<2x640x64xf32, #tpu.memory_space<vmem>> -> memref<1x128x64xf32, #tpu.memory_space<vmem>>
    %dma_start3A_36 = tpu.memref_squeeze %dma_start3A_35 : memref<1x128x64xf32, #tpu.memory_space<vmem>> -> memref<128x64xf32, #tpu.memory_space<vmem>>
    %dma_start3A_37 = arith.constant 384 : i32
    %dma_start3A_38 = tpu.memref_slice %arg5[%dma_start3A_37] : memref<5120xi32, #tpu.memory_space<vmem>> -> memref<128xi32, #tpu.memory_space<vmem>>
    %dma_start3A_39 = arith.constant 0 : i32
    %dma_start3A_40 = arith.constant 0 : i32
    %dma_start3A_41 = tpu.memref_slice %arg3[%dma_start3A_39, %dma_start3A_40] : memref<1000000x64xf32, #tpu.memory_space<hbm>> -> memref<1000000x64xf32, #tpu.memory_space<hbm>>
    tpu.enqueue_indirect_dma source(%dma_start3A_41 : memref<1000000x64xf32, #tpu.memory_space<hbm>>) target(%dma_start3A_36 : memref<128x64xf32, #tpu.memory_space<vmem>>) offsets(%dma_start3A_38 : memref<128xi32, #tpu.memory_space<vmem>>) semaphore(%arg7 : memref<!tpu.dma_semaphore, #tpu.memory_space<semaphore_mem>>)
    %dma_start3A_42 = arith.constant 0 : i32
    %dma_start3A_43 = arith.constant 512 : i32
    %dma_start3A_44 = arith.constant 0 : i32
    %dma_start3A_45 = tpu.memref_slice %arg6[%dma_start3A_42, %dma_start3A_43, %dma_start3A_44] : memref<2x640x64xf32, #tpu.memory_space<vmem>> -> memref<1x128x64xf32, #tpu.memory_space<vmem>>
    %dma_start3A_46 = tpu.memref_squeeze %dma_start3A_45 : memref<1x128x64xf32, #tpu.memory_space<vmem>> -> memref<128x64xf32, #tpu.memory_space<vmem>>
    %dma_start3A_47 = arith.constant 512 : i32
    %dma_start3A_48 = tpu.memref_slice %arg5[%dma_start3A_47] : memref<5120xi32, #tpu.memory_space<vmem>> -> memref<128xi32, #tpu.memory_space<vmem>>
    %dma_start3A_49 = arith.constant 0 : i32
    %dma_start3A_50 = arith.constant 0 : i32
    %dma_start3A_51 = tpu.memref_slice %arg3[%dma_start3A_49, %dma_start3A_50] : memref<1000000x64xf32, #tpu.memory_space<hbm>> -> memref<1000000x64xf32, #tpu.memory_space<hbm>>
    tpu.enqueue_indirect_dma source(%dma_start3A_51 : memref<1000000x64xf32, #tpu.memory_space<hbm>>) target(%dma_start3A_46 : memref<128x64xf32, #tpu.memory_space<vmem>>) offsets(%dma_start3A_48 : memref<128xi32, #tpu.memory_space<vmem>>) semaphore(%arg7 : memref<!tpu.dma_semaphore, #tpu.memory_space<semaphore_mem>>)
    %scan3A = arith.constant 0 : i32
    %scan3A_52 = arith.constant 0 : i32
    %scan3A_53 = arith.constant 4 : i32
    %scan3A_54 = arith.addi %scan3A_52, %scan3A_53 : i32
    %scan3A_55 = arith.constant 1 : i32
    scf.for %scan3A_86 = %scan3A_52 to %scan3A_54 step %scan3A_55  : i32 {
      %mul3A_87 = arith.constant 2 : i32
      %mul3A_88 = arith.muli %scan3A_86, %mul3A_87 : i32
      %gt3A = arith.constant 0 : i32
      %gt3A_89 = arith.cmpi sgt, %scan3A_86, %gt3A : i32
      %convert_element_type3A = arith.extui %gt3A_89 : i1 to i32
      %cond3A = arith.constant 0 : i32
      %cond3A_90 = arith.cmpi ne, %convert_element_type3A, %cond3A : i32
      scf.if %cond3A_90 {
        %dma_wait3A_220 = arith.constant 1 : i32
        %dma_wait3A_221 = arith.constant 0 : i32
        %dma_wait3A_222 = arith.constant 0 : i32
        %dma_wait3A_223 = tpu.memref_slice %arg6[%dma_wait3A_220, %dma_wait3A_221, %dma_wait3A_222] : memref<2x640x64xf32, #tpu.memory_space<vmem>> -> memref<1x640x64xf32, #tpu.memory_space<vmem>>
        %dma_wait3A_224 = tpu.memref_squeeze %dma_wait3A_223 : memref<1x640x64xf32, #tpu.memory_space<vmem>> -> memref<640x64xf32, #tpu.memory_space<vmem>>
        %dma_wait3A_225 = arith.constant 0 : i32
        %dma_wait3A_226 = arith.constant 0 : i32
        %dma_wait3A_227 = tpu.memref_slice %arg4[%dma_wait3A_225, %dma_wait3A_226] : memref<163840x64xf32, #tpu.memory_space<hbm>> -> memref<640x64xf32, #tpu.memory_space<hbm>>
        %dma_wait3A_228 = arith.constant 0 : i32
        %dma_wait3A_229 = arith.constant 0 : i32
        %dma_wait3A_230 = tpu.memref_slice %arg4[%dma_wait3A_228, %dma_wait3A_229] : memref<163840x64xf32, #tpu.memory_space<hbm>> -> memref<640x64xf32, #tpu.memory_space<hbm>>
        %dma_wait3A_231 = arith.constant 0 : i32
        %dma_wait3A_232 = arith.constant 0 : i32
        %dma_wait3A_233 = tpu.memref_slice %arg6[%dma_wait3A_220, %dma_wait3A_231, %dma_wait3A_232] : memref<2x640x64xf32, #tpu.memory_space<vmem>> -> memref<1x640x64xf32, #tpu.memory_space<vmem>>
        %dma_wait3A_234 = tpu.memref_squeeze %dma_wait3A_233 : memref<1x640x64xf32, #tpu.memory_space<vmem>> -> memref<640x64xf32, #tpu.memory_space<vmem>>
        tpu.wait_dma2 semaphore(%arg10 : memref<!tpu.dma_semaphore, #tpu.memory_space<semaphore_mem>>) src(%dma_wait3A_234 : memref<640x64xf32, #tpu.memory_space<vmem>>) dst(%dma_wait3A_230 : memref<640x64xf32, #tpu.memory_space<hbm>>)
      } else {
      }
      %add3A_91 = arith.constant 1 : i32
      %add3A_92 = arith.addi %mul3A_88, %add3A_91 : i32
      %mul3A_93 = arith.constant 640 : i32
      %mul3A_94 = arith.muli %add3A_92, %mul3A_93 : i32
      %add3A_95 = arith.constant 0 : i32
      %add3A_96 = arith.addi %mul3A_94, %add3A_95 : i32
      %dma_start3A_97 = arith.constant 1 : i32
      %dma_start3A_98 = arith.constant 0 : i32
      %dma_start3A_99 = arith.constant 0 : i32
      %dma_start3A_100 = tpu.memref_slice %arg6[%dma_start3A_97, %dma_start3A_98, %dma_start3A_99] : memref<2x640x64xf32, #tpu.memory_space<vmem>> -> memref<1x128x64xf32, #tpu.memory_space<vmem>>
      %dma_start3A_101 = tpu.memref_squeeze %dma_start3A_100 : memref<1x128x64xf32, #tpu.memory_space<vmem>> -> memref<128x64xf32, #tpu.memory_space<vmem>>
      %dma_start3A_102 = tpu.memref_slice %arg5[%add3A_96] : memref<5120xi32, #tpu.memory_space<vmem>> -> memref<128xi32, #tpu.memory_space<vmem>>
      %dma_start3A_103 = arith.constant 0 : i32
      %dma_start3A_104 = arith.constant 0 : i32
      %dma_start3A_105 = tpu.memref_slice %arg3[%dma_start3A_103, %dma_start3A_104] : memref<1000000x64xf32, #tpu.memory_space<hbm>> -> memref<1000000x64xf32, #tpu.memory_space<hbm>>
      tpu.enqueue_indirect_dma source(%dma_start3A_105 : memref<1000000x64xf32, #tpu.memory_space<hbm>>) target(%dma_start3A_101 : memref<128x64xf32, #tpu.memory_space<vmem>>) offsets(%dma_start3A_102 : memref<128xi32, #tpu.memory_space<vmem>>) semaphore(%arg8 : memref<!tpu.dma_semaphore, #tpu.memory_space<semaphore_mem>>)
      %add3A_106 = arith.constant 128 : i32
      %add3A_107 = arith.addi %mul3A_94, %add3A_106 : i32
      %dma_start3A_108 = arith.constant 1 : i32
      %dma_start3A_109 = arith.constant 128 : i32
      %dma_start3A_110 = arith.constant 0 : i32
      %dma_start3A_111 = tpu.memref_slice %arg6[%dma_start3A_108, %dma_start3A_109, %dma_start3A_110] : memref<2x640x64xf32, #tpu.memory_space<vmem>> -> memref<1x128x64xf32, #tpu.memory_space<vmem>>
      %dma_start3A_112 = tpu.memref_squeeze %dma_start3A_111 : memref<1x128x64xf32, #tpu.memory_space<vmem>> -> memref<128x64xf32, #tpu.memory_space<vmem>>
      %dma_start3A_113 = tpu.memref_slice %arg5[%add3A_107] : memref<5120xi32, #tpu.memory_space<vmem>> -> memref<128xi32, #tpu.memory_space<vmem>>
      %dma_start3A_114 = arith.constant 0 : i32
      %dma_start3A_115 = arith.constant 0 : i32
      %dma_start3A_116 = tpu.memref_slice %arg3[%dma_start3A_114, %dma_start3A_115] : memref<1000000x64xf32, #tpu.memory_space<hbm>> -> memref<1000000x64xf32, #tpu.memory_space<hbm>>
      tpu.enqueue_indirect_dma source(%dma_start3A_116 : memref<1000000x64xf32, #tpu.memory_space<hbm>>) target(%dma_start3A_112 : memref<128x64xf32, #tpu.memory_space<vmem>>) offsets(%dma_start3A_113 : memref<128xi32, #tpu.memory_space<vmem>>) semaphore(%arg8 : memref<!tpu.dma_semaphore, #tpu.memory_space<semaphore_mem>>)
      %add3A_117 = arith.constant 256 : i32
      %add3A_118 = arith.addi %mul3A_94, %add3A_117 : i32
      %dma_start3A_119 = arith.constant 1 : i32
      %dma_start3A_120 = arith.constant 256 : i32
      %dma_start3A_121 = arith.constant 0 : i32
      %dma_start3A_122 = tpu.memref_slice %arg6[%dma_start3A_119, %dma_start3A_120, %dma_start3A_121] : memref<2x640x64xf32, #tpu.memory_space<vmem>> -> memref<1x128x64xf32, #tpu.memory_space<vmem>>
      %dma_start3A_123 = tpu.memref_squeeze %dma_start3A_122 : memref<1x128x64xf32, #tpu.memory_space<vmem>> -> memref<128x64xf32, #tpu.memory_space<vmem>>
      %dma_start3A_124 = tpu.memref_slice %arg5[%add3A_118] : memref<5120xi32, #tpu.memory_space<vmem>> -> memref<128xi32, #tpu.memory_space<vmem>>
      %dma_start3A_125 = arith.constant 0 : i32
      %dma_start3A_126 = arith.constant 0 : i32
      %dma_start3A_127 = tpu.memref_slice %arg3[%dma_start3A_125, %dma_start3A_126] : memref<1000000x64xf32, #tpu.memory_space<hbm>> -> memref<1000000x64xf32, #tpu.memory_space<hbm>>
      tpu.enqueue_indirect_dma source(%dma_start3A_127 : memref<1000000x64xf32, #tpu.memory_space<hbm>>) target(%dma_start3A_123 : memref<128x64xf32, #tpu.memory_space<vmem>>) offsets(%dma_start3A_124 : memref<128xi32, #tpu.memory_space<vmem>>) semaphore(%arg8 : memref<!tpu.dma_semaphore, #tpu.memory_space<semaphore_mem>>)
      %add3A_128 = arith.constant 384 : i32
      %add3A_129 = arith.addi %mul3A_94, %add3A_128 : i32
      %dma_start3A_130 = arith.constant 1 : i32
      %dma_start3A_131 = arith.constant 384 : i32
      %dma_start3A_132 = arith.constant 0 : i32
      %dma_start3A_133 = tpu.memref_slice %arg6[%dma_start3A_130, %dma_start3A_131, %dma_start3A_132] : memref<2x640x64xf32, #tpu.memory_space<vmem>> -> memref<1x128x64xf32, #tpu.memory_space<vmem>>
      %dma_start3A_134 = tpu.memref_squeeze %dma_start3A_133 : memref<1x128x64xf32, #tpu.memory_space<vmem>> -> memref<128x64xf32, #tpu.memory_space<vmem>>
      %dma_start3A_135 = tpu.memref_slice %arg5[%add3A_129] : memref<5120xi32, #tpu.memory_space<vmem>> -> memref<128xi32, #tpu.memory_space<vmem>>
      %dma_start3A_136 = arith.constant 0 : i32
      %dma_start3A_137 = arith.constant 0 : i32
      %dma_start3A_138 = tpu.memref_slice %arg3[%dma_start3A_136, %dma_start3A_137] : memref<1000000x64xf32, #tpu.memory_space<hbm>> -> memref<1000000x64xf32, #tpu.memory_space<hbm>>
      tpu.enqueue_indirect_dma source(%dma_start3A_138 : memref<1000000x64xf32, #tpu.memory_space<hbm>>) target(%dma_start3A_134 : memref<128x64xf32, #tpu.memory_space<vmem>>) offsets(%dma_start3A_135 : memref<128xi32, #tpu.memory_space<vmem>>) semaphore(%arg8 : memref<!tpu.dma_semaphore, #tpu.memory_space<semaphore_mem>>)
      %add3A_139 = arith.constant 512 : i32
      %add3A_140 = arith.addi %mul3A_94, %add3A_139 : i32
      %dma_start3A_141 = arith.constant 1 : i32
      %dma_start3A_142 = arith.constant 512 : i32
      %dma_start3A_143 = arith.constant 0 : i32
      %dma_start3A_144 = tpu.memref_slice %arg6[%dma_start3A_141, %dma_start3A_142, %dma_start3A_143] : memref<2x640x64xf32, #tpu.memory_space<vmem>> -> memref<1x128x64xf32, #tpu.memory_space<vmem>>
      %dma_start3A_145 = tpu.memref_squeeze %dma_start3A_144 : memref<1x128x64xf32, #tpu.memory_space<vmem>> -> memref<128x64xf32, #tpu.memory_space<vmem>>
      %dma_start3A_146 = tpu.memref_slice %arg5[%add3A_140] : memref<5120xi32, #tpu.memory_space<vmem>> -> memref<128xi32, #tpu.memory_space<vmem>>
      %dma_start3A_147 = arith.constant 0 : i32
      %dma_start3A_148 = arith.constant 0 : i32
      %dma_start3A_149 = tpu.memref_slice %arg3[%dma_start3A_147, %dma_start3A_148] : memref<1000000x64xf32, #tpu.memory_space<hbm>> -> memref<1000000x64xf32, #tpu.memory_space<hbm>>
      tpu.enqueue_indirect_dma source(%dma_start3A_149 : memref<1000000x64xf32, #tpu.memory_space<hbm>>) target(%dma_start3A_145 : memref<128x64xf32, #tpu.memory_space<vmem>>) offsets(%dma_start3A_146 : memref<128xi32, #tpu.memory_space<vmem>>) semaphore(%arg8 : memref<!tpu.dma_semaphore, #tpu.memory_space<semaphore_mem>>)
      %dma_wait3A_150 = arith.constant 0 : i32
      %dma_wait3A_151 = arith.constant 0 : i32
      %dma_wait3A_152 = arith.constant 0 : i32
      %dma_wait3A_153 = tpu.memref_slice %arg6[%dma_wait3A_150, %dma_wait3A_151, %dma_wait3A_152] : memref<2x640x64xf32, #tpu.memory_space<vmem>> -> memref<1x640x64xf32, #tpu.memory_space<vmem>>
      %dma_wait3A_154 = tpu.memref_squeeze %dma_wait3A_153 : memref<1x640x64xf32, #tpu.memory_space<vmem>> -> memref<640x64xf32, #tpu.memory_space<vmem>>
      %dma_wait3A_155 = arith.constant 0 : i32
      %dma_wait3A_156 = arith.constant 0 : i32
      %dma_wait3A_157 = tpu.memref_slice %arg3[%dma_wait3A_155, %dma_wait3A_156] : memref<1000000x64xf32, #tpu.memory_space<hbm>> -> memref<640x64xf32, #tpu.memory_space<hbm>>
      %dma_wait3A_158 = arith.constant 0 : i32
      %dma_wait3A_159 = arith.constant 0 : i32
      %dma_wait3A_160 = tpu.memref_slice %arg6[%dma_wait3A_150, %dma_wait3A_158, %dma_wait3A_159] : memref<2x640x64xf32, #tpu.memory_space<vmem>> -> memref<1x640x64xf32, #tpu.memory_space<vmem>>
      %dma_wait3A_161 = tpu.memref_squeeze %dma_wait3A_160 : memref<1x640x64xf32, #tpu.memory_space<vmem>> -> memref<640x64xf32, #tpu.memory_space<vmem>>
      %dma_wait3A_162 = arith.constant 0 : i32
      %dma_wait3A_163 = arith.constant 0 : i32
      %dma_wait3A_164 = tpu.memref_slice %arg3[%dma_wait3A_162, %dma_wait3A_163] : memref<1000000x64xf32, #tpu.memory_space<hbm>> -> memref<640x64xf32, #tpu.memory_space<hbm>>
      tpu.wait_dma2 semaphore(%arg7 : memref<!tpu.dma_semaphore, #tpu.memory_space<semaphore_mem>>) src(%dma_wait3A_164 : memref<640x64xf32, #tpu.memory_space<hbm>>) dst(%dma_wait3A_161 : memref<640x64xf32, #tpu.memory_space<vmem>>)
      %mul3A_165 = arith.constant 640 : i32
      %mul3A_166 = arith.muli %mul3A_88, %mul3A_165 : i32
      %add3A_167 = arith.addi %mul3A_2, %mul3A_166 : i32
      %dma_start3A_168 = arith.constant 0 : i32
      %dma_start3A_169 = arith.constant 0 : i32
      %dma_start3A_170 = arith.constant 0 : i32
      %dma_start3A_171 = tpu.memref_slice %arg6[%dma_start3A_168, %dma_start3A_169, %dma_start3A_170] : memref<2x640x64xf32, #tpu.memory_space<vmem>> -> memref<1x640x64xf32, #tpu.memory_space<vmem>>
      %dma_start3A_172 = tpu.memref_squeeze %dma_start3A_171 : memref<1x640x64xf32, #tpu.memory_space<vmem>> -> memref<640x64xf32, #tpu.memory_space<vmem>>
      %dma_start3A_173 = arith.constant 0 : i32
      %dma_start3A_174 = tpu.memref_slice %arg4[%add3A_167, %dma_start3A_173] : memref<163840x64xf32, #tpu.memory_space<hbm>> -> memref<640x64xf32, #tpu.memory_space<hbm>>
      %dma_start3A_175 = arith.constant 0 : i32
      %dma_start3A_176 = tpu.memref_slice %arg4[%add3A_167, %dma_start3A_175] : memref<163840x64xf32, #tpu.memory_space<hbm>> -> memref<640x64xf32, #tpu.memory_space<hbm>>
      %dma_start3A_177 = arith.constant 0 : i32
      %dma_start3A_178 = arith.constant 0 : i32
      %dma_start3A_179 = tpu.memref_slice %arg6[%dma_start3A_168, %dma_start3A_177, %dma_start3A_178] : memref<2x640x64xf32, #tpu.memory_space<vmem>> -> memref<1x640x64xf32, #tpu.memory_space<vmem>>
      %dma_start3A_180 = tpu.memref_squeeze %dma_start3A_179 : memref<1x640x64xf32, #tpu.memory_space<vmem>> -> memref<640x64xf32, #tpu.memory_space<vmem>>
      tpu.enqueue_dma source(%dma_start3A_180 : memref<640x64xf32, #tpu.memory_space<vmem>>) target(%dma_start3A_176 : memref<640x64xf32, #tpu.memory_space<hbm>>) target_semaphore(%arg9 : memref<!tpu.dma_semaphore, #tpu.memory_space<semaphore_mem>>)
      %add3A_181 = arith.constant 2 : i32
      %add3A_182 = arith.addi %mul3A_88, %add3A_181 : i32
      %lt3A = arith.constant 8 : i32
      %lt3A_183 = arith.cmpi slt, %add3A_182, %lt3A : i32
      %convert_element_type3A_184 = arith.extui %lt3A_183 : i1 to i32
      %cond3A_185 = arith.constant 0 : i32
      %cond3A_186 = arith.cmpi ne, %convert_element_type3A_184, %cond3A_185 : i32
      scf.if %cond3A_186 {
        %dma_wait3A_220 = arith.constant 0 : i32
        %dma_wait3A_221 = arith.constant 0 : i32
        %dma_wait3A_222 = arith.constant 0 : i32
        %dma_wait3A_223 = tpu.memref_slice %arg6[%dma_wait3A_220, %dma_wait3A_221, %dma_wait3A_222] : memref<2x640x64xf32, #tpu.memory_space<vmem>> -> memref<1x640x64xf32, #tpu.memory_space<vmem>>
        %dma_wait3A_224 = tpu.memref_squeeze %dma_wait3A_223 : memref<1x640x64xf32, #tpu.memory_space<vmem>> -> memref<640x64xf32, #tpu.memory_space<vmem>>
        %dma_wait3A_225 = arith.constant 0 : i32
        %dma_wait3A_226 = arith.constant 0 : i32
        %dma_wait3A_227 = tpu.memref_slice %arg4[%dma_wait3A_225, %dma_wait3A_226] : memref<163840x64xf32, #tpu.memory_space<hbm>> -> memref<640x64xf32, #tpu.memory_space<hbm>>
        %dma_wait3A_228 = arith.constant 0 : i32
        %dma_wait3A_229 = arith.constant 0 : i32
        %dma_wait3A_230 = tpu.memref_slice %arg4[%dma_wait3A_228, %dma_wait3A_229] : memref<163840x64xf32, #tpu.memory_space<hbm>> -> memref<640x64xf32, #tpu.memory_space<hbm>>
        %dma_wait3A_231 = arith.constant 0 : i32
        %dma_wait3A_232 = arith.constant 0 : i32
        %dma_wait3A_233 = tpu.memref_slice %arg6[%dma_wait3A_220, %dma_wait3A_231, %dma_wait3A_232] : memref<2x640x64xf32, #tpu.memory_space<vmem>> -> memref<1x640x64xf32, #tpu.memory_space<vmem>>
        %dma_wait3A_234 = tpu.memref_squeeze %dma_wait3A_233 : memref<1x640x64xf32, #tpu.memory_space<vmem>> -> memref<640x64xf32, #tpu.memory_space<vmem>>
        tpu.wait_dma2 semaphore(%arg9 : memref<!tpu.dma_semaphore, #tpu.memory_space<semaphore_mem>>) src(%dma_wait3A_234 : memref<640x64xf32, #tpu.memory_space<vmem>>) dst(%dma_wait3A_230 : memref<640x64xf32, #tpu.memory_space<hbm>>)
        %add3A_235 = arith.constant 2 : i32
        %add3A_236 = arith.addi %mul3A_88, %add3A_235 : i32
        %mul3A_237 = arith.constant 640 : i32
        %mul3A_238 = arith.muli %add3A_236, %mul3A_237 : i32
        %add3A_239 = arith.constant 0 : i32
        %add3A_240 = arith.addi %mul3A_238, %add3A_239 : i32
        %dma_start3A_241 = arith.constant 0 : i32
        %dma_start3A_242 = arith.constant 0 : i32
        %dma_start3A_243 = arith.constant 0 : i32
        %dma_start3A_244 = tpu.memref_slice %arg6[%dma_start3A_241, %dma_start3A_242, %dma_start3A_243] : memref<2x640x64xf32, #tpu.memory_space<vmem>> -> memref<1x128x64xf32, #tpu.memory_space<vmem>>
        %dma_start3A_245 = tpu.memref_squeeze %dma_start3A_244 : memref<1x128x64xf32, #tpu.memory_space<vmem>> -> memref<128x64xf32, #tpu.memory_space<vmem>>
        %dma_start3A_246 = tpu.memref_slice %arg5[%add3A_240] : memref<5120xi32, #tpu.memory_space<vmem>> -> memref<128xi32, #tpu.memory_space<vmem>>
        %dma_start3A_247 = arith.constant 0 : i32
        %dma_start3A_248 = arith.constant 0 : i32
        %dma_start3A_249 = tpu.memref_slice %arg3[%dma_start3A_247, %dma_start3A_248] : memref<1000000x64xf32, #tpu.memory_space<hbm>> -> memref<1000000x64xf32, #tpu.memory_space<hbm>>
        tpu.enqueue_indirect_dma source(%dma_start3A_249 : memref<1000000x64xf32, #tpu.memory_space<hbm>>) target(%dma_start3A_245 : memref<128x64xf32, #tpu.memory_space<vmem>>) offsets(%dma_start3A_246 : memref<128xi32, #tpu.memory_space<vmem>>) semaphore(%arg7 : memref<!tpu.dma_semaphore, #tpu.memory_space<semaphore_mem>>)
        %add3A_250 = arith.constant 128 : i32
        %add3A_251 = arith.addi %mul3A_238, %add3A_250 : i32
        %dma_start3A_252 = arith.constant 0 : i32
        %dma_start3A_253 = arith.constant 128 : i32
        %dma_start3A_254 = arith.constant 0 : i32
        %dma_start3A_255 = tpu.memref_slice %arg6[%dma_start3A_252, %dma_start3A_253, %dma_start3A_254] : memref<2x640x64xf32, #tpu.memory_space<vmem>> -> memref<1x128x64xf32, #tpu.memory_space<vmem>>
        %dma_start3A_256 = tpu.memref_squeeze %dma_start3A_255 : memref<1x128x64xf32, #tpu.memory_space<vmem>> -> memref<128x64xf32, #tpu.memory_space<vmem>>
        %dma_start3A_257 = tpu.memref_slice %arg5[%add3A_251] : memref<5120xi32, #tpu.memory_space<vmem>> -> memref<128xi32, #tpu.memory_space<vmem>>
        %dma_start3A_258 = arith.constant 0 : i32
        %dma_start3A_259 = arith.constant 0 : i32
        %dma_start3A_260 = tpu.memref_slice %arg3[%dma_start3A_258, %dma_start3A_259] : memref<1000000x64xf32, #tpu.memory_space<hbm>> -> memref<1000000x64xf32, #tpu.memory_space<hbm>>
        tpu.enqueue_indirect_dma source(%dma_start3A_260 : memref<1000000x64xf32, #tpu.memory_space<hbm>>) target(%dma_start3A_256 : memref<128x64xf32, #tpu.memory_space<vmem>>) offsets(%dma_start3A_257 : memref<128xi32, #tpu.memory_space<vmem>>) semaphore(%arg7 : memref<!tpu.dma_semaphore, #tpu.memory_space<semaphore_mem>>)
        %add3A_261 = arith.constant 256 : i32
        %add3A_262 = arith.addi %mul3A_238, %add3A_261 : i32
        %dma_start3A_263 = arith.constant 0 : i32
        %dma_start3A_264 = arith.constant 256 : i32
        %dma_start3A_265 = arith.constant 0 : i32
        %dma_start3A_266 = tpu.memref_slice %arg6[%dma_start3A_263, %dma_start3A_264, %dma_start3A_265] : memref<2x640x64xf32, #tpu.memory_space<vmem>> -> memref<1x128x64xf32, #tpu.memory_space<vmem>>
        %dma_start3A_267 = tpu.memref_squeeze %dma_start3A_266 : memref<1x128x64xf32, #tpu.memory_space<vmem>> -> memref<128x64xf32, #tpu.memory_space<vmem>>
        %dma_start3A_268 = tpu.memref_slice %arg5[%add3A_262] : memref<5120xi32, #tpu.memory_space<vmem>> -> memref<128xi32, #tpu.memory_space<vmem>>
        %dma_start3A_269 = arith.constant 0 : i32
        %dma_start3A_270 = arith.constant 0 : i32
        %dma_start3A_271 = tpu.memref_slice %arg3[%dma_start3A_269, %dma_start3A_270] : memref<1000000x64xf32, #tpu.memory_space<hbm>> -> memref<1000000x64xf32, #tpu.memory_space<hbm>>
        tpu.enqueue_indirect_dma source(%dma_start3A_271 : memref<1000000x64xf32, #tpu.memory_space<hbm>>) target(%dma_start3A_267 : memref<128x64xf32, #tpu.memory_space<vmem>>) offsets(%dma_start3A_268 : memref<128xi32, #tpu.memory_space<vmem>>) semaphore(%arg7 : memref<!tpu.dma_semaphore, #tpu.memory_space<semaphore_mem>>)
        %add3A_272 = arith.constant 384 : i32
        %add3A_273 = arith.addi %mul3A_238, %add3A_272 : i32
        %dma_start3A_274 = arith.constant 0 : i32
        %dma_start3A_275 = arith.constant 384 : i32
        %dma_start3A_276 = arith.constant 0 : i32
        %dma_start3A_277 = tpu.memref_slice %arg6[%dma_start3A_274, %dma_start3A_275, %dma_start3A_276] : memref<2x640x64xf32, #tpu.memory_space<vmem>> -> memref<1x128x64xf32, #tpu.memory_space<vmem>>
        %dma_start3A_278 = tpu.memref_squeeze %dma_start3A_277 : memref<1x128x64xf32, #tpu.memory_space<vmem>> -> memref<128x64xf32, #tpu.memory_space<vmem>>
        %dma_start3A_279 = tpu.memref_slice %arg5[%add3A_273] : memref<5120xi32, #tpu.memory_space<vmem>> -> memref<128xi32, #tpu.memory_space<vmem>>
        %dma_start3A_280 = arith.constant 0 : i32
        %dma_start3A_281 = arith.constant 0 : i32
        %dma_start3A_282 = tpu.memref_slice %arg3[%dma_start3A_280, %dma_start3A_281] : memref<1000000x64xf32, #tpu.memory_space<hbm>> -> memref<1000000x64xf32, #tpu.memory_space<hbm>>
        tpu.enqueue_indirect_dma source(%dma_start3A_282 : memref<1000000x64xf32, #tpu.memory_space<hbm>>) target(%dma_start3A_278 : memref<128x64xf32, #tpu.memory_space<vmem>>) offsets(%dma_start3A_279 : memref<128xi32, #tpu.memory_space<vmem>>) semaphore(%arg7 : memref<!tpu.dma_semaphore, #tpu.memory_space<semaphore_mem>>)
        %add3A_283 = arith.constant 512 : i32
        %add3A_284 = arith.addi %mul3A_238, %add3A_283 : i32
        %dma_start3A_285 = arith.constant 0 : i32
        %dma_start3A_286 = arith.constant 512 : i32
        %dma_start3A_287 = arith.constant 0 : i32
        %dma_start3A_288 = tpu.memref_slice %arg6[%dma_start3A_285, %dma_start3A_286, %dma_start3A_287] : memref<2x640x64xf32, #tpu.memory_space<vmem>> -> memref<1x128x64xf32, #tpu.memory_space<vmem>>
        %dma_start3A_289 = tpu.memref_squeeze %dma_start3A_288 : memref<1x128x64xf32, #tpu.memory_space<vmem>> -> memref<128x64xf32, #tpu.memory_space<vmem>>
        %dma_start3A_290 = tpu.memref_slice %arg5[%add3A_284] : memref<5120xi32, #tpu.memory_space<vmem>> -> memref<128xi32, #tpu.memory_space<vmem>>
        %dma_start3A_291 = arith.constant 0 : i32
        %dma_start3A_292 = arith.constant 0 : i32
        %dma_start3A_293 = tpu.memref_slice %arg3[%dma_start3A_291, %dma_start3A_292] : memref<1000000x64xf32, #tpu.memory_space<hbm>> -> memref<1000000x64xf32, #tpu.memory_space<hbm>>
        tpu.enqueue_indirect_dma source(%dma_start3A_293 : memref<1000000x64xf32, #tpu.memory_space<hbm>>) target(%dma_start3A_289 : memref<128x64xf32, #tpu.memory_space<vmem>>) offsets(%dma_start3A_290 : memref<128xi32, #tpu.memory_space<vmem>>) semaphore(%arg7 : memref<!tpu.dma_semaphore, #tpu.memory_space<semaphore_mem>>)
      } else {
      }
      %dma_wait3A_187 = arith.constant 1 : i32
      %dma_wait3A_188 = arith.constant 0 : i32
      %dma_wait3A_189 = arith.constant 0 : i32
      %dma_wait3A_190 = tpu.memref_slice %arg6[%dma_wait3A_187, %dma_wait3A_188, %dma_wait3A_189] : memref<2x640x64xf32, #tpu.memory_space<vmem>> -> memref<1x640x64xf32, #tpu.memory_space<vmem>>
      %dma_wait3A_191 = tpu.memref_squeeze %dma_wait3A_190 : memref<1x640x64xf32, #tpu.memory_space<vmem>> -> memref<640x64xf32, #tpu.memory_space<vmem>>
      %dma_wait3A_192 = arith.constant 0 : i32
      %dma_wait3A_193 = arith.constant 0 : i32
      %dma_wait3A_194 = tpu.memref_slice %arg3[%dma_wait3A_192, %dma_wait3A_193] : memref<1000000x64xf32, #tpu.memory_space<hbm>> -> memref<640x64xf32, #tpu.memory_space<hbm>>
      %dma_wait3A_195 = arith.constant 0 : i32
      %dma_wait3A_196 = arith.constant 0 : i32
      %dma_wait3A_197 = tpu.memref_slice %arg6[%dma_wait3A_187, %dma_wait3A_195, %dma_wait3A_196] : memref<2x640x64xf32, #tpu.memory_space<vmem>> -> memref<1x640x64xf32, #tpu.memory_space<vmem>>
      %dma_wait3A_198 = tpu.memref_squeeze %dma_wait3A_197 : memref<1x640x64xf32, #tpu.memory_space<vmem>> -> memref<640x64xf32, #tpu.memory_space<vmem>>
      %dma_wait3A_199 = arith.constant 0 : i32
      %dma_wait3A_200 = arith.constant 0 : i32
      %dma_wait3A_201 = tpu.memref_slice %arg3[%dma_wait3A_199, %dma_wait3A_200] : memref<1000000x64xf32, #tpu.memory_space<hbm>> -> memref<640x64xf32, #tpu.memory_space<hbm>>
      tpu.wait_dma2 semaphore(%arg8 : memref<!tpu.dma_semaphore, #tpu.memory_space<semaphore_mem>>) src(%dma_wait3A_201 : memref<640x64xf32, #tpu.memory_space<hbm>>) dst(%dma_wait3A_198 : memref<640x64xf32, #tpu.memory_space<vmem>>)
      %add3A_202 = arith.constant 1 : i32
      %add3A_203 = arith.addi %mul3A_88, %add3A_202 : i32
      %mul3A_204 = arith.constant 640 : i32
      %mul3A_205 = arith.muli %add3A_203, %mul3A_204 : i32
      %add3A_206 = arith.addi %mul3A_2, %mul3A_205 : i32
      %dma_start3A_207 = arith.constant 1 : i32
      %dma_start3A_208 = arith.constant 0 : i32
      %dma_start3A_209 = arith.constant 0 : i32
      %dma_start3A_210 = tpu.memref_slice %arg6[%dma_start3A_207, %dma_start3A_208, %dma_start3A_209] : memref<2x640x64xf32, #tpu.memory_space<vmem>> -> memref<1x640x64xf32, #tpu.memory_space<vmem>>
      %dma_start3A_211 = tpu.memref_squeeze %dma_start3A_210 : memref<1x640x64xf32, #tpu.memory_space<vmem>> -> memref<640x64xf32, #tpu.memory_space<vmem>>
      %dma_start3A_212 = arith.constant 0 : i32
      %dma_start3A_213 = tpu.memref_slice %arg4[%add3A_206, %dma_start3A_212] : memref<163840x64xf32, #tpu.memory_space<hbm>> -> memref<640x64xf32, #tpu.memory_space<hbm>>
      %dma_start3A_214 = arith.constant 0 : i32
      %dma_start3A_215 = tpu.memref_slice %arg4[%add3A_206, %dma_start3A_214] : memref<163840x64xf32, #tpu.memory_space<hbm>> -> memref<640x64xf32, #tpu.memory_space<hbm>>
      %dma_start3A_216 = arith.constant 0 : i32
      %dma_start3A_217 = arith.constant 0 : i32
      %dma_start3A_218 = tpu.memref_slice %arg6[%dma_start3A_207, %dma_start3A_216, %dma_start3A_217] : memref<2x640x64xf32, #tpu.memory_space<vmem>> -> memref<1x640x64xf32, #tpu.memory_space<vmem>>
      %dma_start3A_219 = tpu.memref_squeeze %dma_start3A_218 : memref<1x640x64xf32, #tpu.memory_space<vmem>> -> memref<640x64xf32, #tpu.memory_space<vmem>>
      tpu.enqueue_dma source(%dma_start3A_219 : memref<640x64xf32, #tpu.memory_space<vmem>>) target(%dma_start3A_215 : memref<640x64xf32, #tpu.memory_space<hbm>>) target_semaphore(%arg10 : memref<!tpu.dma_semaphore, #tpu.memory_space<semaphore_mem>>)
    }
    %scan3A_56 = arith.constant 4 : i32
    %dma_wait3A = arith.constant 0 : i32
    %dma_wait3A_57 = arith.constant 0 : i32
    %dma_wait3A_58 = arith.constant 0 : i32
    %dma_wait3A_59 = tpu.memref_slice %arg6[%dma_wait3A, %dma_wait3A_57, %dma_wait3A_58] : memref<2x640x64xf32, #tpu.memory_space<vmem>> -> memref<1x640x64xf32, #tpu.memory_space<vmem>>
    %dma_wait3A_60 = tpu.memref_squeeze %dma_wait3A_59 : memref<1x640x64xf32, #tpu.memory_space<vmem>> -> memref<640x64xf32, #tpu.memory_space<vmem>>
    %dma_wait3A_61 = arith.constant 0 : i32
    %dma_wait3A_62 = arith.constant 0 : i32
    %dma_wait3A_63 = tpu.memref_slice %arg4[%dma_wait3A_61, %dma_wait3A_62] : memref<163840x64xf32, #tpu.memory_space<hbm>> -> memref<640x64xf32, #tpu.memory_space<hbm>>
    %dma_wait3A_64 = arith.constant 0 : i32
    %dma_wait3A_65 = arith.constant 0 : i32
    %dma_wait3A_66 = tpu.memref_slice %arg4[%dma_wait3A_64, %dma_wait3A_65] : memref<163840x64xf32, #tpu.memory_space<hbm>> -> memref<640x64xf32, #tpu.memory_space<hbm>>
    %dma_wait3A_67 = arith.constant 0 : i32
    %dma_wait3A_68 = arith.constant 0 : i32
    %dma_wait3A_69 = tpu.memref_slice %arg6[%dma_wait3A, %dma_wait3A_67, %dma_wait3A_68] : memref<2x640x64xf32, #tpu.memory_space<vmem>> -> memref<1x640x64xf32, #tpu.memory_space<vmem>>
    %dma_wait3A_70 = tpu.memref_squeeze %dma_wait3A_69 : memref<1x640x64xf32, #tpu.memory_space<vmem>> -> memref<640x64xf32, #tpu.memory_space<vmem>>
    tpu.wait_dma2 semaphore(%arg9 : memref<!tpu.dma_semaphore, #tpu.memory_space<semaphore_mem>>) src(%dma_wait3A_70 : memref<640x64xf32, #tpu.memory_space<vmem>>) dst(%dma_wait3A_66 : memref<640x64xf32, #tpu.memory_space<hbm>>)
    %dma_wait3A_71 = arith.constant 1 : i32
    %dma_wait3A_72 = arith.constant 0 : i32
    %dma_wait3A_73 = arith.constant 0 : i32
    %dma_wait3A_74 = tpu.memref_slice %arg6[%dma_wait3A_71, %dma_wait3A_72, %dma_wait3A_73] : memref<2x640x64xf32, #tpu.memory_space<vmem>> -> memref<1x640x64xf32, #tpu.memory_space<vmem>>
    %dma_wait3A_75 = tpu.memref_squeeze %dma_wait3A_74 : memref<1x640x64xf32, #tpu.memory_space<vmem>> -> memref<640x64xf32, #tpu.memory_space<vmem>>
    %dma_wait3A_76 = arith.constant 0 : i32
    %dma_wait3A_77 = arith.constant 0 : i32
    %dma_wait3A_78 = tpu.memref_slice %arg4[%dma_wait3A_76, %dma_wait3A_77] : memref<163840x64xf32, #tpu.memory_space<hbm>> -> memref<640x64xf32, #tpu.memory_space<hbm>>
    %dma_wait3A_79 = arith.constant 0 : i32
    %dma_wait3A_80 = arith.constant 0 : i32
    %dma_wait3A_81 = tpu.memref_slice %arg4[%dma_wait3A_79, %dma_wait3A_80] : memref<163840x64xf32, #tpu.memory_space<hbm>> -> memref<640x64xf32, #tpu.memory_space<hbm>>
    %dma_wait3A_82 = arith.constant 0 : i32
    %dma_wait3A_83 = arith.constant 0 : i32
    %dma_wait3A_84 = tpu.memref_slice %arg6[%dma_wait3A_71, %dma_wait3A_82, %dma_wait3A_83] : memref<2x640x64xf32, #tpu.memory_space<vmem>> -> memref<1x640x64xf32, #tpu.memory_space<vmem>>
    %dma_wait3A_85 = tpu.memref_squeeze %dma_wait3A_84 : memref<1x640x64xf32, #tpu.memory_space<vmem>> -> memref<640x64xf32, #tpu.memory_space<vmem>>
    tpu.wait_dma2 semaphore(%arg10 : memref<!tpu.dma_semaphore, #tpu.memory_space<semaphore_mem>>) src(%dma_wait3A_85 : memref<640x64xf32, #tpu.memory_space<vmem>>) dst(%dma_wait3A_81 : memref<640x64xf32, #tpu.memory_space<hbm>>)
    return
  }
}

#map = affine_map<(d0, d1) -> (0)>
#map1 = affine_map<(d0, d1) -> (0, 0)>
module attributes {stable_mosaic.version = 14 : i64} {
  func.func @gather_kernel(%arg0: i32, %arg1: i32, %arg2: memref<163840xi32, #tpu.memory_space<hbm>>, %arg3: memref<1000000x64xf32, #tpu.memory_space<hbm>>, %arg4: memref<163840x64xf32, #tpu.memory_space<hbm>>, %arg5: memref<5120xi32, #tpu.memory_space<vmem>>, %arg6: memref<2x640x64xf32, #tpu.memory_space<vmem>>, %arg7: memref<!tpu.dma_semaphore, #tpu.memory_space<semaphore_mem>>, %arg8: memref<!tpu.dma_semaphore, #tpu.memory_space<semaphore_mem>>, %arg9: memref<!tpu.dma_semaphore, #tpu.memory_space<semaphore_mem>>, %arg10: memref<!tpu.dma_semaphore, #tpu.memory_space<semaphore_mem>>) attributes {dimension_semantics = [#tpu.dimension_semantics<core_parallel>, #tpu.dimension_semantics<subcore_parallel>], iteration_bounds = array<i64: 2, 16>, scalar_prefetch = 0 : i64, scratch_operands = 6 : i64, tpu.core_type = #tpu.core_type<sc_vector_subcore>, window_params = [{transform_indices = #map}, {transform_indices = #map1}, {transform_indices = #map1}]} {
    %mul3A = arith.constant 2 : i32
    %mul3A_0 = arith.muli %arg1, %mul3A : i32
    %add3A = arith.addi %mul3A_0, %arg0 : i32
    %mul3A_1 = arith.constant 5120 : i32
    %mul3A_2 = arith.muli %add3A, %mul3A_1 : i32
    "tpu.region"() ({
      %run_scoped3A = tpu.sem_alloc : memref<!tpu.dma_semaphore, #tpu.memory_space<semaphore_mem>>
      %dma_start3A_86 = tpu.memref_slice %arg2[%mul3A_2] : memref<163840xi32, #tpu.memory_space<hbm>> -> memref<5120xi32, #tpu.memory_space<hbm>>
      %dma_start3A_87 = tpu.memref_slice %arg2[%mul3A_2] : memref<163840xi32, #tpu.memory_space<hbm>> -> memref<5120xi32, #tpu.memory_space<hbm>>
      tpu.enqueue_dma source(%dma_start3A_87 : memref<5120xi32, #tpu.memory_space<hbm>>) target(%arg5 : memref<5120xi32, #tpu.memory_space<vmem>>) target_semaphore(%run_scoped3A : memref<!tpu.dma_semaphore, #tpu.memory_space<semaphore_mem>>)
      %dma_wait3A_88 = tpu.memref_slice %arg2[%mul3A_2] : memref<163840xi32, #tpu.memory_space<hbm>> -> memref<5120xi32, #tpu.memory_space<hbm>>
      %dma_wait3A_89 = tpu.memref_slice %arg2[%mul3A_2] : memref<163840xi32, #tpu.memory_space<hbm>> -> memref<5120xi32, #tpu.memory_space<hbm>>
      tpu.wait_dma2 semaphore(%run_scoped3A : memref<!tpu.dma_semaphore, #tpu.memory_space<semaphore_mem>>) src(%dma_wait3A_89 : memref<5120xi32, #tpu.memory_space<hbm>>) dst(%arg5 : memref<5120xi32, #tpu.memory_space<vmem>>)
      tpu.yield
    }) : () -> ()
    %dma_start3A = arith.constant 0 : i32
    %dma_start3A_3 = arith.constant 0 : i32
    %dma_start3A_4 = arith.constant 0 : i32
    %dma_start3A_5 = tpu.memref_slice %arg6[%dma_start3A, %dma_start3A_3, %dma_start3A_4] : memref<2x640x64xf32, #tpu.memory_space<vmem>> -> memref<1x128x64xf32, #tpu.memory_space<vmem>>
    %dma_start3A_6 = tpu.memref_squeeze %dma_start3A_5 : memref<1x128x64xf32, #tpu.memory_space<vmem>> -> memref<128x64xf32, #tpu.memory_space<vmem>>
    %dma_start3A_7 = arith.constant 0 : i32
    %dma_start3A_8 = tpu.memref_slice %arg5[%dma_start3A_7] : memref<5120xi32, #tpu.memory_space<vmem>> -> memref<128xi32, #tpu.memory_space<vmem>>
    %dma_start3A_9 = arith.constant 0 : i32
    %dma_start3A_10 = arith.constant 0 : i32
    %dma_start3A_11 = tpu.memref_slice %arg3[%dma_start3A_9, %dma_start3A_10] : memref<1000000x64xf32, #tpu.memory_space<hbm>> -> memref<1000000x64xf32, #tpu.memory_space<hbm>>
    tpu.enqueue_indirect_dma source(%dma_start3A_11 : memref<1000000x64xf32, #tpu.memory_space<hbm>>) target(%dma_start3A_6 : memref<128x64xf32, #tpu.memory_space<vmem>>) offsets(%dma_start3A_8 : memref<128xi32, #tpu.memory_space<vmem>>) semaphore(%arg7 : memref<!tpu.dma_semaphore, #tpu.memory_space<semaphore_mem>>)
    %dma_start3A_12 = arith.constant 0 : i32
    %dma_start3A_13 = arith.constant 128 : i32
    %dma_start3A_14 = arith.constant 0 : i32
    %dma_start3A_15 = tpu.memref_slice %arg6[%dma_start3A_12, %dma_start3A_13, %dma_start3A_14] : memref<2x640x64xf32, #tpu.memory_space<vmem>> -> memref<1x128x64xf32, #tpu.memory_space<vmem>>
    %dma_start3A_16 = tpu.memref_squeeze %dma_start3A_15 : memref<1x128x64xf32, #tpu.memory_space<vmem>> -> memref<128x64xf32, #tpu.memory_space<vmem>>
    %dma_start3A_17 = arith.constant 128 : i32
    %dma_start3A_18 = tpu.memref_slice %arg5[%dma_start3A_17] : memref<5120xi32, #tpu.memory_space<vmem>> -> memref<128xi32, #tpu.memory_space<vmem>>
    %dma_start3A_19 = arith.constant 0 : i32
    %dma_start3A_20 = arith.constant 0 : i32
    %dma_start3A_21 = tpu.memref_slice %arg3[%dma_start3A_19, %dma_start3A_20] : memref<1000000x64xf32, #tpu.memory_space<hbm>> -> memref<1000000x64xf32, #tpu.memory_space<hbm>>
    tpu.enqueue_indirect_dma source(%dma_start3A_21 : memref<1000000x64xf32, #tpu.memory_space<hbm>>) target(%dma_start3A_16 : memref<128x64xf32, #tpu.memory_space<vmem>>) offsets(%dma_start3A_18 : memref<128xi32, #tpu.memory_space<vmem>>) semaphore(%arg7 : memref<!tpu.dma_semaphore, #tpu.memory_space<semaphore_mem>>)
    %dma_start3A_22 = arith.constant 0 : i32
    %dma_start3A_23 = arith.constant 256 : i32
    %dma_start3A_24 = arith.constant 0 : i32
    %dma_start3A_25 = tpu.memref_slice %arg6[%dma_start3A_22, %dma_start3A_23, %dma_start3A_24] : memref<2x640x64xf32, #tpu.memory_space<vmem>> -> memref<1x128x64xf32, #tpu.memory_space<vmem>>
    %dma_start3A_26 = tpu.memref_squeeze %dma_start3A_25 : memref<1x128x64xf32, #tpu.memory_space<vmem>> -> memref<128x64xf32, #tpu.memory_space<vmem>>
    %dma_start3A_27 = arith.constant 256 : i32
    %dma_start3A_28 = tpu.memref_slice %arg5[%dma_start3A_27] : memref<5120xi32, #tpu.memory_space<vmem>> -> memref<128xi32, #tpu.memory_space<vmem>>
    %dma_start3A_29 = arith.constant 0 : i32
    %dma_start3A_30 = arith.constant 0 : i32
    %dma_start3A_31 = tpu.memref_slice %arg3[%dma_start3A_29, %dma_start3A_30] : memref<1000000x64xf32, #tpu.memory_space<hbm>> -> memref<1000000x64xf32, #tpu.memory_space<hbm>>
    tpu.enqueue_indirect_dma source(%dma_start3A_31 : memref<1000000x64xf32, #tpu.memory_space<hbm>>) target(%dma_start3A_26 : memref<128x64xf32, #tpu.memory_space<vmem>>) offsets(%dma_start3A_28 : memref<128xi32, #tpu.memory_space<vmem>>) semaphore(%arg7 : memref<!tpu.dma_semaphore, #tpu.memory_space<semaphore_mem>>)
    %dma_start3A_32 = arith.constant 0 : i32
    %dma_start3A_33 = arith.constant 384 : i32
    %dma_start3A_34 = arith.constant 0 : i32
    %dma_start3A_35 = tpu.memref_slice %arg6[%dma_start3A_32, %dma_start3A_33, %dma_start3A_34] : memref<2x640x64xf32, #tpu.memory_space<vmem>> -> memref<1x128x64xf32, #tpu.memory_space<vmem>>
    %dma_start3A_36 = tpu.memref_squeeze %dma_start3A_35 : memref<1x128x64xf32, #tpu.memory_space<vmem>> -> memref<128x64xf32, #tpu.memory_space<vmem>>
    %dma_start3A_37 = arith.constant 384 : i32
    %dma_start3A_38 = tpu.memref_slice %arg5[%dma_start3A_37] : memref<5120xi32, #tpu.memory_space<vmem>> -> memref<128xi32, #tpu.memory_space<vmem>>
    %dma_start3A_39 = arith.constant 0 : i32
    %dma_start3A_40 = arith.constant 0 : i32
    %dma_start3A_41 = tpu.memref_slice %arg3[%dma_start3A_39, %dma_start3A_40] : memref<1000000x64xf32, #tpu.memory_space<hbm>> -> memref<1000000x64xf32, #tpu.memory_space<hbm>>
    tpu.enqueue_indirect_dma source(%dma_start3A_41 : memref<1000000x64xf32, #tpu.memory_space<hbm>>) target(%dma_start3A_36 : memref<128x64xf32, #tpu.memory_space<vmem>>) offsets(%dma_start3A_38 : memref<128xi32, #tpu.memory_space<vmem>>) semaphore(%arg7 : memref<!tpu.dma_semaphore, #tpu.memory_space<semaphore_mem>>)
    %dma_start3A_42 = arith.constant 0 : i32
    %dma_start3A_43 = arith.constant 512 : i32
    %dma_start3A_44 = arith.constant 0 : i32
    %dma_start3A_45 = tpu.memref_slice %arg6[%dma_start3A_42, %dma_start3A_43, %dma_start3A_44] : memref<2x640x64xf32, #tpu.memory_space<vmem>> -> memref<1x128x64xf32, #tpu.memory_space<vmem>>
    %dma_start3A_46 = tpu.memref_squeeze %dma_start3A_45 : memref<1x128x64xf32, #tpu.memory_space<vmem>> -> memref<128x64xf32, #tpu.memory_space<vmem>>
    %dma_start3A_47 = arith.constant 512 : i32
    %dma_start3A_48 = tpu.memref_slice %arg5[%dma_start3A_47] : memref<5120xi32, #tpu.memory_space<vmem>> -> memref<128xi32, #tpu.memory_space<vmem>>
    %dma_start3A_49 = arith.constant 0 : i32
    %dma_start3A_50 = arith.constant 0 : i32
    %dma_start3A_51 = tpu.memref_slice %arg3[%dma_start3A_49, %dma_start3A_50] : memref<1000000x64xf32, #tpu.memory_space<hbm>> -> memref<1000000x64xf32, #tpu.memory_space<hbm>>
    tpu.enqueue_indirect_dma source(%dma_start3A_51 : memref<1000000x64xf32, #tpu.memory_space<hbm>>) target(%dma_start3A_46 : memref<128x64xf32, #tpu.memory_space<vmem>>) offsets(%dma_start3A_48 : memref<128xi32, #tpu.memory_space<vmem>>) semaphore(%arg7 : memref<!tpu.dma_semaphore, #tpu.memory_space<semaphore_mem>>)
    %scan3A = arith.constant 0 : i32
    %scan3A_52 = arith.constant 0 : i32
    %scan3A_53 = arith.constant 4 : i32
    %scan3A_54 = arith.addi %scan3A_52, %scan3A_53 : i32
    %scan3A_55 = arith.constant 1 : i32
    scf.for %scan3A_86 = %scan3A_52 to %scan3A_54 step %scan3A_55  : i32 {
      %mul3A_87 = arith.constant 2 : i32
      %mul3A_88 = arith.muli %scan3A_86, %mul3A_87 : i32
      %gt3A = arith.constant 0 : i32
      %gt3A_89 = arith.cmpi sgt, %scan3A_86, %gt3A : i32
      %convert_element_type3A = arith.extui %gt3A_89 : i1 to i32
      %cond3A = arith.constant 0 : i32
      %cond3A_90 = arith.cmpi ne, %convert_element_type3A, %cond3A : i32
      scf.if %cond3A_90 {
        %dma_wait3A_220 = arith.constant 1 : i32
        %dma_wait3A_221 = arith.constant 0 : i32
        %dma_wait3A_222 = arith.constant 0 : i32
        %dma_wait3A_223 = tpu.memref_slice %arg6[%dma_wait3A_220, %dma_wait3A_221, %dma_wait3A_222] : memref<2x640x64xf32, #tpu.memory_space<vmem>> -> memref<1x640x64xf32, #tpu.memory_space<vmem>>
        %dma_wait3A_224 = tpu.memref_squeeze %dma_wait3A_223 : memref<1x640x64xf32, #tpu.memory_space<vmem>> -> memref<640x64xf32, #tpu.memory_space<vmem>>
        %dma_wait3A_225 = arith.constant 0 : i32
        %dma_wait3A_226 = arith.constant 0 : i32
        %dma_wait3A_227 = tpu.memref_slice %arg4[%dma_wait3A_225, %dma_wait3A_226] : memref<163840x64xf32, #tpu.memory_space<hbm>> -> memref<640x64xf32, #tpu.memory_space<hbm>>
        %dma_wait3A_228 = arith.constant 0 : i32
        %dma_wait3A_229 = arith.constant 0 : i32
        %dma_wait3A_230 = tpu.memref_slice %arg4[%dma_wait3A_228, %dma_wait3A_229] : memref<163840x64xf32, #tpu.memory_space<hbm>> -> memref<640x64xf32, #tpu.memory_space<hbm>>
        %dma_wait3A_231 = arith.constant 0 : i32
        %dma_wait3A_232 = arith.constant 0 : i32
        %dma_wait3A_233 = tpu.memref_slice %arg6[%dma_wait3A_220, %dma_wait3A_231, %dma_wait3A_232] : memref<2x640x64xf32, #tpu.memory_space<vmem>> -> memref<1x640x64xf32, #tpu.memory_space<vmem>>
        %dma_wait3A_234 = tpu.memref_squeeze %dma_wait3A_233 : memref<1x640x64xf32, #tpu.memory_space<vmem>> -> memref<640x64xf32, #tpu.memory_space<vmem>>
        tpu.wait_dma2 semaphore(%arg10 : memref<!tpu.dma_semaphore, #tpu.memory_space<semaphore_mem>>) src(%dma_wait3A_234 : memref<640x64xf32, #tpu.memory_space<vmem>>) dst(%dma_wait3A_230 : memref<640x64xf32, #tpu.memory_space<hbm>>)
      } else {
      }
      %add3A_91 = arith.constant 1 : i32
      %add3A_92 = arith.addi %mul3A_88, %add3A_91 : i32
      %mul3A_93 = arith.constant 640 : i32
      %mul3A_94 = arith.muli %add3A_92, %mul3A_93 : i32
      %add3A_95 = arith.constant 0 : i32
      %add3A_96 = arith.addi %mul3A_94, %add3A_95 : i32
      %dma_start3A_97 = arith.constant 1 : i32
      %dma_start3A_98 = arith.constant 0 : i32
      %dma_start3A_99 = arith.constant 0 : i32
      %dma_start3A_100 = tpu.memref_slice %arg6[%dma_start3A_97, %dma_start3A_98, %dma_start3A_99] : memref<2x640x64xf32, #tpu.memory_space<vmem>> -> memref<1x128x64xf32, #tpu.memory_space<vmem>>
      %dma_start3A_101 = tpu.memref_squeeze %dma_start3A_100 : memref<1x128x64xf32, #tpu.memory_space<vmem>> -> memref<128x64xf32, #tpu.memory_space<vmem>>
      %dma_start3A_102 = tpu.memref_slice %arg5[%add3A_96] : memref<5120xi32, #tpu.memory_space<vmem>> -> memref<128xi32, #tpu.memory_space<vmem>>
      %dma_start3A_103 = arith.constant 0 : i32
      %dma_start3A_104 = arith.constant 0 : i32
      %dma_start3A_105 = tpu.memref_slice %arg3[%dma_start3A_103, %dma_start3A_104] : memref<1000000x64xf32, #tpu.memory_space<hbm>> -> memref<1000000x64xf32, #tpu.memory_space<hbm>>
      tpu.enqueue_indirect_dma source(%dma_start3A_105 : memref<1000000x64xf32, #tpu.memory_space<hbm>>) target(%dma_start3A_101 : memref<128x64xf32, #tpu.memory_space<vmem>>) offsets(%dma_start3A_102 : memref<128xi32, #tpu.memory_space<vmem>>) semaphore(%arg8 : memref<!tpu.dma_semaphore, #tpu.memory_space<semaphore_mem>>)
      %add3A_106 = arith.constant 128 : i32
      %add3A_107 = arith.addi %mul3A_94, %add3A_106 : i32
      %dma_start3A_108 = arith.constant 1 : i32
      %dma_start3A_109 = arith.constant 128 : i32
      %dma_start3A_110 = arith.constant 0 : i32
      %dma_start3A_111 = tpu.memref_slice %arg6[%dma_start3A_108, %dma_start3A_109, %dma_start3A_110] : memref<2x640x64xf32, #tpu.memory_space<vmem>> -> memref<1x128x64xf32, #tpu.memory_space<vmem>>
      %dma_start3A_112 = tpu.memref_squeeze %dma_start3A_111 : memref<1x128x64xf32, #tpu.memory_space<vmem>> -> memref<128x64xf32, #tpu.memory_space<vmem>>
      %dma_start3A_113 = tpu.memref_slice %arg5[%add3A_107] : memref<5120xi32, #tpu.memory_space<vmem>> -> memref<128xi32, #tpu.memory_space<vmem>>
      %dma_start3A_114 = arith.constant 0 : i32
      %dma_start3A_115 = arith.constant 0 : i32
      %dma_start3A_116 = tpu.memref_slice %arg3[%dma_start3A_114, %dma_start3A_115] : memref<1000000x64xf32, #tpu.memory_space<hbm>> -> memref<1000000x64xf32, #tpu.memory_space<hbm>>
      tpu.enqueue_indirect_dma source(%dma_start3A_116 : memref<1000000x64xf32, #tpu.memory_space<hbm>>) target(%dma_start3A_112 : memref<128x64xf32, #tpu.memory_space<vmem>>) offsets(%dma_start3A_113 : memref<128xi32, #tpu.memory_space<vmem>>) semaphore(%arg8 : memref<!tpu.dma_semaphore, #tpu.memory_space<semaphore_mem>>)
      %add3A_117 = arith.constant 256 : i32
      %add3A_118 = arith.addi %mul3A_94, %add3A_117 : i32
      %dma_start3A_119 = arith.constant 1 : i32
      %dma_start3A_120 = arith.constant 256 : i32
      %dma_start3A_121 = arith.constant 0 : i32
      %dma_start3A_122 = tpu.memref_slice %arg6[%dma_start3A_119, %dma_start3A_120, %dma_start3A_121] : memref<2x640x64xf32, #tpu.memory_space<vmem>> -> memref<1x128x64xf32, #tpu.memory_space<vmem>>
      %dma_start3A_123 = tpu.memref_squeeze %dma_start3A_122 : memref<1x128x64xf32, #tpu.memory_space<vmem>> -> memref<128x64xf32, #tpu.memory_space<vmem>>
      %dma_start3A_124 = tpu.memref_slice %arg5[%add3A_118] : memref<5120xi32, #tpu.memory_space<vmem>> -> memref<128xi32, #tpu.memory_space<vmem>>
      %dma_start3A_125 = arith.constant 0 : i32
      %dma_start3A_126 = arith.constant 0 : i32
      %dma_start3A_127 = tpu.memref_slice %arg3[%dma_start3A_125, %dma_start3A_126] : memref<1000000x64xf32, #tpu.memory_space<hbm>> -> memref<1000000x64xf32, #tpu.memory_space<hbm>>
      tpu.enqueue_indirect_dma source(%dma_start3A_127 : memref<1000000x64xf32, #tpu.memory_space<hbm>>) target(%dma_start3A_123 : memref<128x64xf32, #tpu.memory_space<vmem>>) offsets(%dma_start3A_124 : memref<128xi32, #tpu.memory_space<vmem>>) semaphore(%arg8 : memref<!tpu.dma_semaphore, #tpu.memory_space<semaphore_mem>>)
      %add3A_128 = arith.constant 384 : i32
      %add3A_129 = arith.addi %mul3A_94, %add3A_128 : i32
      %dma_start3A_130 = arith.constant 1 : i32
      %dma_start3A_131 = arith.constant 384 : i32
      %dma_start3A_132 = arith.constant 0 : i32
      %dma_start3A_133 = tpu.memref_slice %arg6[%dma_start3A_130, %dma_start3A_131, %dma_start3A_132] : memref<2x640x64xf32, #tpu.memory_space<vmem>> -> memref<1x128x64xf32, #tpu.memory_space<vmem>>
      %dma_start3A_134 = tpu.memref_squeeze %dma_start3A_133 : memref<1x128x64xf32, #tpu.memory_space<vmem>> -> memref<128x64xf32, #tpu.memory_space<vmem>>
      %dma_start3A_135 = tpu.memref_slice %arg5[%add3A_129] : memref<5120xi32, #tpu.memory_space<vmem>> -> memref<128xi32, #tpu.memory_space<vmem>>
      %dma_start3A_136 = arith.constant 0 : i32
      %dma_start3A_137 = arith.constant 0 : i32
      %dma_start3A_138 = tpu.memref_slice %arg3[%dma_start3A_136, %dma_start3A_137] : memref<1000000x64xf32, #tpu.memory_space<hbm>> -> memref<1000000x64xf32, #tpu.memory_space<hbm>>
      tpu.enqueue_indirect_dma source(%dma_start3A_138 : memref<1000000x64xf32, #tpu.memory_space<hbm>>) target(%dma_start3A_134 : memref<128x64xf32, #tpu.memory_space<vmem>>) offsets(%dma_start3A_135 : memref<128xi32, #tpu.memory_space<vmem>>) semaphore(%arg8 : memref<!tpu.dma_semaphore, #tpu.memory_space<semaphore_mem>>)
      %add3A_139 = arith.constant 512 : i32
      %add3A_140 = arith.addi %mul3A_94, %add3A_139 : i32
      %dma_start3A_141 = arith.constant 1 : i32
      %dma_start3A_142 = arith.constant 512 : i32
      %dma_start3A_143 = arith.constant 0 : i32
      %dma_start3A_144 = tpu.memref_slice %arg6[%dma_start3A_141, %dma_start3A_142, %dma_start3A_143] : memref<2x640x64xf32, #tpu.memory_space<vmem>> -> memref<1x128x64xf32, #tpu.memory_space<vmem>>
      %dma_start3A_145 = tpu.memref_squeeze %dma_start3A_144 : memref<1x128x64xf32, #tpu.memory_space<vmem>> -> memref<128x64xf32, #tpu.memory_space<vmem>>
      %dma_start3A_146 = tpu.memref_slice %arg5[%add3A_140] : memref<5120xi32, #tpu.memory_space<vmem>> -> memref<128xi32, #tpu.memory_space<vmem>>
      %dma_start3A_147 = arith.constant 0 : i32
      %dma_start3A_148 = arith.constant 0 : i32
      %dma_start3A_149 = tpu.memref_slice %arg3[%dma_start3A_147, %dma_start3A_148] : memref<1000000x64xf32, #tpu.memory_space<hbm>> -> memref<1000000x64xf32, #tpu.memory_space<hbm>>
      tpu.enqueue_indirect_dma source(%dma_start3A_149 : memref<1000000x64xf32, #tpu.memory_space<hbm>>) target(%dma_start3A_145 : memref<128x64xf32, #tpu.memory_space<vmem>>) offsets(%dma_start3A_146 : memref<128xi32, #tpu.memory_space<vmem>>) semaphore(%arg8 : memref<!tpu.dma_semaphore, #tpu.memory_space<semaphore_mem>>)
      %dma_wait3A_150 = arith.constant 0 : i32
      %dma_wait3A_151 = arith.constant 0 : i32
      %dma_wait3A_152 = arith.constant 0 : i32
      %dma_wait3A_153 = tpu.memref_slice %arg6[%dma_wait3A_150, %dma_wait3A_151, %dma_wait3A_152] : memref<2x640x64xf32, #tpu.memory_space<vmem>> -> memref<1x640x64xf32, #tpu.memory_space<vmem>>
      %dma_wait3A_154 = tpu.memref_squeeze %dma_wait3A_153 : memref<1x640x64xf32, #tpu.memory_space<vmem>> -> memref<640x64xf32, #tpu.memory_space<vmem>>
      %dma_wait3A_155 = arith.constant 0 : i32
      %dma_wait3A_156 = arith.constant 0 : i32
      %dma_wait3A_157 = tpu.memref_slice %arg3[%dma_wait3A_155, %dma_wait3A_156] : memref<1000000x64xf32, #tpu.memory_space<hbm>> -> memref<640x64xf32, #tpu.memory_space<hbm>>
      %dma_wait3A_158 = arith.constant 0 : i32
      %dma_wait3A_159 = arith.constant 0 : i32
      %dma_wait3A_160 = tpu.memref_slice %arg6[%dma_wait3A_150, %dma_wait3A_158, %dma_wait3A_159] : memref<2x640x64xf32, #tpu.memory_space<vmem>> -> memref<1x640x64xf32, #tpu.memory_space<vmem>>
      %dma_wait3A_161 = tpu.memref_squeeze %dma_wait3A_160 : memref<1x640x64xf32, #tpu.memory_space<vmem>> -> memref<640x64xf32, #tpu.memory_space<vmem>>
      %dma_wait3A_162 = arith.constant 0 : i32
      %dma_wait3A_163 = arith.constant 0 : i32
      %dma_wait3A_164 = tpu.memref_slice %arg3[%dma_wait3A_162, %dma_wait3A_163] : memref<1000000x64xf32, #tpu.memory_space<hbm>> -> memref<640x64xf32, #tpu.memory_space<hbm>>
      tpu.wait_dma2 semaphore(%arg7 : memref<!tpu.dma_semaphore, #tpu.memory_space<semaphore_mem>>) src(%dma_wait3A_164 : memref<640x64xf32, #tpu.memory_space<hbm>>) dst(%dma_wait3A_161 : memref<640x64xf32, #tpu.memory_space<vmem>>)
      %mul3A_165 = arith.constant 640 : i32
      %mul3A_166 = arith.muli %mul3A_88, %mul3A_165 : i32
      %add3A_167 = arith.addi %mul3A_2, %mul3A_166 : i32
      %dma_start3A_168 = arith.constant 0 : i32
      %dma_start3A_169 = arith.constant 0 : i32
      %dma_start3A_170 = arith.constant 0 : i32
      %dma_start3A_171 = tpu.memref_slice %arg6[%dma_start3A_168, %dma_start3A_169, %dma_start3A_170] : memref<2x640x64xf32, #tpu.memory_space<vmem>> -> memref<1x640x64xf32, #tpu.memory_space<vmem>>
      %dma_start3A_172 = tpu.memref_squeeze %dma_start3A_171 : memref<1x640x64xf32, #tpu.memory_space<vmem>> -> memref<640x64xf32, #tpu.memory_space<vmem>>
      %dma_start3A_173 = arith.constant 0 : i32
      %dma_start3A_174 = tpu.memref_slice %arg4[%add3A_167, %dma_start3A_173] : memref<163840x64xf32, #tpu.memory_space<hbm>> -> memref<640x64xf32, #tpu.memory_space<hbm>>
      %dma_start3A_175 = arith.constant 0 : i32
      %dma_start3A_176 = tpu.memref_slice %arg4[%add3A_167, %dma_start3A_175] : memref<163840x64xf32, #tpu.memory_space<hbm>> -> memref<640x64xf32, #tpu.memory_space<hbm>>
      %dma_start3A_177 = arith.constant 0 : i32
      %dma_start3A_178 = arith.constant 0 : i32
      %dma_start3A_179 = tpu.memref_slice %arg6[%dma_start3A_168, %dma_start3A_177, %dma_start3A_178] : memref<2x640x64xf32, #tpu.memory_space<vmem>> -> memref<1x640x64xf32, #tpu.memory_space<vmem>>
      %dma_start3A_180 = tpu.memref_squeeze %dma_start3A_179 : memref<1x640x64xf32, #tpu.memory_space<vmem>> -> memref<640x64xf32, #tpu.memory_space<vmem>>
      tpu.enqueue_dma source(%dma_start3A_180 : memref<640x64xf32, #tpu.memory_space<vmem>>) target(%dma_start3A_176 : memref<640x64xf32, #tpu.memory_space<hbm>>) target_semaphore(%arg9 : memref<!tpu.dma_semaphore, #tpu.memory_space<semaphore_mem>>)
      %add3A_181 = arith.constant 2 : i32
      %add3A_182 = arith.addi %mul3A_88, %add3A_181 : i32
      %lt3A = arith.constant 8 : i32
      %lt3A_183 = arith.cmpi slt, %add3A_182, %lt3A : i32
      %convert_element_type3A_184 = arith.extui %lt3A_183 : i1 to i32
      %cond3A_185 = arith.constant 0 : i32
      %cond3A_186 = arith.cmpi ne, %convert_element_type3A_184, %cond3A_185 : i32
      scf.if %cond3A_186 {
        %dma_wait3A_220 = arith.constant 0 : i32
        %dma_wait3A_221 = arith.constant 0 : i32
        %dma_wait3A_222 = arith.constant 0 : i32
        %dma_wait3A_223 = tpu.memref_slice %arg6[%dma_wait3A_220, %dma_wait3A_221, %dma_wait3A_222] : memref<2x640x64xf32, #tpu.memory_space<vmem>> -> memref<1x640x64xf32, #tpu.memory_space<vmem>>
        %dma_wait3A_224 = tpu.memref_squeeze %dma_wait3A_223 : memref<1x640x64xf32, #tpu.memory_space<vmem>> -> memref<640x64xf32, #tpu.memory_space<vmem>>
        %dma_wait3A_225 = arith.constant 0 : i32
        %dma_wait3A_226 = arith.constant 0 : i32
        %dma_wait3A_227 = tpu.memref_slice %arg4[%dma_wait3A_225, %dma_wait3A_226] : memref<163840x64xf32, #tpu.memory_space<hbm>> -> memref<640x64xf32, #tpu.memory_space<hbm>>
        %dma_wait3A_228 = arith.constant 0 : i32
        %dma_wait3A_229 = arith.constant 0 : i32
        %dma_wait3A_230 = tpu.memref_slice %arg4[%dma_wait3A_228, %dma_wait3A_229] : memref<163840x64xf32, #tpu.memory_space<hbm>> -> memref<640x64xf32, #tpu.memory_space<hbm>>
        %dma_wait3A_231 = arith.constant 0 : i32
        %dma_wait3A_232 = arith.constant 0 : i32
        %dma_wait3A_233 = tpu.memref_slice %arg6[%dma_wait3A_220, %dma_wait3A_231, %dma_wait3A_232] : memref<2x640x64xf32, #tpu.memory_space<vmem>> -> memref<1x640x64xf32, #tpu.memory_space<vmem>>
        %dma_wait3A_234 = tpu.memref_squeeze %dma_wait3A_233 : memref<1x640x64xf32, #tpu.memory_space<vmem>> -> memref<640x64xf32, #tpu.memory_space<vmem>>
        tpu.wait_dma2 semaphore(%arg9 : memref<!tpu.dma_semaphore, #tpu.memory_space<semaphore_mem>>) src(%dma_wait3A_234 : memref<640x64xf32, #tpu.memory_space<vmem>>) dst(%dma_wait3A_230 : memref<640x64xf32, #tpu.memory_space<hbm>>)
        %add3A_235 = arith.constant 2 : i32
        %add3A_236 = arith.addi %mul3A_88, %add3A_235 : i32
        %mul3A_237 = arith.constant 640 : i32
        %mul3A_238 = arith.muli %add3A_236, %mul3A_237 : i32
        %add3A_239 = arith.constant 0 : i32
        %add3A_240 = arith.addi %mul3A_238, %add3A_239 : i32
        %dma_start3A_241 = arith.constant 0 : i32
        %dma_start3A_242 = arith.constant 0 : i32
        %dma_start3A_243 = arith.constant 0 : i32
        %dma_start3A_244 = tpu.memref_slice %arg6[%dma_start3A_241, %dma_start3A_242, %dma_start3A_243] : memref<2x640x64xf32, #tpu.memory_space<vmem>> -> memref<1x128x64xf32, #tpu.memory_space<vmem>>
        %dma_start3A_245 = tpu.memref_squeeze %dma_start3A_244 : memref<1x128x64xf32, #tpu.memory_space<vmem>> -> memref<128x64xf32, #tpu.memory_space<vmem>>
        %dma_start3A_246 = tpu.memref_slice %arg5[%add3A_240] : memref<5120xi32, #tpu.memory_space<vmem>> -> memref<128xi32, #tpu.memory_space<vmem>>
        %dma_start3A_247 = arith.constant 0 : i32
        %dma_start3A_248 = arith.constant 0 : i32
        %dma_start3A_249 = tpu.memref_slice %arg3[%dma_start3A_247, %dma_start3A_248] : memref<1000000x64xf32, #tpu.memory_space<hbm>> -> memref<1000000x64xf32, #tpu.memory_space<hbm>>
        tpu.enqueue_indirect_dma source(%dma_start3A_249 : memref<1000000x64xf32, #tpu.memory_space<hbm>>) target(%dma_start3A_245 : memref<128x64xf32, #tpu.memory_space<vmem>>) offsets(%dma_start3A_246 : memref<128xi32, #tpu.memory_space<vmem>>) semaphore(%arg7 : memref<!tpu.dma_semaphore, #tpu.memory_space<semaphore_mem>>)
        %add3A_250 = arith.constant 128 : i32
        %add3A_251 = arith.addi %mul3A_238, %add3A_250 : i32
        %dma_start3A_252 = arith.constant 0 : i32
        %dma_start3A_253 = arith.constant 128 : i32
        %dma_start3A_254 = arith.constant 0 : i32
        %dma_start3A_255 = tpu.memref_slice %arg6[%dma_start3A_252, %dma_start3A_253, %dma_start3A_254] : memref<2x640x64xf32, #tpu.memory_space<vmem>> -> memref<1x128x64xf32, #tpu.memory_space<vmem>>
        %dma_start3A_256 = tpu.memref_squeeze %dma_start3A_255 : memref<1x128x64xf32, #tpu.memory_space<vmem>> -> memref<128x64xf32, #tpu.memory_space<vmem>>
        %dma_start3A_257 = tpu.memref_slice %arg5[%add3A_251] : memref<5120xi32, #tpu.memory_space<vmem>> -> memref<128xi32, #tpu.memory_space<vmem>>
        %dma_start3A_258 = arith.constant 0 : i32
        %dma_start3A_259 = arith.constant 0 : i32
        %dma_start3A_260 = tpu.memref_slice %arg3[%dma_start3A_258, %dma_start3A_259] : memref<1000000x64xf32, #tpu.memory_space<hbm>> -> memref<1000000x64xf32, #tpu.memory_space<hbm>>
        tpu.enqueue_indirect_dma source(%dma_start3A_260 : memref<1000000x64xf32, #tpu.memory_space<hbm>>) target(%dma_start3A_256 : memref<128x64xf32, #tpu.memory_space<vmem>>) offsets(%dma_start3A_257 : memref<128xi32, #tpu.memory_space<vmem>>) semaphore(%arg7 : memref<!tpu.dma_semaphore, #tpu.memory_space<semaphore_mem>>)
        %add3A_261 = arith.constant 256 : i32
        %add3A_262 = arith.addi %mul3A_238, %add3A_261 : i32
        %dma_start3A_263 = arith.constant 0 : i32
        %dma_start3A_264 = arith.constant 256 : i32
        %dma_start3A_265 = arith.constant 0 : i32
        %dma_start3A_266 = tpu.memref_slice %arg6[%dma_start3A_263, %dma_start3A_264, %dma_start3A_265] : memref<2x640x64xf32, #tpu.memory_space<vmem>> -> memref<1x128x64xf32, #tpu.memory_space<vmem>>
        %dma_start3A_267 = tpu.memref_squeeze %dma_start3A_266 : memref<1x128x64xf32, #tpu.memory_space<vmem>> -> memref<128x64xf32, #tpu.memory_space<vmem>>
        %dma_start3A_268 = tpu.memref_slice %arg5[%add3A_262] : memref<5120xi32, #tpu.memory_space<vmem>> -> memref<128xi32, #tpu.memory_space<vmem>>
        %dma_start3A_269 = arith.constant 0 : i32
        %dma_start3A_270 = arith.constant 0 : i32
        %dma_start3A_271 = tpu.memref_slice %arg3[%dma_start3A_269, %dma_start3A_270] : memref<1000000x64xf32, #tpu.memory_space<hbm>> -> memref<1000000x64xf32, #tpu.memory_space<hbm>>
        tpu.enqueue_indirect_dma source(%dma_start3A_271 : memref<1000000x64xf32, #tpu.memory_space<hbm>>) target(%dma_start3A_267 : memref<128x64xf32, #tpu.memory_space<vmem>>) offsets(%dma_start3A_268 : memref<128xi32, #tpu.memory_space<vmem>>) semaphore(%arg7 : memref<!tpu.dma_semaphore, #tpu.memory_space<semaphore_mem>>)
        %add3A_272 = arith.constant 384 : i32
        %add3A_273 = arith.addi %mul3A_238, %add3A_272 : i32
        %dma_start3A_274 = arith.constant 0 : i32
        %dma_start3A_275 = arith.constant 384 : i32
        %dma_start3A_276 = arith.constant 0 : i32
        %dma_start3A_277 = tpu.memref_slice %arg6[%dma_start3A_274, %dma_start3A_275, %dma_start3A_276] : memref<2x640x64xf32, #tpu.memory_space<vmem>> -> memref<1x128x64xf32, #tpu.memory_space<vmem>>
        %dma_start3A_278 = tpu.memref_squeeze %dma_start3A_277 : memref<1x128x64xf32, #tpu.memory_space<vmem>> -> memref<128x64xf32, #tpu.memory_space<vmem>>
        %dma_start3A_279 = tpu.memref_slice %arg5[%add3A_273] : memref<5120xi32, #tpu.memory_space<vmem>> -> memref<128xi32, #tpu.memory_space<vmem>>
        %dma_start3A_280 = arith.constant 0 : i32
        %dma_start3A_281 = arith.constant 0 : i32
        %dma_start3A_282 = tpu.memref_slice %arg3[%dma_start3A_280, %dma_start3A_281] : memref<1000000x64xf32, #tpu.memory_space<hbm>> -> memref<1000000x64xf32, #tpu.memory_space<hbm>>
        tpu.enqueue_indirect_dma source(%dma_start3A_282 : memref<1000000x64xf32, #tpu.memory_space<hbm>>) target(%dma_start3A_278 : memref<128x64xf32, #tpu.memory_space<vmem>>) offsets(%dma_start3A_279 : memref<128xi32, #tpu.memory_space<vmem>>) semaphore(%arg7 : memref<!tpu.dma_semaphore, #tpu.memory_space<semaphore_mem>>)
        %add3A_283 = arith.constant 512 : i32
        %add3A_284 = arith.addi %mul3A_238, %add3A_283 : i32
        %dma_start3A_285 = arith.constant 0 : i32
        %dma_start3A_286 = arith.constant 512 : i32
        %dma_start3A_287 = arith.constant 0 : i32
        %dma_start3A_288 = tpu.memref_slice %arg6[%dma_start3A_285, %dma_start3A_286, %dma_start3A_287] : memref<2x640x64xf32, #tpu.memory_space<vmem>> -> memref<1x128x64xf32, #tpu.memory_space<vmem>>
        %dma_start3A_289 = tpu.memref_squeeze %dma_start3A_288 : memref<1x128x64xf32, #tpu.memory_space<vmem>> -> memref<128x64xf32, #tpu.memory_space<vmem>>
        %dma_start3A_290 = tpu.memref_slice %arg5[%add3A_284] : memref<5120xi32, #tpu.memory_space<vmem>> -> memref<128xi32, #tpu.memory_space<vmem>>
        %dma_start3A_291 = arith.constant 0 : i32
        %dma_start3A_292 = arith.constant 0 : i32
        %dma_start3A_293 = tpu.memref_slice %arg3[%dma_start3A_291, %dma_start3A_292] : memref<1000000x64xf32, #tpu.memory_space<hbm>> -> memref<1000000x64xf32, #tpu.memory_space<hbm>>
        tpu.enqueue_indirect_dma source(%dma_start3A_293 : memref<1000000x64xf32, #tpu.memory_space<hbm>>) target(%dma_start3A_289 : memref<128x64xf32, #tpu.memory_space<vmem>>) offsets(%dma_start3A_290 : memref<128xi32, #tpu.memory_space<vmem>>) semaphore(%arg7 : memref<!tpu.dma_semaphore, #tpu.memory_space<semaphore_mem>>)
      } else {
      }
      %dma_wait3A_187 = arith.constant 1 : i32
      %dma_wait3A_188 = arith.constant 0 : i32
      %dma_wait3A_189 = arith.constant 0 : i32
      %dma_wait3A_190 = tpu.memref_slice %arg6[%dma_wait3A_187, %dma_wait3A_188, %dma_wait3A_189] : memref<2x640x64xf32, #tpu.memory_space<vmem>> -> memref<1x640x64xf32, #tpu.memory_space<vmem>>
      %dma_wait3A_191 = tpu.memref_squeeze %dma_wait3A_190 : memref<1x640x64xf32, #tpu.memory_space<vmem>> -> memref<640x64xf32, #tpu.memory_space<vmem>>
      %dma_wait3A_192 = arith.constant 0 : i32
      %dma_wait3A_193 = arith.constant 0 : i32
      %dma_wait3A_194 = tpu.memref_slice %arg3[%dma_wait3A_192, %dma_wait3A_193] : memref<1000000x64xf32, #tpu.memory_space<hbm>> -> memref<640x64xf32, #tpu.memory_space<hbm>>
      %dma_wait3A_195 = arith.constant 0 : i32
      %dma_wait3A_196 = arith.constant 0 : i32
      %dma_wait3A_197 = tpu.memref_slice %arg6[%dma_wait3A_187, %dma_wait3A_195, %dma_wait3A_196] : memref<2x640x64xf32, #tpu.memory_space<vmem>> -> memref<1x640x64xf32, #tpu.memory_space<vmem>>
      %dma_wait3A_198 = tpu.memref_squeeze %dma_wait3A_197 : memref<1x640x64xf32, #tpu.memory_space<vmem>> -> memref<640x64xf32, #tpu.memory_space<vmem>>
      %dma_wait3A_199 = arith.constant 0 : i32
      %dma_wait3A_200 = arith.constant 0 : i32
      %dma_wait3A_201 = tpu.memref_slice %arg3[%dma_wait3A_199, %dma_wait3A_200] : memref<1000000x64xf32, #tpu.memory_space<hbm>> -> memref<640x64xf32, #tpu.memory_space<hbm>>
      tpu.wait_dma2 semaphore(%arg8 : memref<!tpu.dma_semaphore, #tpu.memory_space<semaphore_mem>>) src(%dma_wait3A_201 : memref<640x64xf32, #tpu.memory_space<hbm>>) dst(%dma_wait3A_198 : memref<640x64xf32, #tpu.memory_space<vmem>>)
      %add3A_202 = arith.constant 1 : i32
      %add3A_203 = arith.addi %mul3A_88, %add3A_202 : i32
      %mul3A_204 = arith.constant 640 : i32
      %mul3A_205 = arith.muli %add3A_203, %mul3A_204 : i32
      %add3A_206 = arith.addi %mul3A_2, %mul3A_205 : i32
      %dma_start3A_207 = arith.constant 1 : i32
      %dma_start3A_208 = arith.constant 0 : i32
      %dma_start3A_209 = arith.constant 0 : i32
      %dma_start3A_210 = tpu.memref_slice %arg6[%dma_start3A_207, %dma_start3A_208, %dma_start3A_209] : memref<2x640x64xf32, #tpu.memory_space<vmem>> -> memref<1x640x64xf32, #tpu.memory_space<vmem>>
      %dma_start3A_211 = tpu.memref_squeeze %dma_start3A_210 : memref<1x640x64xf32, #tpu.memory_space<vmem>> -> memref<640x64xf32, #tpu.memory_space<vmem>>
      %dma_start3A_212 = arith.constant 0 : i32
      %dma_start3A_213 = tpu.memref_slice %arg4[%add3A_206, %dma_start3A_212] : memref<163840x64xf32, #tpu.memory_space<hbm>> -> memref<640x64xf32, #tpu.memory_space<hbm>>
      %dma_start3A_214 = arith.constant 0 : i32
      %dma_start3A_215 = tpu.memref_slice %arg4[%add3A_206, %dma_start3A_214] : memref<163840x64xf32, #tpu.memory_space<hbm>> -> memref<640x64xf32, #tpu.memory_space<hbm>>
      %dma_start3A_216 = arith.constant 0 : i32
      %dma_start3A_217 = arith.constant 0 : i32
      %dma_start3A_218 = tpu.memref_slice %arg6[%dma_start3A_207, %dma_start3A_216, %dma_start3A_217] : memref<2x640x64xf32, #tpu.memory_space<vmem>> -> memref<1x640x64xf32, #tpu.memory_space<vmem>>
      %dma_start3A_219 = tpu.memref_squeeze %dma_start3A_218 : memref<1x640x64xf32, #tpu.memory_space<vmem>> -> memref<640x64xf32, #tpu.memory_space<vmem>>
      tpu.enqueue_dma source(%dma_start3A_219 : memref<640x64xf32, #tpu.memory_space<vmem>>) target(%dma_start3A_215 : memref<640x64xf32, #tpu.memory_space<hbm>>) target_semaphore(%arg10 : memref<!tpu.dma_semaphore, #tpu.memory_space<semaphore_mem>>)
    }
    %scan3A_56 = arith.constant 4 : i32
    %dma_wait3A = arith.constant 0 : i32
    %dma_wait3A_57 = arith.constant 0 : i32
    %dma_wait3A_58 = arith.constant 0 : i32
    %dma_wait3A_59 = tpu.memref_slice %arg6[%dma_wait3A, %dma_wait3A_57, %dma_wait3A_58] : memref<2x640x64xf32, #tpu.memory_space<vmem>> -> memref<1x640x64xf32, #tpu.memory_space<vmem>>
    %dma_wait3A_60 = tpu.memref_squeeze %dma_wait3A_59 : memref<1x640x64xf32, #tpu.memory_space<vmem>> -> memref<640x64xf32, #tpu.memory_space<vmem>>
    %dma_wait3A_61 = arith.constant 0 : i32
    %dma_wait3A_62 = arith.constant 0 : i32
    %dma_wait3A_63 = tpu.memref_slice %arg4[%dma_wait3A_61, %dma_wait3A_62] : memref<163840x64xf32, #tpu.memory_space<hbm>> -> memref<640x64xf32, #tpu.memory_space<hbm>>
    %dma_wait3A_64 = arith.constant 0 : i32
    %dma_wait3A_65 = arith.constant 0 : i32
    %dma_wait3A_66 = tpu.memref_slice %arg4[%dma_wait3A_64, %dma_wait3A_65] : memref<163840x64xf32, #tpu.memory_space<hbm>> -> memref<640x64xf32, #tpu.memory_space<hbm>>
    %dma_wait3A_67 = arith.constant 0 : i32
    %dma_wait3A_68 = arith.constant 0 : i32
    %dma_wait3A_69 = tpu.memref_slice %arg6[%dma_wait3A, %dma_wait3A_67, %dma_wait3A_68] : memref<2x640x64xf32, #tpu.memory_space<vmem>> -> memref<1x640x64xf32, #tpu.memory_space<vmem>>
    %dma_wait3A_70 = tpu.memref_squeeze %dma_wait3A_69 : memref<1x640x64xf32, #tpu.memory_space<vmem>> -> memref<640x64xf32, #tpu.memory_space<vmem>>
    tpu.wait_dma2 semaphore(%arg9 : memref<!tpu.dma_semaphore, #tpu.memory_space<semaphore_mem>>) src(%dma_wait3A_70 : memref<640x64xf32, #tpu.memory_space<vmem>>) dst(%dma_wait3A_66 : memref<640x64xf32, #tpu.memory_space<hbm>>)
    %dma_wait3A_71 = arith.constant 1 : i32
    %dma_wait3A_72 = arith.constant 0 : i32
    %dma_wait3A_73 = arith.constant 0 : i32
    %dma_wait3A_74 = tpu.memref_slice %arg6[%dma_wait3A_71, %dma_wait3A_72, %dma_wait3A_73] : memref<2x640x64xf32, #tpu.memory_space<vmem>> -> memref<1x640x64xf32, #tpu.memory_space<vmem>>
    %dma_wait3A_75 = tpu.memref_squeeze %dma_wait3A_74 : memref<1x640x64xf32, #tpu.memory_space<vmem>> -> memref<640x64xf32, #tpu.memory_space<vmem>>
    %dma_wait3A_76 = arith.constant 0 : i32
    %dma_wait3A_77 = arith.constant 0 : i32
    %dma_wait3A_78 = tpu.memref_slice %arg4[%dma_wait3A_76, %dma_wait3A_77] : memref<163840x64xf32, #tpu.memory_space<hbm>> -> memref<640x64xf32, #tpu.memory_space<hbm>>
    %dma_wait3A_79 = arith.constant 0 : i32
    %dma_wait3A_80 = arith.constant 0 : i32
    %dma_wait3A_81 = tpu.memref_slice %arg4[%dma_wait3A_79, %dma_wait3A_80] : memref<163840x64xf32, #tpu.memory_space<hbm>> -> memref<640x64xf32, #tpu.memory_space<hbm>>
    %dma_wait3A_82 = arith.constant 0 : i32
    %dma_wait3A_83 = arith.constant 0 : i32
    %dma_wait3A_84 = tpu.memref_slice %arg6[%dma_wait3A_71, %dma_wait3A_82, %dma_wait3A_83] : memref<2x640x64xf32, #tpu.memory_space<vmem>> -> memref<1x640x64xf32, #tpu.memory_space<vmem>>
    %dma_wait3A_85 = tpu.memref_squeeze %dma_wait3A_84 : memref<1x640x64xf32, #tpu.memory_space<vmem>> -> memref<640x64xf32, #tpu.memory_space<vmem>>
    tpu.wait_dma2 semaphore(%arg10 : memref<!tpu.dma_semaphore, #tpu.memory_space<semaphore_mem>>) src(%dma_wait3A_85 : memref<640x64xf32, #tpu.memory_space<vmem>>) dst(%dma_wait3A_81 : memref<640x64xf32, #tpu.memory_space<hbm>>)
    return
  }
}

module attributes {stable_mosaic.version = 14 : i64} {
  func.func @_ln_body(%arg0: i32, %arg1: memref<8192x64xf32, #tpu.memory_space<vmem>>, %arg2: memref<128x1xf32, #tpu.memory_space<vmem>>, %arg3: memref<64x1xf32, #tpu.memory_space<vmem>>, %arg4: memref<64x1xf32, #tpu.memory_space<vmem>>, %arg5: memref<2x64x4096xf32, #tpu.memory_space<vmem>>) attributes {dimension_semantics = [#tpu.dimension_semantics<arbitrary>], iteration_bounds = array<i64: 20>, scalar_prefetch = 0 : i64, scratch_operands = 0 : i64, tpu.core_type = #tpu.core_type<tc>, window_params = [{transform_indices = @transform_0, window_bounds = array<i64: 8192, 64>}, {transform_indices = @transform_1, window_bounds = array<i64: 128, 1>}, {pipeline_mode = #tpu.pipeline_mode<synchronous>, transform_indices = @transform_2, window_bounds = array<i64: 64, 1>}, {pipeline_mode = #tpu.pipeline_mode<synchronous>, transform_indices = @transform_3, window_bounds = array<i64: 64, 1>}, {transform_indices = @transform_4, window_bounds = array<i64: 2, 64, 4096>}]} {
    %get3A = arith.constant 0 : index
    %get3A_0 = arith.constant 0 : index
    %get3A_1 = vector.load %arg1[%get3A, %get3A_0] : memref<8192x64xf32, #tpu.memory_space<vmem>>, vector<4096x64xf32>
    %transpose3A = tpu.transpose %get3A_1, [1, 0] : vector<4096x64xf32> -> vector<64x4096xf32>
    %get3A_2 = arith.constant 0 : index
    %get3A_3 = arith.constant 0 : index
    %get3A_4 = vector.load %arg2[%get3A_2, %get3A_3] : memref<128x1xf32, #tpu.memory_space<vmem>>, vector<64x1xf32>
    %add3A = vector.broadcast %get3A_4 : vector<64x1xf32> to vector<64x4096xf32>
    %add3A_5 = arith.addf %transpose3A, %add3A : vector<64x4096xf32>
    %reduce_sum3A = arith.constant dense<0.000000e+00> : vector<4096xf32>
    %reduce_sum3A_6 = vector.multi_reduction <add>, %add3A_5, %reduce_sum3A [0] : vector<64x4096xf32> to vector<4096xf32>
    %broadcast_in_dim3A = vector.shape_cast %reduce_sum3A_6 : vector<4096xf32> to vector<1x4096xf32>
    %div3A = arith.constant 6.400000e+01 : f32
    %div3A_7 = vector.broadcast %div3A : f32 to vector<1x4096xf32>
    %div3A_8 = arith.divf %broadcast_in_dim3A, %div3A_7 : vector<1x4096xf32>
    %sub3A = vector.broadcast %div3A_8 : vector<1x4096xf32> to vector<64x4096xf32>
    %sub3A_9 = arith.subf %add3A_5, %sub3A : vector<64x4096xf32>
    %mul3A = arith.mulf %sub3A_9, %sub3A_9 : vector<64x4096xf32>
    %reduce_sum3A_10 = arith.constant dense<0.000000e+00> : vector<4096xf32>
    %reduce_sum3A_11 = vector.multi_reduction <add>, %mul3A, %reduce_sum3A_10 [0] : vector<64x4096xf32> to vector<4096xf32>
    %broadcast_in_dim3A_12 = vector.shape_cast %reduce_sum3A_11 : vector<4096xf32> to vector<1x4096xf32>
    %div3A_13 = arith.constant 6.400000e+01 : f32
    %div3A_14 = vector.broadcast %div3A_13 : f32 to vector<1x4096xf32>
    %div3A_15 = arith.divf %broadcast_in_dim3A_12, %div3A_14 : vector<1x4096xf32>
    %add3A_16 = arith.constant 9.99999974E-6 : f32
    %add3A_17 = vector.broadcast %add3A_16 : f32 to vector<1x4096xf32>
    %add3A_18 = arith.addf %div3A_15, %add3A_17 : vector<1x4096xf32>
    %rsqrt3A = math.rsqrt %add3A_18 : vector<1x4096xf32>
    %mul3A_19 = vector.broadcast %rsqrt3A : vector<1x4096xf32> to vector<64x4096xf32>
    %mul3A_20 = arith.mulf %sub3A_9, %mul3A_19 : vector<64x4096xf32>
    %get3A_21 = arith.constant 0 : index
    %get3A_22 = arith.constant 0 : index
    %get3A_23 = vector.load %arg3[%get3A_21, %get3A_22] : memref<64x1xf32, #tpu.memory_space<vmem>>, vector<64x1xf32>
    %mul3A_24 = vector.broadcast %get3A_23 : vector<64x1xf32> to vector<64x4096xf32>
    %mul3A_25 = arith.mulf %mul3A_20, %mul3A_24 : vector<64x4096xf32>
    %get3A_26 = arith.constant 0 : index
    %get3A_27 = arith.constant 0 : index
    %get3A_28 = vector.load %arg4[%get3A_26, %get3A_27] : memref<64x1xf32, #tpu.memory_space<vmem>>, vector<64x1xf32>
    %add3A_29 = vector.broadcast %get3A_28 : vector<64x1xf32> to vector<64x4096xf32>
    %add3A_30 = arith.addf %mul3A_25, %add3A_29 : vector<64x4096xf32>
    %swap3A = arith.constant 0 : index
    %swap3A_31 = arith.constant 0 : index
    %swap3A_32 = arith.constant 0 : index
    %swap3A_33 = vector.load %arg5[%swap3A, %swap3A_31, %swap3A_32] : memref<2x64x4096xf32, #tpu.memory_space<vmem>>, vector<1x64x4096xf32>
    %swap3A_34 = vector.shape_cast %swap3A_33 : vector<1x64x4096xf32> to vector<64x4096xf32>
    %swap3A_35 = vector.shape_cast %add3A_30 : vector<64x4096xf32> to vector<1x64x4096xf32>
    tpu.vector_store %arg5[%swap3A, %swap3A_31, %swap3A_32], %swap3A_35 {strides = array<i32>} : memref<2x64x4096xf32, #tpu.memory_space<vmem>>, vector<1x64x4096xf32>,
    %get3A_36 = arith.constant 4096 : index
    %get3A_37 = arith.constant 0 : index
    %get3A_38 = vector.load %arg1[%get3A_36, %get3A_37] : memref<8192x64xf32, #tpu.memory_space<vmem>>, vector<4096x64xf32>
    %transpose3A_39 = tpu.transpose %get3A_38, [1, 0] : vector<4096x64xf32> -> vector<64x4096xf32>
    %get3A_40 = arith.constant 64 : index
    %get3A_41 = arith.constant 0 : index
    %get3A_42 = vector.load %arg2[%get3A_40, %get3A_41] : memref<128x1xf32, #tpu.memory_space<vmem>>, vector<64x1xf32>
    %add3A_43 = vector.broadcast %get3A_42 : vector<64x1xf32> to vector<64x4096xf32>
    %add3A_44 = arith.addf %transpose3A_39, %add3A_43 : vector<64x4096xf32>
    %reduce_sum3A_45 = arith.constant dense<0.000000e+00> : vector<4096xf32>
    %reduce_sum3A_46 = vector.multi_reduction <add>, %add3A_44, %reduce_sum3A_45 [0] : vector<64x4096xf32> to vector<4096xf32>
    %broadcast_in_dim3A_47 = vector.shape_cast %reduce_sum3A_46 : vector<4096xf32> to vector<1x4096xf32>
    %div3A_48 = arith.constant 6.400000e+01 : f32
    %div3A_49 = vector.broadcast %div3A_48 : f32 to vector<1x4096xf32>
    %div3A_50 = arith.divf %broadcast_in_dim3A_47, %div3A_49 : vector<1x4096xf32>
    %sub3A_51 = vector.broadcast %div3A_50 : vector<1x4096xf32> to vector<64x4096xf32>
    %sub3A_52 = arith.subf %add3A_44, %sub3A_51 : vector<64x4096xf32>
    %mul3A_53 = arith.mulf %sub3A_52, %sub3A_52 : vector<64x4096xf32>
    %reduce_sum3A_54 = arith.constant dense<0.000000e+00> : vector<4096xf32>
    %reduce_sum3A_55 = vector.multi_reduction <add>, %mul3A_53, %reduce_sum3A_54 [0] : vector<64x4096xf32> to vector<4096xf32>
    %broadcast_in_dim3A_56 = vector.shape_cast %reduce_sum3A_55 : vector<4096xf32> to vector<1x4096xf32>
    %div3A_57 = arith.constant 6.400000e+01 : f32
    %div3A_58 = vector.broadcast %div3A_57 : f32 to vector<1x4096xf32>
    %div3A_59 = arith.divf %broadcast_in_dim3A_56, %div3A_58 : vector<1x4096xf32>
    %add3A_60 = arith.constant 9.99999974E-6 : f32
    %add3A_61 = vector.broadcast %add3A_60 : f32 to vector<1x4096xf32>
    %add3A_62 = arith.addf %div3A_59, %add3A_61 : vector<1x4096xf32>
    %rsqrt3A_63 = math.rsqrt %add3A_62 : vector<1x4096xf32>
    %mul3A_64 = vector.broadcast %rsqrt3A_63 : vector<1x4096xf32> to vector<64x4096xf32>
    %mul3A_65 = arith.mulf %sub3A_52, %mul3A_64 : vector<64x4096xf32>
    %get3A_66 = arith.constant 0 : index
    %get3A_67 = arith.constant 0 : index
    %get3A_68 = vector.load %arg3[%get3A_66, %get3A_67] : memref<64x1xf32, #tpu.memory_space<vmem>>, vector<64x1xf32>
    %mul3A_69 = vector.broadcast %get3A_68 : vector<64x1xf32> to vector<64x4096xf32>
    %mul3A_70 = arith.mulf %mul3A_65, %mul3A_69 : vector<64x4096xf32>
    %get3A_71 = arith.constant 0 : index
    %get3A_72 = arith.constant 0 : index
    %get3A_73 = vector.load %arg4[%get3A_71, %get3A_72] : memref<64x1xf32, #tpu.memory_space<vmem>>, vector<64x1xf32>
    %add3A_74 = vector.broadcast %get3A_73 : vector<64x1xf32> to vector<64x4096xf32>
    %add3A_75 = arith.addf %mul3A_70, %add3A_74 : vector<64x4096xf32>
    %swap3A_76 = arith.constant 1 : index
    %swap3A_77 = arith.constant 0 : index
    %swap3A_78 = arith.constant 0 : index
    %swap3A_79 = vector.load %arg5[%swap3A_76, %swap3A_77, %swap3A_78] : memref<2x64x4096xf32, #tpu.memory_space<vmem>>, vector<1x64x4096xf32>
    %swap3A_80 = vector.shape_cast %swap3A_79 : vector<1x64x4096xf32> to vector<64x4096xf32>
    %swap3A_81 = vector.shape_cast %add3A_75 : vector<64x4096xf32> to vector<1x64x4096xf32>
    tpu.vector_store %arg5[%swap3A_76, %swap3A_77, %swap3A_78], %swap3A_81 {strides = array<i32>} : memref<2x64x4096xf32, #tpu.memory_space<vmem>>, vector<1x64x4096xf32>,
    return
  }
  func.func @transform_0(%arg0: i32) -> (i32, i32) {
    %c0_i32 = arith.constant 0 : i32
    %c0_i32_0 = arith.constant 0 : i32
    return %arg0, %c0_i32 : i32, i32
  }
  func.func @transform_1(%arg0: i32) -> (i32, i32) {
    %c0_i32 = arith.constant 0 : i32
    %c0_i32_0 = arith.constant 0 : i32
    return %arg0, %c0_i32 : i32, i32
  }
  func.func @transform_2(%arg0: i32) -> (i32, i32) {
    %c0_i32 = arith.constant 0 : i32
    %c0_i32_0 = arith.constant 0 : i32
    %c0_i32_1 = arith.constant 0 : i32
    return %c0_i32, %c0_i32_0 : i32, i32
  }
  func.func @transform_3(%arg0: i32) -> (i32, i32) {
    %c0_i32 = arith.constant 0 : i32
    %c0_i32_0 = arith.constant 0 : i32
    %c0_i32_1 = arith.constant 0 : i32
    return %c0_i32, %c0_i32_0 : i32, i32
  }
  func.func @transform_4(%arg0: i32) -> (i32, i32, i32) {
    %add3A = arith.constant 0 : i32
    %add3A_0 = arith.addi %arg0, %add3A : i32
    %c0_i32 = arith.constant 0 : i32
    %c0_i32_1 = arith.constant 0 : i32
    %c0_i32_2 = arith.constant 0 : i32
    return %add3A_0, %c0_i32, %c0_i32_1 : i32, i32, i32
  }
}

module attributes {stable_mosaic.version = 14 : i64} {
  func.func @_ln_body(%arg0: i32, %arg1: memref<8192x64xf32, #tpu.memory_space<vmem>>, %arg2: memref<128x1xf32, #tpu.memory_space<vmem>>, %arg3: memref<64x1xf32, #tpu.memory_space<vmem>>, %arg4: memref<64x1xf32, #tpu.memory_space<vmem>>, %arg5: memref<2x64x4096xf32, #tpu.memory_space<vmem>>, %arg6: memref<2x64x4096xf32, #tpu.memory_space<vmem>>) attributes {dimension_semantics = [#tpu.dimension_semantics<arbitrary>], iteration_bounds = array<i64: 20>, scalar_prefetch = 0 : i64, scratch_operands = 0 : i64, tpu.core_type = #tpu.core_type<tc>, window_params = [{transform_indices = @transform_0, window_bounds = array<i64: 8192, 64>}, {transform_indices = @transform_1, window_bounds = array<i64: 128, 1>}, {pipeline_mode = #tpu.pipeline_mode<synchronous>, transform_indices = @transform_2, window_bounds = array<i64: 64, 1>}, {pipeline_mode = #tpu.pipeline_mode<synchronous>, transform_indices = @transform_3, window_bounds = array<i64: 64, 1>}, {transform_indices = @transform_4, window_bounds = array<i64: 2, 64, 4096>}, {transform_indices = @transform_5, window_bounds = array<i64: 2, 64, 4096>}]} {
    %get3A = arith.constant 0 : index
    %get3A_0 = arith.constant 0 : index
    %get3A_1 = vector.load %arg1[%get3A, %get3A_0] : memref<8192x64xf32, #tpu.memory_space<vmem>>, vector<4096x64xf32>
    %transpose3A = tpu.transpose %get3A_1, [1, 0] : vector<4096x64xf32> -> vector<64x4096xf32>
    %get3A_2 = arith.constant 0 : index
    %get3A_3 = arith.constant 0 : index
    %get3A_4 = vector.load %arg2[%get3A_2, %get3A_3] : memref<128x1xf32, #tpu.memory_space<vmem>>, vector<64x1xf32>
    %add3A = vector.broadcast %get3A_4 : vector<64x1xf32> to vector<64x4096xf32>
    %add3A_5 = arith.addf %transpose3A, %add3A : vector<64x4096xf32>
    %reduce_sum3A = arith.constant dense<0.000000e+00> : vector<4096xf32>
    %reduce_sum3A_6 = vector.multi_reduction <add>, %add3A_5, %reduce_sum3A [0] : vector<64x4096xf32> to vector<4096xf32>
    %broadcast_in_dim3A = vector.shape_cast %reduce_sum3A_6 : vector<4096xf32> to vector<1x4096xf32>
    %div3A = arith.constant 6.400000e+01 : f32
    %div3A_7 = vector.broadcast %div3A : f32 to vector<1x4096xf32>
    %div3A_8 = arith.divf %broadcast_in_dim3A, %div3A_7 : vector<1x4096xf32>
    %sub3A = vector.broadcast %div3A_8 : vector<1x4096xf32> to vector<64x4096xf32>
    %sub3A_9 = arith.subf %add3A_5, %sub3A : vector<64x4096xf32>
    %mul3A = arith.mulf %sub3A_9, %sub3A_9 : vector<64x4096xf32>
    %reduce_sum3A_10 = arith.constant dense<0.000000e+00> : vector<4096xf32>
    %reduce_sum3A_11 = vector.multi_reduction <add>, %mul3A, %reduce_sum3A_10 [0] : vector<64x4096xf32> to vector<4096xf32>
    %broadcast_in_dim3A_12 = vector.shape_cast %reduce_sum3A_11 : vector<4096xf32> to vector<1x4096xf32>
    %div3A_13 = arith.constant 6.400000e+01 : f32
    %div3A_14 = vector.broadcast %div3A_13 : f32 to vector<1x4096xf32>
    %div3A_15 = arith.divf %broadcast_in_dim3A_12, %div3A_14 : vector<1x4096xf32>
    %add3A_16 = arith.constant 9.99999974E-6 : f32
    %add3A_17 = vector.broadcast %add3A_16 : f32 to vector<1x4096xf32>
    %add3A_18 = arith.addf %div3A_15, %add3A_17 : vector<1x4096xf32>
    %rsqrt3A = math.rsqrt %add3A_18 : vector<1x4096xf32>
    %mul3A_19 = vector.broadcast %rsqrt3A : vector<1x4096xf32> to vector<64x4096xf32>
    %mul3A_20 = arith.mulf %sub3A_9, %mul3A_19 : vector<64x4096xf32>
    %get3A_21 = arith.constant 0 : index
    %get3A_22 = arith.constant 0 : index
    %get3A_23 = vector.load %arg3[%get3A_21, %get3A_22] : memref<64x1xf32, #tpu.memory_space<vmem>>, vector<64x1xf32>
    %mul3A_24 = vector.broadcast %get3A_23 : vector<64x1xf32> to vector<64x4096xf32>
    %mul3A_25 = arith.mulf %mul3A_20, %mul3A_24 : vector<64x4096xf32>
    %get3A_26 = arith.constant 0 : index
    %get3A_27 = arith.constant 0 : index
    %get3A_28 = vector.load %arg4[%get3A_26, %get3A_27] : memref<64x1xf32, #tpu.memory_space<vmem>>, vector<64x1xf32>
    %add3A_29 = vector.broadcast %get3A_28 : vector<64x1xf32> to vector<64x4096xf32>
    %add3A_30 = arith.addf %mul3A_25, %add3A_29 : vector<64x4096xf32>
    %swap3A = arith.constant 0 : index
    %swap3A_31 = arith.constant 0 : index
    %swap3A_32 = arith.constant 0 : index
    %swap3A_33 = vector.load %arg6[%swap3A, %swap3A_31, %swap3A_32] : memref<2x64x4096xf32, #tpu.memory_space<vmem>>, vector<1x64x4096xf32>
    %swap3A_34 = vector.shape_cast %swap3A_33 : vector<1x64x4096xf32> to vector<64x4096xf32>
    %swap3A_35 = vector.shape_cast %add3A_30 : vector<64x4096xf32> to vector<1x64x4096xf32>
    tpu.vector_store %arg6[%swap3A, %swap3A_31, %swap3A_32], %swap3A_35 {strides = array<i32>} : memref<2x64x4096xf32, #tpu.memory_space<vmem>>, vector<1x64x4096xf32>,
    %get3A_36 = arith.constant 4096 : index
    %get3A_37 = arith.constant 0 : index
    %get3A_38 = vector.load %arg1[%get3A_36, %get3A_37] : memref<8192x64xf32, #tpu.memory_space<vmem>>, vector<4096x64xf32>
    %transpose3A_39 = tpu.transpose %get3A_38, [1, 0] : vector<4096x64xf32> -> vector<64x4096xf32>
    %get3A_40 = arith.constant 64 : index
    %get3A_41 = arith.constant 0 : index
    %get3A_42 = vector.load %arg2[%get3A_40, %get3A_41] : memref<128x1xf32, #tpu.memory_space<vmem>>, vector<64x1xf32>
    %add3A_43 = vector.broadcast %get3A_42 : vector<64x1xf32> to vector<64x4096xf32>
    %add3A_44 = arith.addf %transpose3A_39, %add3A_43 : vector<64x4096xf32>
    %reduce_sum3A_45 = arith.constant dense<0.000000e+00> : vector<4096xf32>
    %reduce_sum3A_46 = vector.multi_reduction <add>, %add3A_44, %reduce_sum3A_45 [0] : vector<64x4096xf32> to vector<4096xf32>
    %broadcast_in_dim3A_47 = vector.shape_cast %reduce_sum3A_46 : vector<4096xf32> to vector<1x4096xf32>
    %div3A_48 = arith.constant 6.400000e+01 : f32
    %div3A_49 = vector.broadcast %div3A_48 : f32 to vector<1x4096xf32>
    %div3A_50 = arith.divf %broadcast_in_dim3A_47, %div3A_49 : vector<1x4096xf32>
    %sub3A_51 = vector.broadcast %div3A_50 : vector<1x4096xf32> to vector<64x4096xf32>
    %sub3A_52 = arith.subf %add3A_44, %sub3A_51 : vector<64x4096xf32>
    %mul3A_53 = arith.mulf %sub3A_52, %sub3A_52 : vector<64x4096xf32>
    %reduce_sum3A_54 = arith.constant dense<0.000000e+00> : vector<4096xf32>
    %reduce_sum3A_55 = vector.multi_reduction <add>, %mul3A_53, %reduce_sum3A_54 [0] : vector<64x4096xf32> to vector<4096xf32>
    %broadcast_in_dim3A_56 = vector.shape_cast %reduce_sum3A_55 : vector<4096xf32> to vector<1x4096xf32>
    %div3A_57 = arith.constant 6.400000e+01 : f32
    %div3A_58 = vector.broadcast %div3A_57 : f32 to vector<1x4096xf32>
    %div3A_59 = arith.divf %broadcast_in_dim3A_56, %div3A_58 : vector<1x4096xf32>
    %add3A_60 = arith.constant 9.99999974E-6 : f32
    %add3A_61 = vector.broadcast %add3A_60 : f32 to vector<1x4096xf32>
    %add3A_62 = arith.addf %div3A_59, %add3A_61 : vector<1x4096xf32>
    %rsqrt3A_63 = math.rsqrt %add3A_62 : vector<1x4096xf32>
    %mul3A_64 = vector.broadcast %rsqrt3A_63 : vector<1x4096xf32> to vector<64x4096xf32>
    %mul3A_65 = arith.mulf %sub3A_52, %mul3A_64 : vector<64x4096xf32>
    %get3A_66 = arith.constant 0 : index
    %get3A_67 = arith.constant 0 : index
    %get3A_68 = vector.load %arg3[%get3A_66, %get3A_67] : memref<64x1xf32, #tpu.memory_space<vmem>>, vector<64x1xf32>
    %mul3A_69 = vector.broadcast %get3A_68 : vector<64x1xf32> to vector<64x4096xf32>
    %mul3A_70 = arith.mulf %mul3A_65, %mul3A_69 : vector<64x4096xf32>
    %get3A_71 = arith.constant 0 : index
    %get3A_72 = arith.constant 0 : index
    %get3A_73 = vector.load %arg4[%get3A_71, %get3A_72] : memref<64x1xf32, #tpu.memory_space<vmem>>, vector<64x1xf32>
    %add3A_74 = vector.broadcast %get3A_73 : vector<64x1xf32> to vector<64x4096xf32>
    %add3A_75 = arith.addf %mul3A_70, %add3A_74 : vector<64x4096xf32>
    %swap3A_76 = arith.constant 1 : index
    %swap3A_77 = arith.constant 0 : index
    %swap3A_78 = arith.constant 0 : index
    %swap3A_79 = vector.load %arg6[%swap3A_76, %swap3A_77, %swap3A_78] : memref<2x64x4096xf32, #tpu.memory_space<vmem>>, vector<1x64x4096xf32>
    %swap3A_80 = vector.shape_cast %swap3A_79 : vector<1x64x4096xf32> to vector<64x4096xf32>
    %swap3A_81 = vector.shape_cast %add3A_75 : vector<64x4096xf32> to vector<1x64x4096xf32>
    tpu.vector_store %arg6[%swap3A_76, %swap3A_77, %swap3A_78], %swap3A_81 {strides = array<i32>} : memref<2x64x4096xf32, #tpu.memory_space<vmem>>, vector<1x64x4096xf32>,
    return
  }
  func.func @transform_0(%arg0: i32) -> (i32, i32) {
    %c0_i32 = arith.constant 0 : i32
    %c0_i32_0 = arith.constant 0 : i32
    return %arg0, %c0_i32 : i32, i32
  }
  func.func @transform_1(%arg0: i32) -> (i32, i32) {
    %c0_i32 = arith.constant 0 : i32
    %c0_i32_0 = arith.constant 0 : i32
    return %arg0, %c0_i32 : i32, i32
  }
  func.func @transform_2(%arg0: i32) -> (i32, i32) {
    %c0_i32 = arith.constant 0 : i32
    %c0_i32_0 = arith.constant 0 : i32
    %c0_i32_1 = arith.constant 0 : i32
    return %c0_i32, %c0_i32_0 : i32, i32
  }
  func.func @transform_3(%arg0: i32) -> (i32, i32) {
    %c0_i32 = arith.constant 0 : i32
    %c0_i32_0 = arith.constant 0 : i32
    %c0_i32_1 = arith.constant 0 : i32
    return %c0_i32, %c0_i32_0 : i32, i32
  }
  func.func @transform_4(%arg0: i32) -> (i32, i32, i32) {
    %c0_i32 = arith.constant 0 : i32
    %c0_i32_0 = arith.constant 0 : i32
    %c0_i32_1 = arith.constant 0 : i32
    %c0_i32_2 = arith.constant 0 : i32
    return %c0_i32, %c0_i32_0, %c0_i32_1 : i32, i32, i32
  }
  func.func @transform_5(%arg0: i32) -> (i32, i32, i32) {
    %add3A = arith.constant 20 : i32
    %add3A_0 = arith.addi %arg0, %add3A : i32
    %c0_i32 = arith.constant 0 : i32
    %c0_i32_1 = arith.constant 0 : i32
    %c0_i32_2 = arith.constant 0 : i32
    return %add3A_0, %c0_i32, %c0_i32_1 : i32, i32, i32
  }
}

module attributes {stable_mosaic.version = 14 : i64} {
  func.func @_ln_body(%arg0: i32, %arg1: memref<8192x64xf32, #tpu.memory_space<vmem>>, %arg2: memref<128x1xf32, #tpu.memory_space<vmem>>, %arg3: memref<64x1xf32, #tpu.memory_space<vmem>>, %arg4: memref<64x1xf32, #tpu.memory_space<vmem>>, %arg5: memref<2x64x4096xf32, #tpu.memory_space<vmem>>, %arg6: memref<2x64x4096xf32, #tpu.memory_space<vmem>>) attributes {dimension_semantics = [#tpu.dimension_semantics<arbitrary>], iteration_bounds = array<i64: 20>, scalar_prefetch = 0 : i64, scratch_operands = 0 : i64, tpu.core_type = #tpu.core_type<tc>, window_params = [{transform_indices = @transform_0, window_bounds = array<i64: 8192, 64>}, {transform_indices = @transform_1, window_bounds = array<i64: 128, 1>}, {pipeline_mode = #tpu.pipeline_mode<synchronous>, transform_indices = @transform_2, window_bounds = array<i64: 64, 1>}, {pipeline_mode = #tpu.pipeline_mode<synchronous>, transform_indices = @transform_3, window_bounds = array<i64: 64, 1>}, {transform_indices = @transform_4, window_bounds = array<i64: 2, 64, 4096>}, {transform_indices = @transform_5, window_bounds = array<i64: 2, 64, 4096>}]} {
    %get3A = arith.constant 0 : index
    %get3A_0 = arith.constant 0 : index
    %get3A_1 = vector.load %arg1[%get3A, %get3A_0] : memref<8192x64xf32, #tpu.memory_space<vmem>>, vector<4096x64xf32>
    %transpose3A = tpu.transpose %get3A_1, [1, 0] : vector<4096x64xf32> -> vector<64x4096xf32>
    %get3A_2 = arith.constant 0 : index
    %get3A_3 = arith.constant 0 : index
    %get3A_4 = vector.load %arg2[%get3A_2, %get3A_3] : memref<128x1xf32, #tpu.memory_space<vmem>>, vector<64x1xf32>
    %add3A = vector.broadcast %get3A_4 : vector<64x1xf32> to vector<64x4096xf32>
    %add3A_5 = arith.addf %transpose3A, %add3A : vector<64x4096xf32>
    %reduce_sum3A = arith.constant dense<0.000000e+00> : vector<4096xf32>
    %reduce_sum3A_6 = vector.multi_reduction <add>, %add3A_5, %reduce_sum3A [0] : vector<64x4096xf32> to vector<4096xf32>
    %broadcast_in_dim3A = vector.shape_cast %reduce_sum3A_6 : vector<4096xf32> to vector<1x4096xf32>
    %div3A = arith.constant 6.400000e+01 : f32
    %div3A_7 = vector.broadcast %div3A : f32 to vector<1x4096xf32>
    %div3A_8 = arith.divf %broadcast_in_dim3A, %div3A_7 : vector<1x4096xf32>
    %sub3A = vector.broadcast %div3A_8 : vector<1x4096xf32> to vector<64x4096xf32>
    %sub3A_9 = arith.subf %add3A_5, %sub3A : vector<64x4096xf32>
    %mul3A = arith.mulf %sub3A_9, %sub3A_9 : vector<64x4096xf32>
    %reduce_sum3A_10 = arith.constant dense<0.000000e+00> : vector<4096xf32>
    %reduce_sum3A_11 = vector.multi_reduction <add>, %mul3A, %reduce_sum3A_10 [0] : vector<64x4096xf32> to vector<4096xf32>
    %broadcast_in_dim3A_12 = vector.shape_cast %reduce_sum3A_11 : vector<4096xf32> to vector<1x4096xf32>
    %div3A_13 = arith.constant 6.400000e+01 : f32
    %div3A_14 = vector.broadcast %div3A_13 : f32 to vector<1x4096xf32>
    %div3A_15 = arith.divf %broadcast_in_dim3A_12, %div3A_14 : vector<1x4096xf32>
    %add3A_16 = arith.constant 9.99999974E-6 : f32
    %add3A_17 = vector.broadcast %add3A_16 : f32 to vector<1x4096xf32>
    %add3A_18 = arith.addf %div3A_15, %add3A_17 : vector<1x4096xf32>
    %rsqrt3A = math.rsqrt %add3A_18 : vector<1x4096xf32>
    %mul3A_19 = vector.broadcast %rsqrt3A : vector<1x4096xf32> to vector<64x4096xf32>
    %mul3A_20 = arith.mulf %sub3A_9, %mul3A_19 : vector<64x4096xf32>
    %get3A_21 = arith.constant 0 : index
    %get3A_22 = arith.constant 0 : index
    %get3A_23 = vector.load %arg3[%get3A_21, %get3A_22] : memref<64x1xf32, #tpu.memory_space<vmem>>, vector<64x1xf32>
    %mul3A_24 = vector.broadcast %get3A_23 : vector<64x1xf32> to vector<64x4096xf32>
    %mul3A_25 = arith.mulf %mul3A_20, %mul3A_24 : vector<64x4096xf32>
    %get3A_26 = arith.constant 0 : index
    %get3A_27 = arith.constant 0 : index
    %get3A_28 = vector.load %arg4[%get3A_26, %get3A_27] : memref<64x1xf32, #tpu.memory_space<vmem>>, vector<64x1xf32>
    %add3A_29 = vector.broadcast %get3A_28 : vector<64x1xf32> to vector<64x4096xf32>
    %add3A_30 = arith.addf %mul3A_25, %add3A_29 : vector<64x4096xf32>
    %swap3A = arith.constant 0 : index
    %swap3A_31 = arith.constant 0 : index
    %swap3A_32 = arith.constant 0 : index
    %swap3A_33 = vector.load %arg6[%swap3A, %swap3A_31, %swap3A_32] : memref<2x64x4096xf32, #tpu.memory_space<vmem>>, vector<1x64x4096xf32>
    %swap3A_34 = vector.shape_cast %swap3A_33 : vector<1x64x4096xf32> to vector<64x4096xf32>
    %swap3A_35 = vector.shape_cast %add3A_30 : vector<64x4096xf32> to vector<1x64x4096xf32>
    tpu.vector_store %arg6[%swap3A, %swap3A_31, %swap3A_32], %swap3A_35 {strides = array<i32>} : memref<2x64x4096xf32, #tpu.memory_space<vmem>>, vector<1x64x4096xf32>,
    %get3A_36 = arith.constant 4096 : index
    %get3A_37 = arith.constant 0 : index
    %get3A_38 = vector.load %arg1[%get3A_36, %get3A_37] : memref<8192x64xf32, #tpu.memory_space<vmem>>, vector<4096x64xf32>
    %transpose3A_39 = tpu.transpose %get3A_38, [1, 0] : vector<4096x64xf32> -> vector<64x4096xf32>
    %get3A_40 = arith.constant 64 : index
    %get3A_41 = arith.constant 0 : index
    %get3A_42 = vector.load %arg2[%get3A_40, %get3A_41] : memref<128x1xf32, #tpu.memory_space<vmem>>, vector<64x1xf32>
    %add3A_43 = vector.broadcast %get3A_42 : vector<64x1xf32> to vector<64x4096xf32>
    %add3A_44 = arith.addf %transpose3A_39, %add3A_43 : vector<64x4096xf32>
    %reduce_sum3A_45 = arith.constant dense<0.000000e+00> : vector<4096xf32>
    %reduce_sum3A_46 = vector.multi_reduction <add>, %add3A_44, %reduce_sum3A_45 [0] : vector<64x4096xf32> to vector<4096xf32>
    %broadcast_in_dim3A_47 = vector.shape_cast %reduce_sum3A_46 : vector<4096xf32> to vector<1x4096xf32>
    %div3A_48 = arith.constant 6.400000e+01 : f32
    %div3A_49 = vector.broadcast %div3A_48 : f32 to vector<1x4096xf32>
    %div3A_50 = arith.divf %broadcast_in_dim3A_47, %div3A_49 : vector<1x4096xf32>
    %sub3A_51 = vector.broadcast %div3A_50 : vector<1x4096xf32> to vector<64x4096xf32>
    %sub3A_52 = arith.subf %add3A_44, %sub3A_51 : vector<64x4096xf32>
    %mul3A_53 = arith.mulf %sub3A_52, %sub3A_52 : vector<64x4096xf32>
    %reduce_sum3A_54 = arith.constant dense<0.000000e+00> : vector<4096xf32>
    %reduce_sum3A_55 = vector.multi_reduction <add>, %mul3A_53, %reduce_sum3A_54 [0] : vector<64x4096xf32> to vector<4096xf32>
    %broadcast_in_dim3A_56 = vector.shape_cast %reduce_sum3A_55 : vector<4096xf32> to vector<1x4096xf32>
    %div3A_57 = arith.constant 6.400000e+01 : f32
    %div3A_58 = vector.broadcast %div3A_57 : f32 to vector<1x4096xf32>
    %div3A_59 = arith.divf %broadcast_in_dim3A_56, %div3A_58 : vector<1x4096xf32>
    %add3A_60 = arith.constant 9.99999974E-6 : f32
    %add3A_61 = vector.broadcast %add3A_60 : f32 to vector<1x4096xf32>
    %add3A_62 = arith.addf %div3A_59, %add3A_61 : vector<1x4096xf32>
    %rsqrt3A_63 = math.rsqrt %add3A_62 : vector<1x4096xf32>
    %mul3A_64 = vector.broadcast %rsqrt3A_63 : vector<1x4096xf32> to vector<64x4096xf32>
    %mul3A_65 = arith.mulf %sub3A_52, %mul3A_64 : vector<64x4096xf32>
    %get3A_66 = arith.constant 0 : index
    %get3A_67 = arith.constant 0 : index
    %get3A_68 = vector.load %arg3[%get3A_66, %get3A_67] : memref<64x1xf32, #tpu.memory_space<vmem>>, vector<64x1xf32>
    %mul3A_69 = vector.broadcast %get3A_68 : vector<64x1xf32> to vector<64x4096xf32>
    %mul3A_70 = arith.mulf %mul3A_65, %mul3A_69 : vector<64x4096xf32>
    %get3A_71 = arith.constant 0 : index
    %get3A_72 = arith.constant 0 : index
    %get3A_73 = vector.load %arg4[%get3A_71, %get3A_72] : memref<64x1xf32, #tpu.memory_space<vmem>>, vector<64x1xf32>
    %add3A_74 = vector.broadcast %get3A_73 : vector<64x1xf32> to vector<64x4096xf32>
    %add3A_75 = arith.addf %mul3A_70, %add3A_74 : vector<64x4096xf32>
    %swap3A_76 = arith.constant 1 : index
    %swap3A_77 = arith.constant 0 : index
    %swap3A_78 = arith.constant 0 : index
    %swap3A_79 = vector.load %arg6[%swap3A_76, %swap3A_77, %swap3A_78] : memref<2x64x4096xf32, #tpu.memory_space<vmem>>, vector<1x64x4096xf32>
    %swap3A_80 = vector.shape_cast %swap3A_79 : vector<1x64x4096xf32> to vector<64x4096xf32>
    %swap3A_81 = vector.shape_cast %add3A_75 : vector<64x4096xf32> to vector<1x64x4096xf32>
    tpu.vector_store %arg6[%swap3A_76, %swap3A_77, %swap3A_78], %swap3A_81 {strides = array<i32>} : memref<2x64x4096xf32, #tpu.memory_space<vmem>>, vector<1x64x4096xf32>,
    return
  }
  func.func @transform_0(%arg0: i32) -> (i32, i32) {
    %c0_i32 = arith.constant 0 : i32
    %c0_i32_0 = arith.constant 0 : i32
    return %arg0, %c0_i32 : i32, i32
  }
  func.func @transform_1(%arg0: i32) -> (i32, i32) {
    %c0_i32 = arith.constant 0 : i32
    %c0_i32_0 = arith.constant 0 : i32
    return %arg0, %c0_i32 : i32, i32
  }
  func.func @transform_2(%arg0: i32) -> (i32, i32) {
    %c0_i32 = arith.constant 0 : i32
    %c0_i32_0 = arith.constant 0 : i32
    %c0_i32_1 = arith.constant 0 : i32
    return %c0_i32, %c0_i32_0 : i32, i32
  }
  func.func @transform_3(%arg0: i32) -> (i32, i32) {
    %c0_i32 = arith.constant 0 : i32
    %c0_i32_0 = arith.constant 0 : i32
    %c0_i32_1 = arith.constant 0 : i32
    return %c0_i32, %c0_i32_0 : i32, i32
  }
  func.func @transform_4(%arg0: i32) -> (i32, i32, i32) {
    %c0_i32 = arith.constant 0 : i32
    %c0_i32_0 = arith.constant 0 : i32
    %c0_i32_1 = arith.constant 0 : i32
    %c0_i32_2 = arith.constant 0 : i32
    return %c0_i32, %c0_i32_0, %c0_i32_1 : i32, i32, i32
  }
  func.func @transform_5(%arg0: i32) -> (i32, i32, i32) {
    %add3A = arith.constant 40 : i32
    %add3A_0 = arith.addi %arg0, %add3A : i32
    %c0_i32 = arith.constant 0 : i32
    %c0_i32_1 = arith.constant 0 : i32
    %c0_i32_2 = arith.constant 0 : i32
    return %add3A_0, %c0_i32, %c0_i32_1 : i32, i32, i32
  }
}

module attributes {stable_mosaic.version = 14 : i64} {
  func.func @_ln_body(%arg0: i32, %arg1: memref<8192x64xf32, #tpu.memory_space<vmem>>, %arg2: memref<128x1xf32, #tpu.memory_space<vmem>>, %arg3: memref<64x1xf32, #tpu.memory_space<vmem>>, %arg4: memref<64x1xf32, #tpu.memory_space<vmem>>, %arg5: memref<2x64x4096xf32, #tpu.memory_space<vmem>>, %arg6: memref<2x64x4096xf32, #tpu.memory_space<vmem>>) attributes {dimension_semantics = [#tpu.dimension_semantics<arbitrary>], iteration_bounds = array<i64: 20>, scalar_prefetch = 0 : i64, scratch_operands = 0 : i64, tpu.core_type = #tpu.core_type<tc>, window_params = [{transform_indices = @transform_0, window_bounds = array<i64: 8192, 64>}, {transform_indices = @transform_1, window_bounds = array<i64: 128, 1>}, {pipeline_mode = #tpu.pipeline_mode<synchronous>, transform_indices = @transform_2, window_bounds = array<i64: 64, 1>}, {pipeline_mode = #tpu.pipeline_mode<synchronous>, transform_indices = @transform_3, window_bounds = array<i64: 64, 1>}, {transform_indices = @transform_4, window_bounds = array<i64: 2, 64, 4096>}, {transform_indices = @transform_5, window_bounds = array<i64: 2, 64, 4096>}]} {
    %get3A = arith.constant 0 : index
    %get3A_0 = arith.constant 0 : index
    %get3A_1 = vector.load %arg1[%get3A, %get3A_0] : memref<8192x64xf32, #tpu.memory_space<vmem>>, vector<4096x64xf32>
    %transpose3A = tpu.transpose %get3A_1, [1, 0] : vector<4096x64xf32> -> vector<64x4096xf32>
    %get3A_2 = arith.constant 0 : index
    %get3A_3 = arith.constant 0 : index
    %get3A_4 = vector.load %arg2[%get3A_2, %get3A_3] : memref<128x1xf32, #tpu.memory_space<vmem>>, vector<64x1xf32>
    %add3A = vector.broadcast %get3A_4 : vector<64x1xf32> to vector<64x4096xf32>
    %add3A_5 = arith.addf %transpose3A, %add3A : vector<64x4096xf32>
    %reduce_sum3A = arith.constant dense<0.000000e+00> : vector<4096xf32>
    %reduce_sum3A_6 = vector.multi_reduction <add>, %add3A_5, %reduce_sum3A [0] : vector<64x4096xf32> to vector<4096xf32>
    %broadcast_in_dim3A = vector.shape_cast %reduce_sum3A_6 : vector<4096xf32> to vector<1x4096xf32>
    %div3A = arith.constant 6.400000e+01 : f32
    %div3A_7 = vector.broadcast %div3A : f32 to vector<1x4096xf32>
    %div3A_8 = arith.divf %broadcast_in_dim3A, %div3A_7 : vector<1x4096xf32>
    %sub3A = vector.broadcast %div3A_8 : vector<1x4096xf32> to vector<64x4096xf32>
    %sub3A_9 = arith.subf %add3A_5, %sub3A : vector<64x4096xf32>
    %mul3A = arith.mulf %sub3A_9, %sub3A_9 : vector<64x4096xf32>
    %reduce_sum3A_10 = arith.constant dense<0.000000e+00> : vector<4096xf32>
    %reduce_sum3A_11 = vector.multi_reduction <add>, %mul3A, %reduce_sum3A_10 [0] : vector<64x4096xf32> to vector<4096xf32>
    %broadcast_in_dim3A_12 = vector.shape_cast %reduce_sum3A_11 : vector<4096xf32> to vector<1x4096xf32>
    %div3A_13 = arith.constant 6.400000e+01 : f32
    %div3A_14 = vector.broadcast %div3A_13 : f32 to vector<1x4096xf32>
    %div3A_15 = arith.divf %broadcast_in_dim3A_12, %div3A_14 : vector<1x4096xf32>
    %add3A_16 = arith.constant 9.99999974E-6 : f32
    %add3A_17 = vector.broadcast %add3A_16 : f32 to vector<1x4096xf32>
    %add3A_18 = arith.addf %div3A_15, %add3A_17 : vector<1x4096xf32>
    %rsqrt3A = math.rsqrt %add3A_18 : vector<1x4096xf32>
    %mul3A_19 = vector.broadcast %rsqrt3A : vector<1x4096xf32> to vector<64x4096xf32>
    %mul3A_20 = arith.mulf %sub3A_9, %mul3A_19 : vector<64x4096xf32>
    %get3A_21 = arith.constant 0 : index
    %get3A_22 = arith.constant 0 : index
    %get3A_23 = vector.load %arg3[%get3A_21, %get3A_22] : memref<64x1xf32, #tpu.memory_space<vmem>>, vector<64x1xf32>
    %mul3A_24 = vector.broadcast %get3A_23 : vector<64x1xf32> to vector<64x4096xf32>
    %mul3A_25 = arith.mulf %mul3A_20, %mul3A_24 : vector<64x4096xf32>
    %get3A_26 = arith.constant 0 : index
    %get3A_27 = arith.constant 0 : index
    %get3A_28 = vector.load %arg4[%get3A_26, %get3A_27] : memref<64x1xf32, #tpu.memory_space<vmem>>, vector<64x1xf32>
    %add3A_29 = vector.broadcast %get3A_28 : vector<64x1xf32> to vector<64x4096xf32>
    %add3A_30 = arith.addf %mul3A_25, %add3A_29 : vector<64x4096xf32>
    %swap3A = arith.constant 0 : index
    %swap3A_31 = arith.constant 0 : index
    %swap3A_32 = arith.constant 0 : index
    %swap3A_33 = vector.load %arg6[%swap3A, %swap3A_31, %swap3A_32] : memref<2x64x4096xf32, #tpu.memory_space<vmem>>, vector<1x64x4096xf32>
    %swap3A_34 = vector.shape_cast %swap3A_33 : vector<1x64x4096xf32> to vector<64x4096xf32>
    %swap3A_35 = vector.shape_cast %add3A_30 : vector<64x4096xf32> to vector<1x64x4096xf32>
    tpu.vector_store %arg6[%swap3A, %swap3A_31, %swap3A_32], %swap3A_35 {strides = array<i32>} : memref<2x64x4096xf32, #tpu.memory_space<vmem>>, vector<1x64x4096xf32>,
    %get3A_36 = arith.constant 4096 : index
    %get3A_37 = arith.constant 0 : index
    %get3A_38 = vector.load %arg1[%get3A_36, %get3A_37] : memref<8192x64xf32, #tpu.memory_space<vmem>>, vector<4096x64xf32>
    %transpose3A_39 = tpu.transpose %get3A_38, [1, 0] : vector<4096x64xf32> -> vector<64x4096xf32>
    %get3A_40 = arith.constant 64 : index
    %get3A_41 = arith.constant 0 : index
    %get3A_42 = vector.load %arg2[%get3A_40, %get3A_41] : memref<128x1xf32, #tpu.memory_space<vmem>>, vector<64x1xf32>
    %add3A_43 = vector.broadcast %get3A_42 : vector<64x1xf32> to vector<64x4096xf32>
    %add3A_44 = arith.addf %transpose3A_39, %add3A_43 : vector<64x4096xf32>
    %reduce_sum3A_45 = arith.constant dense<0.000000e+00> : vector<4096xf32>
    %reduce_sum3A_46 = vector.multi_reduction <add>, %add3A_44, %reduce_sum3A_45 [0] : vector<64x4096xf32> to vector<4096xf32>
    %broadcast_in_dim3A_47 = vector.shape_cast %reduce_sum3A_46 : vector<4096xf32> to vector<1x4096xf32>
    %div3A_48 = arith.constant 6.400000e+01 : f32
    %div3A_49 = vector.broadcast %div3A_48 : f32 to vector<1x4096xf32>
    %div3A_50 = arith.divf %broadcast_in_dim3A_47, %div3A_49 : vector<1x4096xf32>
    %sub3A_51 = vector.broadcast %div3A_50 : vector<1x4096xf32> to vector<64x4096xf32>
    %sub3A_52 = arith.subf %add3A_44, %sub3A_51 : vector<64x4096xf32>
    %mul3A_53 = arith.mulf %sub3A_52, %sub3A_52 : vector<64x4096xf32>
    %reduce_sum3A_54 = arith.constant dense<0.000000e+00> : vector<4096xf32>
    %reduce_sum3A_55 = vector.multi_reduction <add>, %mul3A_53, %reduce_sum3A_54 [0] : vector<64x4096xf32> to vector<4096xf32>
    %broadcast_in_dim3A_56 = vector.shape_cast %reduce_sum3A_55 : vector<4096xf32> to vector<1x4096xf32>
    %div3A_57 = arith.constant 6.400000e+01 : f32
    %div3A_58 = vector.broadcast %div3A_57 : f32 to vector<1x4096xf32>
    %div3A_59 = arith.divf %broadcast_in_dim3A_56, %div3A_58 : vector<1x4096xf32>
    %add3A_60 = arith.constant 9.99999974E-6 : f32
    %add3A_61 = vector.broadcast %add3A_60 : f32 to vector<1x4096xf32>
    %add3A_62 = arith.addf %div3A_59, %add3A_61 : vector<1x4096xf32>
    %rsqrt3A_63 = math.rsqrt %add3A_62 : vector<1x4096xf32>
    %mul3A_64 = vector.broadcast %rsqrt3A_63 : vector<1x4096xf32> to vector<64x4096xf32>
    %mul3A_65 = arith.mulf %sub3A_52, %mul3A_64 : vector<64x4096xf32>
    %get3A_66 = arith.constant 0 : index
    %get3A_67 = arith.constant 0 : index
    %get3A_68 = vector.load %arg3[%get3A_66, %get3A_67] : memref<64x1xf32, #tpu.memory_space<vmem>>, vector<64x1xf32>
    %mul3A_69 = vector.broadcast %get3A_68 : vector<64x1xf32> to vector<64x4096xf32>
    %mul3A_70 = arith.mulf %mul3A_65, %mul3A_69 : vector<64x4096xf32>
    %get3A_71 = arith.constant 0 : index
    %get3A_72 = arith.constant 0 : index
    %get3A_73 = vector.load %arg4[%get3A_71, %get3A_72] : memref<64x1xf32, #tpu.memory_space<vmem>>, vector<64x1xf32>
    %add3A_74 = vector.broadcast %get3A_73 : vector<64x1xf32> to vector<64x4096xf32>
    %add3A_75 = arith.addf %mul3A_70, %add3A_74 : vector<64x4096xf32>
    %swap3A_76 = arith.constant 1 : index
    %swap3A_77 = arith.constant 0 : index
    %swap3A_78 = arith.constant 0 : index
    %swap3A_79 = vector.load %arg6[%swap3A_76, %swap3A_77, %swap3A_78] : memref<2x64x4096xf32, #tpu.memory_space<vmem>>, vector<1x64x4096xf32>
    %swap3A_80 = vector.shape_cast %swap3A_79 : vector<1x64x4096xf32> to vector<64x4096xf32>
    %swap3A_81 = vector.shape_cast %add3A_75 : vector<64x4096xf32> to vector<1x64x4096xf32>
    tpu.vector_store %arg6[%swap3A_76, %swap3A_77, %swap3A_78], %swap3A_81 {strides = array<i32>} : memref<2x64x4096xf32, #tpu.memory_space<vmem>>, vector<1x64x4096xf32>,
    return
  }
  func.func @transform_0(%arg0: i32) -> (i32, i32) {
    %c0_i32 = arith.constant 0 : i32
    %c0_i32_0 = arith.constant 0 : i32
    return %arg0, %c0_i32 : i32, i32
  }
  func.func @transform_1(%arg0: i32) -> (i32, i32) {
    %c0_i32 = arith.constant 0 : i32
    %c0_i32_0 = arith.constant 0 : i32
    return %arg0, %c0_i32 : i32, i32
  }
  func.func @transform_2(%arg0: i32) -> (i32, i32) {
    %c0_i32 = arith.constant 0 : i32
    %c0_i32_0 = arith.constant 0 : i32
    %c0_i32_1 = arith.constant 0 : i32
    return %c0_i32, %c0_i32_0 : i32, i32
  }
  func.func @transform_3(%arg0: i32) -> (i32, i32) {
    %c0_i32 = arith.constant 0 : i32
    %c0_i32_0 = arith.constant 0 : i32
    %c0_i32_1 = arith.constant 0 : i32
    return %c0_i32, %c0_i32_0 : i32, i32
  }
  func.func @transform_4(%arg0: i32) -> (i32, i32, i32) {
    %c0_i32 = arith.constant 0 : i32
    %c0_i32_0 = arith.constant 0 : i32
    %c0_i32_1 = arith.constant 0 : i32
    %c0_i32_2 = arith.constant 0 : i32
    return %c0_i32, %c0_i32_0, %c0_i32_1 : i32, i32, i32
  }
  func.func @transform_5(%arg0: i32) -> (i32, i32, i32) {
    %add3A = arith.constant 60 : i32
    %add3A_0 = arith.addi %arg0, %add3A : i32
    %c0_i32 = arith.constant 0 : i32
    %c0_i32_1 = arith.constant 0 : i32
    %c0_i32_2 = arith.constant 0 : i32
    return %add3A_0, %c0_i32, %c0_i32_1 : i32, i32, i32
  }
}

module attributes {stable_mosaic.version = 14 : i64} {
  func.func @_ln_body(%arg0: i32, %arg1: memref<8192x64xf32, #tpu.memory_space<vmem>>, %arg2: memref<128x1xf32, #tpu.memory_space<vmem>>, %arg3: memref<64x1xf32, #tpu.memory_space<vmem>>, %arg4: memref<64x1xf32, #tpu.memory_space<vmem>>, %arg5: memref<2x64x4096xf32, #tpu.memory_space<vmem>>, %arg6: memref<2x64x4096xf32, #tpu.memory_space<vmem>>) attributes {dimension_semantics = [#tpu.dimension_semantics<arbitrary>], iteration_bounds = array<i64: 20>, scalar_prefetch = 0 : i64, scratch_operands = 0 : i64, tpu.core_type = #tpu.core_type<tc>, window_params = [{transform_indices = @transform_0, window_bounds = array<i64: 8192, 64>}, {transform_indices = @transform_1, window_bounds = array<i64: 128, 1>}, {pipeline_mode = #tpu.pipeline_mode<synchronous>, transform_indices = @transform_2, window_bounds = array<i64: 64, 1>}, {pipeline_mode = #tpu.pipeline_mode<synchronous>, transform_indices = @transform_3, window_bounds = array<i64: 64, 1>}, {transform_indices = @transform_4, window_bounds = array<i64: 2, 64, 4096>}, {transform_indices = @transform_5, window_bounds = array<i64: 2, 64, 4096>}]} {
    %get3A = arith.constant 0 : index
    %get3A_0 = arith.constant 0 : index
    %get3A_1 = vector.load %arg1[%get3A, %get3A_0] : memref<8192x64xf32, #tpu.memory_space<vmem>>, vector<4096x64xf32>
    %transpose3A = tpu.transpose %get3A_1, [1, 0] : vector<4096x64xf32> -> vector<64x4096xf32>
    %get3A_2 = arith.constant 0 : index
    %get3A_3 = arith.constant 0 : index
    %get3A_4 = vector.load %arg2[%get3A_2, %get3A_3] : memref<128x1xf32, #tpu.memory_space<vmem>>, vector<64x1xf32>
    %add3A = vector.broadcast %get3A_4 : vector<64x1xf32> to vector<64x4096xf32>
    %add3A_5 = arith.addf %transpose3A, %add3A : vector<64x4096xf32>
    %reduce_sum3A = arith.constant dense<0.000000e+00> : vector<4096xf32>
    %reduce_sum3A_6 = vector.multi_reduction <add>, %add3A_5, %reduce_sum3A [0] : vector<64x4096xf32> to vector<4096xf32>
    %broadcast_in_dim3A = vector.shape_cast %reduce_sum3A_6 : vector<4096xf32> to vector<1x4096xf32>
    %div3A = arith.constant 6.400000e+01 : f32
    %div3A_7 = vector.broadcast %div3A : f32 to vector<1x4096xf32>
    %div3A_8 = arith.divf %broadcast_in_dim3A, %div3A_7 : vector<1x4096xf32>
    %sub3A = vector.broadcast %div3A_8 : vector<1x4096xf32> to vector<64x4096xf32>
    %sub3A_9 = arith.subf %add3A_5, %sub3A : vector<64x4096xf32>
    %mul3A = arith.mulf %sub3A_9, %sub3A_9 : vector<64x4096xf32>
    %reduce_sum3A_10 = arith.constant dense<0.000000e+00> : vector<4096xf32>
    %reduce_sum3A_11 = vector.multi_reduction <add>, %mul3A, %reduce_sum3A_10 [0] : vector<64x4096xf32> to vector<4096xf32>
    %broadcast_in_dim3A_12 = vector.shape_cast %reduce_sum3A_11 : vector<4096xf32> to vector<1x4096xf32>
    %div3A_13 = arith.constant 6.400000e+01 : f32
    %div3A_14 = vector.broadcast %div3A_13 : f32 to vector<1x4096xf32>
    %div3A_15 = arith.divf %broadcast_in_dim3A_12, %div3A_14 : vector<1x4096xf32>
    %add3A_16 = arith.constant 9.99999974E-6 : f32
    %add3A_17 = vector.broadcast %add3A_16 : f32 to vector<1x4096xf32>
    %add3A_18 = arith.addf %div3A_15, %add3A_17 : vector<1x4096xf32>
    %rsqrt3A = math.rsqrt %add3A_18 : vector<1x4096xf32>
    %mul3A_19 = vector.broadcast %rsqrt3A : vector<1x4096xf32> to vector<64x4096xf32>
    %mul3A_20 = arith.mulf %sub3A_9, %mul3A_19 : vector<64x4096xf32>
    %get3A_21 = arith.constant 0 : index
    %get3A_22 = arith.constant 0 : index
    %get3A_23 = vector.load %arg3[%get3A_21, %get3A_22] : memref<64x1xf32, #tpu.memory_space<vmem>>, vector<64x1xf32>
    %mul3A_24 = vector.broadcast %get3A_23 : vector<64x1xf32> to vector<64x4096xf32>
    %mul3A_25 = arith.mulf %mul3A_20, %mul3A_24 : vector<64x4096xf32>
    %get3A_26 = arith.constant 0 : index
    %get3A_27 = arith.constant 0 : index
    %get3A_28 = vector.load %arg4[%get3A_26, %get3A_27] : memref<64x1xf32, #tpu.memory_space<vmem>>, vector<64x1xf32>
    %add3A_29 = vector.broadcast %get3A_28 : vector<64x1xf32> to vector<64x4096xf32>
    %add3A_30 = arith.addf %mul3A_25, %add3A_29 : vector<64x4096xf32>
    %swap3A = arith.constant 0 : index
    %swap3A_31 = arith.constant 0 : index
    %swap3A_32 = arith.constant 0 : index
    %swap3A_33 = vector.load %arg6[%swap3A, %swap3A_31, %swap3A_32] : memref<2x64x4096xf32, #tpu.memory_space<vmem>>, vector<1x64x4096xf32>
    %swap3A_34 = vector.shape_cast %swap3A_33 : vector<1x64x4096xf32> to vector<64x4096xf32>
    %swap3A_35 = vector.shape_cast %add3A_30 : vector<64x4096xf32> to vector<1x64x4096xf32>
    tpu.vector_store %arg6[%swap3A, %swap3A_31, %swap3A_32], %swap3A_35 {strides = array<i32>} : memref<2x64x4096xf32, #tpu.memory_space<vmem>>, vector<1x64x4096xf32>,
    %get3A_36 = arith.constant 4096 : index
    %get3A_37 = arith.constant 0 : index
    %get3A_38 = vector.load %arg1[%get3A_36, %get3A_37] : memref<8192x64xf32, #tpu.memory_space<vmem>>, vector<4096x64xf32>
    %transpose3A_39 = tpu.transpose %get3A_38, [1, 0] : vector<4096x64xf32> -> vector<64x4096xf32>
    %get3A_40 = arith.constant 64 : index
    %get3A_41 = arith.constant 0 : index
    %get3A_42 = vector.load %arg2[%get3A_40, %get3A_41] : memref<128x1xf32, #tpu.memory_space<vmem>>, vector<64x1xf32>
    %add3A_43 = vector.broadcast %get3A_42 : vector<64x1xf32> to vector<64x4096xf32>
    %add3A_44 = arith.addf %transpose3A_39, %add3A_43 : vector<64x4096xf32>
    %reduce_sum3A_45 = arith.constant dense<0.000000e+00> : vector<4096xf32>
    %reduce_sum3A_46 = vector.multi_reduction <add>, %add3A_44, %reduce_sum3A_45 [0] : vector<64x4096xf32> to vector<4096xf32>
    %broadcast_in_dim3A_47 = vector.shape_cast %reduce_sum3A_46 : vector<4096xf32> to vector<1x4096xf32>
    %div3A_48 = arith.constant 6.400000e+01 : f32
    %div3A_49 = vector.broadcast %div3A_48 : f32 to vector<1x4096xf32>
    %div3A_50 = arith.divf %broadcast_in_dim3A_47, %div3A_49 : vector<1x4096xf32>
    %sub3A_51 = vector.broadcast %div3A_50 : vector<1x4096xf32> to vector<64x4096xf32>
    %sub3A_52 = arith.subf %add3A_44, %sub3A_51 : vector<64x4096xf32>
    %mul3A_53 = arith.mulf %sub3A_52, %sub3A_52 : vector<64x4096xf32>
    %reduce_sum3A_54 = arith.constant dense<0.000000e+00> : vector<4096xf32>
    %reduce_sum3A_55 = vector.multi_reduction <add>, %mul3A_53, %reduce_sum3A_54 [0] : vector<64x4096xf32> to vector<4096xf32>
    %broadcast_in_dim3A_56 = vector.shape_cast %reduce_sum3A_55 : vector<4096xf32> to vector<1x4096xf32>
    %div3A_57 = arith.constant 6.400000e+01 : f32
    %div3A_58 = vector.broadcast %div3A_57 : f32 to vector<1x4096xf32>
    %div3A_59 = arith.divf %broadcast_in_dim3A_56, %div3A_58 : vector<1x4096xf32>
    %add3A_60 = arith.constant 9.99999974E-6 : f32
    %add3A_61 = vector.broadcast %add3A_60 : f32 to vector<1x4096xf32>
    %add3A_62 = arith.addf %div3A_59, %add3A_61 : vector<1x4096xf32>
    %rsqrt3A_63 = math.rsqrt %add3A_62 : vector<1x4096xf32>
    %mul3A_64 = vector.broadcast %rsqrt3A_63 : vector<1x4096xf32> to vector<64x4096xf32>
    %mul3A_65 = arith.mulf %sub3A_52, %mul3A_64 : vector<64x4096xf32>
    %get3A_66 = arith.constant 0 : index
    %get3A_67 = arith.constant 0 : index
    %get3A_68 = vector.load %arg3[%get3A_66, %get3A_67] : memref<64x1xf32, #tpu.memory_space<vmem>>, vector<64x1xf32>
    %mul3A_69 = vector.broadcast %get3A_68 : vector<64x1xf32> to vector<64x4096xf32>
    %mul3A_70 = arith.mulf %mul3A_65, %mul3A_69 : vector<64x4096xf32>
    %get3A_71 = arith.constant 0 : index
    %get3A_72 = arith.constant 0 : index
    %get3A_73 = vector.load %arg4[%get3A_71, %get3A_72] : memref<64x1xf32, #tpu.memory_space<vmem>>, vector<64x1xf32>
    %add3A_74 = vector.broadcast %get3A_73 : vector<64x1xf32> to vector<64x4096xf32>
    %add3A_75 = arith.addf %mul3A_70, %add3A_74 : vector<64x4096xf32>
    %swap3A_76 = arith.constant 1 : index
    %swap3A_77 = arith.constant 0 : index
    %swap3A_78 = arith.constant 0 : index
    %swap3A_79 = vector.load %arg6[%swap3A_76, %swap3A_77, %swap3A_78] : memref<2x64x4096xf32, #tpu.memory_space<vmem>>, vector<1x64x4096xf32>
    %swap3A_80 = vector.shape_cast %swap3A_79 : vector<1x64x4096xf32> to vector<64x4096xf32>
    %swap3A_81 = vector.shape_cast %add3A_75 : vector<64x4096xf32> to vector<1x64x4096xf32>
    tpu.vector_store %arg6[%swap3A_76, %swap3A_77, %swap3A_78], %swap3A_81 {strides = array<i32>} : memref<2x64x4096xf32, #tpu.memory_space<vmem>>, vector<1x64x4096xf32>,
    return
  }
  func.func @transform_0(%arg0: i32) -> (i32, i32) {
    %c0_i32 = arith.constant 0 : i32
    %c0_i32_0 = arith.constant 0 : i32
    return %arg0, %c0_i32 : i32, i32
  }
  func.func @transform_1(%arg0: i32) -> (i32, i32) {
    %c0_i32 = arith.constant 0 : i32
    %c0_i32_0 = arith.constant 0 : i32
    return %arg0, %c0_i32 : i32, i32
  }
  func.func @transform_2(%arg0: i32) -> (i32, i32) {
    %c0_i32 = arith.constant 0 : i32
    %c0_i32_0 = arith.constant 0 : i32
    %c0_i32_1 = arith.constant 0 : i32
    return %c0_i32, %c0_i32_0 : i32, i32
  }
  func.func @transform_3(%arg0: i32) -> (i32, i32) {
    %c0_i32 = arith.constant 0 : i32
    %c0_i32_0 = arith.constant 0 : i32
    %c0_i32_1 = arith.constant 0 : i32
    return %c0_i32, %c0_i32_0 : i32, i32
  }
  func.func @transform_4(%arg0: i32) -> (i32, i32, i32) {
    %c0_i32 = arith.constant 0 : i32
    %c0_i32_0 = arith.constant 0 : i32
    %c0_i32_1 = arith.constant 0 : i32
    %c0_i32_2 = arith.constant 0 : i32
    return %c0_i32, %c0_i32_0, %c0_i32_1 : i32, i32, i32
  }
  func.func @transform_5(%arg0: i32) -> (i32, i32, i32) {
    %add3A = arith.constant 80 : i32
    %add3A_0 = arith.addi %arg0, %add3A : i32
    %c0_i32 = arith.constant 0 : i32
    %c0_i32_1 = arith.constant 0 : i32
    %c0_i32_2 = arith.constant 0 : i32
    return %add3A_0, %c0_i32, %c0_i32_1 : i32, i32, i32
  }
}

</mosaic_0001>

<sc_bundles>
// kernel: kernel.12.cloned.1.call-start
scs
__scs_entry_jumppad:
0x0: {  	(pc) =	sbr.rel $0x88, $3  }
0x1: {  	(tag) =	ssettag $0x0;
	lr =	simm.s32 $0x1  }
0x2: {  	[smem:$0x3F9C] =	sst lr;
	_ =	strace $0xD0000000  }
0x3: {  	_ = 	snop  }
0x4: {  	_ = 	snop  }
0x5: {  	_ = 	snop  }
0x6: {  	_ = 	snop  }
0x7: {  	_ = 	snop  }
__scs_overlays_trampoline_lowered:
0x8: {  	[smem:$0x3FAB] =	sst s0  }
0x9: {  	[smem:$0x3FAC] =	sst s1  }
0xa: {  	[smem:$0x3FAD] =	sst s2  }
0xb: {  	[smem:$0x3FAE] =	sst s3  }
0xc: {  	[smem:$0x3FAF] =	sst s4  }
0xd: {  	[smem:$0x3FB0] =	sst s5  }
0xe: {  	[smem:$0x3FB1] =	sst s6  }
0xf: {  	[smem:$0x3FB2] =	sst s7  }
0x10: {  	[smem:$0x3FB3] =	sst s8  }
0x11: {  	[smem:$0x3FB4] =	sst s9;
	s0 =	simm.s32 @!p0 $0x0  }
0x12: {  	s1 =	sld [smem:$0x3F9A];
	s0 =	simm.s32 @p0 $0x1  }
0x13: {  	[smem:$0x3FB5] =	sst s0;
	s0 =	simm.s32 @!p1 $0x0  }
0x14: {  	s2 =	sld [smem:$0x3F99];
	s0 =	simm.s32 @p1 $0x1  }
0x15: {  	[smem:$0x3FB6] =	sst s0;
	s0 =	simm.s32 @!p2 $0x0  }
0x16: {  	s3 =	sld [smem:$0x3FDB];
	s0 =	simm.s32 @p2 $0x1  }
0x17: {  	s4 =	simm.s32 $0x1BF5;
	[smem:$0x3FB8] =	sst s0  }
0x18: {  	s0 =	sld [smem:$0x3F9B];
	_ =	swait.ge [sflag:s4], $0x0  }
0x19: {  	s7 =	sld [smem:$0x3F9C]  }
0x1a: {  	s8 =	sadd.s32 $0xFFFFE003, lr  }
0x1b: {  	s9 =	sadd.s32 $0xFFFFFEF7, lr;
	s5 =	simm.s32 $0xFFFFFFFF;
	p2 =	slt.u32 s8, $0xFFFFF086  }
0x1c: {  	p1 =	slt.u32 s9, $0xF7A;
	s5 =	simm.s32 @!p2 $0x0  }
0x1d: {  	s5 =	simm.s32 @p1 $0x1;
	p0 =	seq.s32 s7, s2  }
0x1e: {  	s7 =	smul.u32 @!p0 $0xF7A, s2;
	p2 =	seq.s32 @!p0 s5, $0x0  }
0x1f: {  	s9 =	smul.u32 $0xF7A, s1;
	s8 =	simm.s32 @!p0 $0x1BF5;
	p2 =	por !p2, p0  }
0x20: {  	[sflag:s8] =	ssyncset.s32 @!p0 $0xFFFFF086;
	s6 =	sadd.s32 @!p0 s3, s7;
	s7 =	simm.s32 @!p0 $0x108  }
0x21: {  	s3 =	sadd.s32 s3, s9;
	s6 =	sadd.s32 @!p0 $0x88, s6;
	s7 =	simm.s32 @p2 $0x1082  }
0x22: {  	[simem:s7], [sflag:s8] =	dma.local @!p0 [hbm:s6], $0xF7A  }
0x23: {  	s9 =	sor.u32 $0xD0000000, s2;
	s6 =	simm.s32 $0x108;
	_ =	swait.ge @!p0 [sflag:s8], $0x0  }
0x24: {  	s3 =	sadd.s32 $0x88, s3;
	s6 =	simm.s32 @!p1 $0x1082;
	[sflag:s4] =	ssyncset.s32 $0xFFFFF086  }
0x25: {  	[simem:s6], [sflag:s4] =	dma.local [hbm:s3], $0xF7A  }
0x26: {  	[smem:$0x3F9C] =	sst s1;
	(tag) =	ssettag s2;
	_ =	strace s9  }
0x27: {  	s1 =	sld [smem:$0x3FAC]  }
0x28: {  	s2 =	sld [smem:$0x3FAD]  }
0x29: {  	s4 =	sld [smem:$0x3FAF]  }
0x2a: {  	p0 =	seq.s32 s5, $0x0;
	s5 =	sld [smem:$0x3FB0]  }
0x2b: {  	s6 =	sld [smem:$0x3FB1]  }
0x2c: {  	s7 =	sld [smem:$0x3FB2]  }
0x2d: {  	s3 =	simm.s32 $0x108;
	s8 =	sld [smem:$0x3FB3]  }
0x2e: {  	s3 =	simm.s32 @!p0 $0x1082;
	s9 =	sld [smem:$0x3FB4]  }
0x2f: {  	lr =	sadd.s32 s0, s3;
	s0 =	sld [smem:$0x3FAB]  }
0x30: {  	s3 =	sld [smem:$0x3FAE]  }
0x31: {  	[smem:$0x3FB7] =	sst s10  }
0x32: {  	s10 =	sld [smem:$0x3FB5];
	_ =	sdelay $0x3  }
0x33: {  	p0 =	seq.s32 s10, $0x1;
	s10 =	sld [smem:$0x3FB7];
	_ =	sdelay $0x3  }
0x34: {  	[smem:$0x3FB7] =	sst s10  }
0x35: {  	s10 =	sld [smem:$0x3FB6];
	_ =	sdelay $0x3  }
0x36: {  	p1 =	seq.s32 s10, $0x1;
	s10 =	sld [smem:$0x3FB7];
	_ =	sdelay $0x3  }
0x37: {  	[smem:$0x3FB7] =	sst s10  }
0x38: {  	s10 =	sld [smem:$0x3FB8]  }
0x39: {  	_ = 	snop;
	(pc) =	sbr.ind lr, $3  }
0x3a: {  	_ = 	snop  }
0x3b: {  	_ = 	snop  }
0x3c: {  	p2 =	seq.s32 s10, $0x1;
	s10 =	sld [smem:$0x3FB7]  }
0x3d: {  	_ =	shalt  }
0x3e: {  	_ =	shalt  }
0x3f: {  	_ =	shalt  }
0x40: {  	_ =	shalt  }
0x41: {  	_ =	shalt  }
0x42: {  	_ =	shalt  }
0x43: {  	_ =	shalt  }
0x44: {  	_ =	shalt  }
0x45: {  	_ =	shalt  }
0x46: {  	_ =	shalt  }
0x47: {  	_ =	shalt  }
0x48: {  	_ =	shalt  }
0x49: {  	_ =	shalt  }
0x4a: {  	_ =	shalt  }
0x4b: {  	_ =	shalt  }
0x4c: {  	_ =	shalt  }
0x4d: {  	_ =	shalt  }
0x4e: {  	_ =	shalt  }
0x4f: {  	_ =	shalt  }
0x50: {  	_ =	shalt  }
0x51: {  	_ =	shalt  }
0x52: {  	_ =	shalt  }
0x53: {  	_ =	shalt  }
0x54: {  	_ =	shalt  }
0x55: {  	_ =	shalt  }
0x56: {  	_ =	shalt  }
0x57: {  	_ =	shalt  }
0x58: {  	_ =	shalt  }
0x59: {  	_ =	shalt  }
0x5a: {  	_ =	shalt  }
0x5b: {  	_ =	shalt  }
0x5c: {  	_ =	shalt  }
0x5d: {  	_ =	shalt  }
0x5e: {  	_ =	shalt  }
0x5f: {  	_ =	shalt  }
0x60: {  	_ =	shalt  }
0x61: {  	_ =	shalt  }
0x62: {  	_ =	shalt  }
0x63: {  	_ =	shalt  }
0x64: {  	_ =	shalt  }
0x65: {  	_ =	shalt  }
0x66: {  	_ =	shalt  }
0x67: {  	_ =	shalt  }
0x68: {  	_ =	shalt  }
0x69: {  	_ =	shalt  }
0x6a: {  	_ =	shalt  }
0x6b: {  	_ =	shalt  }
0x6c: {  	_ =	shalt  }
0x6d: {  	_ =	shalt  }
0x6e: {  	_ =	shalt  }
0x6f: {  	_ =	shalt  }
0x70: {  	_ =	shalt  }
0x71: {  	_ =	shalt  }
0x72: {  	_ =	shalt  }
0x73: {  	_ =	shalt  }
0x74: {  	_ =	shalt  }
0x75: {  	_ =	shalt  }
0x76: {  	_ =	shalt  }
0x77: {  	_ =	shalt  }
0x78: {  	_ =	shalt  }
0x79: {  	_ =	shalt  }
0x7a: {  	_ =	shalt  }
0x7b: {  	_ =	shalt  }
0x7c: {  	_ =	shalt  }
0x7d: {  	_ =	shalt  }
0x7e: {  	_ =	shalt  }
0x7f: {  	_ =	shalt  }
0x80: {  	_ =	shalt  }
0x81: {  	_ =	shalt  }
0x82: {  	_ =	shalt  }
0x83: {  	_ =	shalt  }
0x84: {  	_ =	shalt  }
0x85: {  	_ =	shalt  }
0x86: {  	_ =	shalt  }
0x87: {  	_ =	shalt  }
.Lfunc_end0:
.L_simem_size_0:
called_computation_lowered:
.L_overlay_start_0:
0x88: {  	s2 =	sld [smem:$0x3FD9]  }
0x89: {  	s3 =	sld [smem:$0x3FFE];
	_ =	sdelay $0x1  }
0x8a: {  	s1 =	srdreg.scid  }
0x8b: {  	s0 =	sand.u32 $0x1, s1  }
0x8c: {  	s16 =	sshll.u32 s0, $0xA;
	s2 =	sadd.s32 s3, s2  }
0x8d: {  	s2 =	sadd.s32 s2, s16  }
0x8e: {  	[smem:$0x3FC3] =	sst s2  }
0x8f: {  	_ = 	snop  }
0x90: {  	(tm) =	ssettm $0x1  }
0x91: {  	s17 =	sld [smem:$0x3FFB];
	_ =	sdelay $0x3  }
0x92: {  	_ =	strace s17  }
0x93: {  	s2 =	sld [smem:$0x3FFC];
	_ =	sdelay $0x3  }
0x94: {  	_ =	strace s2  }
0x95: {  	s2 =	sld [smem:$0x3FFD];
	_ =	sdelay $0x3  }
0x96: {  	_ =	strace s2  }
0x97: {  	_ =	strace $0x8FFFFFFF  }
0x98: {  	s18 =	sld [smem:$0x3FDB];
	_ =	sdelay $0x1  }
0x99: {  	s19 =	simm.s32 $_scs_section_size  }
0x9a: {  	s4 =	simm.s32 $_size__tile_overlayer_lowered;
	s5 =	simm.s32 $_tile_overlayer_lowered  }
0x9b: {  	s22 =	simm.s32 $0x1BFF;
	s21 =	sshll.u32 s5, $0x1;
	s2 =	sadd.s32 s19, s18  }
0x9c: {  	s6 =	simm.s32 $0x0;
	s20 =	sshll.u32 s4, $0x1;
	s4 =	sadd.s32 s21, s2  }
0x9d: {  	[timem:s6], [sflag:s22] =	dma.local [hbm:s4], s20  }
0x9e: {  	_ =	swait.ge [sflag:s22], s20  }
0x9f: {  	s3 =	ssub.s32 $0x0, s20;
	[sflag:s22] =	ssyncset.done $0x0  }
0xa0: {  	[sflag:s22] =	ssyncadd.s32 s3;
	_ =	sdelay $0x1  }
0xa1: {  	s23 =	simm.s32 $0x1B8B  }
0xa2: {  	_ =	swait.ge [sflag:s23], $0x1  }
0xa3: {  	[sflag:s23] =	ssyncset.done $0x0  }
0xa4: {  	s25 =	simm.s32 $0x1B8E;
	s24 =	sld [smem:$0x3FFE];
	[sflag:s23] =	ssyncadd.s32 $0xFFFFFFFF  }
0xa5: {  	s26 =	simm.s32 $execute0_lowered;
	[smem:$0x3FD2] =	sst s25  }
0xa6: {  	s4 =	sshll.u32 s26, $0x1;
	_ =	strace $0x80000046;
	[dreg:$0x1] =	wrdreg $0xFFFFFFFF  }
0xa7: {  	s28 =	simm.s32 $_size_execute0_lowered;
	s2 =	sadd.s32 s2, s4;
	[dreg:$0x0] =	wrdreg $0x0  }
0xa8: {  	s4 =	sshll.u32 s28, $0x1;
	[dreg:$0x2] =	wrdreg s2  }
0xa9: {  	[dreg:$0x3] =	wrdreg s4  }
0xaa: {  	[dreg:$0x4] =	wrdreg $0xC0  }
0xab: {  	_ =	task [dreg:s6], $0x5FFFF  }
0xac: {  	[dreg:$0x1] =	wrdreg $0xFFFFFFFF  }
0xad: {  	[dreg:$0x0] =	wrdreg $0x60  }
0xae: {  	[dreg:$0x2] =	wrdreg s24  }
0xaf: {  	[dreg:$0x3] =	wrdreg $0x9  }
0xb0: {  	_ =	task.clear_ibuf [dreg:s6], $0x4FFFF;
	_ =	strace $0x90000046  }
0xb1: {  	s29 =	simm.s32 $0x9;
	_ =	strace $0x80000048  }
0xb2: {  	_ =	swait.ge [sflag:s29], $0x1  }
0xb3: {  	[sflag:s29] =	ssyncadd.s32 $0xFFFFFFFF  }
0xb4: {  	_ =	strace $0x90000048  }
0xb5: {  	_ =	sfence  }
0xb6: {  	s30 =	sld [smem:$0x0];
	_ =	sdelay $0x2  }
0xb7: {  	s31 =	sshll.u32 s1, $0xD;
	s1 =	sshrl.u32 s1, $0x2  }
0xb8: {  	s3 =	sand.u32 $0x4000, s31;
	s1 =	sadd.s32 s1, s30  }
0xb9: {  	s0 =	sor.u32 s3, s0;
	s1 =	sshll.u32 s1, $0x11  }
0xba: {  	s0 =	sor.u32 s1, s0  }
0xbb: {  	s0 =	sadd.s32 $0x8F2B, s0  }
0xbc: {  	[sflag:s0] =	ssyncadd.remote.s32 $0x1  }
0xbd: {  	_ =	sfence.sel $0xFFFF  }
0xbe: {  	[dreg:$0x0] =	wrdreg $0xFFFFFFFF;
	(pc) =	sbr.abs _section_cstart, $3  }
0xbf: {  	[dreg:$0x1] =	wrdreg $0xFFFFFFFF  }
0xc0: {  	_ =	task.clear_ibuf [dreg:s6], $0x2FFFF;
	_ =	strace $0x9FFFFFFF  }
0xc1: {  	(tm) =	ssettm $0x7FFFFFFF  }
tec
execute0_lowered:
.L_overlay_start_1:
0x0: {  	(tag) =	ssettag $0x1  }
0x1: {  	s3 =	rddreg [dreg:$0x0];
	s2 =	simm.s32 $0x0  }
0x2: {  	s21 =	simm.s32 $0x100;
	[smem:$0x7FF] =	sst s2  }
0x3: {  	s22 =	simm.s32 $0x180;
	_ =	strace $0x80000047;
	[dreg:$0xb] =	wrdreg s21  }
0x4: {  	s0 =	srdreg.scid;
	s23 =	simm.s32 $0x200;
	[dreg:$0xc] =	wrdreg s22  }
0x5: {  	s19 =	stileid.u32;
	s24 =	simm.s32 $0x280;
	[dreg:$0xd] =	wrdreg s23  }
0x6: {  	s25 =	simm.s32 $0x300;
	s26 =	simm.s32 $0x380;
	[dreg:$0xe] =	wrdreg s24  }
0x7: {  	s5 =	simm.s32 $0x480;
	s6 =	simm.s32 $0x500;
	[dreg:$0xf] =	wrdreg s25  }
0x8: {  	s7 =	simm.s32 $0x580;
	s9 =	simm.s32 $0x600;
	[dreg:$0x10] =	wrdreg s26  }
0x9: {  	s10 =	simm.s32 $0x680;
	s11 =	simm.s32 $0x700;
	[dreg:$0x12] =	wrdreg s5  }
0xa: {  	s31 =	simm.s32 $0x5;
	s12 =	simm.s32 $0x780;
	[dreg:$0x13] =	wrdreg s6  }
0xb: {  	s28 =	simm.s32 $0x1000;
	s29 =	simm.s32 $0x1080;
	[dreg:$0x14] =	wrdreg s7  }
0xc: {  	p0 =	por $0x0, $0x0;
	s30 =	simm.s32 $0x1100;
	[dreg:$0x15] =	wrdreg s9  }
0xd: {  	s0 =	sand.u32 $0x1, s0;
	s1 =	sshll.u32 s19, $0x1;
	[dreg:$0x16] =	wrdreg s10  }
0xe: {  	s1 =	sor.u32 s0, s1;
	s0 =	ssub.s32 $0x2, s0;
	[dreg:$0x17] =	wrdreg s11  }
0xf: {  	s5 =	simm.s32 $0x80;
	[dreg:$0x18] =	wrdreg s12;
	s7 =	simm.s32 $0x3400  }
0x10: {  	s9 =	simm.s32 $0x5400;
	s12 =	simm.s32 $0x7400;
	s21 =	simm.s32 $0xB80  }
0x11: {  	s6 =	simm.s32 $0xB400;
	s22 =	simm.s32 $0xC00;
	[smem:$0x7F8] =	sst s21  }
0x12: {  	s10 =	simm.s32 $0xD400;
	s23 =	simm.s32 $0xC80;
	[smem:$0x7F9] =	sst s22  }
0x13: {  	s24 =	simm.s32 $0xD00;
	s4 =	smul.u32 $0x280, s1;
	[smem:$0x7FA] =	sst s23  }
0x14: {  	s25 =	simm.s32 $0xD80;
	s1 =	smul.u32 $0xA000, s1;
	[smem:$0x7FB] =	sst s24  }
0x15: {  	s26 =	simm.s32 $0xE00;
	[smem:$0x7FC] =	sst s25;
	s4 =	sadd.s32 s4, s3  }
0x16: {  	[smem:$0x7FD] =	sst s26;
	s1 =	sadd.s32 s1, s3;
	s4 =	sadd.s32 $0x3200, s4  }
0x17: {  	s11 =	simm.s32 $0x4;
	s13 =	sadd.s32 $0x8200, s1;
	[dreg:$0x2] =	wrdreg s4  }
0x18: {  	s8 =	sshrl.u32 s0, $0x1;
	s14 =	sadd.s32 $0x9600, s1;
	[dreg:$0x3] =	wrdreg s13  }
0x19: {  	s25 =	simm.s32 $0xE80;
	s15 =	sadd.s32 $0xAA00, s1;
	[dreg:$0x4] =	wrdreg s14  }
0x1a: {  	s26 =	simm.s32 $0xF80;
	s16 =	sadd.s32 $0xBE00, s1;
	[dreg:$0x5] =	wrdreg s15  }
0x1b: {  	s21 =	simm.s32 $0x1200;
	s17 =	sadd.s32 $0xD200, s1;
	[dreg:$0x6] =	wrdreg s16  }
0x1c: {  	s22 =	simm.s32 $0x1280;
	s18 =	sadd.s32 $0xE600, s1;
	[dreg:$0x7] =	wrdreg s17  }
0x1d: {  	s23 =	simm.s32 $0x1300;
	s20 =	sadd.s32 $0xFA00, s1;
	[dreg:$0x8] =	wrdreg s18  }
0x1e: {  	s24 =	simm.s32 $0x1380;
	s1 =	sadd.s32 $0x10E00, s1;
	[dreg:$0x9] =	wrdreg s20  }
0x1f: {  	s0 =	ssub.s32 s0, s8;
	[dreg:$0xa] =	wrdreg s1;
	s4 =	simm.s32 $0x400  }
0x20: {  	s8 =	simm.s32 $0x3;
	s13 =	simm.s32 $0x800;
	[dreg:$0x11] =	wrdreg s4  }
0x21: {  	s3 =	sadd.s32 $0xF45600, s3;
	s14 =	simm.s32 $0x880;
	[dreg:$0x19] =	wrdreg s13  }
0x22: {  	s0 =	smax.u32 s0, $0x1;
	s15 =	simm.s32 $0x900;
	[dreg:$0x1a] =	wrdreg s14  }
0x23: {  	p1 =	sne.s32 s0, $0x1;
	s16 =	simm.s32 $0x980;
	[dreg:$0x1b] =	wrdreg s15  }
0x24: {  	s17 =	simm.s32 $0xA00;
	s18 =	simm.s32 $0xA80;
	[dreg:$0x1c] =	wrdreg s16  }
.Ltmp0:
0x25: {  	s20 =	simm.s32 $0xB00;
	[dreg:$0x1d] =	wrdreg s17;
	(pc) =	sbr.rel @!p1 .LBB2_1-.Ltmp0, $4  }
0x26: {  	s1 =	sadd.s32 $0xFFFFFFFF, s0;
	s4 =	simm.s32 $0x1400;
	[dreg:$0x1e] =	wrdreg s18  }
0x27: {  	s14 =	simm.s32 $0x9400;
	[dreg:$0x1f] =	wrdreg s20;
	s13 =	simm.s32 $0xF400  }
0x28: {  	s15 =	simm.s32 $0x11400;
	s17 =	simm.s32 $0x13400;
	s16 =	simm.s32 $0x1  }
0x29: {  	s18 =	simm.s32 $0x2;
	s20 =	simm.s32 $0x1180;
	s0 =	rddreg [dreg:$0x2]  }
0x2a: {  	[tilespmem:s2], [sflag:$0x5] =	stream.linear.gather [hbm4b:s0+s2], $0x1400, $0x38;
	[tilespmem:$0x15400] =	vst v63  }
0x2b: {  	_ =	swait.ge [sflag:s31], $0x1400  }
0x2c: {  	[sflag:s31] =	ssyncset.done $0x0  }
0x2d: {  	[sflag:s31] =	ssyncadd.s32 $0xFFFFEC00  }
0x2e: {  	[tilespmem:s4], [sflag:$0x1] =	stream.indirect.gather [hbm4b:s3+s5], $0x40, s2, s5, $0xb8;
	[tilespmem:$0x15400] =	vst v63  }
0x2f: {  	_ = 	snop  }
0x30: {  	[tilespmem:s7], [sflag:$0x1] =	stream.indirect.gather [hbm4b:s3+s5], $0x40, s5, s5, $0xb8;
	[tilespmem:$0x15400] =	vst v63  }
0x31: {  	s0 =	rddreg [dreg:$0xb]  }
0x32: {  	[tilespmem:s9], [sflag:$0x1] =	stream.indirect.gather [hbm4b:s3+s5], $0x40, s0, s5, $0xb8;
	[tilespmem:$0x15400] =	vst v63  }
0x33: {  	s19 =	smov.u32 s1;
	s1 =	rddreg [dreg:$0xc]  }
0x34: {  	[tilespmem:s12], [sflag:$0x1] =	stream.indirect.gather [hbm4b:s3+s5], $0x40, s1, s5, $0xb8;
	[tilespmem:$0x15400] =	vst v63  }
0x35: {  	s0 =	rddreg [dreg:$0xd]  }
0x36: {  	[tilespmem:s14], [sflag:$0x1] =	stream.indirect.gather [hbm4b:s3+s5], $0x40, s0, s5, $0xb8;
	[tilespmem:$0x15400] =	vst v63  }
0x37: {  	s1 =	rddreg [dreg:$0xe]  }
0x38: {  	[tilespmem:s6], [sflag:$0x2] =	stream.indirect.gather [hbm4b:s3+s5], $0x40, s1, s5, $0xb8;
	[tilespmem:$0x15400] =	vst v63  }
0x39: {  	s0 =	rddreg [dreg:$0xf]  }
0x3a: {  	[tilespmem:s10], [sflag:$0x2] =	stream.indirect.gather [hbm4b:s3+s5], $0x40, s0, s5, $0xb8;
	[tilespmem:$0x15400] =	vst v63  }
0x3b: {  	s1 =	rddreg [dreg:$0x10]  }
0x3c: {  	[tilespmem:s13], [sflag:$0x2] =	stream.indirect.gather [hbm4b:s3+s5], $0x40, s1, s5, $0xb8;
	[tilespmem:$0x15400] =	vst v63  }
0x3d: {  	s0 =	rddreg [dreg:$0x11]  }
0x3e: {  	[tilespmem:s15], [sflag:$0x2] =	stream.indirect.gather [hbm4b:s3+s5], $0x40, s0, s5, $0xb8;
	[tilespmem:$0x15400] =	vst v63  }
0x3f: {  	s1 =	rddreg [dreg:$0x12]  }
0x40: {  	[tilespmem:s17], [sflag:$0x2] =	stream.indirect.gather [hbm4b:s3+s5], $0x40, s1, s5, $0xb8;
	[tilespmem:$0x15400] =	vst v63  }
0x41: {  	_ =	swait.ge [sflag:s16], $0xA000  }
0x42: {  	[sflag:s16] =	ssyncset.done $0x0  }
0x43: {  	s1 =	rddreg [dreg:$0x3];
	[sflag:s16] =	ssyncadd.s32 $0xFFFF6000  }
0x44: {  	[hbm4b:s1+s2] =	stream.linear.scatter [tilespmem:s4], [sflag:$0x3], $0xA000, $0x38;
	[tilespmem:$0x15400] =	vst v63  }
0x45: {  	_ =	swait.ge [sflag:s8], $0xA000  }
0x46: {  	[sflag:s8] =	ssyncset.done $0x0  }
0x47: {  	s0 =	rddreg [dreg:$0x13];
	[sflag:s8] =	ssyncadd.s32 $0xFFFF6000  }
0x48: {  	[tilespmem:s4], [sflag:$0x1] =	stream.indirect.gather [hbm4b:s3+s5], $0x40, s0, s5, $0xb8;
	[tilespmem:$0x15400] =	vst v63  }
0x49: {  	s1 =	rddreg [dreg:$0x14]  }
0x4a: {  	[tilespmem:s7], [sflag:$0x1] =	stream.indirect.gather [hbm4b:s3+s5], $0x40, s1, s5, $0xb8;
	[tilespmem:$0x15400] =	vst v63  }
0x4b: {  	s0 =	rddreg [dreg:$0x15]  }
0x4c: {  	[tilespmem:s9], [sflag:$0x1] =	stream.indirect.gather [hbm4b:s3+s5], $0x40, s0, s5, $0xb8;
	[tilespmem:$0x15400] =	vst v63  }
0x4d: {  	s1 =	rddreg [dreg:$0x16]  }
0x4e: {  	[tilespmem:s12], [sflag:$0x1] =	stream.indirect.gather [hbm4b:s3+s5], $0x40, s1, s5, $0xb8;
	[tilespmem:$0x15400] =	vst v63  }
0x4f: {  	s0 =	rddreg [dreg:$0x17]  }
0x50: {  	[tilespmem:s14], [sflag:$0x1] =	stream.indirect.gather [hbm4b:s3+s5], $0x40, s0, s5, $0xb8;
	[tilespmem:$0x15400] =	vst v63  }
0x51: {  	_ =	swait.ge [sflag:s18], $0xA000  }
0x52: {  	[sflag:s18] =	ssyncset.done $0x0  }
0x53: {  	s1 =	rddreg [dreg:$0x4];
	[sflag:s18] =	ssyncadd.s32 $0xFFFF6000  }
0x54: {  	[hbm4b:s1+s2] =	stream.linear.scatter [tilespmem:s6], [sflag:$0x4], $0xA000, $0x38;
	[tilespmem:$0x15400] =	vst v63  }
0x55: {  	_ =	swait.ge [sflag:s11], $0xA000  }
0x56: {  	[sflag:s11] =	ssyncset.done $0x0  }
0x57: {  	s0 =	rddreg [dreg:$0x18];
	[sflag:s11] =	ssyncadd.s32 $0xFFFF6000  }
0x58: {  	[tilespmem:s6], [sflag:$0x2] =	stream.indirect.gather [hbm4b:s3+s5], $0x40, s0, s5, $0xb8;
	[tilespmem:$0x15400] =	vst v63  }
0x59: {  	s1 =	rddreg [dreg:$0x19]  }
0x5a: {  	[tilespmem:s10], [sflag:$0x2] =	stream.indirect.gather [hbm4b:s3+s5], $0x40, s1, s5, $0xb8;
	[tilespmem:$0x15400] =	vst v63  }
0x5b: {  	s0 =	rddreg [dreg:$0x1a]  }
0x5c: {  	[tilespmem:s13], [sflag:$0x2] =	stream.indirect.gather [hbm4b:s3+s5], $0x40, s0, s5, $0xb8;
	[tilespmem:$0x15400] =	vst v63  }
0x5d: {  	s1 =	rddreg [dreg:$0x1b]  }
0x5e: {  	[tilespmem:s15], [sflag:$0x2] =	stream.indirect.gather [hbm4b:s3+s5], $0x40, s1, s5, $0xb8;
	[tilespmem:$0x15400] =	vst v63  }
0x5f: {  	s0 =	rddreg [dreg:$0x1c]  }
0x60: {  	[tilespmem:s17], [sflag:$0x2] =	stream.indirect.gather [hbm4b:s3+s5], $0x40, s0, s5, $0xb8;
	[tilespmem:$0x15400] =	vst v63  }
0x61: {  	_ =	swait.ge [sflag:s16], $0xA000  }
0x62: {  	[sflag:s16] =	ssyncset.done $0x0  }
0x63: {  	s1 =	rddreg [dreg:$0x5];
	[sflag:s16] =	ssyncadd.s32 $0xFFFF6000  }
0x64: {  	[hbm4b:s1+s2] =	stream.linear.scatter [tilespmem:s4], [sflag:$0x3], $0xA000, $0x38;
	[tilespmem:$0x15400] =	vst v63  }
0x65: {  	_ =	swait.ge [sflag:s8], $0xA000  }
0x66: {  	s0 =	rddreg [dreg:$0x1d];
	[sflag:s8] =	ssyncset.done $0x0  }
0x67: {  	s1 =	rddreg [dreg:$0x1e];
	[sflag:s8] =	ssyncadd.s32 $0xFFFF6000  }
0x68: {  	[tilespmem:s4], [sflag:$0x1] =	stream.indirect.gather [hbm4b:s3+s5], $0x40, s0, s5, $0xb8;
	[tilespmem:$0x15400] =	vst v63  }
0x69: {  	s0 =	rddreg [dreg:$0x1f]  }
0x6a: {  	[tilespmem:s7], [sflag:$0x1] =	stream.indirect.gather [hbm4b:s3+s5], $0x40, s1, s5, $0xb8;
	[tilespmem:$0x15400] =	vst v63  }
0x6b: {  	s1 =	sld [smem:$0x7F8]  }
0x6c: {  	[tilespmem:s9], [sflag:$0x1] =	stream.indirect.gather [hbm4b:s3+s5], $0x40, s0, s5, $0xb8;
	[tilespmem:$0x15400] =	vst v63  }
0x6d: {  	s0 =	sld [smem:$0x7F9]  }
0x6e: {  	[tilespmem:s12], [sflag:$0x1] =	stream.indirect.gather [hbm4b:s3+s5], $0x40, s1, s5, $0xb8;
	[tilespmem:$0x15400] =	vst v63  }
0x6f: {  	_ = 	snop  }
0x70: {  	[tilespmem:s14], [sflag:$0x1] =	stream.indirect.gather [hbm4b:s3+s5], $0x40, s0, s5, $0xb8;
	[tilespmem:$0x15400] =	vst v63  }
0x71: {  	_ =	swait.ge [sflag:s18], $0xA000  }
0x72: {  	[sflag:s18] =	ssyncset.done $0x0  }
0x73: {  	s1 =	rddreg [dreg:$0x6];
	[sflag:s18] =	ssyncadd.s32 $0xFFFF6000  }
0x74: {  	[hbm4b:s1+s2] =	stream.linear.scatter [tilespmem:s6], [sflag:$0x4], $0xA000, $0x38;
	[tilespmem:$0x15400] =	vst v63  }
0x75: {  	_ =	swait.ge [sflag:s11], $0xA000  }
0x76: {  	s0 =	sld [smem:$0x7FA]  }
0x77: {  	[sflag:s11] =	ssyncset.done $0x0  }
0x78: {  	s1 =	sld [smem:$0x7FB];
	[sflag:s11] =	ssyncadd.s32 $0xFFFF6000  }
0x79: {  	[tilespmem:s6], [sflag:$0x2] =	stream.indirect.gather [hbm4b:s3+s5], $0x40, s0, s5, $0xb8;
	[tilespmem:$0x15400] =	vst v63  }
0x7a: {  	s0 =	sld [smem:$0x7FC]  }
0x7b: {  	[tilespmem:s10], [sflag:$0x2] =	stream.indirect.gather [hbm4b:s3+s5], $0x40, s1, s5, $0xb8;
	[tilespmem:$0x15400] =	vst v63  }
0x7c: {  	s1 =	sld [smem:$0x7FD]  }
0x7d: {  	[tilespmem:s13], [sflag:$0x2] =	stream.indirect.gather [hbm4b:s3+s5], $0x40, s0, s5, $0xb8;
	[tilespmem:$0x15400] =	vst v63  }
0x7e: {  	_ = 	snop  }
0x7f: {  	[tilespmem:s15], [sflag:$0x2] =	stream.indirect.gather [hbm4b:s3+s5], $0x40, s1, s5, $0xb8;
	[tilespmem:$0x15400] =	vst v63  }
0x80: {  	_ = 	snop  }
0x81: {  	[tilespmem:s17], [sflag:$0x2] =	stream.indirect.gather [hbm4b:s3+s5], $0x40, s25, s5, $0xb8;
	[tilespmem:$0x15400] =	vst v63  }
0x82: {  	_ =	swait.ge [sflag:s16], $0xA000  }
0x83: {  	[sflag:s16] =	ssyncset.done $0x0  }
0x84: {  	s1 =	rddreg [dreg:$0x7];
	[sflag:s16] =	ssyncadd.s32 $0xFFFF6000  }
0x85: {  	[hbm4b:s1+s2] =	stream.linear.scatter [tilespmem:s4], [sflag:$0x3], $0xA000, $0x38;
	[tilespmem:$0x15400] =	vst v63  }
0x86: {  	_ =	swait.ge [sflag:s8], $0xA000  }
0x87: {  	[sflag:s8] =	ssyncset.done $0x0  }
0x88: {  	s1 =	simm.s32 $0xF00;
	[sflag:s8] =	ssyncadd.s32 $0xFFFF6000  }
0x89: {  	[tilespmem:s4], [sflag:$0x1] =	stream.indirect.gather [hbm4b:s3+s5], $0x40, s1, s5, $0xb8;
	[tilespmem:$0x15400] =	vst v63  }
0x8a: {  	_ = 	snop  }
0x8b: {  	[tilespmem:s7], [sflag:$0x1] =	stream.indirect.gather [hbm4b:s3+s5], $0x40, s26, s5, $0xb8;
	[tilespmem:$0x15400] =	vst v63  }
0x8c: {  	_ = 	snop  }
0x8d: {  	[tilespmem:s9], [sflag:$0x1] =	stream.indirect.gather [hbm4b:s3+s5], $0x40, s28, s5, $0xb8;
	[tilespmem:$0x15400] =	vst v63  }
0x8e: {  	_ = 	snop  }
0x8f: {  	[tilespmem:s12], [sflag:$0x1] =	stream.indirect.gather [hbm4b:s3+s5], $0x40, s29, s5, $0xb8;
	[tilespmem:$0x15400] =	vst v63  }
0x90: {  	_ = 	snop  }
0x91: {  	[tilespmem:s14], [sflag:$0x1] =	stream.indirect.gather [hbm4b:s3+s5], $0x40, s30, s5, $0xb8;
	[tilespmem:$0x15400] =	vst v63  }
0x92: {  	_ =	swait.ge [sflag:s18], $0xA000  }
0x93: {  	[sflag:s18] =	ssyncset.done $0x0  }
0x94: {  	s1 =	rddreg [dreg:$0x8];
	[sflag:s18] =	ssyncadd.s32 $0xFFFF6000  }
0x95: {  	[hbm4b:s1+s2] =	stream.linear.scatter [tilespmem:s6], [sflag:$0x4], $0xA000, $0x38;
	[tilespmem:$0x15400] =	vst v63  }
0x96: {  	_ =	swait.ge [sflag:s11], $0xA000  }
0x97: {  	[sflag:s11] =	ssyncset.done $0x0  }
0x98: {  	[sflag:s11] =	ssyncadd.s32 $0xFFFF6000  }
0x99: {  	[tilespmem:s6], [sflag:$0x2] =	stream.indirect.gather [hbm4b:s3+s5], $0x40, s20, s5, $0xb8;
	[tilespmem:$0x15400] =	vst v63  }
0x9a: {  	_ = 	snop  }
0x9b: {  	[tilespmem:s10], [sflag:$0x2] =	stream.indirect.gather [hbm4b:s3+s5], $0x40, s21, s5, $0xb8;
	[tilespmem:$0x15400] =	vst v63  }
0x9c: {  	_ = 	snop  }
0x9d: {  	[tilespmem:s13], [sflag:$0x2] =	stream.indirect.gather [hbm4b:s3+s5], $0x40, s22, s5, $0xb8;
	[tilespmem:$0x15400] =	vst v63  }
0x9e: {  	_ = 	snop  }
0x9f: {  	[tilespmem:s15], [sflag:$0x2] =	stream.indirect.gather [hbm4b:s3+s5], $0x40, s23, s5, $0xb8;
	[tilespmem:$0x15400] =	vst v63  }
0xa0: {  	_ = 	snop  }
0xa1: {  	[tilespmem:s17], [sflag:$0x2] =	stream.indirect.gather [hbm4b:s3+s5], $0x40, s24, s5, $0xb8;
	[tilespmem:$0x15400] =	vst v63  }
0xa2: {  	_ =	swait.ge [sflag:s16], $0xA000  }
0xa3: {  	[sflag:s16] =	ssyncset.done $0x0  }
0xa4: {  	s1 =	rddreg [dreg:$0x9];
	[sflag:s16] =	ssyncadd.s32 $0xFFFF6000  }
0xa5: {  	[hbm4b:s1+s2] =	stream.linear.scatter [tilespmem:s4], [sflag:$0x3], $0xA000, $0x38;
	[tilespmem:$0x15400] =	vst v63  }
0xa6: {  	_ =	swait.ge [sflag:s18], $0xA000  }
0xa7: {  	[sflag:s18] =	ssyncset.done $0x0  }
0xa8: {  	p1 =	sne.s32 s19, $0x1;
	s1 =	rddreg [dreg:$0xa];
	[sflag:s18] =	ssyncadd.s32 $0xFFFF6000  }
0xa9: {  	[hbm4b:s1+s2] =	stream.linear.scatter [tilespmem:s6], [sflag:$0x4], $0xA000, $0x38;
	[tilespmem:$0x15400] =	vst v63  }
.Ltmp1:
0xaa: {  	_ =	swait.ge [sflag:s8], $0xA000;
	(pc) =	sbr.rel @!p1 .LBB2_3-.Ltmp1, $4  }
0xab: {  	[sflag:s8] =	ssyncset.done $0x0  }
0xac: {  	[sflag:s8] =	ssyncadd.s32 $0xFFFF6000  }
0xad: {  	p0 =	por $0x1, $0x1;
	_ =	swait.ge [sflag:s11], $0xA000  }
0xae: {  	s1 =	sadd.s32 $0xFFFFFFFF, s19;
	s0 =	rddreg [dreg:$0x2];
	[sflag:s11] =	ssyncset.done $0x0  }
.LBB2_4:
0xaf: {  	[sflag:s11] =	ssyncadd.s32 $0xFFFF6000  }
0xb0: {  	[tilespmem:s2], [sflag:$0x5] =	stream.linear.gather [hbm4b:s0+s2], $0x1400, $0x38;
	[tilespmem:$0x15400] =	vst v63  }
0xb1: {  	_ =	swait.ge [sflag:s31], $0x1400  }
0xb2: {  	[sflag:s31] =	ssyncset.done $0x0  }
0xb3: {  	[sflag:s31] =	ssyncadd.s32 $0xFFFFEC00  }
0xb4: {  	[tilespmem:s4], [sflag:$0x1] =	stream.indirect.gather [hbm4b:s3+s5], $0x40, s2, s5, $0xb8;
	[tilespmem:$0x15400] =	vst v63  }
0xb5: {  	_ = 	snop  }
0xb6: {  	[tilespmem:s7], [sflag:$0x1] =	stream.indirect.gather [hbm4b:s3+s5], $0x40, s5, s5, $0xb8;
	[tilespmem:$0x15400] =	vst v63  }
0xb7: {  	s0 =	rddreg [dreg:$0xb]  }
0xb8: {  	[tilespmem:s9], [sflag:$0x1] =	stream.indirect.gather [hbm4b:s3+s5], $0x40, s0, s5, $0xb8;
	[tilespmem:$0x15400] =	vst v63  }
0xb9: {  	s19 =	rddreg [dreg:$0xc]  }
0xba: {  	[tilespmem:s12], [sflag:$0x1] =	stream.indirect.gather [hbm4b:s3+s5], $0x40, s19, s5, $0xb8;
	[tilespmem:$0x15400] =	vst v63  }
0xbb: {  	s0 =	rddreg [dreg:$0xd]  }
0xbc: {  	[tilespmem:s14], [sflag:$0x1] =	stream.indirect.gather [hbm4b:s3+s5], $0x40, s0, s5, $0xb8;
	[tilespmem:$0x15400] =	vst v63  }
0xbd: {  	s19 =	rddreg [dreg:$0xe]  }
0xbe: {  	[tilespmem:s6], [sflag:$0x2] =	stream.indirect.gather [hbm4b:s3+s5], $0x40, s19, s5, $0xb8;
	[tilespmem:$0x15400] =	vst v63  }
0xbf: {  	s0 =	rddreg [dreg:$0xf]  }
0xc0: {  	[tilespmem:s10], [sflag:$0x2] =	stream.indirect.gather [hbm4b:s3+s5], $0x40, s0, s5, $0xb8;
	[tilespmem:$0x15400] =	vst v63  }
0xc1: {  	s19 =	rddreg [dreg:$0x10]  }
0xc2: {  	[tilespmem:s13], [sflag:$0x2] =	stream.indirect.gather [hbm4b:s3+s5], $0x40, s19, s5, $0xb8;
	[tilespmem:$0x15400] =	vst v63  }
0xc3: {  	s0 =	rddreg [dreg:$0x11]  }
0xc4: {  	[tilespmem:s15], [sflag:$0x2] =	stream.indirect.gather [hbm4b:s3+s5], $0x40, s0, s5, $0xb8;
	[tilespmem:$0x15400] =	vst v63  }
0xc5: {  	s19 =	rddreg [dreg:$0x12]  }
0xc6: {  	[tilespmem:s17], [sflag:$0x2] =	stream.indirect.gather [hbm4b:s3+s5], $0x40, s19, s5, $0xb8;
	[tilespmem:$0x15400] =	vst v63  }
0xc7: {  	_ =	swait.ge [sflag:s16], $0xA000  }
0xc8: {  	[sflag:s16] =	ssyncset.done $0x0  }
0xc9: {  	s19 =	rddreg [dreg:$0x3];
	[sflag:s16] =	ssyncadd.s32 $0xFFFF6000  }
0xca: {  	[hbm4b:s19+s2] =	stream.linear.scatter [tilespmem:s4], [sflag:$0x3], $0xA000, $0x38;
	[tilespmem:$0x15400] =	vst v63  }
0xcb: {  	_ =	swait.ge [sflag:s8], $0xA000  }
0xcc: {  	[sflag:s8] =	ssyncset.done $0x0  }
0xcd: {  	s0 =	rddreg [dreg:$0x13];
	[sflag:s8] =	ssyncadd.s32 $0xFFFF6000  }
0xce: {  	[tilespmem:s4], [sflag:$0x1] =	stream.indirect.gather [hbm4b:s3+s5], $0x40, s0, s5, $0xb8;
	[tilespmem:$0x15400] =	vst v63  }
0xcf: {  	s19 =	rddreg [dreg:$0x14]  }
0xd0: {  	[tilespmem:s7], [sflag:$0x1] =	stream.indirect.gather [hbm4b:s3+s5], $0x40, s19, s5, $0xb8;
	[tilespmem:$0x15400] =	vst v63  }
0xd1: {  	s0 =	rddreg [dreg:$0x15]  }
0xd2: {  	[tilespmem:s9], [sflag:$0x1] =	stream.indirect.gather [hbm4b:s3+s5], $0x40, s0, s5, $0xb8;
	[tilespmem:$0x15400] =	vst v63  }
0xd3: {  	s19 =	rddreg [dreg:$0x16]  }
0xd4: {  	[tilespmem:s12], [sflag:$0x1] =	stream.indirect.gather [hbm4b:s3+s5], $0x40, s19, s5, $0xb8;
	[tilespmem:$0x15400] =	vst v63  }
0xd5: {  	s0 =	rddreg [dreg:$0x17]  }
0xd6: {  	[tilespmem:s14], [sflag:$0x1] =	stream.indirect.gather [hbm4b:s3+s5], $0x40, s0, s5, $0xb8;
	[tilespmem:$0x15400] =	vst v63  }
0xd7: {  	_ =	swait.ge [sflag:s18], $0xA000  }
0xd8: {  	[sflag:s18] =	ssyncset.done $0x0  }
0xd9: {  	s19 =	rddreg [dreg:$0x4];
	[sflag:s18] =	ssyncadd.s32 $0xFFFF6000  }
0xda: {  	[hbm4b:s19+s2] =	stream.linear.scatter [tilespmem:s6], [sflag:$0x4], $0xA000, $0x38;
	[tilespmem:$0x15400] =	vst v63  }
0xdb: {  	_ =	swait.ge [sflag:s11], $0xA000  }
0xdc: {  	[sflag:s11] =	ssyncset.done $0x0  }
0xdd: {  	s0 =	rddreg [dreg:$0x18];
	[sflag:s11] =	ssyncadd.s32 $0xFFFF6000  }
0xde: {  	[tilespmem:s6], [sflag:$0x2] =	stream.indirect.gather [hbm4b:s3+s5], $0x40, s0, s5, $0xb8;
	[tilespmem:$0x15400] =	vst v63  }
0xdf: {  	s19 =	rddreg [dreg:$0x19]  }
0xe0: {  	[tilespmem:s10], [sflag:$0x2] =	stream.indirect.gather [hbm4b:s3+s5], $0x40, s19, s5, $0xb8;
	[tilespmem:$0x15400] =	vst v63  }
0xe1: {  	s0 =	rddreg [dreg:$0x1a]  }
0xe2: {  	[tilespmem:s13], [sflag:$0x2] =	stream.indirect.gather [hbm4b:s3+s5], $0x40, s0, s5, $0xb8;
	[tilespmem:$0x15400] =	vst v63  }
0xe3: {  	s19 =	rddreg [dreg:$0x1b]  }
0xe4: {  	[tilespmem:s15], [sflag:$0x2] =	stream.indirect.gather [hbm4b:s3+s5], $0x40, s19, s5, $0xb8;
	[tilespmem:$0x15400] =	vst v63  }
0xe5: {  	s0 =	rddreg [dreg:$0x1c]  }
0xe6: {  	[tilespmem:s17], [sflag:$0x2] =	stream.indirect.gather [hbm4b:s3+s5], $0x40, s0, s5, $0xb8;
	[tilespmem:$0x15400] =	vst v63  }
0xe7: {  	_ =	swait.ge [sflag:s16], $0xA000  }
0xe8: {  	[sflag:s16] =	ssyncset.done $0x0  }
0xe9: {  	s19 =	rddreg [dreg:$0x5];
	[sflag:s16] =	ssyncadd.s32 $0xFFFF6000  }
0xea: {  	[hbm4b:s19+s2] =	stream.linear.scatter [tilespmem:s4], [sflag:$0x3], $0xA000, $0x38;
	[tilespmem:$0x15400] =	vst v63  }
0xeb: {  	_ =	swait.ge [sflag:s8], $0xA000  }
0xec: {  	s0 =	rddreg [dreg:$0x1d];
	[sflag:s8] =	ssyncset.done $0x0  }
0xed: {  	s19 =	rddreg [dreg:$0x1e];
	[sflag:s8] =	ssyncadd.s32 $0xFFFF6000  }
0xee: {  	[tilespmem:s4], [sflag:$0x1] =	stream.indirect.gather [hbm4b:s3+s5], $0x40, s0, s5, $0xb8;
	[tilespmem:$0x15400] =	vst v63  }
0xef: {  	s0 =	rddreg [dreg:$0x1f]  }
0xf0: {  	[tilespmem:s7], [sflag:$0x1] =	stream.indirect.gather [hbm4b:s3+s5], $0x40, s19, s5, $0xb8;
	[tilespmem:$0x15400] =	vst v63  }
0xf1: {  	s19 =	sld [smem:$0x7F8]  }
0xf2: {  	[tilespmem:s9], [sflag:$0x1] =	stream.indirect.gather [hbm4b:s3+s5], $0x40, s0, s5, $0xb8;
	[tilespmem:$0x15400] =	vst v63  }
0xf3: {  	s0 =	sld [smem:$0x7F9]  }
0xf4: {  	[tilespmem:s12], [sflag:$0x1] =	stream.indirect.gather [hbm4b:s3+s5], $0x40, s19, s5, $0xb8;
	[tilespmem:$0x15400] =	vst v63  }
0xf5: {  	_ = 	snop  }
0xf6: {  	[tilespmem:s14], [sflag:$0x1] =	stream.indirect.gather [hbm4b:s3+s5], $0x40, s0, s5, $0xb8;
	[tilespmem:$0x15400] =	vst v63  }
0xf7: {  	_ =	swait.ge [sflag:s18], $0xA000  }
0xf8: {  	[sflag:s18] =	ssyncset.done $0x0  }
0xf9: {  	s19 =	rddreg [dreg:$0x6];
	[sflag:s18] =	ssyncadd.s32 $0xFFFF6000  }
0xfa: {  	[hbm4b:s19+s2] =	stream.linear.scatter [tilespmem:s6], [sflag:$0x4], $0xA000, $0x38;
	[tilespmem:$0x15400] =	vst v63  }
0xfb: {  	_ =	swait.ge [sflag:s11], $0xA000  }
0xfc: {  	s0 =	sld [smem:$0x7FA]  }
0xfd: {  	[sflag:s11] =	ssyncset.done $0x0  }
0xfe: {  	s19 =	sld [smem:$0x7FB];
	[sflag:s11] =	ssyncadd.s32 $0xFFFF6000  }
0xff: {  	[tilespmem:s6], [sflag:$0x2] =	stream.indirect.gather [hbm4b:s3+s5], $0x40, s0, s5, $0xb8;
	[tilespmem:$0x15400] =	vst v63  }
0x100: {  	s0 =	sld [smem:$0x7FC]  }
0x101: {  	[tilespmem:s10], [sflag:$0x2] =	stream.indirect.gather [hbm4b:s3+s5], $0x40, s19, s5, $0xb8;
	[tilespmem:$0x15400] =	vst v63  }
0x102: {  	s19 =	sld [smem:$0x7FD]  }
0x103: {  	[tilespmem:s13], [sflag:$0x2] =	stream.indirect.gather [hbm4b:s3+s5], $0x40, s0, s5, $0xb8;
	[tilespmem:$0x15400] =	vst v63  }
0x104: {  	_ = 	snop  }
0x105: {  	[tilespmem:s15], [sflag:$0x2] =	stream.indirect.gather [hbm4b:s3+s5], $0x40, s19, s5, $0xb8;
	[tilespmem:$0x15400] =	vst v63  }
0x106: {  	_ = 	snop  }
0x107: {  	[tilespmem:s17], [sflag:$0x2] =	stream.indirect.gather [hbm4b:s3+s5], $0x40, s25, s5, $0xb8;
	[tilespmem:$0x15400] =	vst v63  }
0x108: {  	_ =	swait.ge [sflag:s16], $0xA000  }
0x109: {  	[sflag:s16] =	ssyncset.done $0x0  }
0x10a: {  	s19 =	rddreg [dreg:$0x7];
	[sflag:s16] =	ssyncadd.s32 $0xFFFF6000  }
0x10b: {  	[hbm4b:s19+s2] =	stream.linear.scatter [tilespmem:s4], [sflag:$0x3], $0xA000, $0x38;
	[tilespmem:$0x15400] =	vst v63  }
0x10c: {  	_ =	swait.ge [sflag:s8], $0xA000  }
0x10d: {  	[sflag:s8] =	ssyncset.done $0x0  }
0x10e: {  	s19 =	simm.s32 $0xF00;
	[sflag:s8] =	ssyncadd.s32 $0xFFFF6000  }
0x10f: {  	[tilespmem:s4], [sflag:$0x1] =	stream.indirect.gather [hbm4b:s3+s5], $0x40, s19, s5, $0xb8;
	[tilespmem:$0x15400] =	vst v63  }
0x110: {  	_ = 	snop  }
0x111: {  	[tilespmem:s7], [sflag:$0x1] =	stream.indirect.gather [hbm4b:s3+s5], $0x40, s26, s5, $0xb8;
	[tilespmem:$0x15400] =	vst v63  }
0x112: {  	_ = 	snop  }
0x113: {  	[tilespmem:s9], [sflag:$0x1] =	stream.indirect.gather [hbm4b:s3+s5], $0x40, s28, s5, $0xb8;
	[tilespmem:$0x15400] =	vst v63  }
0x114: {  	_ = 	snop  }
0x115: {  	[tilespmem:s12], [sflag:$0x1] =	stream.indirect.gather [hbm4b:s3+s5], $0x40, s29, s5, $0xb8;
	[tilespmem:$0x15400] =	vst v63  }
0x116: {  	_ = 	snop  }
0x117: {  	[tilespmem:s14], [sflag:$0x1] =	stream.indirect.gather [hbm4b:s3+s5], $0x40, s30, s5, $0xb8;
	[tilespmem:$0x15400] =	vst v63  }
0x118: {  	_ =	swait.ge [sflag:s18], $0xA000  }
0x119: {  	[sflag:s18] =	ssyncset.done $0x0  }
0x11a: {  	s19 =	rddreg [dreg:$0x8];
	[sflag:s18] =	ssyncadd.s32 $0xFFFF6000  }
0x11b: {  	[hbm4b:s19+s2] =	stream.linear.scatter [tilespmem:s6], [sflag:$0x4], $0xA000, $0x38;
	[tilespmem:$0x15400] =	vst v63  }
0x11c: {  	_ =	swait.ge [sflag:s11], $0xA000  }
0x11d: {  	[sflag:s11] =	ssyncset.done $0x0  }
0x11e: {  	[sflag:s11] =	ssyncadd.s32 $0xFFFF6000  }
0x11f: {  	[tilespmem:s6], [sflag:$0x2] =	stream.indirect.gather [hbm4b:s3+s5], $0x40, s20, s5, $0xb8;
	[tilespmem:$0x15400] =	vst v63  }
0x120: {  	_ = 	snop  }
0x121: {  	[tilespmem:s10], [sflag:$0x2] =	stream.indirect.gather [hbm4b:s3+s5], $0x40, s21, s5, $0xb8;
	[tilespmem:$0x15400] =	vst v63  }
0x122: {  	_ = 	snop  }
0x123: {  	[tilespmem:s13], [sflag:$0x2] =	stream.indirect.gather [hbm4b:s3+s5], $0x40, s22, s5, $0xb8;
	[tilespmem:$0x15400] =	vst v63  }
0x124: {  	_ = 	snop  }
0x125: {  	[tilespmem:s15], [sflag:$0x2] =	stream.indirect.gather [hbm4b:s3+s5], $0x40, s23, s5, $0xb8;
	[tilespmem:$0x15400] =	vst v63  }
0x126: {  	_ = 	snop  }
0x127: {  	[tilespmem:s17], [sflag:$0x2] =	stream.indirect.gather [hbm4b:s3+s5], $0x40, s24, s5, $0xb8;
	[tilespmem:$0x15400] =	vst v63  }
0x128: {  	_ =	swait.ge [sflag:s16], $0xA000  }
0x129: {  	[sflag:s16] =	ssyncset.done $0x0  }
0x12a: {  	s19 =	rddreg [dreg:$0x9];
	[sflag:s16] =	ssyncadd.s32 $0xFFFF6000  }
0x12b: {  	[hbm4b:s19+s2] =	stream.linear.scatter [tilespmem:s4], [sflag:$0x3], $0xA000, $0x38;
	[tilespmem:$0x15400] =	vst v63  }
0x12c: {  	_ =	swait.ge [sflag:s18], $0xA000  }
0x12d: {  	[sflag:s18] =	ssyncset.done $0x0  }
0x12e: {  	p1 =	sne.s32 s1, $0x1;
	s19 =	rddreg [dreg:$0xa];
	[sflag:s18] =	ssyncadd.s32 $0xFFFF6000  }
0x12f: {  	[hbm4b:s19+s2] =	stream.linear.scatter [tilespmem:s6], [sflag:$0x4], $0xA000, $0x38;
	[tilespmem:$0x15400] =	vst v63  }
.Ltmp2:
0x130: {  	_ =	swait.ge [sflag:s8], $0xA000;
	(pc) =	sbr.rel @p1 .LBB2_4-.Ltmp2, $4  }
0x131: {  	[sflag:s8] =	ssyncset.done $0x0  }
0x132: {  	[sflag:s8] =	ssyncadd.s32 $0xFFFF6000  }
0x133: {  	_ =	swait.ge [sflag:s11], $0xA000  }
0x134: {  	s1 =	sadd.s32 $0xFFFFFFFF, s1;
	s0 =	rddreg [dreg:$0x2];
	[sflag:s11] =	ssyncset.done $0x0  }
0x135: {  	s24 =	simm.s32 $0xE80;
	s30 =	simm.s32 $0x1100  }
0x136: {  	s29 =	simm.s32 $0x1080;
	s28 =	simm.s32 $0x1000;
	s26 =	simm.s32 $0xF80  }
0x137: {  	s25 =	simm.s32 $0xF00;
	s23 =	simm.s32 $0x1300;
	s22 =	simm.s32 $0x1280  }
0x138: {  	s21 =	simm.s32 $0x1200;
	s20 =	simm.s32 $0x1180;
	s19 =	stileid.u32  }
.LBB2_6:
0x139: {  	[sflag:s11] =	ssyncadd.s32 @p0 $0xFFFF6000  }
0x13a: {  	[tilespmem:s2], [sflag:$0x5] =	stream.linear.gather [hbm4b:s0+s2], $0x1400, $0x38;
	[tilespmem:$0x15400] =	vst v63  }
0x13b: {  	_ =	swait.ge [sflag:s31], $0x1400  }
0x13c: {  	[sflag:s31] =	ssyncset.done $0x0  }
0x13d: {  	[sflag:s31] =	ssyncadd.s32 $0xFFFFEC00  }
0x13e: {  	[tilespmem:s4], [sflag:$0x1] =	stream.indirect.gather [hbm4b:s3+s5], $0x40, s2, s5, $0xb8;
	[tilespmem:$0x15400] =	vst v63  }
0x13f: {  	_ = 	snop  }
0x140: {  	[tilespmem:s7], [sflag:$0x1] =	stream.indirect.gather [hbm4b:s3+s5], $0x40, s5, s5, $0xb8;
	[tilespmem:$0x15400] =	vst v63  }
0x141: {  	s31 =	rddreg [dreg:$0xb]  }
0x142: {  	[tilespmem:s9], [sflag:$0x1] =	stream.indirect.gather [hbm4b:s3+s5], $0x40, s31, s5, $0xb8;
	[tilespmem:$0x15400] =	vst v63  }
0x143: {  	s1 =	rddreg [dreg:$0xc]  }
0x144: {  	[tilespmem:s12], [sflag:$0x1] =	stream.indirect.gather [hbm4b:s3+s5], $0x40, s1, s5, $0xb8;
	[tilespmem:$0x15400] =	vst v63  }
0x145: {  	s0 =	rddreg [dreg:$0xd]  }
0x146: {  	[tilespmem:s14], [sflag:$0x1] =	stream.indirect.gather [hbm4b:s3+s5], $0x40, s0, s5, $0xb8;
	[tilespmem:$0x15400] =	vst v63  }
0x147: {  	s31 =	rddreg [dreg:$0xe]  }
0x148: {  	[tilespmem:s6], [sflag:$0x2] =	stream.indirect.gather [hbm4b:s3+s5], $0x40, s31, s5, $0xb8;
	[tilespmem:$0x15400] =	vst v63  }
0x149: {  	s0 =	rddreg [dreg:$0xf]  }
0x14a: {  	[tilespmem:s10], [sflag:$0x2] =	stream.indirect.gather [hbm4b:s3+s5], $0x40, s0, s5, $0xb8;
	[tilespmem:$0x15400] =	vst v63  }
0x14b: {  	s31 =	rddreg [dreg:$0x10]  }
0x14c: {  	[tilespmem:s13], [sflag:$0x2] =	stream.indirect.gather [hbm4b:s3+s5], $0x40, s31, s5, $0xb8;
	[tilespmem:$0x15400] =	vst v63  }
0x14d: {  	s0 =	rddreg [dreg:$0x11]  }
0x14e: {  	[tilespmem:s15], [sflag:$0x2] =	stream.indirect.gather [hbm4b:s3+s5], $0x40, s0, s5, $0xb8;
	[tilespmem:$0x15400] =	vst v63  }
0x14f: {  	s31 =	rddreg [dreg:$0x12]  }
0x150: {  	[tilespmem:s17], [sflag:$0x2] =	stream.indirect.gather [hbm4b:s3+s5], $0x40, s31, s5, $0xb8;
	[tilespmem:$0x15400] =	vst v63  }
0x151: {  	_ =	swait.ge [sflag:s16], $0xA000  }
0x152: {  	[sflag:s16] =	ssyncset.done $0x0  }
0x153: {  	s1 =	rddreg [dreg:$0x3];
	[sflag:s16] =	ssyncadd.s32 $0xFFFF6000  }
0x154: {  	[hbm4b:s1+s2] =	stream.linear.scatter [tilespmem:s4], [sflag:$0x3], $0xA000, $0x38;
	[tilespmem:$0x15400] =	vst v63  }
0x155: {  	_ =	swait.ge [sflag:s8], $0xA000  }
0x156: {  	[sflag:s8] =	ssyncset.done $0x0  }
0x157: {  	s31 =	rddreg [dreg:$0x13];
	[sflag:s8] =	ssyncadd.s32 $0xFFFF6000  }
0x158: {  	[tilespmem:s4], [sflag:$0x1] =	stream.indirect.gather [hbm4b:s3+s5], $0x40, s31, s5, $0xb8;
	[tilespmem:$0x15400] =	vst v63  }
0x159: {  	s1 =	rddreg [dreg:$0x14]  }
0x15a: {  	[tilespmem:s7], [sflag:$0x1] =	stream.indirect.gather [hbm4b:s3+s5], $0x40, s1, s5, $0xb8;
	[tilespmem:$0x15400] =	vst v63  }
0x15b: {  	s31 =	rddreg [dreg:$0x15]  }
0x15c: {  	[tilespmem:s9], [sflag:$0x1] =	stream.indirect.gather [hbm4b:s3+s5], $0x40, s31, s5, $0xb8;
	[tilespmem:$0x15400] =	vst v63  }
0x15d: {  	s1 =	rddreg [dreg:$0x16]  }
0x15e: {  	[tilespmem:s12], [sflag:$0x1] =	stream.indirect.gather [hbm4b:s3+s5], $0x40, s1, s5, $0xb8;
	[tilespmem:$0x15400] =	vst v63  }
0x15f: {  	s31 =	rddreg [dreg:$0x17]  }
0x160: {  	[tilespmem:s14], [sflag:$0x1] =	stream.indirect.gather [hbm4b:s3+s5], $0x40, s31, s5, $0xb8;
	[tilespmem:$0x15400] =	vst v63  }
0x161: {  	_ =	swait.ge [sflag:s18], $0xA000  }
0x162: {  	[sflag:s18] =	ssyncset.done $0x0  }
0x163: {  	s1 =	rddreg [dreg:$0x4];
	[sflag:s18] =	ssyncadd.s32 $0xFFFF6000  }
0x164: {  	[hbm4b:s1+s2] =	stream.linear.scatter [tilespmem:s6], [sflag:$0x4], $0xA000, $0x38;
	[tilespmem:$0x15400] =	vst v63  }
0x165: {  	_ =	swait.ge [sflag:s11], $0xA000  }
0x166: {  	[sflag:s11] =	ssyncset.done $0x0  }
0x167: {  	s31 =	rddreg [dreg:$0x18];
	[sflag:s11] =	ssyncadd.s32 $0xFFFF6000  }
0x168: {  	[tilespmem:s6], [sflag:$0x2] =	stream.indirect.gather [hbm4b:s3+s5], $0x40, s31, s5, $0xb8;
	[tilespmem:$0x15400] =	vst v63  }
0x169: {  	s1 =	rddreg [dreg:$0x19]  }
0x16a: {  	[tilespmem:s10], [sflag:$0x2] =	stream.indirect.gather [hbm4b:s3+s5], $0x40, s1, s5, $0xb8;
	[tilespmem:$0x15400] =	vst v63  }
0x16b: {  	s31 =	rddreg [dreg:$0x1a]  }
0x16c: {  	[tilespmem:s13], [sflag:$0x2] =	stream.indirect.gather [hbm4b:s3+s5], $0x40, s31, s5, $0xb8;
	[tilespmem:$0x15400] =	vst v63  }
0x16d: {  	s1 =	rddreg [dreg:$0x1b]  }
0x16e: {  	[tilespmem:s15], [sflag:$0x2] =	stream.indirect.gather [hbm4b:s3+s5], $0x40, s1, s5, $0xb8;
	[tilespmem:$0x15400] =	vst v63  }
0x16f: {  	s31 =	rddreg [dreg:$0x1c]  }
0x170: {  	[tilespmem:s17], [sflag:$0x2] =	stream.indirect.gather [hbm4b:s3+s5], $0x40, s31, s5, $0xb8;
	[tilespmem:$0x15400] =	vst v63  }
0x171: {  	_ =	swait.ge [sflag:s16], $0xA000  }
0x172: {  	[sflag:s16] =	ssyncset.done $0x0  }
0x173: {  	s1 =	rddreg [dreg:$0x5];
	[sflag:s16] =	ssyncadd.s32 $0xFFFF6000  }
0x174: {  	[hbm4b:s1+s2] =	stream.linear.scatter [tilespmem:s4], [sflag:$0x3], $0xA000, $0x38;
	[tilespmem:$0x15400] =	vst v63  }
0x175: {  	_ =	swait.ge [sflag:s8], $0xA000  }
0x176: {  	s31 =	rddreg [dreg:$0x1d];
	[sflag:s8] =	ssyncset.done $0x0  }
0x177: {  	s1 =	rddreg [dreg:$0x1e];
	[sflag:s8] =	ssyncadd.s32 $0xFFFF6000  }
0x178: {  	[tilespmem:s4], [sflag:$0x1] =	stream.indirect.gather [hbm4b:s3+s5], $0x40, s31, s5, $0xb8;
	[tilespmem:$0x15400] =	vst v63  }
0x179: {  	s31 =	rddreg [dreg:$0x1f]  }
0x17a: {  	[tilespmem:s7], [sflag:$0x1] =	stream.indirect.gather [hbm4b:s3+s5], $0x40, s1, s5, $0xb8;
	[tilespmem:$0x15400] =	vst v63  }
0x17b: {  	s1 =	sld [smem:$0x7F8]  }
0x17c: {  	[tilespmem:s9], [sflag:$0x1] =	stream.indirect.gather [hbm4b:s3+s5], $0x40, s31, s5, $0xb8;
	[tilespmem:$0x15400] =	vst v63  }
0x17d: {  	s31 =	sld [smem:$0x7F9]  }
0x17e: {  	[tilespmem:s12], [sflag:$0x1] =	stream.indirect.gather [hbm4b:s3+s5], $0x40, s1, s5, $0xb8;
	[tilespmem:$0x15400] =	vst v63  }
0x17f: {  	_ = 	snop  }
0x180: {  	[tilespmem:s14], [sflag:$0x1] =	stream.indirect.gather [hbm4b:s3+s5], $0x40, s31, s5, $0xb8;
	[tilespmem:$0x15400] =	vst v63  }
0x181: {  	_ =	swait.ge [sflag:s18], $0xA000  }
0x182: {  	[sflag:s18] =	ssyncset.done $0x0  }
0x183: {  	s31 =	rddreg [dreg:$0x6];
	[sflag:s18] =	ssyncadd.s32 $0xFFFF6000  }
0x184: {  	[hbm4b:s31+s2] =	stream.linear.scatter [tilespmem:s6], [sflag:$0x4], $0xA000, $0x38;
	[tilespmem:$0x15400] =	vst v63  }
0x185: {  	_ =	swait.ge [sflag:s11], $0xA000  }
0x186: {  	s1 =	sld [smem:$0x7FA]  }
0x187: {  	[sflag:s11] =	ssyncset.done $0x0  }
0x188: {  	s31 =	sld [smem:$0x7FB];
	[sflag:s11] =	ssyncadd.s32 $0xFFFF6000  }
0x189: {  	[tilespmem:s6], [sflag:$0x2] =	stream.indirect.gather [hbm4b:s3+s5], $0x40, s1, s5, $0xb8;
	[tilespmem:$0x15400] =	vst v63  }
0x18a: {  	s0 =	sld [smem:$0x7FC]  }
0x18b: {  	[tilespmem:s10], [sflag:$0x2] =	stream.indirect.gather [hbm4b:s3+s5], $0x40, s31, s5, $0xb8;
	[tilespmem:$0x15400] =	vst v63  }
0x18c: {  	s31 =	sld [smem:$0x7FD]  }
0x18d: {  	[tilespmem:s13], [sflag:$0x2] =	stream.indirect.gather [hbm4b:s3+s5], $0x40, s0, s5, $0xb8;
	[tilespmem:$0x15400] =	vst v63  }
0x18e: {  	_ = 	snop  }
0x18f: {  	[tilespmem:s15], [sflag:$0x2] =	stream.indirect.gather [hbm4b:s3+s5], $0x40, s31, s5, $0xb8;
	[tilespmem:$0x15400] =	vst v63  }
0x190: {  	_ = 	snop  }
0x191: {  	[tilespmem:s17], [sflag:$0x2] =	stream.indirect.gather [hbm4b:s3+s5], $0x40, s24, s5, $0xb8;
	[tilespmem:$0x15400] =	vst v63  }
0x192: {  	_ =	swait.ge [sflag:s16], $0xA000  }
0x193: {  	[sflag:s16] =	ssyncset.done $0x0  }
0x194: {  	s24 =	rddreg [dreg:$0x7];
	[sflag:s16] =	ssyncadd.s32 $0xFFFF6000  }
0x195: {  	[hbm4b:s24+s2] =	stream.linear.scatter [tilespmem:s4], [sflag:$0x3], $0xA000, $0x38;
	[tilespmem:$0x15400] =	vst v63  }
0x196: {  	_ =	swait.ge [sflag:s8], $0xA000  }
0x197: {  	[sflag:s8] =	ssyncset.done $0x0  }
0x198: {  	[sflag:s8] =	ssyncadd.s32 $0xFFFF6000  }
0x199: {  	[tilespmem:s4], [sflag:$0x1] =	stream.indirect.gather [hbm4b:s3+s5], $0x40, s25, s5, $0xb8;
	[tilespmem:$0x15400] =	vst v63  }
0x19a: {  	_ = 	snop  }
0x19b: {  	[tilespmem:s7], [sflag:$0x1] =	stream.indirect.gather [hbm4b:s3+s5], $0x40, s26, s5, $0xb8;
	[tilespmem:$0x15400] =	vst v63  }
0x19c: {  	_ = 	snop  }
0x19d: {  	[tilespmem:s9], [sflag:$0x1] =	stream.indirect.gather [hbm4b:s3+s5], $0x40, s28, s5, $0xb8;
	[tilespmem:$0x15400] =	vst v63  }
0x19e: {  	_ = 	snop  }
0x19f: {  	[tilespmem:s12], [sflag:$0x1] =	stream.indirect.gather [hbm4b:s3+s5], $0x40, s29, s5, $0xb8;
	[tilespmem:$0x15400] =	vst v63  }
0x1a0: {  	_ = 	snop  }
0x1a1: {  	[tilespmem:s14], [sflag:$0x1] =	stream.indirect.gather [hbm4b:s3+s5], $0x40, s30, s5, $0xb8;
	[tilespmem:$0x15400] =	vst v63  }
0x1a2: {  	_ =	swait.ge [sflag:s18], $0xA000  }
0x1a3: {  	[sflag:s18] =	ssyncset.done $0x0  }
0x1a4: {  	s28 =	rddreg [dreg:$0x8];
	[sflag:s18] =	ssyncadd.s32 $0xFFFF6000  }
0x1a5: {  	[hbm4b:s28+s2] =	stream.linear.scatter [tilespmem:s6], [sflag:$0x4], $0xA000, $0x38;
	[tilespmem:$0x15400] =	vst v63  }
0x1a6: {  	_ =	swait.ge [sflag:s11], $0xA000  }
0x1a7: {  	[sflag:s11] =	ssyncset.done $0x0  }
0x1a8: {  	[sflag:s11] =	ssyncadd.s32 $0xFFFF6000  }
0x1a9: {  	[tilespmem:s6], [sflag:$0x2] =	stream.indirect.gather [hbm4b:s3+s5], $0x40, s20, s5, $0xb8;
	[tilespmem:$0x15400] =	vst v63  }
0x1aa: {  	_ = 	snop  }
0x1ab: {  	[tilespmem:s10], [sflag:$0x2] =	stream.indirect.gather [hbm4b:s3+s5], $0x40, s21, s5, $0xb8;
	[tilespmem:$0x15400] =	vst v63  }
0x1ac: {  	_ = 	snop  }
0x1ad: {  	[tilespmem:s13], [sflag:$0x2] =	stream.indirect.gather [hbm4b:s3+s5], $0x40, s22, s5, $0xb8;
	[tilespmem:$0x15400] =	vst v63  }
0x1ae: {  	_ = 	snop  }
0x1af: {  	[tilespmem:s15], [sflag:$0x2] =	stream.indirect.gather [hbm4b:s3+s5], $0x40, s23, s5, $0xb8;
	[tilespmem:$0x15400] =	vst v63  }
0x1b0: {  	s29 =	simm.s32 $0x1380  }
0x1b1: {  	[tilespmem:s17], [sflag:$0x2] =	stream.indirect.gather [hbm4b:s3+s5], $0x40, s29, s5, $0xb8;
	[tilespmem:$0x15400] =	vst v63  }
0x1b2: {  	_ =	swait.ge [sflag:s16], $0xA000  }
0x1b3: {  	[sflag:s16] =	ssyncset.done $0x0  }
0x1b4: {  	s30 =	rddreg [dreg:$0x9];
	[sflag:s16] =	ssyncadd.s32 $0xFFFF6000  }
0x1b5: {  	[hbm4b:s30+s2] =	stream.linear.scatter [tilespmem:s4], [sflag:$0x3], $0xA000, $0x38;
	[tilespmem:$0x15400] =	vst v63  }
0x1b6: {  	_ =	swait.ge [sflag:s18], $0xA000  }
0x1b7: {  	[sflag:s18] =	ssyncset.done $0x0  }
0x1b8: {  	s31 =	rddreg [dreg:$0xa];
	[sflag:s18] =	ssyncadd.s32 $0xFFFF6000  }
0x1b9: {  	[hbm4b:s31+s2] =	stream.linear.scatter [tilespmem:s6], [sflag:$0x4], $0xA000, $0x38;
	[tilespmem:$0x15400] =	vst v63  }
0x1ba: {  	_ =	swait.ge [sflag:s8], $0xA000  }
0x1bb: {  	[sflag:s8] =	ssyncset.done $0x0  }
0x1bc: {  	[sflag:s8] =	ssyncadd.s32 $0xFFFF6000  }
0x1bd: {  	_ =	swait.ge [sflag:s11], $0xA000  }
0x1be: {  	[sflag:s11] =	ssyncset.done $0x0  }
0x1bf: {  	[sflag:s11] =	ssyncadd.s32 $0xFFFF6000  }
0x1c0: {  	_ =	sfence.sel $0x180000  }
0x1c1: {  	[bflag:$0x0] =	sbarrier.arrive $0xFFFF  }
0x1c2: {  	_ =	strace $0x90000047  }
0x1c3: {  	[bflag:$0x2] =	sbarrier.arrive $0xFFFF  }
0x1c4: {  	p0 =	sne.s32 s19, $0x0;
	s0 =	rddreg [dreg:$0x1]  }
0x1c5: {  	s0 =	sadd.s32 @!p0 $0x100000, s0  }
0x1c6: {  	[sflag:s0] =	ssyncadd.tile.s32 @!p0 $0x1;
	_ =	shalt  }
.LBB2_1:
.Ltmp3:
0x1c7: {  	(pc) =	sbr.rel .LBB2_6-.Ltmp3, $4  }
0x1c8: {  	s24 =	simm.s32 $0xE80  }
0x1c9: {  	s30 =	simm.s32 $0x1100;
	s29 =	simm.s32 $0x1080;
	s28 =	simm.s32 $0x1000  }
0x1ca: {  	s26 =	simm.s32 $0xF80;
	s25 =	simm.s32 $0xF00;
	s23 =	simm.s32 $0x1300  }
0x1cb: {  	s22 =	simm.s32 $0x1280;
	s21 =	simm.s32 $0x1200;
	s20 =	simm.s32 $0x1180  }
.LBB2_3:
.Ltmp4:
0x1cc: {  	(pc) =	sbr.rel .LBB2_6-.Ltmp4, $4  }
0x1cd: {  	s24 =	simm.s32 $0xE80;
	s30 =	simm.s32 $0x1100  }
0x1ce: {  	s29 =	simm.s32 $0x1080;
	s28 =	simm.s32 $0x1000;
	s26 =	simm.s32 $0xF80  }
0x1cf: {  	s25 =	simm.s32 $0xF00;
	s23 =	simm.s32 $0x1300;
	s22 =	simm.s32 $0x1280  }
0x1d0: {  	s21 =	simm.s32 $0x1200;
	s20 =	simm.s32 $0x1180;
	s19 =	stileid.u32  }
.Lfunc_end2:
_tile_overlayer_lowered:
.L_overlay_start_2:
0x1d1: {  	(tag) =	ssettag $0x2  }
0x1d2: {  	s0 =	rddreg [dreg:$0x0];
	s2 =	stileid.u32  }
0x1d3: {  	s1 =	rddreg [dreg:$0x1];
	p0 =	sne.s32 s2, $0x0  }
0x1d4: {  	s3 =	rddreg [dreg:$0x2];
	[bflag:$0x3] =	sbarrier.arrive $0xFFFF;
	s2 =	simm.s32 @!p0 $0x1C05  }
0x1d5: {  	[timem:s3], [sflag:s2] =	dma.local @!p0 [hbm:s0], s1  }
0x1d6: {  	s0 =	simm.s32 @!p0 $0x5  }
0x1d7: {  	_ =	swait.ge @!p0 [sflag:s0], s1  }
0x1d8: {  	s1 =	ssub.s32 @!p0 $0x0, s1;
	[sflag:s0] =	ssyncset.done @!p0 $0x0  }
0x1d9: {  	[sflag:s0] =	ssyncadd.s32 @!p0 s1  }
0x1da: {  	[bflag:$0x3] =	sbarrier.arrive $0xFFFF  }
0x1db: {  	_ =	shalt  }

// kernel: kernel.15.cloned.1.call-start
scs
__scs_entry_jumppad:
0x0: {  	(pc) =	sbr.rel $0x88, $3  }
0x1: {  	(tag) =	ssettag $0x0;
	lr =	simm.s32 $0x1  }
0x2: {  	[smem:$0x3F9C] =	sst lr;
	_ =	strace $0xD0000000  }
0x3: {  	_ = 	snop  }
0x4: {  	_ = 	snop  }
0x5: {  	_ = 	snop  }
0x6: {  	_ = 	snop  }
0x7: {  	_ = 	snop  }
__scs_overlays_trampoline_lowered:
0x8: {  	[smem:$0x3FAB] =	sst s0  }
0x9: {  	[smem:$0x3FAC] =	sst s1  }
0xa: {  	[smem:$0x3FAD] =	sst s2  }
0xb: {  	[smem:$0x3FAE] =	sst s3  }
0xc: {  	[smem:$0x3FAF] =	sst s4  }
0xd: {  	[smem:$0x3FB0] =	sst s5  }
0xe: {  	[smem:$0x3FB1] =	sst s6  }
0xf: {  	[smem:$0x3FB2] =	sst s7  }
0x10: {  	[smem:$0x3FB3] =	sst s8  }
0x11: {  	[smem:$0x3FB4] =	sst s9;
	s0 =	simm.s32 @!p0 $0x0  }
0x12: {  	s1 =	sld [smem:$0x3F9A];
	s0 =	simm.s32 @p0 $0x1  }
0x13: {  	[smem:$0x3FB5] =	sst s0;
	s0 =	simm.s32 @!p1 $0x0  }
0x14: {  	s2 =	sld [smem:$0x3F99];
	s0 =	simm.s32 @p1 $0x1  }
0x15: {  	[smem:$0x3FB6] =	sst s0;
	s0 =	simm.s32 @!p2 $0x0  }
0x16: {  	s3 =	sld [smem:$0x3FDB];
	s0 =	simm.s32 @p2 $0x1  }
0x17: {  	s4 =	simm.s32 $0x1BF5;
	[smem:$0x3FB8] =	sst s0  }
0x18: {  	s0 =	sld [smem:$0x3F9B];
	_ =	swait.ge [sflag:s4], $0x0  }
0x19: {  	s7 =	sld [smem:$0x3F9C]  }
0x1a: {  	s8 =	sadd.s32 $0xFFFFE003, lr  }
0x1b: {  	s9 =	sadd.s32 $0xFFFFFEF7, lr;
	s5 =	simm.s32 $0xFFFFFFFF;
	p2 =	slt.u32 s8, $0xFFFFF086  }
0x1c: {  	p1 =	slt.u32 s9, $0xF7A;
	s5 =	simm.s32 @!p2 $0x0  }
0x1d: {  	s5 =	simm.s32 @p1 $0x1;
	p0 =	seq.s32 s7, s2  }
0x1e: {  	s7 =	smul.u32 @!p0 $0xF7A, s2;
	p2 =	seq.s32 @!p0 s5, $0x0  }
0x1f: {  	s9 =	smul.u32 $0xF7A, s1;
	s8 =	simm.s32 @!p0 $0x1BF5;
	p2 =	por !p2, p0  }
0x20: {  	[sflag:s8] =	ssyncset.s32 @!p0 $0xFFFFF086;
	s6 =	sadd.s32 @!p0 s3, s7;
	s7 =	simm.s32 @!p0 $0x108  }
0x21: {  	s3 =	sadd.s32 s3, s9;
	s6 =	sadd.s32 @!p0 $0x88, s6;
	s7 =	simm.s32 @p2 $0x1082  }
0x22: {  	[simem:s7], [sflag:s8] =	dma.local @!p0 [hbm:s6], $0xF7A  }
0x23: {  	s9 =	sor.u32 $0xD0000000, s2;
	s6 =	simm.s32 $0x108;
	_ =	swait.ge @!p0 [sflag:s8], $0x0  }
0x24: {  	s3 =	sadd.s32 $0x88, s3;
	s6 =	simm.s32 @!p1 $0x1082;
	[sflag:s4] =	ssyncset.s32 $0xFFFFF086  }
0x25: {  	[simem:s6], [sflag:s4] =	dma.local [hbm:s3], $0xF7A  }
0x26: {  	[smem:$0x3F9C] =	sst s1;
	(tag) =	ssettag s2;
	_ =	strace s9  }
0x27: {  	s1 =	sld [smem:$0x3FAC]  }
0x28: {  	s2 =	sld [smem:$0x3FAD]  }
0x29: {  	s4 =	sld [smem:$0x3FAF]  }
0x2a: {  	p0 =	seq.s32 s5, $0x0;
	s5 =	sld [smem:$0x3FB0]  }
0x2b: {  	s6 =	sld [smem:$0x3FB1]  }
0x2c: {  	s7 =	sld [smem:$0x3FB2]  }
0x2d: {  	s3 =	simm.s32 $0x108;
	s8 =	sld [smem:$0x3FB3]  }
0x2e: {  	s3 =	simm.s32 @!p0 $0x1082;
	s9 =	sld [smem:$0x3FB4]  }
0x2f: {  	lr =	sadd.s32 s0, s3;
	s0 =	sld [smem:$0x3FAB]  }
0x30: {  	s3 =	sld [smem:$0x3FAE]  }
0x31: {  	[smem:$0x3FB7] =	sst s10  }
0x32: {  	s10 =	sld [smem:$0x3FB5];
	_ =	sdelay $0x3  }
0x33: {  	p0 =	seq.s32 s10, $0x1;
	s10 =	sld [smem:$0x3FB7];
	_ =	sdelay $0x3  }
0x34: {  	[smem:$0x3FB7] =	sst s10  }
0x35: {  	s10 =	sld [smem:$0x3FB6];
	_ =	sdelay $0x3  }
0x36: {  	p1 =	seq.s32 s10, $0x1;
	s10 =	sld [smem:$0x3FB7];
	_ =	sdelay $0x3  }
0x37: {  	[smem:$0x3FB7] =	sst s10  }
0x38: {  	s10 =	sld [smem:$0x3FB8]  }
0x39: {  	_ = 	snop;
	(pc) =	sbr.ind lr, $3  }
0x3a: {  	_ = 	snop  }
0x3b: {  	_ = 	snop  }
0x3c: {  	p2 =	seq.s32 s10, $0x1;
	s10 =	sld [smem:$0x3FB7]  }
0x3d: {  	_ =	shalt  }
0x3e: {  	_ =	shalt  }
0x3f: {  	_ =	shalt  }
0x40: {  	_ =	shalt  }
0x41: {  	_ =	shalt  }
0x42: {  	_ =	shalt  }
0x43: {  	_ =	shalt  }
0x44: {  	_ =	shalt  }
0x45: {  	_ =	shalt  }
0x46: {  	_ =	shalt  }
0x47: {  	_ =	shalt  }
0x48: {  	_ =	shalt  }
0x49: {  	_ =	shalt  }
0x4a: {  	_ =	shalt  }
0x4b: {  	_ =	shalt  }
0x4c: {  	_ =	shalt  }
0x4d: {  	_ =	shalt  }
0x4e: {  	_ =	shalt  }
0x4f: {  	_ =	shalt  }
0x50: {  	_ =	shalt  }
0x51: {  	_ =	shalt  }
0x52: {  	_ =	shalt  }
0x53: {  	_ =	shalt  }
0x54: {  	_ =	shalt  }
0x55: {  	_ =	shalt  }
0x56: {  	_ =	shalt  }
0x57: {  	_ =	shalt  }
0x58: {  	_ =	shalt  }
0x59: {  	_ =	shalt  }
0x5a: {  	_ =	shalt  }
0x5b: {  	_ =	shalt  }
0x5c: {  	_ =	shalt  }
0x5d: {  	_ =	shalt  }
0x5e: {  	_ =	shalt  }
0x5f: {  	_ =	shalt  }
0x60: {  	_ =	shalt  }
0x61: {  	_ =	shalt  }
0x62: {  	_ =	shalt  }
0x63: {  	_ =	shalt  }
0x64: {  	_ =	shalt  }
0x65: {  	_ =	shalt  }
0x66: {  	_ =	shalt  }
0x67: {  	_ =	shalt  }
0x68: {  	_ =	shalt  }
0x69: {  	_ =	shalt  }
0x6a: {  	_ =	shalt  }
0x6b: {  	_ =	shalt  }
0x6c: {  	_ =	shalt  }
0x6d: {  	_ =	shalt  }
0x6e: {  	_ =	shalt  }
0x6f: {  	_ =	shalt  }
0x70: {  	_ =	shalt  }
0x71: {  	_ =	shalt  }
0x72: {  	_ =	shalt  }
0x73: {  	_ =	shalt  }
0x74: {  	_ =	shalt  }
0x75: {  	_ =	shalt  }
0x76: {  	_ =	shalt  }
0x77: {  	_ =	shalt  }
0x78: {  	_ =	shalt  }
0x79: {  	_ =	shalt  }
0x7a: {  	_ =	shalt  }
0x7b: {  	_ =	shalt  }
0x7c: {  	_ =	shalt  }
0x7d: {  	_ =	shalt  }
0x7e: {  	_ =	shalt  }
0x7f: {  	_ =	shalt  }
0x80: {  	_ =	shalt  }
0x81: {  	_ =	shalt  }
0x82: {  	_ =	shalt  }
0x83: {  	_ =	shalt  }
0x84: {  	_ =	shalt  }
0x85: {  	_ =	shalt  }
0x86: {  	_ =	shalt  }
0x87: {  	_ =	shalt  }
.Lfunc_end0:
.L_simem_size_0:
called_computation.1_lowered:
.L_overlay_start_0:
0x88: {  	s2 =	sld [smem:$0x3FD9]  }
0x89: {  	s3 =	sld [smem:$0x3FFE];
	_ =	sdelay $0x1  }
0x8a: {  	s1 =	srdreg.scid  }
0x8b: {  	s0 =	sand.u32 $0x1, s1  }
0x8c: {  	s17 =	sshll.u32 s0, $0xA;
	s2 =	sadd.s32 s3, s2  }
0x8d: {  	s2 =	sadd.s32 s2, s17  }
0x8e: {  	[smem:$0x3FC3] =	sst s2  }
0x8f: {  	_ = 	snop  }
0x90: {  	(tm) =	ssettm $0x1  }
0x91: {  	s18 =	sld [smem:$0x3FFB];
	_ =	sdelay $0x3  }
0x92: {  	_ =	strace s18  }
0x93: {  	s2 =	sld [smem:$0x3FFC];
	_ =	sdelay $0x3  }
0x94: {  	_ =	strace s2  }
0x95: {  	s2 =	sld [smem:$0x3FFD];
	_ =	sdelay $0x3  }
0x96: {  	_ =	strace s2  }
0x97: {  	_ =	strace $0x8FFFFFFF  }
0x98: {  	s19 =	sld [smem:$0x3FDB];
	_ =	sdelay $0x1  }
0x99: {  	s20 =	simm.s32 $_scs_section_size  }
0x9a: {  	s4 =	simm.s32 $_size__tile_overlayer_lowered;
	s5 =	simm.s32 $_tile_overlayer_lowered  }
0x9b: {  	s6 =	simm.s32 $0x1BFF;
	s21 =	sshll.u32 s5, $0x1;
	s3 =	sadd.s32 s20, s19  }
0x9c: {  	s22 =	simm.s32 $0x0;
	s4 =	sshll.u32 s4, $0x1;
	s5 =	sadd.s32 s21, s3  }
0x9d: {  	[timem:s22], [sflag:s6] =	dma.local [hbm:s5], s4  }
0x9e: {  	_ =	swait.ge [sflag:s6], s4  }
0x9f: {  	s4 =	ssub.s32 $0x0, s4;
	[sflag:s6] =	ssyncset.done $0x0  }
0xa0: {  	[sflag:s6] =	ssyncadd.s32 s4;
	_ =	sdelay $0x1  }
0xa1: {  	s23 =	simm.s32 $0x1B8B  }
0xa2: {  	_ =	swait.ge [sflag:s23], $0x1  }
0xa3: {  	[sflag:s23] =	ssyncset.done $0x0  }
0xa4: {  	[sflag:s23] =	ssyncadd.s32 $0xFFFFFFFF  }
0xa5: {  	s4 =	sld [smem:$0x0]  }
0xa6: {  	s5 =	sand.u32 $0xFFFFFFFE, s1  }
0xa7: {  	p0 =	sne.s32 s1, s5  }
0xa8: {  	s5 =	sshll.u32 @p0 s5, $0xE  }
0xa9: {  	s5 =	sadd.s32 @p0 $0x11B8D, s5;
	s6 =	sshll.u32 @p0 s4, $0x11  }
0xaa: {  	s5 =	sor.u32 @p0 s6, s5  }
0xab: {  	[sflag:s5] =	ssyncadd.remote.s32 @p0 $0x1;
	_ =	sdelay $0x1  }
0xac: {  	s5 =	simm.s32 @p0 $0x1B8D  }
0xad: {  	_ =	swait.eq @p0 [sflag:s5], $0x1  }
0xae: {  	[sflag:s5] =	ssyncadd.s32 @p0 $0xFFFFFFFF  }
0xaf: {  	s6 =	sshll.u32 @!p0 s1, $0xE  }
0xb0: {  	s6 =	sor.u32 @!p0 $0x4000, s6;
	s5 =	simm.s32 @!p0 $0x1B8D  }
0xb1: {  	s4 =	sshll.u32 @!p0 s4, $0x11;
	s6 =	sadd.s32 @!p0 $0x11B8D, s6;
	_ =	swait.eq @!p0 [sflag:s5], $0x1  }
0xb2: {  	s4 =	sor.u32 @!p0 s4, s6;
	[sflag:s5] =	ssyncadd.s32 @!p0 $0xFFFFFFFF  }
0xb3: {  	s25 =	simm.s32 $0x1B8E;
	s24 =	sld [smem:$0x3FFE];
	[sflag:s4] =	ssyncadd.remote.s32 @!p0 $0x1  }
0xb4: {  	s26 =	simm.s32 $execute0_lowered;
	[smem:$0x3FD2] =	sst s25  }
0xb5: {  	s5 =	sshll.u32 s26, $0x1;
	_ =	strace $0x80000049;
	[dreg:$0x1] =	wrdreg $0xFFFFFFFF  }
0xb6: {  	s28 =	simm.s32 $_size_execute0_lowered;
	s3 =	sadd.s32 s3, s5;
	[dreg:$0x0] =	wrdreg $0x0  }
0xb7: {  	s5 =	sshll.u32 s28, $0x1;
	[dreg:$0x2] =	wrdreg s3  }
0xb8: {  	[dreg:$0x3] =	wrdreg s5  }
0xb9: {  	[dreg:$0x4] =	wrdreg $0xC0  }
0xba: {  	_ =	task [dreg:s22], $0x5FFFF  }
0xbb: {  	[dreg:$0x1] =	wrdreg $0xFFFFFFFF  }
0xbc: {  	[dreg:$0x0] =	wrdreg $0x60  }
0xbd: {  	[dreg:$0x2] =	wrdreg s24  }
0xbe: {  	[dreg:$0x3] =	wrdreg $0xA  }
0xbf: {  	_ =	task.clear_ibuf [dreg:s22], $0x4FFFF;
	_ =	strace $0x90000049  }
0xc0: {  	s29 =	simm.s32 $0xA;
	_ =	strace $0x8000004B  }
0xc1: {  	_ =	swait.ge [sflag:s29], $0x1  }
0xc2: {  	[sflag:s29] =	ssyncadd.s32 $0xFFFFFFFF  }
0xc3: {  	_ =	strace $0x9000004B  }
0xc4: {  	_ =	sfence  }
0xc5: {  	s30 =	sld [smem:$0x0];
	_ =	sdelay $0x2  }
0xc6: {  	s31 =	sshll.u32 s1, $0xD;
	s1 =	sshrl.u32 s1, $0x2  }
0xc7: {  	s4 =	sand.u32 $0x4000, s31;
	s1 =	sadd.s32 s1, s30  }
0xc8: {  	s0 =	sor.u32 s4, s0;
	s1 =	sshll.u32 s1, $0x11  }
0xc9: {  	s0 =	sor.u32 s1, s0  }
0xca: {  	s0 =	sadd.s32 $0x8F2B, s0  }
0xcb: {  	[sflag:s0] =	ssyncadd.remote.s32 $0x1  }
0xcc: {  	_ =	sfence.sel $0xFFFF  }
0xcd: {  	[dreg:$0x0] =	wrdreg $0xFFFFFFFF;
	(pc) =	sbr.abs _section_cstart, $3  }
0xce: {  	[dreg:$0x1] =	wrdreg $0xFFFFFFFF  }
0xcf: {  	_ =	task.clear_ibuf [dreg:s22], $0x2FFFF;
	_ =	strace $0x9FFFFFFF  }
0xd0: {  	(tm) =	ssettm $0x7FFFFFFF  }
0xd1: {  	_ =	shalt  }
tec
execute0_lowered:
.L_overlay_start_1:
0x0: {  	(tag) =	ssettag $0x1  }
0x1: {  	s3 =	rddreg [dreg:$0x0];
	s2 =	simm.s32 $0x0  }
0x2: {  	s21 =	simm.s32 $0x100;
	[smem:$0x7FF] =	sst s2  }
0x3: {  	s22 =	simm.s32 $0x180;
	_ =	strace $0x8000004A;
	[dreg:$0xb] =	wrdreg s21  }
0x4: {  	s0 =	srdreg.scid;
	s23 =	simm.s32 $0x200;
	[dreg:$0xc] =	wrdreg s22  }
0x5: {  	s19 =	stileid.u32;
	s24 =	simm.s32 $0x280;
	[dreg:$0xd] =	wrdreg s23  }
0x6: {  	s25 =	simm.s32 $0x300;
	s26 =	simm.s32 $0x380;
	[dreg:$0xe] =	wrdreg s24  }
0x7: {  	s5 =	simm.s32 $0x480;
	s6 =	simm.s32 $0x500;
	[dreg:$0xf] =	wrdreg s25  }
0x8: {  	s7 =	simm.s32 $0x580;
	s9 =	simm.s32 $0x600;
	[dreg:$0x10] =	wrdreg s26  }
0x9: {  	s10 =	simm.s32 $0x680;
	s11 =	simm.s32 $0x700;
	[dreg:$0x12] =	wrdreg s5  }
0xa: {  	s31 =	simm.s32 $0x5;
	s12 =	simm.s32 $0x780;
	[dreg:$0x13] =	wrdreg s6  }
0xb: {  	s28 =	simm.s32 $0x1000;
	s29 =	simm.s32 $0x1080;
	[dreg:$0x14] =	wrdreg s7  }
0xc: {  	p0 =	por $0x0, $0x0;
	s30 =	simm.s32 $0x1100;
	[dreg:$0x15] =	wrdreg s9  }
0xd: {  	s0 =	sand.u32 $0x1, s0;
	s1 =	sshll.u32 s19, $0x1;
	[dreg:$0x16] =	wrdreg s10  }
0xe: {  	s1 =	sor.u32 s0, s1;
	s0 =	ssub.s32 $0x2, s0;
	[dreg:$0x17] =	wrdreg s11  }
0xf: {  	s5 =	simm.s32 $0x80;
	[dreg:$0x18] =	wrdreg s12;
	s7 =	simm.s32 $0x3400  }
0x10: {  	s9 =	simm.s32 $0x5400;
	s12 =	simm.s32 $0x7400;
	s21 =	simm.s32 $0xB80  }
0x11: {  	s6 =	simm.s32 $0xB400;
	s22 =	simm.s32 $0xC00;
	[smem:$0x7F8] =	sst s21  }
0x12: {  	s10 =	simm.s32 $0xD400;
	s23 =	simm.s32 $0xC80;
	[smem:$0x7F9] =	sst s22  }
0x13: {  	s24 =	simm.s32 $0xD00;
	s4 =	smul.u32 $0x280, s1;
	[smem:$0x7FA] =	sst s23  }
0x14: {  	s25 =	simm.s32 $0xD80;
	s1 =	smul.u32 $0xA000, s1;
	[smem:$0x7FB] =	sst s24  }
0x15: {  	s26 =	simm.s32 $0xE00;
	[smem:$0x7FC] =	sst s25;
	s4 =	sadd.s32 s4, s3  }
0x16: {  	[smem:$0x7FD] =	sst s26;
	s1 =	sadd.s32 s1, s3;
	s4 =	sadd.s32 $0x148200, s4  }
0x17: {  	s11 =	simm.s32 $0x4;
	s13 =	sadd.s32 $0x15C200, s1;
	[dreg:$0x2] =	wrdreg s4  }
0x18: {  	s8 =	sshrl.u32 s0, $0x1;
	s14 =	sadd.s32 $0x15D600, s1;
	[dreg:$0x3] =	wrdreg s13  }
0x19: {  	s25 =	simm.s32 $0xE80;
	s15 =	sadd.s32 $0x15EA00, s1;
	[dreg:$0x4] =	wrdreg s14  }
0x1a: {  	s26 =	simm.s32 $0xF80;
	s16 =	sadd.s32 $0x15FE00, s1;
	[dreg:$0x5] =	wrdreg s15  }
0x1b: {  	s21 =	simm.s32 $0x1200;
	s17 =	sadd.s32 $0x161200, s1;
	[dreg:$0x6] =	wrdreg s16  }
0x1c: {  	s22 =	simm.s32 $0x1280;
	s18 =	sadd.s32 $0x162600, s1;
	[dreg:$0x7] =	wrdreg s17  }
0x1d: {  	s23 =	simm.s32 $0x1300;
	s20 =	sadd.s32 $0x163A00, s1;
	[dreg:$0x8] =	wrdreg s18  }
0x1e: {  	s24 =	simm.s32 $0x1380;
	s1 =	sadd.s32 $0x164E00, s1;
	[dreg:$0x9] =	wrdreg s20  }
0x1f: {  	s0 =	ssub.s32 s0, s8;
	[dreg:$0xa] =	wrdreg s1;
	s4 =	simm.s32 $0x400  }
0x20: {  	s8 =	simm.s32 $0x3;
	s13 =	simm.s32 $0x800;
	[dreg:$0x11] =	wrdreg s4  }
0x21: {  	s3 =	sadd.s32 $0xF45600, s3;
	s14 =	simm.s32 $0x880;
	[dreg:$0x19] =	wrdreg s13  }
0x22: {  	s0 =	smax.u32 s0, $0x1;
	s15 =	simm.s32 $0x900;
	[dreg:$0x1a] =	wrdreg s14  }
0x23: {  	p1 =	sne.s32 s0, $0x1;
	s16 =	simm.s32 $0x980;
	[dreg:$0x1b] =	wrdreg s15  }
0x24: {  	s17 =	simm.s32 $0xA00;
	s18 =	simm.s32 $0xA80;
	[dreg:$0x1c] =	wrdreg s16  }
.Ltmp0:
0x25: {  	s20 =	simm.s32 $0xB00;
	[dreg:$0x1d] =	wrdreg s17;
	(pc) =	sbr.rel @!p1 .LBB2_1-.Ltmp0, $4  }
0x26: {  	s1 =	sadd.s32 $0xFFFFFFFF, s0;
	s4 =	simm.s32 $0x1400;
	[dreg:$0x1e] =	wrdreg s18  }
0x27: {  	s14 =	simm.s32 $0x9400;
	[dreg:$0x1f] =	wrdreg s20;
	s13 =	simm.s32 $0xF400  }
0x28: {  	s15 =	simm.s32 $0x11400;
	s17 =	simm.s32 $0x13400;
	s16 =	simm.s32 $0x1  }
0x29: {  	s18 =	simm.s32 $0x2;
	s20 =	simm.s32 $0x1180;
	s0 =	rddreg [dreg:$0x2]  }
0x2a: {  	[tilespmem:s2], [sflag:$0x5] =	stream.linear.gather [hbm4b:s0+s2], $0x1400, $0x38;
	[tilespmem:$0x15400] =	vst v63  }
0x2b: {  	_ =	swait.ge [sflag:s31], $0x1400  }
0x2c: {  	[sflag:s31] =	ssyncset.done $0x0  }
0x2d: {  	[sflag:s31] =	ssyncadd.s32 $0xFFFFEC00  }
0x2e: {  	[tilespmem:s4], [sflag:$0x1] =	stream.indirect.gather [hbm4b:s3+s5], $0x40, s2, s5, $0xb8;
	[tilespmem:$0x15400] =	vst v63  }
0x2f: {  	_ = 	snop  }
0x30: {  	[tilespmem:s7], [sflag:$0x1] =	stream.indirect.gather [hbm4b:s3+s5], $0x40, s5, s5, $0xb8;
	[tilespmem:$0x15400] =	vst v63  }
0x31: {  	s0 =	rddreg [dreg:$0xb]  }
0x32: {  	[tilespmem:s9], [sflag:$0x1] =	stream.indirect.gather [hbm4b:s3+s5], $0x40, s0, s5, $0xb8;
	[tilespmem:$0x15400] =	vst v63  }
0x33: {  	s19 =	smov.u32 s1;
	s1 =	rddreg [dreg:$0xc]  }
0x34: {  	[tilespmem:s12], [sflag:$0x1] =	stream.indirect.gather [hbm4b:s3+s5], $0x40, s1, s5, $0xb8;
	[tilespmem:$0x15400] =	vst v63  }
0x35: {  	s0 =	rddreg [dreg:$0xd]  }
0x36: {  	[tilespmem:s14], [sflag:$0x1] =	stream.indirect.gather [hbm4b:s3+s5], $0x40, s0, s5, $0xb8;
	[tilespmem:$0x15400] =	vst v63  }
0x37: {  	s1 =	rddreg [dreg:$0xe]  }
0x38: {  	[tilespmem:s6], [sflag:$0x2] =	stream.indirect.gather [hbm4b:s3+s5], $0x40, s1, s5, $0xb8;
	[tilespmem:$0x15400] =	vst v63  }
0x39: {  	s0 =	rddreg [dreg:$0xf]  }
0x3a: {  	[tilespmem:s10], [sflag:$0x2] =	stream.indirect.gather [hbm4b:s3+s5], $0x40, s0, s5, $0xb8;
	[tilespmem:$0x15400] =	vst v63  }
0x3b: {  	s1 =	rddreg [dreg:$0x10]  }
0x3c: {  	[tilespmem:s13], [sflag:$0x2] =	stream.indirect.gather [hbm4b:s3+s5], $0x40, s1, s5, $0xb8;
	[tilespmem:$0x15400] =	vst v63  }
0x3d: {  	s0 =	rddreg [dreg:$0x11]  }
0x3e: {  	[tilespmem:s15], [sflag:$0x2] =	stream.indirect.gather [hbm4b:s3+s5], $0x40, s0, s5, $0xb8;
	[tilespmem:$0x15400] =	vst v63  }
0x3f: {  	s1 =	rddreg [dreg:$0x12]  }
0x40: {  	[tilespmem:s17], [sflag:$0x2] =	stream.indirect.gather [hbm4b:s3+s5], $0x40, s1, s5, $0xb8;
	[tilespmem:$0x15400] =	vst v63  }
0x41: {  	_ =	swait.ge [sflag:s16], $0xA000  }
0x42: {  	[sflag:s16] =	ssyncset.done $0x0  }
0x43: {  	s1 =	rddreg [dreg:$0x3];
	[sflag:s16] =	ssyncadd.s32 $0xFFFF6000  }
0x44: {  	[hbm4b:s1+s2] =	stream.linear.scatter [tilespmem:s4], [sflag:$0x3], $0xA000, $0x38;
	[tilespmem:$0x15400] =	vst v63  }
0x45: {  	_ =	swait.ge [sflag:s8], $0xA000  }
0x46: {  	[sflag:s8] =	ssyncset.done $0x0  }
0x47: {  	s0 =	rddreg [dreg:$0x13];
	[sflag:s8] =	ssyncadd.s32 $0xFFFF6000  }
0x48: {  	[tilespmem:s4], [sflag:$0x1] =	stream.indirect.gather [hbm4b:s3+s5], $0x40, s0, s5, $0xb8;
	[tilespmem:$0x15400] =	vst v63  }
0x49: {  	s1 =	rddreg [dreg:$0x14]  }
0x4a: {  	[tilespmem:s7], [sflag:$0x1] =	stream.indirect.gather [hbm4b:s3+s5], $0x40, s1, s5, $0xb8;
	[tilespmem:$0x15400] =	vst v63  }
0x4b: {  	s0 =	rddreg [dreg:$0x15]  }
0x4c: {  	[tilespmem:s9], [sflag:$0x1] =	stream.indirect.gather [hbm4b:s3+s5], $0x40, s0, s5, $0xb8;
	[tilespmem:$0x15400] =	vst v63  }
0x4d: {  	s1 =	rddreg [dreg:$0x16]  }
0x4e: {  	[tilespmem:s12], [sflag:$0x1] =	stream.indirect.gather [hbm4b:s3+s5], $0x40, s1, s5, $0xb8;
	[tilespmem:$0x15400] =	vst v63  }
0x4f: {  	s0 =	rddreg [dreg:$0x17]  }
0x50: {  	[tilespmem:s14], [sflag:$0x1] =	stream.indirect.gather [hbm4b:s3+s5], $0x40, s0, s5, $0xb8;
	[tilespmem:$0x15400] =	vst v63  }
0x51: {  	_ =	swait.ge [sflag:s18], $0xA000  }
0x52: {  	[sflag:s18] =	ssyncset.done $0x0  }
0x53: {  	s1 =	rddreg [dreg:$0x4];
	[sflag:s18] =	ssyncadd.s32 $0xFFFF6000  }
0x54: {  	[hbm4b:s1+s2] =	stream.linear.scatter [tilespmem:s6], [sflag:$0x4], $0xA000, $0x38;
	[tilespmem:$0x15400] =	vst v63  }
0x55: {  	_ =	swait.ge [sflag:s11], $0xA000  }
0x56: {  	[sflag:s11] =	ssyncset.done $0x0  }
0x57: {  	s0 =	rddreg [dreg:$0x18];
	[sflag:s11] =	ssyncadd.s32 $0xFFFF6000  }
0x58: {  	[tilespmem:s6], [sflag:$0x2] =	stream.indirect.gather [hbm4b:s3+s5], $0x40, s0, s5, $0xb8;
	[tilespmem:$0x15400] =	vst v63  }
0x59: {  	s1 =	rddreg [dreg:$0x19]  }
0x5a: {  	[tilespmem:s10], [sflag:$0x2] =	stream.indirect.gather [hbm4b:s3+s5], $0x40, s1, s5, $0xb8;
	[tilespmem:$0x15400] =	vst v63  }
0x5b: {  	s0 =	rddreg [dreg:$0x1a]  }
0x5c: {  	[tilespmem:s13], [sflag:$0x2] =	stream.indirect.gather [hbm4b:s3+s5], $0x40, s0, s5, $0xb8;
	[tilespmem:$0x15400] =	vst v63  }
0x5d: {  	s1 =	rddreg [dreg:$0x1b]  }
0x5e: {  	[tilespmem:s15], [sflag:$0x2] =	stream.indirect.gather [hbm4b:s3+s5], $0x40, s1, s5, $0xb8;
	[tilespmem:$0x15400] =	vst v63  }
0x5f: {  	s0 =	rddreg [dreg:$0x1c]  }
0x60: {  	[tilespmem:s17], [sflag:$0x2] =	stream.indirect.gather [hbm4b:s3+s5], $0x40, s0, s5, $0xb8;
	[tilespmem:$0x15400] =	vst v63  }
0x61: {  	_ =	swait.ge [sflag:s16], $0xA000  }
0x62: {  	[sflag:s16] =	ssyncset.done $0x0  }
0x63: {  	s1 =	rddreg [dreg:$0x5];
	[sflag:s16] =	ssyncadd.s32 $0xFFFF6000  }
0x64: {  	[hbm4b:s1+s2] =	stream.linear.scatter [tilespmem:s4], [sflag:$0x3], $0xA000, $0x38;
	[tilespmem:$0x15400] =	vst v63  }
0x65: {  	_ =	swait.ge [sflag:s8], $0xA000  }
0x66: {  	s0 =	rddreg [dreg:$0x1d];
	[sflag:s8] =	ssyncset.done $0x0  }
0x67: {  	s1 =	rddreg [dreg:$0x1e];
	[sflag:s8] =	ssyncadd.s32 $0xFFFF6000  }
0x68: {  	[tilespmem:s4], [sflag:$0x1] =	stream.indirect.gather [hbm4b:s3+s5], $0x40, s0, s5, $0xb8;
	[tilespmem:$0x15400] =	vst v63  }
0x69: {  	s0 =	rddreg [dreg:$0x1f]  }
0x6a: {  	[tilespmem:s7], [sflag:$0x1] =	stream.indirect.gather [hbm4b:s3+s5], $0x40, s1, s5, $0xb8;
	[tilespmem:$0x15400] =	vst v63  }
0x6b: {  	s1 =	sld [smem:$0x7F8]  }
0x6c: {  	[tilespmem:s9], [sflag:$0x1] =	stream.indirect.gather [hbm4b:s3+s5], $0x40, s0, s5, $0xb8;
	[tilespmem:$0x15400] =	vst v63  }
0x6d: {  	s0 =	sld [smem:$0x7F9]  }
0x6e: {  	[tilespmem:s12], [sflag:$0x1] =	stream.indirect.gather [hbm4b:s3+s5], $0x40, s1, s5, $0xb8;
	[tilespmem:$0x15400] =	vst v63  }
0x6f: {  	_ = 	snop  }
0x70: {  	[tilespmem:s14], [sflag:$0x1] =	stream.indirect.gather [hbm4b:s3+s5], $0x40, s0, s5, $0xb8;
	[tilespmem:$0x15400] =	vst v63  }
0x71: {  	_ =	swait.ge [sflag:s18], $0xA000  }
0x72: {  	[sflag:s18] =	ssyncset.done $0x0  }
0x73: {  	s1 =	rddreg [dreg:$0x6];
	[sflag:s18] =	ssyncadd.s32 $0xFFFF6000  }
0x74: {  	[hbm4b:s1+s2] =	stream.linear.scatter [tilespmem:s6], [sflag:$0x4], $0xA000, $0x38;
	[tilespmem:$0x15400] =	vst v63  }
0x75: {  	_ =	swait.ge [sflag:s11], $0xA000  }
0x76: {  	s0 =	sld [smem:$0x7FA]  }
0x77: {  	[sflag:s11] =	ssyncset.done $0x0  }
0x78: {  	s1 =	sld [smem:$0x7FB];
	[sflag:s11] =	ssyncadd.s32 $0xFFFF6000  }
0x79: {  	[tilespmem:s6], [sflag:$0x2] =	stream.indirect.gather [hbm4b:s3+s5], $0x40, s0, s5, $0xb8;
	[tilespmem:$0x15400] =	vst v63  }
0x7a: {  	s0 =	sld [smem:$0x7FC]  }
0x7b: {  	[tilespmem:s10], [sflag:$0x2] =	stream.indirect.gather [hbm4b:s3+s5], $0x40, s1, s5, $0xb8;
	[tilespmem:$0x15400] =	vst v63  }
0x7c: {  	s1 =	sld [smem:$0x7FD]  }
0x7d: {  	[tilespmem:s13], [sflag:$0x2] =	stream.indirect.gather [hbm4b:s3+s5], $0x40, s0, s5, $0xb8;
	[tilespmem:$0x15400] =	vst v63  }
0x7e: {  	_ = 	snop  }
0x7f: {  	[tilespmem:s15], [sflag:$0x2] =	stream.indirect.gather [hbm4b:s3+s5], $0x40, s1, s5, $0xb8;
	[tilespmem:$0x15400] =	vst v63  }
0x80: {  	_ = 	snop  }
0x81: {  	[tilespmem:s17], [sflag:$0x2] =	stream.indirect.gather [hbm4b:s3+s5], $0x40, s25, s5, $0xb8;
	[tilespmem:$0x15400] =	vst v63  }
0x82: {  	_ =	swait.ge [sflag:s16], $0xA000  }
0x83: {  	[sflag:s16] =	ssyncset.done $0x0  }
0x84: {  	s1 =	rddreg [dreg:$0x7];
	[sflag:s16] =	ssyncadd.s32 $0xFFFF6000  }
0x85: {  	[hbm4b:s1+s2] =	stream.linear.scatter [tilespmem:s4], [sflag:$0x3], $0xA000, $0x38;
	[tilespmem:$0x15400] =	vst v63  }
0x86: {  	_ =	swait.ge [sflag:s8], $0xA000  }
0x87: {  	[sflag:s8] =	ssyncset.done $0x0  }
0x88: {  	s1 =	simm.s32 $0xF00;
	[sflag:s8] =	ssyncadd.s32 $0xFFFF6000  }
0x89: {  	[tilespmem:s4], [sflag:$0x1] =	stream.indirect.gather [hbm4b:s3+s5], $0x40, s1, s5, $0xb8;
	[tilespmem:$0x15400] =	vst v63  }
0x8a: {  	_ = 	snop  }
0x8b: {  	[tilespmem:s7], [sflag:$0x1] =	stream.indirect.gather [hbm4b:s3+s5], $0x40, s26, s5, $0xb8;
	[tilespmem:$0x15400] =	vst v63  }
0x8c: {  	_ = 	snop  }
0x8d: {  	[tilespmem:s9], [sflag:$0x1] =	stream.indirect.gather [hbm4b:s3+s5], $0x40, s28, s5, $0xb8;
	[tilespmem:$0x15400] =	vst v63  }
0x8e: {  	_ = 	snop  }
0x8f: {  	[tilespmem:s12], [sflag:$0x1] =	stream.indirect.gather [hbm4b:s3+s5], $0x40, s29, s5, $0xb8;
	[tilespmem:$0x15400] =	vst v63  }
0x90: {  	_ = 	snop  }
0x91: {  	[tilespmem:s14], [sflag:$0x1] =	stream.indirect.gather [hbm4b:s3+s5], $0x40, s30, s5, $0xb8;
	[tilespmem:$0x15400] =	vst v63  }
0x92: {  	_ =	swait.ge [sflag:s18], $0xA000  }
0x93: {  	[sflag:s18] =	ssyncset.done $0x0  }
0x94: {  	s1 =	rddreg [dreg:$0x8];
	[sflag:s18] =	ssyncadd.s32 $0xFFFF6000  }
0x95: {  	[hbm4b:s1+s2] =	stream.linear.scatter [tilespmem:s6], [sflag:$0x4], $0xA000, $0x38;
	[tilespmem:$0x15400] =	vst v63  }
0x96: {  	_ =	swait.ge [sflag:s11], $0xA000  }
0x97: {  	[sflag:s11] =	ssyncset.done $0x0  }
0x98: {  	[sflag:s11] =	ssyncadd.s32 $0xFFFF6000  }
0x99: {  	[tilespmem:s6], [sflag:$0x2] =	stream.indirect.gather [hbm4b:s3+s5], $0x40, s20, s5, $0xb8;
	[tilespmem:$0x15400] =	vst v63  }
0x9a: {  	_ = 	snop  }
0x9b: {  	[tilespmem:s10], [sflag:$0x2] =	stream.indirect.gather [hbm4b:s3+s5], $0x40, s21, s5, $0xb8;
	[tilespmem:$0x15400] =	vst v63  }
0x9c: {  	_ = 	snop  }
0x9d: {  	[tilespmem:s13], [sflag:$0x2] =	stream.indirect.gather [hbm4b:s3+s5], $0x40, s22, s5, $0xb8;
	[tilespmem:$0x15400] =	vst v63  }
0x9e: {  	_ = 	snop  }
0x9f: {  	[tilespmem:s15], [sflag:$0x2] =	stream.indirect.gather [hbm4b:s3+s5], $0x40, s23, s5, $0xb8;
	[tilespmem:$0x15400] =	vst v63  }
0xa0: {  	_ = 	snop  }
0xa1: {  	[tilespmem:s17], [sflag:$0x2] =	stream.indirect.gather [hbm4b:s3+s5], $0x40, s24, s5, $0xb8;
	[tilespmem:$0x15400] =	vst v63  }
0xa2: {  	_ =	swait.ge [sflag:s16], $0xA000  }
0xa3: {  	[sflag:s16] =	ssyncset.done $0x0  }
0xa4: {  	s1 =	rddreg [dreg:$0x9];
	[sflag:s16] =	ssyncadd.s32 $0xFFFF6000  }
0xa5: {  	[hbm4b:s1+s2] =	stream.linear.scatter [tilespmem:s4], [sflag:$0x3], $0xA000, $0x38;
	[tilespmem:$0x15400] =	vst v63  }
0xa6: {  	_ =	swait.ge [sflag:s18], $0xA000  }
0xa7: {  	[sflag:s18] =	ssyncset.done $0x0  }
0xa8: {  	p1 =	sne.s32 s19, $0x1;
	s1 =	rddreg [dreg:$0xa];
	[sflag:s18] =	ssyncadd.s32 $0xFFFF6000  }
0xa9: {  	[hbm4b:s1+s2] =	stream.linear.scatter [tilespmem:s6], [sflag:$0x4], $0xA000, $0x38;
	[tilespmem:$0x15400] =	vst v63  }
.Ltmp1:
0xaa: {  	_ =	swait.ge [sflag:s8], $0xA000;
	(pc) =	sbr.rel @!p1 .LBB2_3-.Ltmp1, $4  }
0xab: {  	[sflag:s8] =	ssyncset.done $0x0  }
0xac: {  	[sflag:s8] =	ssyncadd.s32 $0xFFFF6000  }
0xad: {  	p0 =	por $0x1, $0x1;
	_ =	swait.ge [sflag:s11], $0xA000  }
0xae: {  	s1 =	sadd.s32 $0xFFFFFFFF, s19;
	s0 =	rddreg [dreg:$0x2];
	[sflag:s11] =	ssyncset.done $0x0  }
.LBB2_4:
0xaf: {  	[sflag:s11] =	ssyncadd.s32 $0xFFFF6000  }
0xb0: {  	[tilespmem:s2], [sflag:$0x5] =	stream.linear.gather [hbm4b:s0+s2], $0x1400, $0x38;
	[tilespmem:$0x15400] =	vst v63  }
0xb1: {  	_ =	swait.ge [sflag:s31], $0x1400  }
0xb2: {  	[sflag:s31] =	ssyncset.done $0x0  }
0xb3: {  	[sflag:s31] =	ssyncadd.s32 $0xFFFFEC00  }
0xb4: {  	[tilespmem:s4], [sflag:$0x1] =	stream.indirect.gather [hbm4b:s3+s5], $0x40, s2, s5, $0xb8;
	[tilespmem:$0x15400] =	vst v63  }
0xb5: {  	_ = 	snop  }
0xb6: {  	[tilespmem:s7], [sflag:$0x1] =	stream.indirect.gather [hbm4b:s3+s5], $0x40, s5, s5, $0xb8;
	[tilespmem:$0x15400] =	vst v63  }
0xb7: {  	s0 =	rddreg [dreg:$0xb]  }
0xb8: {  	[tilespmem:s9], [sflag:$0x1] =	stream.indirect.gather [hbm4b:s3+s5], $0x40, s0, s5, $0xb8;
	[tilespmem:$0x15400] =	vst v63  }
0xb9: {  	s19 =	rddreg [dreg:$0xc]  }
0xba: {  	[tilespmem:s12], [sflag:$0x1] =	stream.indirect.gather [hbm4b:s3+s5], $0x40, s19, s5, $0xb8;
	[tilespmem:$0x15400] =	vst v63  }
0xbb: {  	s0 =	rddreg [dreg:$0xd]  }
0xbc: {  	[tilespmem:s14], [sflag:$0x1] =	stream.indirect.gather [hbm4b:s3+s5], $0x40, s0, s5, $0xb8;
	[tilespmem:$0x15400] =	vst v63  }
0xbd: {  	s19 =	rddreg [dreg:$0xe]  }
0xbe: {  	[tilespmem:s6], [sflag:$0x2] =	stream.indirect.gather [hbm4b:s3+s5], $0x40, s19, s5, $0xb8;
	[tilespmem:$0x15400] =	vst v63  }
0xbf: {  	s0 =	rddreg [dreg:$0xf]  }
0xc0: {  	[tilespmem:s10], [sflag:$0x2] =	stream.indirect.gather [hbm4b:s3+s5], $0x40, s0, s5, $0xb8;
	[tilespmem:$0x15400] =	vst v63  }
0xc1: {  	s19 =	rddreg [dreg:$0x10]  }
0xc2: {  	[tilespmem:s13], [sflag:$0x2] =	stream.indirect.gather [hbm4b:s3+s5], $0x40, s19, s5, $0xb8;
	[tilespmem:$0x15400] =	vst v63  }
0xc3: {  	s0 =	rddreg [dreg:$0x11]  }
0xc4: {  	[tilespmem:s15], [sflag:$0x2] =	stream.indirect.gather [hbm4b:s3+s5], $0x40, s0, s5, $0xb8;
	[tilespmem:$0x15400] =	vst v63  }
0xc5: {  	s19 =	rddreg [dreg:$0x12]  }
0xc6: {  	[tilespmem:s17], [sflag:$0x2] =	stream.indirect.gather [hbm4b:s3+s5], $0x40, s19, s5, $0xb8;
	[tilespmem:$0x15400] =	vst v63  }
0xc7: {  	_ =	swait.ge [sflag:s16], $0xA000  }
0xc8: {  	[sflag:s16] =	ssyncset.done $0x0  }
0xc9: {  	s19 =	rddreg [dreg:$0x3];
	[sflag:s16] =	ssyncadd.s32 $0xFFFF6000  }
0xca: {  	[hbm4b:s19+s2] =	stream.linear.scatter [tilespmem:s4], [sflag:$0x3], $0xA000, $0x38;
	[tilespmem:$0x15400] =	vst v63  }
0xcb: {  	_ =	swait.ge [sflag:s8], $0xA000  }
0xcc: {  	[sflag:s8] =	ssyncset.done $0x0  }
0xcd: {  	s0 =	rddreg [dreg:$0x13];
	[sflag:s8] =	ssyncadd.s32 $0xFFFF6000  }
0xce: {  	[tilespmem:s4], [sflag:$0x1] =	stream.indirect.gather [hbm4b:s3+s5], $0x40, s0, s5, $0xb8;
	[tilespmem:$0x15400] =	vst v63  }
0xcf: {  	s19 =	rddreg [dreg:$0x14]  }
0xd0: {  	[tilespmem:s7], [sflag:$0x1] =	stream.indirect.gather [hbm4b:s3+s5], $0x40, s19, s5, $0xb8;
	[tilespmem:$0x15400] =	vst v63  }
0xd1: {  	s0 =	rddreg [dreg:$0x15]  }
0xd2: {  	[tilespmem:s9], [sflag:$0x1] =	stream.indirect.gather [hbm4b:s3+s5], $0x40, s0, s5, $0xb8;
	[tilespmem:$0x15400] =	vst v63  }
0xd3: {  	s19 =	rddreg [dreg:$0x16]  }
0xd4: {  	[tilespmem:s12], [sflag:$0x1] =	stream.indirect.gather [hbm4b:s3+s5], $0x40, s19, s5, $0xb8;
	[tilespmem:$0x15400] =	vst v63  }
0xd5: {  	s0 =	rddreg [dreg:$0x17]  }
0xd6: {  	[tilespmem:s14], [sflag:$0x1] =	stream.indirect.gather [hbm4b:s3+s5], $0x40, s0, s5, $0xb8;
	[tilespmem:$0x15400] =	vst v63  }
0xd7: {  	_ =	swait.ge [sflag:s18], $0xA000  }
0xd8: {  	[sflag:s18] =	ssyncset.done $0x0  }
0xd9: {  	s19 =	rddreg [dreg:$0x4];
	[sflag:s18] =	ssyncadd.s32 $0xFFFF6000  }
0xda: {  	[hbm4b:s19+s2] =	stream.linear.scatter [tilespmem:s6], [sflag:$0x4], $0xA000, $0x38;
	[tilespmem:$0x15400] =	vst v63  }
0xdb: {  	_ =	swait.ge [sflag:s11], $0xA000  }
0xdc: {  	[sflag:s11] =	ssyncset.done $0x0  }
0xdd: {  	s0 =	rddreg [dreg:$0x18];
	[sflag:s11] =	ssyncadd.s32 $0xFFFF6000  }
0xde: {  	[tilespmem:s6], [sflag:$0x2] =	stream.indirect.gather [hbm4b:s3+s5], $0x40, s0, s5, $0xb8;
	[tilespmem:$0x15400] =	vst v63  }
0xdf: {  	s19 =	rddreg [dreg:$0x19]  }
0xe0: {  	[tilespmem:s10], [sflag:$0x2] =	stream.indirect.gather [hbm4b:s3+s5], $0x40, s19, s5, $0xb8;
	[tilespmem:$0x15400] =	vst v63  }
0xe1: {  	s0 =	rddreg [dreg:$0x1a]  }
0xe2: {  	[tilespmem:s13], [sflag:$0x2] =	stream.indirect.gather [hbm4b:s3+s5], $0x40, s0, s5, $0xb8;
	[tilespmem:$0x15400] =	vst v63  }
0xe3: {  	s19 =	rddreg [dreg:$0x1b]  }
0xe4: {  	[tilespmem:s15], [sflag:$0x2] =	stream.indirect.gather [hbm4b:s3+s5], $0x40, s19, s5, $0xb8;
	[tilespmem:$0x15400] =	vst v63  }
0xe5: {  	s0 =	rddreg [dreg:$0x1c]  }
0xe6: {  	[tilespmem:s17], [sflag:$0x2] =	stream.indirect.gather [hbm4b:s3+s5], $0x40, s0, s5, $0xb8;
	[tilespmem:$0x15400] =	vst v63  }
0xe7: {  	_ =	swait.ge [sflag:s16], $0xA000  }
0xe8: {  	[sflag:s16] =	ssyncset.done $0x0  }
0xe9: {  	s19 =	rddreg [dreg:$0x5];
	[sflag:s16] =	ssyncadd.s32 $0xFFFF6000  }
0xea: {  	[hbm4b:s19+s2] =	stream.linear.scatter [tilespmem:s4], [sflag:$0x3], $0xA000, $0x38;
	[tilespmem:$0x15400] =	vst v63  }
0xeb: {  	_ =	swait.ge [sflag:s8], $0xA000  }
0xec: {  	s0 =	rddreg [dreg:$0x1d];
	[sflag:s8] =	ssyncset.done $0x0  }
0xed: {  	s19 =	rddreg [dreg:$0x1e];
	[sflag:s8] =	ssyncadd.s32 $0xFFFF6000  }
0xee: {  	[tilespmem:s4], [sflag:$0x1] =	stream.indirect.gather [hbm4b:s3+s5], $0x40, s0, s5, $0xb8;
	[tilespmem:$0x15400] =	vst v63  }
0xef: {  	s0 =	rddreg [dreg:$0x1f]  }
0xf0: {  	[tilespmem:s7], [sflag:$0x1] =	stream.indirect.gather [hbm4b:s3+s5], $0x40, s19, s5, $0xb8;
	[tilespmem:$0x15400] =	vst v63  }
0xf1: {  	s19 =	sld [smem:$0x7F8]  }
0xf2: {  	[tilespmem:s9], [sflag:$0x1] =	stream.indirect.gather [hbm4b:s3+s5], $0x40, s0, s5, $0xb8;
	[tilespmem:$0x15400] =	vst v63  }
0xf3: {  	s0 =	sld [smem:$0x7F9]  }
0xf4: {  	[tilespmem:s12], [sflag:$0x1] =	stream.indirect.gather [hbm4b:s3+s5], $0x40, s19, s5, $0xb8;
	[tilespmem:$0x15400] =	vst v63  }
0xf5: {  	_ = 	snop  }
0xf6: {  	[tilespmem:s14], [sflag:$0x1] =	stream.indirect.gather [hbm4b:s3+s5], $0x40, s0, s5, $0xb8;
	[tilespmem:$0x15400] =	vst v63  }
0xf7: {  	_ =	swait.ge [sflag:s18], $0xA000  }
0xf8: {  	[sflag:s18] =	ssyncset.done $0x0  }
0xf9: {  	s19 =	rddreg [dreg:$0x6];
	[sflag:s18] =	ssyncadd.s32 $0xFFFF6000  }
0xfa: {  	[hbm4b:s19+s2] =	stream.linear.scatter [tilespmem:s6], [sflag:$0x4], $0xA000, $0x38;
	[tilespmem:$0x15400] =	vst v63  }
0xfb: {  	_ =	swait.ge [sflag:s11], $0xA000  }
0xfc: {  	s0 =	sld [smem:$0x7FA]  }
0xfd: {  	[sflag:s11] =	ssyncset.done $0x0  }
0xfe: {  	s19 =	sld [smem:$0x7FB];
	[sflag:s11] =	ssyncadd.s32 $0xFFFF6000  }
0xff: {  	[tilespmem:s6], [sflag:$0x2] =	stream.indirect.gather [hbm4b:s3+s5], $0x40, s0, s5, $0xb8;
	[tilespmem:$0x15400] =	vst v63  }
0x100: {  	s0 =	sld [smem:$0x7FC]  }
0x101: {  	[tilespmem:s10], [sflag:$0x2] =	stream.indirect.gather [hbm4b:s3+s5], $0x40, s19, s5, $0xb8;
	[tilespmem:$0x15400] =	vst v63  }
0x102: {  	s19 =	sld [smem:$0x7FD]  }
0x103: {  	[tilespmem:s13], [sflag:$0x2] =	stream.indirect.gather [hbm4b:s3+s5], $0x40, s0, s5, $0xb8;
	[tilespmem:$0x15400] =	vst v63  }
0x104: {  	_ = 	snop  }
0x105: {  	[tilespmem:s15], [sflag:$0x2] =	stream.indirect.gather [hbm4b:s3+s5], $0x40, s19, s5, $0xb8;
	[tilespmem:$0x15400] =	vst v63  }
0x106: {  	_ = 	snop  }
0x107: {  	[tilespmem:s17], [sflag:$0x2] =	stream.indirect.gather [hbm4b:s3+s5], $0x40, s25, s5, $0xb8;
	[tilespmem:$0x15400] =	vst v63  }
0x108: {  	_ =	swait.ge [sflag:s16], $0xA000  }
0x109: {  	[sflag:s16] =	ssyncset.done $0x0  }
0x10a: {  	s19 =	rddreg [dreg:$0x7];
	[sflag:s16] =	ssyncadd.s32 $0xFFFF6000  }
0x10b: {  	[hbm4b:s19+s2] =	stream.linear.scatter [tilespmem:s4], [sflag:$0x3], $0xA000, $0x38;
	[tilespmem:$0x15400] =	vst v63  }
0x10c: {  	_ =	swait.ge [sflag:s8], $0xA000  }
0x10d: {  	[sflag:s8] =	ssyncset.done $0x0  }
0x10e: {  	s19 =	simm.s32 $0xF00;
	[sflag:s8] =	ssyncadd.s32 $0xFFFF6000  }
0x10f: {  	[tilespmem:s4], [sflag:$0x1] =	stream.indirect.gather [hbm4b:s3+s5], $0x40, s19, s5, $0xb8;
	[tilespmem:$0x15400] =	vst v63  }
0x110: {  	_ = 	snop  }
0x111: {  	[tilespmem:s7], [sflag:$0x1] =	stream.indirect.gather [hbm4b:s3+s5], $0x40, s26, s5, $0xb8;
	[tilespmem:$0x15400] =	vst v63  }
0x112: {  	_ = 	snop  }
0x113: {  	[tilespmem:s9], [sflag:$0x1] =	stream.indirect.gather [hbm4b:s3+s5], $0x40, s28, s5, $0xb8;
	[tilespmem:$0x15400] =	vst v63  }
0x114: {  	_ = 	snop  }
0x115: {  	[tilespmem:s12], [sflag:$0x1] =	stream.indirect.gather [hbm4b:s3+s5], $0x40, s29, s5, $0xb8;
	[tilespmem:$0x15400] =	vst v63  }
0x116: {  	_ = 	snop  }
0x117: {  	[tilespmem:s14], [sflag:$0x1] =	stream.indirect.gather [hbm4b:s3+s5], $0x40, s30, s5, $0xb8;
	[tilespmem:$0x15400] =	vst v63  }
0x118: {  	_ =	swait.ge [sflag:s18], $0xA000  }
0x119: {  	[sflag:s18] =	ssyncset.done $0x0  }
0x11a: {  	s19 =	rddreg [dreg:$0x8];
	[sflag:s18] =	ssyncadd.s32 $0xFFFF6000  }
0x11b: {  	[hbm4b:s19+s2] =	stream.linear.scatter [tilespmem:s6], [sflag:$0x4], $0xA000, $0x38;
	[tilespmem:$0x15400] =	vst v63  }
0x11c: {  	_ =	swait.ge [sflag:s11], $0xA000  }
0x11d: {  	[sflag:s11] =	ssyncset.done $0x0  }
0x11e: {  	[sflag:s11] =	ssyncadd.s32 $0xFFFF6000  }
0x11f: {  	[tilespmem:s6], [sflag:$0x2] =	stream.indirect.gather [hbm4b:s3+s5], $0x40, s20, s5, $0xb8;
	[tilespmem:$0x15400] =	vst v63  }
0x120: {  	_ = 	snop  }
0x121: {  	[tilespmem:s10], [sflag:$0x2] =	stream.indirect.gather [hbm4b:s3+s5], $0x40, s21, s5, $0xb8;
	[tilespmem:$0x15400] =	vst v63  }
0x122: {  	_ = 	snop  }
0x123: {  	[tilespmem:s13], [sflag:$0x2] =	stream.indirect.gather [hbm4b:s3+s5], $0x40, s22, s5, $0xb8;
	[tilespmem:$0x15400] =	vst v63  }
0x124: {  	_ = 	snop  }
0x125: {  	[tilespmem:s15], [sflag:$0x2] =	stream.indirect.gather [hbm4b:s3+s5], $0x40, s23, s5, $0xb8;
	[tilespmem:$0x15400] =	vst v63  }
0x126: {  	_ = 	snop  }
0x127: {  	[tilespmem:s17], [sflag:$0x2] =	stream.indirect.gather [hbm4b:s3+s5], $0x40, s24, s5, $0xb8;
	[tilespmem:$0x15400] =	vst v63  }
0x128: {  	_ =	swait.ge [sflag:s16], $0xA000  }
0x129: {  	[sflag:s16] =	ssyncset.done $0x0  }
0x12a: {  	s19 =	rddreg [dreg:$0x9];
	[sflag:s16] =	ssyncadd.s32 $0xFFFF6000  }
0x12b: {  	[hbm4b:s19+s2] =	stream.linear.scatter [tilespmem:s4], [sflag:$0x3], $0xA000, $0x38;
	[tilespmem:$0x15400] =	vst v63  }
0x12c: {  	_ =	swait.ge [sflag:s18], $0xA000  }
0x12d: {  	[sflag:s18] =	ssyncset.done $0x0  }
0x12e: {  	p1 =	sne.s32 s1, $0x1;
	s19 =	rddreg [dreg:$0xa];
	[sflag:s18] =	ssyncadd.s32 $0xFFFF6000  }
0x12f: {  	[hbm4b:s19+s2] =	stream.linear.scatter [tilespmem:s6], [sflag:$0x4], $0xA000, $0x38;
	[tilespmem:$0x15400] =	vst v63  }
.Ltmp2:
0x130: {  	_ =	swait.ge [sflag:s8], $0xA000;
	(pc) =	sbr.rel @p1 .LBB2_4-.Ltmp2, $4  }
0x131: {  	[sflag:s8] =	ssyncset.done $0x0  }
0x132: {  	[sflag:s8] =	ssyncadd.s32 $0xFFFF6000  }
0x133: {  	_ =	swait.ge [sflag:s11], $0xA000  }
0x134: {  	s1 =	sadd.s32 $0xFFFFFFFF, s1;
	s0 =	rddreg [dreg:$0x2];
	[sflag:s11] =	ssyncset.done $0x0  }
0x135: {  	s24 =	simm.s32 $0xE80;
	s30 =	simm.s32 $0x1100  }
0x136: {  	s29 =	simm.s32 $0x1080;
	s28 =	simm.s32 $0x1000;
	s26 =	simm.s32 $0xF80  }
0x137: {  	s25 =	simm.s32 $0xF00;
	s23 =	simm.s32 $0x1300;
	s22 =	simm.s32 $0x1280  }
0x138: {  	s21 =	simm.s32 $0x1200;
	s20 =	simm.s32 $0x1180;
	s19 =	stileid.u32  }
.LBB2_6:
0x139: {  	[sflag:s11] =	ssyncadd.s32 @p0 $0xFFFF6000  }
0x13a: {  	[tilespmem:s2], [sflag:$0x5] =	stream.linear.gather [hbm4b:s0+s2], $0x1400, $0x38;
	[tilespmem:$0x15400] =	vst v63  }
0x13b: {  	_ =	swait.ge [sflag:s31], $0x1400  }
0x13c: {  	[sflag:s31] =	ssyncset.done $0x0  }
0x13d: {  	[sflag:s31] =	ssyncadd.s32 $0xFFFFEC00  }
0x13e: {  	[tilespmem:s4], [sflag:$0x1] =	stream.indirect.gather [hbm4b:s3+s5], $0x40, s2, s5, $0xb8;
	[tilespmem:$0x15400] =	vst v63  }
0x13f: {  	_ = 	snop  }
0x140: {  	[tilespmem:s7], [sflag:$0x1] =	stream.indirect.gather [hbm4b:s3+s5], $0x40, s5, s5, $0xb8;
	[tilespmem:$0x15400] =	vst v63  }
0x141: {  	s31 =	rddreg [dreg:$0xb]  }
0x142: {  	[tilespmem:s9], [sflag:$0x1] =	stream.indirect.gather [hbm4b:s3+s5], $0x40, s31, s5, $0xb8;
	[tilespmem:$0x15400] =	vst v63  }
0x143: {  	s1 =	rddreg [dreg:$0xc]  }
0x144: {  	[tilespmem:s12], [sflag:$0x1] =	stream.indirect.gather [hbm4b:s3+s5], $0x40, s1, s5, $0xb8;
	[tilespmem:$0x15400] =	vst v63  }
0x145: {  	s0 =	rddreg [dreg:$0xd]  }
0x146: {  	[tilespmem:s14], [sflag:$0x1] =	stream.indirect.gather [hbm4b:s3+s5], $0x40, s0, s5, $0xb8;
	[tilespmem:$0x15400] =	vst v63  }
0x147: {  	s31 =	rddreg [dreg:$0xe]  }
0x148: {  	[tilespmem:s6], [sflag:$0x2] =	stream.indirect.gather [hbm4b:s3+s5], $0x40, s31, s5, $0xb8;
	[tilespmem:$0x15400] =	vst v63  }
0x149: {  	s0 =	rddreg [dreg:$0xf]  }
0x14a: {  	[tilespmem:s10], [sflag:$0x2] =	stream.indirect.gather [hbm4b:s3+s5], $0x40, s0, s5, $0xb8;
	[tilespmem:$0x15400] =	vst v63  }
0x14b: {  	s31 =	rddreg [dreg:$0x10]  }
0x14c: {  	[tilespmem:s13], [sflag:$0x2] =	stream.indirect.gather [hbm4b:s3+s5], $0x40, s31, s5, $0xb8;
	[tilespmem:$0x15400] =	vst v63  }
0x14d: {  	s0 =	rddreg [dreg:$0x11]  }
0x14e: {  	[tilespmem:s15], [sflag:$0x2] =	stream.indirect.gather [hbm4b:s3+s5], $0x40, s0, s5, $0xb8;
	[tilespmem:$0x15400] =	vst v63  }
0x14f: {  	s31 =	rddreg [dreg:$0x12]  }
0x150: {  	[tilespmem:s17], [sflag:$0x2] =	stream.indirect.gather [hbm4b:s3+s5], $0x40, s31, s5, $0xb8;
	[tilespmem:$0x15400] =	vst v63  }
0x151: {  	_ =	swait.ge [sflag:s16], $0xA000  }
0x152: {  	[sflag:s16] =	ssyncset.done $0x0  }
0x153: {  	s1 =	rddreg [dreg:$0x3];
	[sflag:s16] =	ssyncadd.s32 $0xFFFF6000  }
0x154: {  	[hbm4b:s1+s2] =	stream.linear.scatter [tilespmem:s4], [sflag:$0x3], $0xA000, $0x38;
	[tilespmem:$0x15400] =	vst v63  }
0x155: {  	_ =	swait.ge [sflag:s8], $0xA000  }
0x156: {  	[sflag:s8] =	ssyncset.done $0x0  }
0x157: {  	s31 =	rddreg [dreg:$0x13];
	[sflag:s8] =	ssyncadd.s32 $0xFFFF6000  }
0x158: {  	[tilespmem:s4], [sflag:$0x1] =	stream.indirect.gather [hbm4b:s3+s5], $0x40, s31, s5, $0xb8;
	[tilespmem:$0x15400] =	vst v63  }
0x159: {  	s1 =	rddreg [dreg:$0x14]  }
0x15a: {  	[tilespmem:s7], [sflag:$0x1] =	stream.indirect.gather [hbm4b:s3+s5], $0x40, s1, s5, $0xb8;
	[tilespmem:$0x15400] =	vst v63  }
0x15b: {  	s31 =	rddreg [dreg:$0x15]  }
0x15c: {  	[tilespmem:s9], [sflag:$0x1] =	stream.indirect.gather [hbm4b:s3+s5], $0x40, s31, s5, $0xb8;
	[tilespmem:$0x15400] =	vst v63  }
0x15d: {  	s1 =	rddreg [dreg:$0x16]  }
0x15e: {  	[tilespmem:s12], [sflag:$0x1] =	stream.indirect.gather [hbm4b:s3+s5], $0x40, s1, s5, $0xb8;
	[tilespmem:$0x15400] =	vst v63  }
0x15f: {  	s31 =	rddreg [dreg:$0x17]  }
0x160: {  	[tilespmem:s14], [sflag:$0x1] =	stream.indirect.gather [hbm4b:s3+s5], $0x40, s31, s5, $0xb8;
	[tilespmem:$0x15400] =	vst v63  }
0x161: {  	_ =	swait.ge [sflag:s18], $0xA000  }
0x162: {  	[sflag:s18] =	ssyncset.done $0x0  }
0x163: {  	s1 =	rddreg [dreg:$0x4];
	[sflag:s18] =	ssyncadd.s32 $0xFFFF6000  }
0x164: {  	[hbm4b:s1+s2] =	stream.linear.scatter [tilespmem:s6], [sflag:$0x4], $0xA000, $0x38;
	[tilespmem:$0x15400] =	vst v63  }
0x165: {  	_ =	swait.ge [sflag:s11], $0xA000  }
0x166: {  	[sflag:s11] =	ssyncset.done $0x0  }
0x167: {  	s31 =	rddreg [dreg:$0x18];
	[sflag:s11] =	ssyncadd.s32 $0xFFFF6000  }
0x168: {  	[tilespmem:s6], [sflag:$0x2] =	stream.indirect.gather [hbm4b:s3+s5], $0x40, s31, s5, $0xb8;
	[tilespmem:$0x15400] =	vst v63  }
0x169: {  	s1 =	rddreg [dreg:$0x19]  }
0x16a: {  	[tilespmem:s10], [sflag:$0x2] =	stream.indirect.gather [hbm4b:s3+s5], $0x40, s1, s5, $0xb8;
	[tilespmem:$0x15400] =	vst v63  }
0x16b: {  	s31 =	rddreg [dreg:$0x1a]  }
0x16c: {  	[tilespmem:s13], [sflag:$0x2] =	stream.indirect.gather [hbm4b:s3+s5], $0x40, s31, s5, $0xb8;
	[tilespmem:$0x15400] =	vst v63  }
0x16d: {  	s1 =	rddreg [dreg:$0x1b]  }
0x16e: {  	[tilespmem:s15], [sflag:$0x2] =	stream.indirect.gather [hbm4b:s3+s5], $0x40, s1, s5, $0xb8;
	[tilespmem:$0x15400] =	vst v63  }
0x16f: {  	s31 =	rddreg [dreg:$0x1c]  }
0x170: {  	[tilespmem:s17], [sflag:$0x2] =	stream.indirect.gather [hbm4b:s3+s5], $0x40, s31, s5, $0xb8;
	[tilespmem:$0x15400] =	vst v63  }
0x171: {  	_ =	swait.ge [sflag:s16], $0xA000  }
0x172: {  	[sflag:s16] =	ssyncset.done $0x0  }
0x173: {  	s1 =	rddreg [dreg:$0x5];
	[sflag:s16] =	ssyncadd.s32 $0xFFFF6000  }
0x174: {  	[hbm4b:s1+s2] =	stream.linear.scatter [tilespmem:s4], [sflag:$0x3], $0xA000, $0x38;
	[tilespmem:$0x15400] =	vst v63  }
0x175: {  	_ =	swait.ge [sflag:s8], $0xA000  }
0x176: {  	s31 =	rddreg [dreg:$0x1d];
	[sflag:s8] =	ssyncset.done $0x0  }
0x177: {  	s1 =	rddreg [dreg:$0x1e];
	[sflag:s8] =	ssyncadd.s32 $0xFFFF6000  }
0x178: {  	[tilespmem:s4], [sflag:$0x1] =	stream.indirect.gather [hbm4b:s3+s5], $0x40, s31, s5, $0xb8;
	[tilespmem:$0x15400] =	vst v63  }
0x179: {  	s31 =	rddreg [dreg:$0x1f]  }
0x17a: {  	[tilespmem:s7], [sflag:$0x1] =	stream.indirect.gather [hbm4b:s3+s5], $0x40, s1, s5, $0xb8;
	[tilespmem:$0x15400] =	vst v63  }
0x17b: {  	s1 =	sld [smem:$0x7F8]  }
0x17c: {  	[tilespmem:s9], [sflag:$0x1] =	stream.indirect.gather [hbm4b:s3+s5], $0x40, s31, s5, $0xb8;
	[tilespmem:$0x15400] =	vst v63  }
0x17d: {  	s31 =	sld [smem:$0x7F9]  }
0x17e: {  	[tilespmem:s12], [sflag:$0x1] =	stream.indirect.gather [hbm4b:s3+s5], $0x40, s1, s5, $0xb8;
	[tilespmem:$0x15400] =	vst v63  }
0x17f: {  	_ = 	snop  }
0x180: {  	[tilespmem:s14], [sflag:$0x1] =	stream.indirect.gather [hbm4b:s3+s5], $0x40, s31, s5, $0xb8;
	[tilespmem:$0x15400] =	vst v63  }
0x181: {  	_ =	swait.ge [sflag:s18], $0xA000  }
0x182: {  	[sflag:s18] =	ssyncset.done $0x0  }
0x183: {  	s31 =	rddreg [dreg:$0x6];
	[sflag:s18] =	ssyncadd.s32 $0xFFFF6000  }
0x184: {  	[hbm4b:s31+s2] =	stream.linear.scatter [tilespmem:s6], [sflag:$0x4], $0xA000, $0x38;
	[tilespmem:$0x15400] =	vst v63  }
0x185: {  	_ =	swait.ge [sflag:s11], $0xA000  }
0x186: {  	s1 =	sld [smem:$0x7FA]  }
0x187: {  	[sflag:s11] =	ssyncset.done $0x0  }
0x188: {  	s31 =	sld [smem:$0x7FB];
	[sflag:s11] =	ssyncadd.s32 $0xFFFF6000  }
0x189: {  	[tilespmem:s6], [sflag:$0x2] =	stream.indirect.gather [hbm4b:s3+s5], $0x40, s1, s5, $0xb8;
	[tilespmem:$0x15400] =	vst v63  }
0x18a: {  	s0 =	sld [smem:$0x7FC]  }
0x18b: {  	[tilespmem:s10], [sflag:$0x2] =	stream.indirect.gather [hbm4b:s3+s5], $0x40, s31, s5, $0xb8;
	[tilespmem:$0x15400] =	vst v63  }
0x18c: {  	s31 =	sld [smem:$0x7FD]  }
0x18d: {  	[tilespmem:s13], [sflag:$0x2] =	stream.indirect.gather [hbm4b:s3+s5], $0x40, s0, s5, $0xb8;
	[tilespmem:$0x15400] =	vst v63  }
0x18e: {  	_ = 	snop  }
0x18f: {  	[tilespmem:s15], [sflag:$0x2] =	stream.indirect.gather [hbm4b:s3+s5], $0x40, s31, s5, $0xb8;
	[tilespmem:$0x15400] =	vst v63  }
0x190: {  	_ = 	snop  }
0x191: {  	[tilespmem:s17], [sflag:$0x2] =	stream.indirect.gather [hbm4b:s3+s5], $0x40, s24, s5, $0xb8;
	[tilespmem:$0x15400] =	vst v63  }
0x192: {  	_ =	swait.ge [sflag:s16], $0xA000  }
0x193: {  	[sflag:s16] =	ssyncset.done $0x0  }
0x194: {  	s24 =	rddreg [dreg:$0x7];
	[sflag:s16] =	ssyncadd.s32 $0xFFFF6000  }
0x195: {  	[hbm4b:s24+s2] =	stream.linear.scatter [tilespmem:s4], [sflag:$0x3], $0xA000, $0x38;
	[tilespmem:$0x15400] =	vst v63  }
0x196: {  	_ =	swait.ge [sflag:s8], $0xA000  }
0x197: {  	[sflag:s8] =	ssyncset.done $0x0  }
0x198: {  	[sflag:s8] =	ssyncadd.s32 $0xFFFF6000  }
0x199: {  	[tilespmem:s4], [sflag:$0x1] =	stream.indirect.gather [hbm4b:s3+s5], $0x40, s25, s5, $0xb8;
	[tilespmem:$0x15400] =	vst v63  }
0x19a: {  	_ = 	snop  }
0x19b: {  	[tilespmem:s7], [sflag:$0x1] =	stream.indirect.gather [hbm4b:s3+s5], $0x40, s26, s5, $0xb8;
	[tilespmem:$0x15400] =	vst v63  }
0x19c: {  	_ = 	snop  }
0x19d: {  	[tilespmem:s9], [sflag:$0x1] =	stream.indirect.gather [hbm4b:s3+s5], $0x40, s28, s5, $0xb8;
	[tilespmem:$0x15400] =	vst v63  }
0x19e: {  	_ = 	snop  }
0x19f: {  	[tilespmem:s12], [sflag:$0x1] =	stream.indirect.gather [hbm4b:s3+s5], $0x40, s29, s5, $0xb8;
	[tilespmem:$0x15400] =	vst v63  }
0x1a0: {  	_ = 	snop  }
0x1a1: {  	[tilespmem:s14], [sflag:$0x1] =	stream.indirect.gather [hbm4b:s3+s5], $0x40, s30, s5, $0xb8;
	[tilespmem:$0x15400] =	vst v63  }
0x1a2: {  	_ =	swait.ge [sflag:s18], $0xA000  }
0x1a3: {  	[sflag:s18] =	ssyncset.done $0x0  }
0x1a4: {  	s28 =	rddreg [dreg:$0x8];
	[sflag:s18] =	ssyncadd.s32 $0xFFFF6000  }
0x1a5: {  	[hbm4b:s28+s2] =	stream.linear.scatter [tilespmem:s6], [sflag:$0x4], $0xA000, $0x38;
	[tilespmem:$0x15400] =	vst v63  }
0x1a6: {  	_ =	swait.ge [sflag:s11], $0xA000  }
0x1a7: {  	[sflag:s11] =	ssyncset.done $0x0  }
0x1a8: {  	[sflag:s11] =	ssyncadd.s32 $0xFFFF6000  }
0x1a9: {  	[tilespmem:s6], [sflag:$0x2] =	stream.indirect.gather [hbm4b:s3+s5], $0x40, s20, s5, $0xb8;
	[tilespmem:$0x15400] =	vst v63  }
0x1aa: {  	_ = 	snop  }
0x1ab: {  	[tilespmem:s10], [sflag:$0x2] =	stream.indirect.gather [hbm4b:s3+s5], $0x40, s21, s5, $0xb8;
	[tilespmem:$0x15400] =	vst v63  }
0x1ac: {  	_ = 	snop  }
0x1ad: {  	[tilespmem:s13], [sflag:$0x2] =	stream.indirect.gather [hbm4b:s3+s5], $0x40, s22, s5, $0xb8;
	[tilespmem:$0x15400] =	vst v63  }
0x1ae: {  	_ = 	snop  }
0x1af: {  	[tilespmem:s15], [sflag:$0x2] =	stream.indirect.gather [hbm4b:s3+s5], $0x40, s23, s5, $0xb8;
	[tilespmem:$0x15400] =	vst v63  }
0x1b0: {  	s29 =	simm.s32 $0x1380  }
0x1b1: {  	[tilespmem:s17], [sflag:$0x2] =	stream.indirect.gather [hbm4b:s3+s5], $0x40, s29, s5, $0xb8;
	[tilespmem:$0x15400] =	vst v63  }
0x1b2: {  	_ =	swait.ge [sflag:s16], $0xA000  }
0x1b3: {  	[sflag:s16] =	ssyncset.done $0x0  }
0x1b4: {  	s30 =	rddreg [dreg:$0x9];
	[sflag:s16] =	ssyncadd.s32 $0xFFFF6000  }
0x1b5: {  	[hbm4b:s30+s2] =	stream.linear.scatter [tilespmem:s4], [sflag:$0x3], $0xA000, $0x38;
	[tilespmem:$0x15400] =	vst v63  }
0x1b6: {  	_ =	swait.ge [sflag:s18], $0xA000  }
0x1b7: {  	[sflag:s18] =	ssyncset.done $0x0  }
0x1b8: {  	s31 =	rddreg [dreg:$0xa];
	[sflag:s18] =	ssyncadd.s32 $0xFFFF6000  }
0x1b9: {  	[hbm4b:s31+s2] =	stream.linear.scatter [tilespmem:s6], [sflag:$0x4], $0xA000, $0x38;
	[tilespmem:$0x15400] =	vst v63  }
0x1ba: {  	_ =	swait.ge [sflag:s8], $0xA000  }
0x1bb: {  	[sflag:s8] =	ssyncset.done $0x0  }
0x1bc: {  	[sflag:s8] =	ssyncadd.s32 $0xFFFF6000  }
0x1bd: {  	_ =	swait.ge [sflag:s11], $0xA000  }
0x1be: {  	[sflag:s11] =	ssyncset.done $0x0  }
0x1bf: {  	[sflag:s11] =	ssyncadd.s32 $0xFFFF6000  }
0x1c0: {  	_ =	sfence.sel $0x180000  }
0x1c1: {  	[bflag:$0x0] =	sbarrier.arrive $0xFFFF  }
0x1c2: {  	_ =	strace $0x9000004A  }
0x1c3: {  	[bflag:$0x2] =	sbarrier.arrive $0xFFFF  }
0x1c4: {  	p0 =	sne.s32 s19, $0x0;
	s0 =	rddreg [dreg:$0x1]  }
0x1c5: {  	s0 =	sadd.s32 @!p0 $0x100000, s0  }
0x1c6: {  	[sflag:s0] =	ssyncadd.tile.s32 @!p0 $0x1;
	_ =	shalt  }
.LBB2_1:
.Ltmp3:
0x1c7: {  	(pc) =	sbr.rel .LBB2_6-.Ltmp3, $4  }
0x1c8: {  	s24 =	simm.s32 $0xE80  }
0x1c9: {  	s30 =	simm.s32 $0x1100;
	s29 =	simm.s32 $0x1080;
	s28 =	simm.s32 $0x1000  }
0x1ca: {  	s26 =	simm.s32 $0xF80;
	s25 =	simm.s32 $0xF00;
	s23 =	simm.s32 $0x1300  }
0x1cb: {  	s22 =	simm.s32 $0x1280;
	s21 =	simm.s32 $0x1200;
	s20 =	simm.s32 $0x1180  }
.LBB2_3:
.Ltmp4:
0x1cc: {  	(pc) =	sbr.rel .LBB2_6-.Ltmp4, $4  }
0x1cd: {  	s24 =	simm.s32 $0xE80;
	s30 =	simm.s32 $0x1100  }
0x1ce: {  	s29 =	simm.s32 $0x1080;
	s28 =	simm.s32 $0x1000;
	s26 =	simm.s32 $0xF80  }
0x1cf: {  	s25 =	simm.s32 $0xF00;
	s23 =	simm.s32 $0x1300;
	s22 =	simm.s32 $0x1280  }
0x1d0: {  	s21 =	simm.s32 $0x1200;
	s20 =	simm.s32 $0x1180;
	s19 =	stileid.u32  }
.Lfunc_end2:
_tile_overlayer_lowered:
.L_overlay_start_2:
0x1d1: {  	(tag) =	ssettag $0x2  }
0x1d2: {  	s0 =	rddreg [dreg:$0x0];
	s2 =	stileid.u32  }
0x1d3: {  	s1 =	rddreg [dreg:$0x1];
	p0 =	sne.s32 s2, $0x0  }
0x1d4: {  	s3 =	rddreg [dreg:$0x2];
	[bflag:$0x3] =	sbarrier.arrive $0xFFFF;
	s2 =	simm.s32 @!p0 $0x1C05  }
0x1d5: {  	[timem:s3], [sflag:s2] =	dma.local @!p0 [hbm:s0], s1  }
0x1d6: {  	s0 =	simm.s32 @!p0 $0x5  }
0x1d7: {  	_ =	swait.ge @!p0 [sflag:s0], s1  }
0x1d8: {  	s1 =	ssub.s32 @!p0 $0x0, s1;
	[sflag:s0] =	ssyncset.done @!p0 $0x0  }
0x1d9: {  	[sflag:s0] =	ssyncadd.s32 @!p0 s1  }
0x1da: {  	[bflag:$0x3] =	sbarrier.arrive $0xFFFF  }
0x1db: {  	_ =	shalt  }

// kernel: kernel.18.cloned.1.call-start
scs
__scs_entry_jumppad:
0x0: {  	(pc) =	sbr.rel $0x88, $3  }
0x1: {  	(tag) =	ssettag $0x0;
	lr =	simm.s32 $0x1  }
0x2: {  	[smem:$0x3F9C] =	sst lr;
	_ =	strace $0xD0000000  }
0x3: {  	_ = 	snop  }
0x4: {  	_ = 	snop  }
0x5: {  	_ = 	snop  }
0x6: {  	_ = 	snop  }
0x7: {  	_ = 	snop  }
__scs_overlays_trampoline_lowered:
0x8: {  	[smem:$0x3FAB] =	sst s0  }
0x9: {  	[smem:$0x3FAC] =	sst s1  }
0xa: {  	[smem:$0x3FAD] =	sst s2  }
0xb: {  	[smem:$0x3FAE] =	sst s3  }
0xc: {  	[smem:$0x3FAF] =	sst s4  }
0xd: {  	[smem:$0x3FB0] =	sst s5  }
0xe: {  	[smem:$0x3FB1] =	sst s6  }
0xf: {  	[smem:$0x3FB2] =	sst s7  }
0x10: {  	[smem:$0x3FB3] =	sst s8  }
0x11: {  	[smem:$0x3FB4] =	sst s9;
	s0 =	simm.s32 @!p0 $0x0  }
0x12: {  	s1 =	sld [smem:$0x3F9A];
	s0 =	simm.s32 @p0 $0x1  }
0x13: {  	[smem:$0x3FB5] =	sst s0;
	s0 =	simm.s32 @!p1 $0x0  }
0x14: {  	s2 =	sld [smem:$0x3F99];
	s0 =	simm.s32 @p1 $0x1  }
0x15: {  	[smem:$0x3FB6] =	sst s0;
	s0 =	simm.s32 @!p2 $0x0  }
0x16: {  	s3 =	sld [smem:$0x3FDB];
	s0 =	simm.s32 @p2 $0x1  }
0x17: {  	s4 =	simm.s32 $0x1BF5;
	[smem:$0x3FB8] =	sst s0  }
0x18: {  	s0 =	sld [smem:$0x3F9B];
	_ =	swait.ge [sflag:s4], $0x0  }
0x19: {  	s7 =	sld [smem:$0x3F9C]  }
0x1a: {  	s8 =	sadd.s32 $0xFFFFE003, lr  }
0x1b: {  	s9 =	sadd.s32 $0xFFFFFEF7, lr;
	s5 =	simm.s32 $0xFFFFFFFF;
	p2 =	slt.u32 s8, $0xFFFFF086  }
0x1c: {  	p1 =	slt.u32 s9, $0xF7A;
	s5 =	simm.s32 @!p2 $0x0  }
0x1d: {  	s5 =	simm.s32 @p1 $0x1;
	p0 =	seq.s32 s7, s2  }
0x1e: {  	s7 =	smul.u32 @!p0 $0xF7A, s2;
	p2 =	seq.s32 @!p0 s5, $0x0  }
0x1f: {  	s9 =	smul.u32 $0xF7A, s1;
	s8 =	simm.s32 @!p0 $0x1BF5;
	p2 =	por !p2, p0  }
0x20: {  	[sflag:s8] =	ssyncset.s32 @!p0 $0xFFFFF086;
	s6 =	sadd.s32 @!p0 s3, s7;
	s7 =	simm.s32 @!p0 $0x108  }
0x21: {  	s3 =	sadd.s32 s3, s9;
	s6 =	sadd.s32 @!p0 $0x88, s6;
	s7 =	simm.s32 @p2 $0x1082  }
0x22: {  	[simem:s7], [sflag:s8] =	dma.local @!p0 [hbm:s6], $0xF7A  }
0x23: {  	s9 =	sor.u32 $0xD0000000, s2;
	s6 =	simm.s32 $0x108;
	_ =	swait.ge @!p0 [sflag:s8], $0x0  }
0x24: {  	s3 =	sadd.s32 $0x88, s3;
	s6 =	simm.s32 @!p1 $0x1082;
	[sflag:s4] =	ssyncset.s32 $0xFFFFF086  }
0x25: {  	[simem:s6], [sflag:s4] =	dma.local [hbm:s3], $0xF7A  }
0x26: {  	[smem:$0x3F9C] =	sst s1;
	(tag) =	ssettag s2;
	_ =	strace s9  }
0x27: {  	s1 =	sld [smem:$0x3FAC]  }
0x28: {  	s2 =	sld [smem:$0x3FAD]  }
0x29: {  	s4 =	sld [smem:$0x3FAF]  }
0x2a: {  	p0 =	seq.s32 s5, $0x0;
	s5 =	sld [smem:$0x3FB0]  }
0x2b: {  	s6 =	sld [smem:$0x3FB1]  }
0x2c: {  	s7 =	sld [smem:$0x3FB2]  }
0x2d: {  	s3 =	simm.s32 $0x108;
	s8 =	sld [smem:$0x3FB3]  }
0x2e: {  	s3 =	simm.s32 @!p0 $0x1082;
	s9 =	sld [smem:$0x3FB4]  }
0x2f: {  	lr =	sadd.s32 s0, s3;
	s0 =	sld [smem:$0x3FAB]  }
0x30: {  	s3 =	sld [smem:$0x3FAE]  }
0x31: {  	[smem:$0x3FB7] =	sst s10  }
0x32: {  	s10 =	sld [smem:$0x3FB5];
	_ =	sdelay $0x3  }
0x33: {  	p0 =	seq.s32 s10, $0x1;
	s10 =	sld [smem:$0x3FB7];
	_ =	sdelay $0x3  }
0x34: {  	[smem:$0x3FB7] =	sst s10  }
0x35: {  	s10 =	sld [smem:$0x3FB6];
	_ =	sdelay $0x3  }
0x36: {  	p1 =	seq.s32 s10, $0x1;
	s10 =	sld [smem:$0x3FB7];
	_ =	sdelay $0x3  }
0x37: {  	[smem:$0x3FB7] =	sst s10  }
0x38: {  	s10 =	sld [smem:$0x3FB8]  }
0x39: {  	_ = 	snop;
	(pc) =	sbr.ind lr, $3  }
0x3a: {  	_ = 	snop  }
0x3b: {  	_ = 	snop  }
0x3c: {  	p2 =	seq.s32 s10, $0x1;
	s10 =	sld [smem:$0x3FB7]  }
0x3d: {  	_ =	shalt  }
0x3e: {  	_ =	shalt  }
0x3f: {  	_ =	shalt  }
0x40: {  	_ =	shalt  }
0x41: {  	_ =	shalt  }
0x42: {  	_ =	shalt  }
0x43: {  	_ =	shalt  }
0x44: {  	_ =	shalt  }
0x45: {  	_ =	shalt  }
0x46: {  	_ =	shalt  }
0x47: {  	_ =	shalt  }
0x48: {  	_ =	shalt  }
0x49: {  	_ =	shalt  }
0x4a: {  	_ =	shalt  }
0x4b: {  	_ =	shalt  }
0x4c: {  	_ =	shalt  }
0x4d: {  	_ =	shalt  }
0x4e: {  	_ =	shalt  }
0x4f: {  	_ =	shalt  }
0x50: {  	_ =	shalt  }
0x51: {  	_ =	shalt  }
0x52: {  	_ =	shalt  }
0x53: {  	_ =	shalt  }
0x54: {  	_ =	shalt  }
0x55: {  	_ =	shalt  }
0x56: {  	_ =	shalt  }
0x57: {  	_ =	shalt  }
0x58: {  	_ =	shalt  }
0x59: {  	_ =	shalt  }
0x5a: {  	_ =	shalt  }
0x5b: {  	_ =	shalt  }
0x5c: {  	_ =	shalt  }
0x5d: {  	_ =	shalt  }
0x5e: {  	_ =	shalt  }
0x5f: {  	_ =	shalt  }
0x60: {  	_ =	shalt  }
0x61: {  	_ =	shalt  }
0x62: {  	_ =	shalt  }
0x63: {  	_ =	shalt  }
0x64: {  	_ =	shalt  }
0x65: {  	_ =	shalt  }
0x66: {  	_ =	shalt  }
0x67: {  	_ =	shalt  }
0x68: {  	_ =	shalt  }
0x69: {  	_ =	shalt  }
0x6a: {  	_ =	shalt  }
0x6b: {  	_ =	shalt  }
0x6c: {  	_ =	shalt  }
0x6d: {  	_ =	shalt  }
0x6e: {  	_ =	shalt  }
0x6f: {  	_ =	shalt  }
0x70: {  	_ =	shalt  }
0x71: {  	_ =	shalt  }
0x72: {  	_ =	shalt  }
0x73: {  	_ =	shalt  }
0x74: {  	_ =	shalt  }
0x75: {  	_ =	shalt  }
0x76: {  	_ =	shalt  }
0x77: {  	_ =	shalt  }
0x78: {  	_ =	shalt  }
0x79: {  	_ =	shalt  }
0x7a: {  	_ =	shalt  }
0x7b: {  	_ =	shalt  }
0x7c: {  	_ =	shalt  }
0x7d: {  	_ =	shalt  }
0x7e: {  	_ =	shalt  }
0x7f: {  	_ =	shalt  }
0x80: {  	_ =	shalt  }
0x81: {  	_ =	shalt  }
0x82: {  	_ =	shalt  }
0x83: {  	_ =	shalt  }
0x84: {  	_ =	shalt  }
0x85: {  	_ =	shalt  }
0x86: {  	_ =	shalt  }
0x87: {  	_ =	shalt  }
.Lfunc_end0:
.L_simem_size_0:
called_computation.2_lowered:
.L_overlay_start_0:
0x88: {  	s2 =	sld [smem:$0x3FD9]  }
0x89: {  	s3 =	sld [smem:$0x3FFE];
	_ =	sdelay $0x1  }
0x8a: {  	s1 =	srdreg.scid  }
0x8b: {  	s0 =	sand.u32 $0x1, s1  }
0x8c: {  	s17 =	sshll.u32 s0, $0xA;
	s2 =	sadd.s32 s3, s2  }
0x8d: {  	s2 =	sadd.s32 s2, s17  }
0x8e: {  	[smem:$0x3FC3] =	sst s2  }
0x8f: {  	_ = 	snop  }
0x90: {  	(tm) =	ssettm $0x1  }
0x91: {  	s18 =	sld [smem:$0x3FFB];
	_ =	sdelay $0x3  }
0x92: {  	_ =	strace s18  }
0x93: {  	s2 =	sld [smem:$0x3FFC];
	_ =	sdelay $0x3  }
0x94: {  	_ =	strace s2  }
0x95: {  	s2 =	sld [smem:$0x3FFD];
	_ =	sdelay $0x3  }
0x96: {  	_ =	strace s2  }
0x97: {  	_ =	strace $0x8FFFFFFF  }
0x98: {  	s19 =	sld [smem:$0x3FDB];
	_ =	sdelay $0x1  }
0x99: {  	s20 =	simm.s32 $_scs_section_size  }
0x9a: {  	s4 =	simm.s32 $_size__tile_overlayer_lowered;
	s5 =	simm.s32 $_tile_overlayer_lowered  }
0x9b: {  	s6 =	simm.s32 $0x1BFF;
	s21 =	sshll.u32 s5, $0x1;
	s3 =	sadd.s32 s20, s19  }
0x9c: {  	s22 =	simm.s32 $0x0;
	s4 =	sshll.u32 s4, $0x1;
	s5 =	sadd.s32 s21, s3  }
0x9d: {  	[timem:s22], [sflag:s6] =	dma.local [hbm:s5], s4  }
0x9e: {  	_ =	swait.ge [sflag:s6], s4  }
0x9f: {  	s4 =	ssub.s32 $0x0, s4;
	[sflag:s6] =	ssyncset.done $0x0  }
0xa0: {  	[sflag:s6] =	ssyncadd.s32 s4;
	_ =	sdelay $0x1  }
0xa1: {  	s23 =	simm.s32 $0x1B8B  }
0xa2: {  	_ =	swait.ge [sflag:s23], $0x1  }
0xa3: {  	[sflag:s23] =	ssyncset.done $0x0  }
0xa4: {  	[sflag:s23] =	ssyncadd.s32 $0xFFFFFFFF  }
0xa5: {  	s4 =	sld [smem:$0x0]  }
0xa6: {  	s5 =	sand.u32 $0xFFFFFFFE, s1  }
0xa7: {  	p0 =	sne.s32 s1, s5  }
0xa8: {  	s5 =	sshll.u32 @p0 s5, $0xE  }
0xa9: {  	s5 =	sadd.s32 @p0 $0x11B8D, s5;
	s6 =	sshll.u32 @p0 s4, $0x11  }
0xaa: {  	s5 =	sor.u32 @p0 s6, s5  }
0xab: {  	[sflag:s5] =	ssyncadd.remote.s32 @p0 $0x1;
	_ =	sdelay $0x1  }
0xac: {  	s5 =	simm.s32 @p0 $0x1B8D  }
0xad: {  	_ =	swait.eq @p0 [sflag:s5], $0x1  }
0xae: {  	[sflag:s5] =	ssyncadd.s32 @p0 $0xFFFFFFFF  }
0xaf: {  	s6 =	sshll.u32 @!p0 s1, $0xE  }
0xb0: {  	s6 =	sor.u32 @!p0 $0x4000, s6;
	s5 =	simm.s32 @!p0 $0x1B8D  }
0xb1: {  	s4 =	sshll.u32 @!p0 s4, $0x11;
	s6 =	sadd.s32 @!p0 $0x11B8D, s6;
	_ =	swait.eq @!p0 [sflag:s5], $0x1  }
0xb2: {  	s4 =	sor.u32 @!p0 s4, s6;
	[sflag:s5] =	ssyncadd.s32 @!p0 $0xFFFFFFFF  }
0xb3: {  	s25 =	simm.s32 $0x1B8E;
	s24 =	sld [smem:$0x3FFE];
	[sflag:s4] =	ssyncadd.remote.s32 @!p0 $0x1  }
0xb4: {  	s26 =	simm.s32 $execute0_lowered;
	[smem:$0x3FD2] =	sst s25  }
0xb5: {  	s5 =	sshll.u32 s26, $0x1;
	_ =	strace $0x8000004C;
	[dreg:$0x1] =	wrdreg $0xFFFFFFFF  }
0xb6: {  	s28 =	simm.s32 $_size_execute0_lowered;
	s3 =	sadd.s32 s3, s5;
	[dreg:$0x0] =	wrdreg $0x0  }
0xb7: {  	s5 =	sshll.u32 s28, $0x1;
	[dreg:$0x2] =	wrdreg s3  }
0xb8: {  	[dreg:$0x3] =	wrdreg s5  }
0xb9: {  	[dreg:$0x4] =	wrdreg $0xC0  }
0xba: {  	_ =	task [dreg:s22], $0x5FFFF  }
0xbb: {  	[dreg:$0x1] =	wrdreg $0xFFFFFFFF  }
0xbc: {  	[dreg:$0x0] =	wrdreg $0x60  }
0xbd: {  	[dreg:$0x2] =	wrdreg s24  }
0xbe: {  	[dreg:$0x3] =	wrdreg $0xB  }
0xbf: {  	_ =	task.clear_ibuf [dreg:s22], $0x4FFFF;
	_ =	strace $0x9000004C  }
0xc0: {  	s29 =	simm.s32 $0xB;
	_ =	strace $0x8000004E  }
0xc1: {  	_ =	swait.ge [sflag:s29], $0x1  }
0xc2: {  	[sflag:s29] =	ssyncadd.s32 $0xFFFFFFFF  }
0xc3: {  	_ =	strace $0x9000004E  }
0xc4: {  	_ =	sfence  }
0xc5: {  	s30 =	sld [smem:$0x0];
	_ =	sdelay $0x2  }
0xc6: {  	s31 =	sshll.u32 s1, $0xD;
	s1 =	sshrl.u32 s1, $0x2  }
0xc7: {  	s4 =	sand.u32 $0x4000, s31;
	s1 =	sadd.s32 s1, s30  }
0xc8: {  	s0 =	sor.u32 s4, s0;
	s1 =	sshll.u32 s1, $0x11  }
0xc9: {  	s0 =	sor.u32 s1, s0  }
0xca: {  	s0 =	sadd.s32 $0x8F2B, s0  }
0xcb: {  	[sflag:s0] =	ssyncadd.remote.s32 $0x1  }
0xcc: {  	_ =	sfence.sel $0xFFFF  }
0xcd: {  	[dreg:$0x0] =	wrdreg $0xFFFFFFFF;
	(pc) =	sbr.abs _section_cstart, $3  }
0xce: {  	[dreg:$0x1] =	wrdreg $0xFFFFFFFF  }
0xcf: {  	_ =	task.clear_ibuf [dreg:s22], $0x2FFFF;
	_ =	strace $0x9FFFFFFF  }
0xd0: {  	(tm) =	ssettm $0x7FFFFFFF  }
0xd1: {  	_ =	shalt  }
tec
execute0_lowered:
.L_overlay_start_1:
0x0: {  	(tag) =	ssettag $0x1  }
0x1: {  	s3 =	rddreg [dreg:$0x0];
	s2 =	simm.s32 $0x0  }
0x2: {  	s21 =	simm.s32 $0x100;
	[smem:$0x7FF] =	sst s2  }
0x3: {  	s22 =	simm.s32 $0x180;
	_ =	strace $0x8000004D;
	[dreg:$0xb] =	wrdreg s21  }
0x4: {  	s0 =	srdreg.scid;
	s23 =	simm.s32 $0x200;
	[dreg:$0xc] =	wrdreg s22  }
0x5: {  	s19 =	stileid.u32;
	s24 =	simm.s32 $0x280;
	[dreg:$0xd] =	wrdreg s23  }
0x6: {  	s25 =	simm.s32 $0x300;
	s26 =	simm.s32 $0x380;
	[dreg:$0xe] =	wrdreg s24  }
0x7: {  	s5 =	simm.s32 $0x480;
	s6 =	simm.s32 $0x500;
	[dreg:$0xf] =	wrdreg s25  }
0x8: {  	s7 =	simm.s32 $0x580;
	s9 =	simm.s32 $0x600;
	[dreg:$0x10] =	wrdreg s26  }
0x9: {  	s10 =	simm.s32 $0x680;
	s11 =	simm.s32 $0x700;
	[dreg:$0x12] =	wrdreg s5  }
0xa: {  	s31 =	simm.s32 $0x5;
	s12 =	simm.s32 $0x780;
	[dreg:$0x13] =	wrdreg s6  }
0xb: {  	s28 =	simm.s32 $0x1000;
	s29 =	simm.s32 $0x1080;
	[dreg:$0x14] =	wrdreg s7  }
0xc: {  	p0 =	por $0x0, $0x0;
	s30 =	simm.s32 $0x1100;
	[dreg:$0x15] =	wrdreg s9  }
0xd: {  	s0 =	sand.u32 $0x1, s0;
	s1 =	sshll.u32 s19, $0x1;
	[dreg:$0x16] =	wrdreg s10  }
0xe: {  	s1 =	sor.u32 s0, s1;
	s0 =	ssub.s32 $0x2, s0;
	[dreg:$0x17] =	wrdreg s11  }
0xf: {  	s5 =	simm.s32 $0x80;
	[dreg:$0x18] =	wrdreg s12;
	s7 =	simm.s32 $0x3400  }
0x10: {  	s9 =	simm.s32 $0x5400;
	s12 =	simm.s32 $0x7400;
	s21 =	simm.s32 $0xB80  }
0x11: {  	s6 =	simm.s32 $0xB400;
	s22 =	simm.s32 $0xC00;
	[smem:$0x7F8] =	sst s21  }
0x12: {  	s10 =	simm.s32 $0xD400;
	s23 =	simm.s32 $0xC80;
	[smem:$0x7F9] =	sst s22  }
0x13: {  	s24 =	simm.s32 $0xD00;
	s4 =	smul.u32 $0x280, s1;
	[smem:$0x7FA] =	sst s23  }
0x14: {  	s25 =	simm.s32 $0xD80;
	s1 =	smul.u32 $0xA000, s1;
	[smem:$0x7FB] =	sst s24  }
0x15: {  	s26 =	simm.s32 $0xE00;
	[smem:$0x7FC] =	sst s25;
	s4 =	sadd.s32 s4, s3  }
0x16: {  	[smem:$0x7FD] =	sst s26;
	s1 =	sadd.s32 s1, s3;
	s4 =	sadd.s32 $0x14D200, s4  }
0x17: {  	s11 =	simm.s32 $0x4;
	s13 =	sadd.s32 $0x29C200, s1;
	[dreg:$0x2] =	wrdreg s4  }
0x18: {  	s8 =	sshrl.u32 s0, $0x1;
	s14 =	sadd.s32 $0x29D600, s1;
	[dreg:$0x3] =	wrdreg s13  }
0x19: {  	s25 =	simm.s32 $0xE80;
	s15 =	sadd.s32 $0x29EA00, s1;
	[dreg:$0x4] =	wrdreg s14  }
0x1a: {  	s26 =	simm.s32 $0xF80;
	s16 =	sadd.s32 $0x29FE00, s1;
	[dreg:$0x5] =	wrdreg s15  }
0x1b: {  	s21 =	simm.s32 $0x1200;
	s17 =	sadd.s32 $0x2A1200, s1;
	[dreg:$0x6] =	wrdreg s16  }
0x1c: {  	s22 =	simm.s32 $0x1280;
	s18 =	sadd.s32 $0x2A2600, s1;
	[dreg:$0x7] =	wrdreg s17  }
0x1d: {  	s23 =	simm.s32 $0x1300;
	s20 =	sadd.s32 $0x2A3A00, s1;
	[dreg:$0x8] =	wrdreg s18  }
0x1e: {  	s24 =	simm.s32 $0x1380;
	s1 =	sadd.s32 $0x2A4E00, s1;
	[dreg:$0x9] =	wrdreg s20  }
0x1f: {  	s0 =	ssub.s32 s0, s8;
	[dreg:$0xa] =	wrdreg s1;
	s4 =	simm.s32 $0x400  }
0x20: {  	s8 =	simm.s32 $0x3;
	s13 =	simm.s32 $0x800;
	[dreg:$0x11] =	wrdreg s4  }
0x21: {  	s3 =	sadd.s32 $0xF45600, s3;
	s14 =	simm.s32 $0x880;
	[dreg:$0x19] =	wrdreg s13  }
0x22: {  	s0 =	smax.u32 s0, $0x1;
	s15 =	simm.s32 $0x900;
	[dreg:$0x1a] =	wrdreg s14  }
0x23: {  	p1 =	sne.s32 s0, $0x1;
	s16 =	simm.s32 $0x980;
	[dreg:$0x1b] =	wrdreg s15  }
0x24: {  	s17 =	simm.s32 $0xA00;
	s18 =	simm.s32 $0xA80;
	[dreg:$0x1c] =	wrdreg s16  }
.Ltmp0:
0x25: {  	s20 =	simm.s32 $0xB00;
	[dreg:$0x1d] =	wrdreg s17;
	(pc) =	sbr.rel @!p1 .LBB2_1-.Ltmp0, $4  }
0x26: {  	s1 =	sadd.s32 $0xFFFFFFFF, s0;
	s4 =	simm.s32 $0x1400;
	[dreg:$0x1e] =	wrdreg s18  }
0x27: {  	s14 =	simm.s32 $0x9400;
	[dreg:$0x1f] =	wrdreg s20;
	s13 =	simm.s32 $0xF400  }
0x28: {  	s15 =	simm.s32 $0x11400;
	s17 =	simm.s32 $0x13400;
	s16 =	simm.s32 $0x1  }
0x29: {  	s18 =	simm.s32 $0x2;
	s20 =	simm.s32 $0x1180;
	s0 =	rddreg [dreg:$0x2]  }
0x2a: {  	[tilespmem:s2], [sflag:$0x5] =	stream.linear.gather [hbm4b:s0+s2], $0x1400, $0x38;
	[tilespmem:$0x15400] =	vst v63  }
0x2b: {  	_ =	swait.ge [sflag:s31], $0x1400  }
0x2c: {  	[sflag:s31] =	ssyncset.done $0x0  }
0x2d: {  	[sflag:s31] =	ssyncadd.s32 $0xFFFFEC00  }
0x2e: {  	[tilespmem:s4], [sflag:$0x1] =	stream.indirect.gather [hbm4b:s3+s5], $0x40, s2, s5, $0xb8;
	[tilespmem:$0x15400] =	vst v63  }
0x2f: {  	_ = 	snop  }
0x30: {  	[tilespmem:s7], [sflag:$0x1] =	stream.indirect.gather [hbm4b:s3+s5], $0x40, s5, s5, $0xb8;
	[tilespmem:$0x15400] =	vst v63  }
0x31: {  	s0 =	rddreg [dreg:$0xb]  }
0x32: {  	[tilespmem:s9], [sflag:$0x1] =	stream.indirect.gather [hbm4b:s3+s5], $0x40, s0, s5, $0xb8;
	[tilespmem:$0x15400] =	vst v63  }
0x33: {  	s19 =	smov.u32 s1;
	s1 =	rddreg [dreg:$0xc]  }
0x34: {  	[tilespmem:s12], [sflag:$0x1] =	stream.indirect.gather [hbm4b:s3+s5], $0x40, s1, s5, $0xb8;
	[tilespmem:$0x15400] =	vst v63  }
0x35: {  	s0 =	rddreg [dreg:$0xd]  }
0x36: {  	[tilespmem:s14], [sflag:$0x1] =	stream.indirect.gather [hbm4b:s3+s5], $0x40, s0, s5, $0xb8;
	[tilespmem:$0x15400] =	vst v63  }
0x37: {  	s1 =	rddreg [dreg:$0xe]  }
0x38: {  	[tilespmem:s6], [sflag:$0x2] =	stream.indirect.gather [hbm4b:s3+s5], $0x40, s1, s5, $0xb8;
	[tilespmem:$0x15400] =	vst v63  }
0x39: {  	s0 =	rddreg [dreg:$0xf]  }
0x3a: {  	[tilespmem:s10], [sflag:$0x2] =	stream.indirect.gather [hbm4b:s3+s5], $0x40, s0, s5, $0xb8;
	[tilespmem:$0x15400] =	vst v63  }
0x3b: {  	s1 =	rddreg [dreg:$0x10]  }
0x3c: {  	[tilespmem:s13], [sflag:$0x2] =	stream.indirect.gather [hbm4b:s3+s5], $0x40, s1, s5, $0xb8;
	[tilespmem:$0x15400] =	vst v63  }
0x3d: {  	s0 =	rddreg [dreg:$0x11]  }
0x3e: {  	[tilespmem:s15], [sflag:$0x2] =	stream.indirect.gather [hbm4b:s3+s5], $0x40, s0, s5, $0xb8;
	[tilespmem:$0x15400] =	vst v63  }
0x3f: {  	s1 =	rddreg [dreg:$0x12]  }
0x40: {  	[tilespmem:s17], [sflag:$0x2] =	stream.indirect.gather [hbm4b:s3+s5], $0x40, s1, s5, $0xb8;
	[tilespmem:$0x15400] =	vst v63  }
0x41: {  	_ =	swait.ge [sflag:s16], $0xA000  }
0x42: {  	[sflag:s16] =	ssyncset.done $0x0  }
0x43: {  	s1 =	rddreg [dreg:$0x3];
	[sflag:s16] =	ssyncadd.s32 $0xFFFF6000  }
0x44: {  	[hbm4b:s1+s2] =	stream.linear.scatter [tilespmem:s4], [sflag:$0x3], $0xA000, $0x38;
	[tilespmem:$0x15400] =	vst v63  }
0x45: {  	_ =	swait.ge [sflag:s8], $0xA000  }
0x46: {  	[sflag:s8] =	ssyncset.done $0x0  }
0x47: {  	s0 =	rddreg [dreg:$0x13];
	[sflag:s8] =	ssyncadd.s32 $0xFFFF6000  }
0x48: {  	[tilespmem:s4], [sflag:$0x1] =	stream.indirect.gather [hbm4b:s3+s5], $0x40, s0, s5, $0xb8;
	[tilespmem:$0x15400] =	vst v63  }
0x49: {  	s1 =	rddreg [dreg:$0x14]  }
0x4a: {  	[tilespmem:s7], [sflag:$0x1] =	stream.indirect.gather [hbm4b:s3+s5], $0x40, s1, s5, $0xb8;
	[tilespmem:$0x15400] =	vst v63  }
0x4b: {  	s0 =	rddreg [dreg:$0x15]  }
0x4c: {  	[tilespmem:s9], [sflag:$0x1] =	stream.indirect.gather [hbm4b:s3+s5], $0x40, s0, s5, $0xb8;
	[tilespmem:$0x15400] =	vst v63  }
0x4d: {  	s1 =	rddreg [dreg:$0x16]  }
0x4e: {  	[tilespmem:s12], [sflag:$0x1] =	stream.indirect.gather [hbm4b:s3+s5], $0x40, s1, s5, $0xb8;
	[tilespmem:$0x15400] =	vst v63  }
0x4f: {  	s0 =	rddreg [dreg:$0x17]  }
0x50: {  	[tilespmem:s14], [sflag:$0x1] =	stream.indirect.gather [hbm4b:s3+s5], $0x40, s0, s5, $0xb8;
	[tilespmem:$0x15400] =	vst v63  }
0x51: {  	_ =	swait.ge [sflag:s18], $0xA000  }
0x52: {  	[sflag:s18] =	ssyncset.done $0x0  }
0x53: {  	s1 =	rddreg [dreg:$0x4];
	[sflag:s18] =	ssyncadd.s32 $0xFFFF6000  }
0x54: {  	[hbm4b:s1+s2] =	stream.linear.scatter [tilespmem:s6], [sflag:$0x4], $0xA000, $0x38;
	[tilespmem:$0x15400] =	vst v63  }
0x55: {  	_ =	swait.ge [sflag:s11], $0xA000  }
0x56: {  	[sflag:s11] =	ssyncset.done $0x0  }
0x57: {  	s0 =	rddreg [dreg:$0x18];
	[sflag:s11] =	ssyncadd.s32 $0xFFFF6000  }
0x58: {  	[tilespmem:s6], [sflag:$0x2] =	stream.indirect.gather [hbm4b:s3+s5], $0x40, s0, s5, $0xb8;
	[tilespmem:$0x15400] =	vst v63  }
0x59: {  	s1 =	rddreg [dreg:$0x19]  }
0x5a: {  	[tilespmem:s10], [sflag:$0x2] =	stream.indirect.gather [hbm4b:s3+s5], $0x40, s1, s5, $0xb8;
	[tilespmem:$0x15400] =	vst v63  }
0x5b: {  	s0 =	rddreg [dreg:$0x1a]  }
0x5c: {  	[tilespmem:s13], [sflag:$0x2] =	stream.indirect.gather [hbm4b:s3+s5], $0x40, s0, s5, $0xb8;
	[tilespmem:$0x15400] =	vst v63  }
0x5d: {  	s1 =	rddreg [dreg:$0x1b]  }
0x5e: {  	[tilespmem:s15], [sflag:$0x2] =	stream.indirect.gather [hbm4b:s3+s5], $0x40, s1, s5, $0xb8;
	[tilespmem:$0x15400] =	vst v63  }
0x5f: {  	s0 =	rddreg [dreg:$0x1c]  }
0x60: {  	[tilespmem:s17], [sflag:$0x2] =	stream.indirect.gather [hbm4b:s3+s5], $0x40, s0, s5, $0xb8;
	[tilespmem:$0x15400] =	vst v63  }
0x61: {  	_ =	swait.ge [sflag:s16], $0xA000  }
0x62: {  	[sflag:s16] =	ssyncset.done $0x0  }
0x63: {  	s1 =	rddreg [dreg:$0x5];
	[sflag:s16] =	ssyncadd.s32 $0xFFFF6000  }
0x64: {  	[hbm4b:s1+s2] =	stream.linear.scatter [tilespmem:s4], [sflag:$0x3], $0xA000, $0x38;
	[tilespmem:$0x15400] =	vst v63  }
0x65: {  	_ =	swait.ge [sflag:s8], $0xA000  }
0x66: {  	s0 =	rddreg [dreg:$0x1d];
	[sflag:s8] =	ssyncset.done $0x0  }
0x67: {  	s1 =	rddreg [dreg:$0x1e];
	[sflag:s8] =	ssyncadd.s32 $0xFFFF6000  }
0x68: {  	[tilespmem:s4], [sflag:$0x1] =	stream.indirect.gather [hbm4b:s3+s5], $0x40, s0, s5, $0xb8;
	[tilespmem:$0x15400] =	vst v63  }
0x69: {  	s0 =	rddreg [dreg:$0x1f]  }
0x6a: {  	[tilespmem:s7], [sflag:$0x1] =	stream.indirect.gather [hbm4b:s3+s5], $0x40, s1, s5, $0xb8;
	[tilespmem:$0x15400] =	vst v63  }
0x6b: {  	s1 =	sld [smem:$0x7F8]  }
0x6c: {  	[tilespmem:s9], [sflag:$0x1] =	stream.indirect.gather [hbm4b:s3+s5], $0x40, s0, s5, $0xb8;
	[tilespmem:$0x15400] =	vst v63  }
0x6d: {  	s0 =	sld [smem:$0x7F9]  }
0x6e: {  	[tilespmem:s12], [sflag:$0x1] =	stream.indirect.gather [hbm4b:s3+s5], $0x40, s1, s5, $0xb8;
	[tilespmem:$0x15400] =	vst v63  }
0x6f: {  	_ = 	snop  }
0x70: {  	[tilespmem:s14], [sflag:$0x1] =	stream.indirect.gather [hbm4b:s3+s5], $0x40, s0, s5, $0xb8;
	[tilespmem:$0x15400] =	vst v63  }
0x71: {  	_ =	swait.ge [sflag:s18], $0xA000  }
0x72: {  	[sflag:s18] =	ssyncset.done $0x0  }
0x73: {  	s1 =	rddreg [dreg:$0x6];
	[sflag:s18] =	ssyncadd.s32 $0xFFFF6000  }
0x74: {  	[hbm4b:s1+s2] =	stream.linear.scatter [tilespmem:s6], [sflag:$0x4], $0xA000, $0x38;
	[tilespmem:$0x15400] =	vst v63  }
0x75: {  	_ =	swait.ge [sflag:s11], $0xA000  }
0x76: {  	s0 =	sld [smem:$0x7FA]  }
0x77: {  	[sflag:s11] =	ssyncset.done $0x0  }
0x78: {  	s1 =	sld [smem:$0x7FB];
	[sflag:s11] =	ssyncadd.s32 $0xFFFF6000  }
0x79: {  	[tilespmem:s6], [sflag:$0x2] =	stream.indirect.gather [hbm4b:s3+s5], $0x40, s0, s5, $0xb8;
	[tilespmem:$0x15400] =	vst v63  }
0x7a: {  	s0 =	sld [smem:$0x7FC]  }
0x7b: {  	[tilespmem:s10], [sflag:$0x2] =	stream.indirect.gather [hbm4b:s3+s5], $0x40, s1, s5, $0xb8;
	[tilespmem:$0x15400] =	vst v63  }
0x7c: {  	s1 =	sld [smem:$0x7FD]  }
0x7d: {  	[tilespmem:s13], [sflag:$0x2] =	stream.indirect.gather [hbm4b:s3+s5], $0x40, s0, s5, $0xb8;
	[tilespmem:$0x15400] =	vst v63  }
0x7e: {  	_ = 	snop  }
0x7f: {  	[tilespmem:s15], [sflag:$0x2] =	stream.indirect.gather [hbm4b:s3+s5], $0x40, s1, s5, $0xb8;
	[tilespmem:$0x15400] =	vst v63  }
0x80: {  	_ = 	snop  }
0x81: {  	[tilespmem:s17], [sflag:$0x2] =	stream.indirect.gather [hbm4b:s3+s5], $0x40, s25, s5, $0xb8;
	[tilespmem:$0x15400] =	vst v63  }
0x82: {  	_ =	swait.ge [sflag:s16], $0xA000  }
0x83: {  	[sflag:s16] =	ssyncset.done $0x0  }
0x84: {  	s1 =	rddreg [dreg:$0x7];
	[sflag:s16] =	ssyncadd.s32 $0xFFFF6000  }
0x85: {  	[hbm4b:s1+s2] =	stream.linear.scatter [tilespmem:s4], [sflag:$0x3], $0xA000, $0x38;
	[tilespmem:$0x15400] =	vst v63  }
0x86: {  	_ =	swait.ge [sflag:s8], $0xA000  }
0x87: {  	[sflag:s8] =	ssyncset.done $0x0  }
0x88: {  	s1 =	simm.s32 $0xF00;
	[sflag:s8] =	ssyncadd.s32 $0xFFFF6000  }
0x89: {  	[tilespmem:s4], [sflag:$0x1] =	stream.indirect.gather [hbm4b:s3+s5], $0x40, s1, s5, $0xb8;
	[tilespmem:$0x15400] =	vst v63  }
0x8a: {  	_ = 	snop  }
0x8b: {  	[tilespmem:s7], [sflag:$0x1] =	stream.indirect.gather [hbm4b:s3+s5], $0x40, s26, s5, $0xb8;
	[tilespmem:$0x15400] =	vst v63  }
0x8c: {  	_ = 	snop  }
0x8d: {  	[tilespmem:s9], [sflag:$0x1] =	stream.indirect.gather [hbm4b:s3+s5], $0x40, s28, s5, $0xb8;
	[tilespmem:$0x15400] =	vst v63  }
0x8e: {  	_ = 	snop  }
0x8f: {  	[tilespmem:s12], [sflag:$0x1] =	stream.indirect.gather [hbm4b:s3+s5], $0x40, s29, s5, $0xb8;
	[tilespmem:$0x15400] =	vst v63  }
0x90: {  	_ = 	snop  }
0x91: {  	[tilespmem:s14], [sflag:$0x1] =	stream.indirect.gather [hbm4b:s3+s5], $0x40, s30, s5, $0xb8;
	[tilespmem:$0x15400] =	vst v63  }
0x92: {  	_ =	swait.ge [sflag:s18], $0xA000  }
0x93: {  	[sflag:s18] =	ssyncset.done $0x0  }
0x94: {  	s1 =	rddreg [dreg:$0x8];
	[sflag:s18] =	ssyncadd.s32 $0xFFFF6000  }
0x95: {  	[hbm4b:s1+s2] =	stream.linear.scatter [tilespmem:s6], [sflag:$0x4], $0xA000, $0x38;
	[tilespmem:$0x15400] =	vst v63  }
0x96: {  	_ =	swait.ge [sflag:s11], $0xA000  }
0x97: {  	[sflag:s11] =	ssyncset.done $0x0  }
0x98: {  	[sflag:s11] =	ssyncadd.s32 $0xFFFF6000  }
0x99: {  	[tilespmem:s6], [sflag:$0x2] =	stream.indirect.gather [hbm4b:s3+s5], $0x40, s20, s5, $0xb8;
	[tilespmem:$0x15400] =	vst v63  }
0x9a: {  	_ = 	snop  }
0x9b: {  	[tilespmem:s10], [sflag:$0x2] =	stream.indirect.gather [hbm4b:s3+s5], $0x40, s21, s5, $0xb8;
	[tilespmem:$0x15400] =	vst v63  }
0x9c: {  	_ = 	snop  }
0x9d: {  	[tilespmem:s13], [sflag:$0x2] =	stream.indirect.gather [hbm4b:s3+s5], $0x40, s22, s5, $0xb8;
	[tilespmem:$0x15400] =	vst v63  }
0x9e: {  	_ = 	snop  }
0x9f: {  	[tilespmem:s15], [sflag:$0x2] =	stream.indirect.gather [hbm4b:s3+s5], $0x40, s23, s5, $0xb8;
	[tilespmem:$0x15400] =	vst v63  }
0xa0: {  	_ = 	snop  }
0xa1: {  	[tilespmem:s17], [sflag:$0x2] =	stream.indirect.gather [hbm4b:s3+s5], $0x40, s24, s5, $0xb8;
	[tilespmem:$0x15400] =	vst v63  }
0xa2: {  	_ =	swait.ge [sflag:s16], $0xA000  }
0xa3: {  	[sflag:s16] =	ssyncset.done $0x0  }
0xa4: {  	s1 =	rddreg [dreg:$0x9];
	[sflag:s16] =	ssyncadd.s32 $0xFFFF6000  }
0xa5: {  	[hbm4b:s1+s2] =	stream.linear.scatter [tilespmem:s4], [sflag:$0x3], $0xA000, $0x38;
	[tilespmem:$0x15400] =	vst v63  }
0xa6: {  	_ =	swait.ge [sflag:s18], $0xA000  }
0xa7: {  	[sflag:s18] =	ssyncset.done $0x0  }
0xa8: {  	p1 =	sne.s32 s19, $0x1;
	s1 =	rddreg [dreg:$0xa];
	[sflag:s18] =	ssyncadd.s32 $0xFFFF6000  }
0xa9: {  	[hbm4b:s1+s2] =	stream.linear.scatter [tilespmem:s6], [sflag:$0x4], $0xA000, $0x38;
	[tilespmem:$0x15400] =	vst v63  }
.Ltmp1:
0xaa: {  	_ =	swait.ge [sflag:s8], $0xA000;
	(pc) =	sbr.rel @!p1 .LBB2_3-.Ltmp1, $4  }
0xab: {  	[sflag:s8] =	ssyncset.done $0x0  }
0xac: {  	[sflag:s8] =	ssyncadd.s32 $0xFFFF6000  }
0xad: {  	p0 =	por $0x1, $0x1;
	_ =	swait.ge [sflag:s11], $0xA000  }
0xae: {  	s1 =	sadd.s32 $0xFFFFFFFF, s19;
	s0 =	rddreg [dreg:$0x2];
	[sflag:s11] =	ssyncset.done $0x0  }
.LBB2_4:
0xaf: {  	[sflag:s11] =	ssyncadd.s32 $0xFFFF6000  }
0xb0: {  	[tilespmem:s2], [sflag:$0x5] =	stream.linear.gather [hbm4b:s0+s2], $0x1400, $0x38;
	[tilespmem:$0x15400] =	vst v63  }
0xb1: {  	_ =	swait.ge [sflag:s31], $0x1400  }
0xb2: {  	[sflag:s31] =	ssyncset.done $0x0  }
0xb3: {  	[sflag:s31] =	ssyncadd.s32 $0xFFFFEC00  }
0xb4: {  	[tilespmem:s4], [sflag:$0x1] =	stream.indirect.gather [hbm4b:s3+s5], $0x40, s2, s5, $0xb8;
	[tilespmem:$0x15400] =	vst v63  }
0xb5: {  	_ = 	snop  }
0xb6: {  	[tilespmem:s7], [sflag:$0x1] =	stream.indirect.gather [hbm4b:s3+s5], $0x40, s5, s5, $0xb8;
	[tilespmem:$0x15400] =	vst v63  }
0xb7: {  	s0 =	rddreg [dreg:$0xb]  }
0xb8: {  	[tilespmem:s9], [sflag:$0x1] =	stream.indirect.gather [hbm4b:s3+s5], $0x40, s0, s5, $0xb8;
	[tilespmem:$0x15400] =	vst v63  }
0xb9: {  	s19 =	rddreg [dreg:$0xc]  }
0xba: {  	[tilespmem:s12], [sflag:$0x1] =	stream.indirect.gather [hbm4b:s3+s5], $0x40, s19, s5, $0xb8;
	[tilespmem:$0x15400] =	vst v63  }
0xbb: {  	s0 =	rddreg [dreg:$0xd]  }
0xbc: {  	[tilespmem:s14], [sflag:$0x1] =	stream.indirect.gather [hbm4b:s3+s5], $0x40, s0, s5, $0xb8;
	[tilespmem:$0x15400] =	vst v63  }
0xbd: {  	s19 =	rddreg [dreg:$0xe]  }
0xbe: {  	[tilespmem:s6], [sflag:$0x2] =	stream.indirect.gather [hbm4b:s3+s5], $0x40, s19, s5, $0xb8;
	[tilespmem:$0x15400] =	vst v63  }
0xbf: {  	s0 =	rddreg [dreg:$0xf]  }
0xc0: {  	[tilespmem:s10], [sflag:$0x2] =	stream.indirect.gather [hbm4b:s3+s5], $0x40, s0, s5, $0xb8;
	[tilespmem:$0x15400] =	vst v63  }
0xc1: {  	s19 =	rddreg [dreg:$0x10]  }
0xc2: {  	[tilespmem:s13], [sflag:$0x2] =	stream.indirect.gather [hbm4b:s3+s5], $0x40, s19, s5, $0xb8;
	[tilespmem:$0x15400] =	vst v63  }
0xc3: {  	s0 =	rddreg [dreg:$0x11]  }
0xc4: {  	[tilespmem:s15], [sflag:$0x2] =	stream.indirect.gather [hbm4b:s3+s5], $0x40, s0, s5, $0xb8;
	[tilespmem:$0x15400] =	vst v63  }
0xc5: {  	s19 =	rddreg [dreg:$0x12]  }
0xc6: {  	[tilespmem:s17], [sflag:$0x2] =	stream.indirect.gather [hbm4b:s3+s5], $0x40, s19, s5, $0xb8;
	[tilespmem:$0x15400] =	vst v63  }
0xc7: {  	_ =	swait.ge [sflag:s16], $0xA000  }
0xc8: {  	[sflag:s16] =	ssyncset.done $0x0  }
0xc9: {  	s19 =	rddreg [dreg:$0x3];
	[sflag:s16] =	ssyncadd.s32 $0xFFFF6000  }
0xca: {  	[hbm4b:s19+s2] =	stream.linear.scatter [tilespmem:s4], [sflag:$0x3], $0xA000, $0x38;
	[tilespmem:$0x15400] =	vst v63  }
0xcb: {  	_ =	swait.ge [sflag:s8], $0xA000  }
0xcc: {  	[sflag:s8] =	ssyncset.done $0x0  }
0xcd: {  	s0 =	rddreg [dreg:$0x13];
	[sflag:s8] =	ssyncadd.s32 $0xFFFF6000  }
0xce: {  	[tilespmem:s4], [sflag:$0x1] =	stream.indirect.gather [hbm4b:s3+s5], $0x40, s0, s5, $0xb8;
	[tilespmem:$0x15400] =	vst v63  }
0xcf: {  	s19 =	rddreg [dreg:$0x14]  }
0xd0: {  	[tilespmem:s7], [sflag:$0x1] =	stream.indirect.gather [hbm4b:s3+s5], $0x40, s19, s5, $0xb8;
	[tilespmem:$0x15400] =	vst v63  }
0xd1: {  	s0 =	rddreg [dreg:$0x15]  }
0xd2: {  	[tilespmem:s9], [sflag:$0x1] =	stream.indirect.gather [hbm4b:s3+s5], $0x40, s0, s5, $0xb8;
	[tilespmem:$0x15400] =	vst v63  }
0xd3: {  	s19 =	rddreg [dreg:$0x16]  }
0xd4: {  	[tilespmem:s12], [sflag:$0x1] =	stream.indirect.gather [hbm4b:s3+s5], $0x40, s19, s5, $0xb8;
	[tilespmem:$0x15400] =	vst v63  }
0xd5: {  	s0 =	rddreg [dreg:$0x17]  }
0xd6: {  	[tilespmem:s14], [sflag:$0x1] =	stream.indirect.gather [hbm4b:s3+s5], $0x40, s0, s5, $0xb8;
	[tilespmem:$0x15400] =	vst v63  }
0xd7: {  	_ =	swait.ge [sflag:s18], $0xA000  }
0xd8: {  	[sflag:s18] =	ssyncset.done $0x0  }
0xd9: {  	s19 =	rddreg [dreg:$0x4];
	[sflag:s18] =	ssyncadd.s32 $0xFFFF6000  }
0xda: {  	[hbm4b:s19+s2] =	stream.linear.scatter [tilespmem:s6], [sflag:$0x4], $0xA000, $0x38;
	[tilespmem:$0x15400] =	vst v63  }
0xdb: {  	_ =	swait.ge [sflag:s11], $0xA000  }
0xdc: {  	[sflag:s11] =	ssyncset.done $0x0  }
0xdd: {  	s0 =	rddreg [dreg:$0x18];
	[sflag:s11] =	ssyncadd.s32 $0xFFFF6000  }
0xde: {  	[tilespmem:s6], [sflag:$0x2] =	stream.indirect.gather [hbm4b:s3+s5], $0x40, s0, s5, $0xb8;
	[tilespmem:$0x15400] =	vst v63  }
0xdf: {  	s19 =	rddreg [dreg:$0x19]  }
0xe0: {  	[tilespmem:s10], [sflag:$0x2] =	stream.indirect.gather [hbm4b:s3+s5], $0x40, s19, s5, $0xb8;
	[tilespmem:$0x15400] =	vst v63  }
0xe1: {  	s0 =	rddreg [dreg:$0x1a]  }
0xe2: {  	[tilespmem:s13], [sflag:$0x2] =	stream.indirect.gather [hbm4b:s3+s5], $0x40, s0, s5, $0xb8;
	[tilespmem:$0x15400] =	vst v63  }
0xe3: {  	s19 =	rddreg [dreg:$0x1b]  }
0xe4: {  	[tilespmem:s15], [sflag:$0x2] =	stream.indirect.gather [hbm4b:s3+s5], $0x40, s19, s5, $0xb8;
	[tilespmem:$0x15400] =	vst v63  }
0xe5: {  	s0 =	rddreg [dreg:$0x1c]  }
0xe6: {  	[tilespmem:s17], [sflag:$0x2] =	stream.indirect.gather [hbm4b:s3+s5], $0x40, s0, s5, $0xb8;
	[tilespmem:$0x15400] =	vst v63  }
0xe7: {  	_ =	swait.ge [sflag:s16], $0xA000  }
0xe8: {  	[sflag:s16] =	ssyncset.done $0x0  }
0xe9: {  	s19 =	rddreg [dreg:$0x5];
	[sflag:s16] =	ssyncadd.s32 $0xFFFF6000  }
0xea: {  	[hbm4b:s19+s2] =	stream.linear.scatter [tilespmem:s4], [sflag:$0x3], $0xA000, $0x38;
	[tilespmem:$0x15400] =	vst v63  }
0xeb: {  	_ =	swait.ge [sflag:s8], $0xA000  }
0xec: {  	s0 =	rddreg [dreg:$0x1d];
	[sflag:s8] =	ssyncset.done $0x0  }
0xed: {  	s19 =	rddreg [dreg:$0x1e];
	[sflag:s8] =	ssyncadd.s32 $0xFFFF6000  }
0xee: {  	[tilespmem:s4], [sflag:$0x1] =	stream.indirect.gather [hbm4b:s3+s5], $0x40, s0, s5, $0xb8;
	[tilespmem:$0x15400] =	vst v63  }
0xef: {  	s0 =	rddreg [dreg:$0x1f]  }
0xf0: {  	[tilespmem:s7], [sflag:$0x1] =	stream.indirect.gather [hbm4b:s3+s5], $0x40, s19, s5, $0xb8;
	[tilespmem:$0x15400] =	vst v63  }
0xf1: {  	s19 =	sld [smem:$0x7F8]  }
0xf2: {  	[tilespmem:s9], [sflag:$0x1] =	stream.indirect.gather [hbm4b:s3+s5], $0x40, s0, s5, $0xb8;
	[tilespmem:$0x15400] =	vst v63  }
0xf3: {  	s0 =	sld [smem:$0x7F9]  }
0xf4: {  	[tilespmem:s12], [sflag:$0x1] =	stream.indirect.gather [hbm4b:s3+s5], $0x40, s19, s5, $0xb8;
	[tilespmem:$0x15400] =	vst v63  }
0xf5: {  	_ = 	snop  }
0xf6: {  	[tilespmem:s14], [sflag:$0x1] =	stream.indirect.gather [hbm4b:s3+s5], $0x40, s0, s5, $0xb8;
	[tilespmem:$0x15400] =	vst v63  }
0xf7: {  	_ =	swait.ge [sflag:s18], $0xA000  }
0xf8: {  	[sflag:s18] =	ssyncset.done $0x0  }
0xf9: {  	s19 =	rddreg [dreg:$0x6];
	[sflag:s18] =	ssyncadd.s32 $0xFFFF6000  }
0xfa: {  	[hbm4b:s19+s2] =	stream.linear.scatter [tilespmem:s6], [sflag:$0x4], $0xA000, $0x38;
	[tilespmem:$0x15400] =	vst v63  }
0xfb: {  	_ =	swait.ge [sflag:s11], $0xA000  }
0xfc: {  	s0 =	sld [smem:$0x7FA]  }
0xfd: {  	[sflag:s11] =	ssyncset.done $0x0  }
0xfe: {  	s19 =	sld [smem:$0x7FB];
	[sflag:s11] =	ssyncadd.s32 $0xFFFF6000  }
0xff: {  	[tilespmem:s6], [sflag:$0x2] =	stream.indirect.gather [hbm4b:s3+s5], $0x40, s0, s5, $0xb8;
	[tilespmem:$0x15400] =	vst v63  }
0x100: {  	s0 =	sld [smem:$0x7FC]  }
0x101: {  	[tilespmem:s10], [sflag:$0x2] =	stream.indirect.gather [hbm4b:s3+s5], $0x40, s19, s5, $0xb8;
	[tilespmem:$0x15400] =	vst v63  }
0x102: {  	s19 =	sld [smem:$0x7FD]  }
0x103: {  	[tilespmem:s13], [sflag:$0x2] =	stream.indirect.gather [hbm4b:s3+s5], $0x40, s0, s5, $0xb8;
	[tilespmem:$0x15400] =	vst v63  }
0x104: {  	_ = 	snop  }
0x105: {  	[tilespmem:s15], [sflag:$0x2] =	stream.indirect.gather [hbm4b:s3+s5], $0x40, s19, s5, $0xb8;
	[tilespmem:$0x15400] =	vst v63  }
0x106: {  	_ = 	snop  }
0x107: {  	[tilespmem:s17], [sflag:$0x2] =	stream.indirect.gather [hbm4b:s3+s5], $0x40, s25, s5, $0xb8;
	[tilespmem:$0x15400] =	vst v63  }
0x108: {  	_ =	swait.ge [sflag:s16], $0xA000  }
0x109: {  	[sflag:s16] =	ssyncset.done $0x0  }
0x10a: {  	s19 =	rddreg [dreg:$0x7];
	[sflag:s16] =	ssyncadd.s32 $0xFFFF6000  }
0x10b: {  	[hbm4b:s19+s2] =	stream.linear.scatter [tilespmem:s4], [sflag:$0x3], $0xA000, $0x38;
	[tilespmem:$0x15400] =	vst v63  }
0x10c: {  	_ =	swait.ge [sflag:s8], $0xA000  }
0x10d: {  	[sflag:s8] =	ssyncset.done $0x0  }
0x10e: {  	s19 =	simm.s32 $0xF00;
	[sflag:s8] =	ssyncadd.s32 $0xFFFF6000  }
0x10f: {  	[tilespmem:s4], [sflag:$0x1] =	stream.indirect.gather [hbm4b:s3+s5], $0x40, s19, s5, $0xb8;
	[tilespmem:$0x15400] =	vst v63  }
0x110: {  	_ = 	snop  }
0x111: {  	[tilespmem:s7], [sflag:$0x1] =	stream.indirect.gather [hbm4b:s3+s5], $0x40, s26, s5, $0xb8;
	[tilespmem:$0x15400] =	vst v63  }
0x112: {  	_ = 	snop  }
0x113: {  	[tilespmem:s9], [sflag:$0x1] =	stream.indirect.gather [hbm4b:s3+s5], $0x40, s28, s5, $0xb8;
	[tilespmem:$0x15400] =	vst v63  }
0x114: {  	_ = 	snop  }
0x115: {  	[tilespmem:s12], [sflag:$0x1] =	stream.indirect.gather [hbm4b:s3+s5], $0x40, s29, s5, $0xb8;
	[tilespmem:$0x15400] =	vst v63  }
0x116: {  	_ = 	snop  }
0x117: {  	[tilespmem:s14], [sflag:$0x1] =	stream.indirect.gather [hbm4b:s3+s5], $0x40, s30, s5, $0xb8;
	[tilespmem:$0x15400] =	vst v63  }
0x118: {  	_ =	swait.ge [sflag:s18], $0xA000  }
0x119: {  	[sflag:s18] =	ssyncset.done $0x0  }
0x11a: {  	s19 =	rddreg [dreg:$0x8];
	[sflag:s18] =	ssyncadd.s32 $0xFFFF6000  }
0x11b: {  	[hbm4b:s19+s2] =	stream.linear.scatter [tilespmem:s6], [sflag:$0x4], $0xA000, $0x38;
	[tilespmem:$0x15400] =	vst v63  }
0x11c: {  	_ =	swait.ge [sflag:s11], $0xA000  }
0x11d: {  	[sflag:s11] =	ssyncset.done $0x0  }
0x11e: {  	[sflag:s11] =	ssyncadd.s32 $0xFFFF6000  }
0x11f: {  	[tilespmem:s6], [sflag:$0x2] =	stream.indirect.gather [hbm4b:s3+s5], $0x40, s20, s5, $0xb8;
	[tilespmem:$0x15400] =	vst v63  }
0x120: {  	_ = 	snop  }
0x121: {  	[tilespmem:s10], [sflag:$0x2] =	stream.indirect.gather [hbm4b:s3+s5], $0x40, s21, s5, $0xb8;
	[tilespmem:$0x15400] =	vst v63  }
0x122: {  	_ = 	snop  }
0x123: {  	[tilespmem:s13], [sflag:$0x2] =	stream.indirect.gather [hbm4b:s3+s5], $0x40, s22, s5, $0xb8;
	[tilespmem:$0x15400] =	vst v63  }
0x124: {  	_ = 	snop  }
0x125: {  	[tilespmem:s15], [sflag:$0x2] =	stream.indirect.gather [hbm4b:s3+s5], $0x40, s23, s5, $0xb8;
	[tilespmem:$0x15400] =	vst v63  }
0x126: {  	_ = 	snop  }
0x127: {  	[tilespmem:s17], [sflag:$0x2] =	stream.indirect.gather [hbm4b:s3+s5], $0x40, s24, s5, $0xb8;
	[tilespmem:$0x15400] =	vst v63  }
0x128: {  	_ =	swait.ge [sflag:s16], $0xA000  }
0x129: {  	[sflag:s16] =	ssyncset.done $0x0  }
0x12a: {  	s19 =	rddreg [dreg:$0x9];
	[sflag:s16] =	ssyncadd.s32 $0xFFFF6000  }
0x12b: {  	[hbm4b:s19+s2] =	stream.linear.scatter [tilespmem:s4], [sflag:$0x3], $0xA000, $0x38;
	[tilespmem:$0x15400] =	vst v63  }
0x12c: {  	_ =	swait.ge [sflag:s18], $0xA000  }
0x12d: {  	[sflag:s18] =	ssyncset.done $0x0  }
0x12e: {  	p1 =	sne.s32 s1, $0x1;
	s19 =	rddreg [dreg:$0xa];
	[sflag:s18] =	ssyncadd.s32 $0xFFFF6000  }
0x12f: {  	[hbm4b:s19+s2] =	stream.linear.scatter [tilespmem:s6], [sflag:$0x4], $0xA000, $0x38;
	[tilespmem:$0x15400] =	vst v63  }
.Ltmp2:
0x130: {  	_ =	swait.ge [sflag:s8], $0xA000;
	(pc) =	sbr.rel @p1 .LBB2_4-.Ltmp2, $4  }
0x131: {  	[sflag:s8] =	ssyncset.done $0x0  }
0x132: {  	[sflag:s8] =	ssyncadd.s32 $0xFFFF6000  }
0x133: {  	_ =	swait.ge [sflag:s11], $0xA000  }
0x134: {  	s1 =	sadd.s32 $0xFFFFFFFF, s1;
	s0 =	rddreg [dreg:$0x2];
	[sflag:s11] =	ssyncset.done $0x0  }
0x135: {  	s24 =	simm.s32 $0xE80;
	s30 =	simm.s32 $0x1100  }
0x136: {  	s29 =	simm.s32 $0x1080;
	s28 =	simm.s32 $0x1000;
	s26 =	simm.s32 $0xF80  }
0x137: {  	s25 =	simm.s32 $0xF00;
	s23 =	simm.s32 $0x1300;
	s22 =	simm.s32 $0x1280  }
0x138: {  	s21 =	simm.s32 $0x1200;
	s20 =	simm.s32 $0x1180;
	s19 =	stileid.u32  }
.LBB2_6:
0x139: {  	[sflag:s11] =	ssyncadd.s32 @p0 $0xFFFF6000  }
0x13a: {  	[tilespmem:s2], [sflag:$0x5] =	stream.linear.gather [hbm4b:s0+s2], $0x1400, $0x38;
	[tilespmem:$0x15400] =	vst v63  }
0x13b: {  	_ =	swait.ge [sflag:s31], $0x1400  }
0x13c: {  	[sflag:s31] =	ssyncset.done $0x0  }
0x13d: {  	[sflag:s31] =	ssyncadd.s32 $0xFFFFEC00  }
0x13e: {  	[tilespmem:s4], [sflag:$0x1] =	stream.indirect.gather [hbm4b:s3+s5], $0x40, s2, s5, $0xb8;
	[tilespmem:$0x15400] =	vst v63  }
0x13f: {  	_ = 	snop  }
0x140: {  	[tilespmem:s7], [sflag:$0x1] =	stream.indirect.gather [hbm4b:s3+s5], $0x40, s5, s5, $0xb8;
	[tilespmem:$0x15400] =	vst v63  }
0x141: {  	s31 =	rddreg [dreg:$0xb]  }
0x142: {  	[tilespmem:s9], [sflag:$0x1] =	stream.indirect.gather [hbm4b:s3+s5], $0x40, s31, s5, $0xb8;
	[tilespmem:$0x15400] =	vst v63  }
0x143: {  	s1 =	rddreg [dreg:$0xc]  }
0x144: {  	[tilespmem:s12], [sflag:$0x1] =	stream.indirect.gather [hbm4b:s3+s5], $0x40, s1, s5, $0xb8;
	[tilespmem:$0x15400] =	vst v63  }
0x145: {  	s0 =	rddreg [dreg:$0xd]  }
0x146: {  	[tilespmem:s14], [sflag:$0x1] =	stream.indirect.gather [hbm4b:s3+s5], $0x40, s0, s5, $0xb8;
	[tilespmem:$0x15400] =	vst v63  }
0x147: {  	s31 =	rddreg [dreg:$0xe]  }
0x148: {  	[tilespmem:s6], [sflag:$0x2] =	stream.indirect.gather [hbm4b:s3+s5], $0x40, s31, s5, $0xb8;
	[tilespmem:$0x15400] =	vst v63  }
0x149: {  	s0 =	rddreg [dreg:$0xf]  }
0x14a: {  	[tilespmem:s10], [sflag:$0x2] =	stream.indirect.gather [hbm4b:s3+s5], $0x40, s0, s5, $0xb8;
	[tilespmem:$0x15400] =	vst v63  }
0x14b: {  	s31 =	rddreg [dreg:$0x10]  }
0x14c: {  	[tilespmem:s13], [sflag:$0x2] =	stream.indirect.gather [hbm4b:s3+s5], $0x40, s31, s5, $0xb8;
	[tilespmem:$0x15400] =	vst v63  }
0x14d: {  	s0 =	rddreg [dreg:$0x11]  }
0x14e: {  	[tilespmem:s15], [sflag:$0x2] =	stream.indirect.gather [hbm4b:s3+s5], $0x40, s0, s5, $0xb8;
	[tilespmem:$0x15400] =	vst v63  }
0x14f: {  	s31 =	rddreg [dreg:$0x12]  }
0x150: {  	[tilespmem:s17], [sflag:$0x2] =	stream.indirect.gather [hbm4b:s3+s5], $0x40, s31, s5, $0xb8;
	[tilespmem:$0x15400] =	vst v63  }
0x151: {  	_ =	swait.ge [sflag:s16], $0xA000  }
0x152: {  	[sflag:s16] =	ssyncset.done $0x0  }
0x153: {  	s1 =	rddreg [dreg:$0x3];
	[sflag:s16] =	ssyncadd.s32 $0xFFFF6000  }
0x154: {  	[hbm4b:s1+s2] =	stream.linear.scatter [tilespmem:s4], [sflag:$0x3], $0xA000, $0x38;
	[tilespmem:$0x15400] =	vst v63  }
0x155: {  	_ =	swait.ge [sflag:s8], $0xA000  }
0x156: {  	[sflag:s8] =	ssyncset.done $0x0  }
0x157: {  	s31 =	rddreg [dreg:$0x13];
	[sflag:s8] =	ssyncadd.s32 $0xFFFF6000  }
0x158: {  	[tilespmem:s4], [sflag:$0x1] =	stream.indirect.gather [hbm4b:s3+s5], $0x40, s31, s5, $0xb8;
	[tilespmem:$0x15400] =	vst v63  }
0x159: {  	s1 =	rddreg [dreg:$0x14]  }
0x15a: {  	[tilespmem:s7], [sflag:$0x1] =	stream.indirect.gather [hbm4b:s3+s5], $0x40, s1, s5, $0xb8;
	[tilespmem:$0x15400] =	vst v63  }
0x15b: {  	s31 =	rddreg [dreg:$0x15]  }
0x15c: {  	[tilespmem:s9], [sflag:$0x1] =	stream.indirect.gather [hbm4b:s3+s5], $0x40, s31, s5, $0xb8;
	[tilespmem:$0x15400] =	vst v63  }
0x15d: {  	s1 =	rddreg [dreg:$0x16]  }
0x15e: {  	[tilespmem:s12], [sflag:$0x1] =	stream.indirect.gather [hbm4b:s3+s5], $0x40, s1, s5, $0xb8;
	[tilespmem:$0x15400] =	vst v63  }
0x15f: {  	s31 =	rddreg [dreg:$0x17]  }
0x160: {  	[tilespmem:s14], [sflag:$0x1] =	stream.indirect.gather [hbm4b:s3+s5], $0x40, s31, s5, $0xb8;
	[tilespmem:$0x15400] =	vst v63  }
0x161: {  	_ =	swait.ge [sflag:s18], $0xA000  }
0x162: {  	[sflag:s18] =	ssyncset.done $0x0  }
0x163: {  	s1 =	rddreg [dreg:$0x4];
	[sflag:s18] =	ssyncadd.s32 $0xFFFF6000  }
0x164: {  	[hbm4b:s1+s2] =	stream.linear.scatter [tilespmem:s6], [sflag:$0x4], $0xA000, $0x38;
	[tilespmem:$0x15400] =	vst v63  }
0x165: {  	_ =	swait.ge [sflag:s11], $0xA000  }
0x166: {  	[sflag:s11] =	ssyncset.done $0x0  }
0x167: {  	s31 =	rddreg [dreg:$0x18];
	[sflag:s11] =	ssyncadd.s32 $0xFFFF6000  }
0x168: {  	[tilespmem:s6], [sflag:$0x2] =	stream.indirect.gather [hbm4b:s3+s5], $0x40, s31, s5, $0xb8;
	[tilespmem:$0x15400] =	vst v63  }
0x169: {  	s1 =	rddreg [dreg:$0x19]  }
0x16a: {  	[tilespmem:s10], [sflag:$0x2] =	stream.indirect.gather [hbm4b:s3+s5], $0x40, s1, s5, $0xb8;
	[tilespmem:$0x15400] =	vst v63  }
0x16b: {  	s31 =	rddreg [dreg:$0x1a]  }
0x16c: {  	[tilespmem:s13], [sflag:$0x2] =	stream.indirect.gather [hbm4b:s3+s5], $0x40, s31, s5, $0xb8;
	[tilespmem:$0x15400] =	vst v63  }
0x16d: {  	s1 =	rddreg [dreg:$0x1b]  }
0x16e: {  	[tilespmem:s15], [sflag:$0x2] =	stream.indirect.gather [hbm4b:s3+s5], $0x40, s1, s5, $0xb8;
	[tilespmem:$0x15400] =	vst v63  }
0x16f: {  	s31 =	rddreg [dreg:$0x1c]  }
0x170: {  	[tilespmem:s17], [sflag:$0x2] =	stream.indirect.gather [hbm4b:s3+s5], $0x40, s31, s5, $0xb8;
	[tilespmem:$0x15400] =	vst v63  }
0x171: {  	_ =	swait.ge [sflag:s16], $0xA000  }
0x172: {  	[sflag:s16] =	ssyncset.done $0x0  }
0x173: {  	s1 =	rddreg [dreg:$0x5];
	[sflag:s16] =	ssyncadd.s32 $0xFFFF6000  }
0x174: {  	[hbm4b:s1+s2] =	stream.linear.scatter [tilespmem:s4], [sflag:$0x3], $0xA000, $0x38;
	[tilespmem:$0x15400] =	vst v63  }
0x175: {  	_ =	swait.ge [sflag:s8], $0xA000  }
0x176: {  	s31 =	rddreg [dreg:$0x1d];
	[sflag:s8] =	ssyncset.done $0x0  }
0x177: {  	s1 =	rddreg [dreg:$0x1e];
	[sflag:s8] =	ssyncadd.s32 $0xFFFF6000  }
0x178: {  	[tilespmem:s4], [sflag:$0x1] =	stream.indirect.gather [hbm4b:s3+s5], $0x40, s31, s5, $0xb8;
	[tilespmem:$0x15400] =	vst v63  }
0x179: {  	s31 =	rddreg [dreg:$0x1f]  }
0x17a: {  	[tilespmem:s7], [sflag:$0x1] =	stream.indirect.gather [hbm4b:s3+s5], $0x40, s1, s5, $0xb8;
	[tilespmem:$0x15400] =	vst v63  }
0x17b: {  	s1 =	sld [smem:$0x7F8]  }
0x17c: {  	[tilespmem:s9], [sflag:$0x1] =	stream.indirect.gather [hbm4b:s3+s5], $0x40, s31, s5, $0xb8;
	[tilespmem:$0x15400] =	vst v63  }
0x17d: {  	s31 =	sld [smem:$0x7F9]  }
0x17e: {  	[tilespmem:s12], [sflag:$0x1] =	stream.indirect.gather [hbm4b:s3+s5], $0x40, s1, s5, $0xb8;
	[tilespmem:$0x15400] =	vst v63  }
0x17f: {  	_ = 	snop  }
0x180: {  	[tilespmem:s14], [sflag:$0x1] =	stream.indirect.gather [hbm4b:s3+s5], $0x40, s31, s5, $0xb8;
	[tilespmem:$0x15400] =	vst v63  }
0x181: {  	_ =	swait.ge [sflag:s18], $0xA000  }
0x182: {  	[sflag:s18] =	ssyncset.done $0x0  }
0x183: {  	s31 =	rddreg [dreg:$0x6];
	[sflag:s18] =	ssyncadd.s32 $0xFFFF6000  }
0x184: {  	[hbm4b:s31+s2] =	stream.linear.scatter [tilespmem:s6], [sflag:$0x4], $0xA000, $0x38;
	[tilespmem:$0x15400] =	vst v63  }
0x185: {  	_ =	swait.ge [sflag:s11], $0xA000  }
0x186: {  	s1 =	sld [smem:$0x7FA]  }
0x187: {  	[sflag:s11] =	ssyncset.done $0x0  }
0x188: {  	s31 =	sld [smem:$0x7FB];
	[sflag:s11] =	ssyncadd.s32 $0xFFFF6000  }
0x189: {  	[tilespmem:s6], [sflag:$0x2] =	stream.indirect.gather [hbm4b:s3+s5], $0x40, s1, s5, $0xb8;
	[tilespmem:$0x15400] =	vst v63  }
0x18a: {  	s0 =	sld [smem:$0x7FC]  }
0x18b: {  	[tilespmem:s10], [sflag:$0x2] =	stream.indirect.gather [hbm4b:s3+s5], $0x40, s31, s5, $0xb8;
	[tilespmem:$0x15400] =	vst v63  }
0x18c: {  	s31 =	sld [smem:$0x7FD]  }
0x18d: {  	[tilespmem:s13], [sflag:$0x2] =	stream.indirect.gather [hbm4b:s3+s5], $0x40, s0, s5, $0xb8;
	[tilespmem:$0x15400] =	vst v63  }
0x18e: {  	_ = 	snop  }
0x18f: {  	[tilespmem:s15], [sflag:$0x2] =	stream.indirect.gather [hbm4b:s3+s5], $0x40, s31, s5, $0xb8;
	[tilespmem:$0x15400] =	vst v63  }
0x190: {  	_ = 	snop  }
0x191: {  	[tilespmem:s17], [sflag:$0x2] =	stream.indirect.gather [hbm4b:s3+s5], $0x40, s24, s5, $0xb8;
	[tilespmem:$0x15400] =	vst v63  }
0x192: {  	_ =	swait.ge [sflag:s16], $0xA000  }
0x193: {  	[sflag:s16] =	ssyncset.done $0x0  }
0x194: {  	s24 =	rddreg [dreg:$0x7];
	[sflag:s16] =	ssyncadd.s32 $0xFFFF6000  }
0x195: {  	[hbm4b:s24+s2] =	stream.linear.scatter [tilespmem:s4], [sflag:$0x3], $0xA000, $0x38;
	[tilespmem:$0x15400] =	vst v63  }
0x196: {  	_ =	swait.ge [sflag:s8], $0xA000  }
0x197: {  	[sflag:s8] =	ssyncset.done $0x0  }
0x198: {  	[sflag:s8] =	ssyncadd.s32 $0xFFFF6000  }
0x199: {  	[tilespmem:s4], [sflag:$0x1] =	stream.indirect.gather [hbm4b:s3+s5], $0x40, s25, s5, $0xb8;
	[tilespmem:$0x15400] =	vst v63  }
0x19a: {  	_ = 	snop  }
0x19b: {  	[tilespmem:s7], [sflag:$0x1] =	stream.indirect.gather [hbm4b:s3+s5], $0x40, s26, s5, $0xb8;
	[tilespmem:$0x15400] =	vst v63  }
0x19c: {  	_ = 	snop  }
0x19d: {  	[tilespmem:s9], [sflag:$0x1] =	stream.indirect.gather [hbm4b:s3+s5], $0x40, s28, s5, $0xb8;
	[tilespmem:$0x15400] =	vst v63  }
0x19e: {  	_ = 	snop  }
0x19f: {  	[tilespmem:s12], [sflag:$0x1] =	stream.indirect.gather [hbm4b:s3+s5], $0x40, s29, s5, $0xb8;
	[tilespmem:$0x15400] =	vst v63  }
0x1a0: {  	_ = 	snop  }
0x1a1: {  	[tilespmem:s14], [sflag:$0x1] =	stream.indirect.gather [hbm4b:s3+s5], $0x40, s30, s5, $0xb8;
	[tilespmem:$0x15400] =	vst v63  }
0x1a2: {  	_ =	swait.ge [sflag:s18], $0xA000  }
0x1a3: {  	[sflag:s18] =	ssyncset.done $0x0  }
0x1a4: {  	s28 =	rddreg [dreg:$0x8];
	[sflag:s18] =	ssyncadd.s32 $0xFFFF6000  }
0x1a5: {  	[hbm4b:s28+s2] =	stream.linear.scatter [tilespmem:s6], [sflag:$0x4], $0xA000, $0x38;
	[tilespmem:$0x15400] =	vst v63  }
0x1a6: {  	_ =	swait.ge [sflag:s11], $0xA000  }
0x1a7: {  	[sflag:s11] =	ssyncset.done $0x0  }
0x1a8: {  	[sflag:s11] =	ssyncadd.s32 $0xFFFF6000  }
0x1a9: {  	[tilespmem:s6], [sflag:$0x2] =	stream.indirect.gather [hbm4b:s3+s5], $0x40, s20, s5, $0xb8;
	[tilespmem:$0x15400] =	vst v63  }
0x1aa: {  	_ = 	snop  }
0x1ab: {  	[tilespmem:s10], [sflag:$0x2] =	stream.indirect.gather [hbm4b:s3+s5], $0x40, s21, s5, $0xb8;
	[tilespmem:$0x15400] =	vst v63  }
0x1ac: {  	_ = 	snop  }
0x1ad: {  	[tilespmem:s13], [sflag:$0x2] =	stream.indirect.gather [hbm4b:s3+s5], $0x40, s22, s5, $0xb8;
	[tilespmem:$0x15400] =	vst v63  }
0x1ae: {  	_ = 	snop  }
0x1af: {  	[tilespmem:s15], [sflag:$0x2] =	stream.indirect.gather [hbm4b:s3+s5], $0x40, s23, s5, $0xb8;
	[tilespmem:$0x15400] =	vst v63  }
0x1b0: {  	s29 =	simm.s32 $0x1380  }
0x1b1: {  	[tilespmem:s17], [sflag:$0x2] =	stream.indirect.gather [hbm4b:s3+s5], $0x40, s29, s5, $0xb8;
	[tilespmem:$0x15400] =	vst v63  }
0x1b2: {  	_ =	swait.ge [sflag:s16], $0xA000  }
0x1b3: {  	[sflag:s16] =	ssyncset.done $0x0  }
0x1b4: {  	s30 =	rddreg [dreg:$0x9];
	[sflag:s16] =	ssyncadd.s32 $0xFFFF6000  }
0x1b5: {  	[hbm4b:s30+s2] =	stream.linear.scatter [tilespmem:s4], [sflag:$0x3], $0xA000, $0x38;
	[tilespmem:$0x15400] =	vst v63  }
0x1b6: {  	_ =	swait.ge [sflag:s18], $0xA000  }
0x1b7: {  	[sflag:s18] =	ssyncset.done $0x0  }
0x1b8: {  	s31 =	rddreg [dreg:$0xa];
	[sflag:s18] =	ssyncadd.s32 $0xFFFF6000  }
0x1b9: {  	[hbm4b:s31+s2] =	stream.linear.scatter [tilespmem:s6], [sflag:$0x4], $0xA000, $0x38;
	[tilespmem:$0x15400] =	vst v63  }
0x1ba: {  	_ =	swait.ge [sflag:s8], $0xA000  }
0x1bb: {  	[sflag:s8] =	ssyncset.done $0x0  }
0x1bc: {  	[sflag:s8] =	ssyncadd.s32 $0xFFFF6000  }
0x1bd: {  	_ =	swait.ge [sflag:s11], $0xA000  }
0x1be: {  	[sflag:s11] =	ssyncset.done $0x0  }
0x1bf: {  	[sflag:s11] =	ssyncadd.s32 $0xFFFF6000  }
0x1c0: {  	_ =	sfence.sel $0x180000  }
0x1c1: {  	[bflag:$0x0] =	sbarrier.arrive $0xFFFF  }
0x1c2: {  	_ =	strace $0x9000004D  }
0x1c3: {  	[bflag:$0x2] =	sbarrier.arrive $0xFFFF  }
0x1c4: {  	p0 =	sne.s32 s19, $0x0;
	s0 =	rddreg [dreg:$0x1]  }
0x1c5: {  	s0 =	sadd.s32 @!p0 $0x100000, s0  }
0x1c6: {  	[sflag:s0] =	ssyncadd.tile.s32 @!p0 $0x1;
	_ =	shalt  }
.LBB2_1:
.Ltmp3:
0x1c7: {  	(pc) =	sbr.rel .LBB2_6-.Ltmp3, $4  }
0x1c8: {  	s24 =	simm.s32 $0xE80  }
0x1c9: {  	s30 =	simm.s32 $0x1100;
	s29 =	simm.s32 $0x1080;
	s28 =	simm.s32 $0x1000  }
0x1ca: {  	s26 =	simm.s32 $0xF80;
	s25 =	simm.s32 $0xF00;
	s23 =	simm.s32 $0x1300  }
0x1cb: {  	s22 =	simm.s32 $0x1280;
	s21 =	simm.s32 $0x1200;
	s20 =	simm.s32 $0x1180  }
.LBB2_3:
.Ltmp4:
0x1cc: {  	(pc) =	sbr.rel .LBB2_6-.Ltmp4, $4  }
0x1cd: {  	s24 =	simm.s32 $0xE80;
	s30 =	simm.s32 $0x1100  }
0x1ce: {  	s29 =	simm.s32 $0x1080;
	s28 =	simm.s32 $0x1000;
	s26 =	simm.s32 $0xF80  }
0x1cf: {  	s25 =	simm.s32 $0xF00;
	s23 =	simm.s32 $0x1300;
	s22 =	simm.s32 $0x1280  }
0x1d0: {  	s21 =	simm.s32 $0x1200;
	s20 =	simm.s32 $0x1180;
	s19 =	stileid.u32  }
.Lfunc_end2:
_tile_overlayer_lowered:
.L_overlay_start_2:
0x1d1: {  	(tag) =	ssettag $0x2  }
0x1d2: {  	s0 =	rddreg [dreg:$0x0];
	s2 =	stileid.u32  }
0x1d3: {  	s1 =	rddreg [dreg:$0x1];
	p0 =	sne.s32 s2, $0x0  }
0x1d4: {  	s3 =	rddreg [dreg:$0x2];
	[bflag:$0x3] =	sbarrier.arrive $0xFFFF;
	s2 =	simm.s32 @!p0 $0x1C05  }
0x1d5: {  	[timem:s3], [sflag:s2] =	dma.local @!p0 [hbm:s0], s1  }
0x1d6: {  	s0 =	simm.s32 @!p0 $0x5  }
0x1d7: {  	_ =	swait.ge @!p0 [sflag:s0], s1  }
0x1d8: {  	s1 =	ssub.s32 @!p0 $0x0, s1;
	[sflag:s0] =	ssyncset.done @!p0 $0x0  }
0x1d9: {  	[sflag:s0] =	ssyncadd.s32 @!p0 s1  }
0x1da: {  	[bflag:$0x3] =	sbarrier.arrive $0xFFFF  }
0x1db: {  	_ =	shalt  }

// kernel: kernel.21.cloned.1.call-start
scs
__scs_entry_jumppad:
0x0: {  	(pc) =	sbr.rel $0x88, $3  }
0x1: {  	(tag) =	ssettag $0x0;
	lr =	simm.s32 $0x1  }
0x2: {  	[smem:$0x3F9C] =	sst lr;
	_ =	strace $0xD0000000  }
0x3: {  	_ = 	snop  }
0x4: {  	_ = 	snop  }
0x5: {  	_ = 	snop  }
0x6: {  	_ = 	snop  }
0x7: {  	_ = 	snop  }
__scs_overlays_trampoline_lowered:
0x8: {  	[smem:$0x3FAB] =	sst s0  }
0x9: {  	[smem:$0x3FAC] =	sst s1  }
0xa: {  	[smem:$0x3FAD] =	sst s2  }
0xb: {  	[smem:$0x3FAE] =	sst s3  }
0xc: {  	[smem:$0x3FAF] =	sst s4  }
0xd: {  	[smem:$0x3FB0] =	sst s5  }
0xe: {  	[smem:$0x3FB1] =	sst s6  }
0xf: {  	[smem:$0x3FB2] =	sst s7  }
0x10: {  	[smem:$0x3FB3] =	sst s8  }
0x11: {  	[smem:$0x3FB4] =	sst s9;
	s0 =	simm.s32 @!p0 $0x0  }
0x12: {  	s1 =	sld [smem:$0x3F9A];
	s0 =	simm.s32 @p0 $0x1  }
0x13: {  	[smem:$0x3FB5] =	sst s0;
	s0 =	simm.s32 @!p1 $0x0  }
0x14: {  	s2 =	sld [smem:$0x3F99];
	s0 =	simm.s32 @p1 $0x1  }
0x15: {  	[smem:$0x3FB6] =	sst s0;
	s0 =	simm.s32 @!p2 $0x0  }
0x16: {  	s3 =	sld [smem:$0x3FDB];
	s0 =	simm.s32 @p2 $0x1  }
0x17: {  	s4 =	simm.s32 $0x1BF5;
	[smem:$0x3FB8] =	sst s0  }
0x18: {  	s0 =	sld [smem:$0x3F9B];
	_ =	swait.ge [sflag:s4], $0x0  }
0x19: {  	s7 =	sld [smem:$0x3F9C]  }
0x1a: {  	s8 =	sadd.s32 $0xFFFFE003, lr  }
0x1b: {  	s9 =	sadd.s32 $0xFFFFFEF7, lr;
	s5 =	simm.s32 $0xFFFFFFFF;
	p2 =	slt.u32 s8, $0xFFFFF086  }
0x1c: {  	p1 =	slt.u32 s9, $0xF7A;
	s5 =	simm.s32 @!p2 $0x0  }
0x1d: {  	s5 =	simm.s32 @p1 $0x1;
	p0 =	seq.s32 s7, s2  }
0x1e: {  	s7 =	smul.u32 @!p0 $0xF7A, s2;
	p2 =	seq.s32 @!p0 s5, $0x0  }
0x1f: {  	s9 =	smul.u32 $0xF7A, s1;
	s8 =	simm.s32 @!p0 $0x1BF5;
	p2 =	por !p2, p0  }
0x20: {  	[sflag:s8] =	ssyncset.s32 @!p0 $0xFFFFF086;
	s6 =	sadd.s32 @!p0 s3, s7;
	s7 =	simm.s32 @!p0 $0x108  }
0x21: {  	s3 =	sadd.s32 s3, s9;
	s6 =	sadd.s32 @!p0 $0x88, s6;
	s7 =	simm.s32 @p2 $0x1082  }
0x22: {  	[simem:s7], [sflag:s8] =	dma.local @!p0 [hbm:s6], $0xF7A  }
0x23: {  	s9 =	sor.u32 $0xD0000000, s2;
	s6 =	simm.s32 $0x108;
	_ =	swait.ge @!p0 [sflag:s8], $0x0  }
0x24: {  	s3 =	sadd.s32 $0x88, s3;
	s6 =	simm.s32 @!p1 $0x1082;
	[sflag:s4] =	ssyncset.s32 $0xFFFFF086  }
0x25: {  	[simem:s6], [sflag:s4] =	dma.local [hbm:s3], $0xF7A  }
0x26: {  	[smem:$0x3F9C] =	sst s1;
	(tag) =	ssettag s2;
	_ =	strace s9  }
0x27: {  	s1 =	sld [smem:$0x3FAC]  }
0x28: {  	s2 =	sld [smem:$0x3FAD]  }
0x29: {  	s4 =	sld [smem:$0x3FAF]  }
0x2a: {  	p0 =	seq.s32 s5, $0x0;
	s5 =	sld [smem:$0x3FB0]  }
0x2b: {  	s6 =	sld [smem:$0x3FB1]  }
0x2c: {  	s7 =	sld [smem:$0x3FB2]  }
0x2d: {  	s3 =	simm.s32 $0x108;
	s8 =	sld [smem:$0x3FB3]  }
0x2e: {  	s3 =	simm.s32 @!p0 $0x1082;
	s9 =	sld [smem:$0x3FB4]  }
0x2f: {  	lr =	sadd.s32 s0, s3;
	s0 =	sld [smem:$0x3FAB]  }
0x30: {  	s3 =	sld [smem:$0x3FAE]  }
0x31: {  	[smem:$0x3FB7] =	sst s10  }
0x32: {  	s10 =	sld [smem:$0x3FB5];
	_ =	sdelay $0x3  }
0x33: {  	p0 =	seq.s32 s10, $0x1;
	s10 =	sld [smem:$0x3FB7];
	_ =	sdelay $0x3  }
0x34: {  	[smem:$0x3FB7] =	sst s10  }
0x35: {  	s10 =	sld [smem:$0x3FB6];
	_ =	sdelay $0x3  }
0x36: {  	p1 =	seq.s32 s10, $0x1;
	s10 =	sld [smem:$0x3FB7];
	_ =	sdelay $0x3  }
0x37: {  	[smem:$0x3FB7] =	sst s10  }
0x38: {  	s10 =	sld [smem:$0x3FB8]  }
0x39: {  	_ = 	snop;
	(pc) =	sbr.ind lr, $3  }
0x3a: {  	_ = 	snop  }
0x3b: {  	_ = 	snop  }
0x3c: {  	p2 =	seq.s32 s10, $0x1;
	s10 =	sld [smem:$0x3FB7]  }
0x3d: {  	_ =	shalt  }
0x3e: {  	_ =	shalt  }
0x3f: {  	_ =	shalt  }
0x40: {  	_ =	shalt  }
0x41: {  	_ =	shalt  }
0x42: {  	_ =	shalt  }
0x43: {  	_ =	shalt  }
0x44: {  	_ =	shalt  }
0x45: {  	_ =	shalt  }
0x46: {  	_ =	shalt  }
0x47: {  	_ =	shalt  }
0x48: {  	_ =	shalt  }
0x49: {  	_ =	shalt  }
0x4a: {  	_ =	shalt  }
0x4b: {  	_ =	shalt  }
0x4c: {  	_ =	shalt  }
0x4d: {  	_ =	shalt  }
0x4e: {  	_ =	shalt  }
0x4f: {  	_ =	shalt  }
0x50: {  	_ =	shalt  }
0x51: {  	_ =	shalt  }
0x52: {  	_ =	shalt  }
0x53: {  	_ =	shalt  }
0x54: {  	_ =	shalt  }
0x55: {  	_ =	shalt  }
0x56: {  	_ =	shalt  }
0x57: {  	_ =	shalt  }
0x58: {  	_ =	shalt  }
0x59: {  	_ =	shalt  }
0x5a: {  	_ =	shalt  }
0x5b: {  	_ =	shalt  }
0x5c: {  	_ =	shalt  }
0x5d: {  	_ =	shalt  }
0x5e: {  	_ =	shalt  }
0x5f: {  	_ =	shalt  }
0x60: {  	_ =	shalt  }
0x61: {  	_ =	shalt  }
0x62: {  	_ =	shalt  }
0x63: {  	_ =	shalt  }
0x64: {  	_ =	shalt  }
0x65: {  	_ =	shalt  }
0x66: {  	_ =	shalt  }
0x67: {  	_ =	shalt  }
0x68: {  	_ =	shalt  }
0x69: {  	_ =	shalt  }
0x6a: {  	_ =	shalt  }
0x6b: {  	_ =	shalt  }
0x6c: {  	_ =	shalt  }
0x6d: {  	_ =	shalt  }
0x6e: {  	_ =	shalt  }
0x6f: {  	_ =	shalt  }
0x70: {  	_ =	shalt  }
0x71: {  	_ =	shalt  }
0x72: {  	_ =	shalt  }
0x73: {  	_ =	shalt  }
0x74: {  	_ =	shalt  }
0x75: {  	_ =	shalt  }
0x76: {  	_ =	shalt  }
0x77: {  	_ =	shalt  }
0x78: {  	_ =	shalt  }
0x79: {  	_ =	shalt  }
0x7a: {  	_ =	shalt  }
0x7b: {  	_ =	shalt  }
0x7c: {  	_ =	shalt  }
0x7d: {  	_ =	shalt  }
0x7e: {  	_ =	shalt  }
0x7f: {  	_ =	shalt  }
0x80: {  	_ =	shalt  }
0x81: {  	_ =	shalt  }
0x82: {  	_ =	shalt  }
0x83: {  	_ =	shalt  }
0x84: {  	_ =	shalt  }
0x85: {  	_ =	shalt  }
0x86: {  	_ =	shalt  }
0x87: {  	_ =	shalt  }
.Lfunc_end0:
.L_simem_size_0:
called_computation.3_lowered:
.L_overlay_start_0:
0x88: {  	s2 =	sld [smem:$0x3FD9]  }
0x89: {  	s3 =	sld [smem:$0x3FFE];
	_ =	sdelay $0x1  }
0x8a: {  	s1 =	srdreg.scid  }
0x8b: {  	s0 =	sand.u32 $0x1, s1  }
0x8c: {  	s17 =	sshll.u32 s0, $0xA;
	s2 =	sadd.s32 s3, s2  }
0x8d: {  	s2 =	sadd.s32 s2, s17  }
0x8e: {  	[smem:$0x3FC3] =	sst s2  }
0x8f: {  	_ = 	snop  }
0x90: {  	(tm) =	ssettm $0x1  }
0x91: {  	s18 =	sld [smem:$0x3FFB];
	_ =	sdelay $0x3  }
0x92: {  	_ =	strace s18  }
0x93: {  	s2 =	sld [smem:$0x3FFC];
	_ =	sdelay $0x3  }
0x94: {  	_ =	strace s2  }
0x95: {  	s2 =	sld [smem:$0x3FFD];
	_ =	sdelay $0x3  }
0x96: {  	_ =	strace s2  }
0x97: {  	_ =	strace $0x8FFFFFFF  }
0x98: {  	s19 =	sld [smem:$0x3FDB];
	_ =	sdelay $0x1  }
0x99: {  	s20 =	simm.s32 $_scs_section_size  }
0x9a: {  	s4 =	simm.s32 $_size__tile_overlayer_lowered;
	s5 =	simm.s32 $_tile_overlayer_lowered  }
0x9b: {  	s6 =	simm.s32 $0x1BFF;
	s21 =	sshll.u32 s5, $0x1;
	s3 =	sadd.s32 s20, s19  }
0x9c: {  	s22 =	simm.s32 $0x0;
	s4 =	sshll.u32 s4, $0x1;
	s5 =	sadd.s32 s21, s3  }
0x9d: {  	[timem:s22], [sflag:s6] =	dma.local [hbm:s5], s4  }
0x9e: {  	_ =	swait.ge [sflag:s6], s4  }
0x9f: {  	s4 =	ssub.s32 $0x0, s4;
	[sflag:s6] =	ssyncset.done $0x0  }
0xa0: {  	[sflag:s6] =	ssyncadd.s32 s4;
	_ =	sdelay $0x1  }
0xa1: {  	s23 =	simm.s32 $0x1B8B  }
0xa2: {  	_ =	swait.ge [sflag:s23], $0x1  }
0xa3: {  	[sflag:s23] =	ssyncset.done $0x0  }
0xa4: {  	[sflag:s23] =	ssyncadd.s32 $0xFFFFFFFF  }
0xa5: {  	s4 =	sld [smem:$0x0]  }
0xa6: {  	s5 =	sand.u32 $0xFFFFFFFE, s1  }
0xa7: {  	p0 =	sne.s32 s1, s5  }
0xa8: {  	s5 =	sshll.u32 @p0 s5, $0xE  }
0xa9: {  	s5 =	sadd.s32 @p0 $0x11B8D, s5;
	s6 =	sshll.u32 @p0 s4, $0x11  }
0xaa: {  	s5 =	sor.u32 @p0 s6, s5  }
0xab: {  	[sflag:s5] =	ssyncadd.remote.s32 @p0 $0x1;
	_ =	sdelay $0x1  }
0xac: {  	s5 =	simm.s32 @p0 $0x1B8D  }
0xad: {  	_ =	swait.eq @p0 [sflag:s5], $0x1  }
0xae: {  	[sflag:s5] =	ssyncadd.s32 @p0 $0xFFFFFFFF  }
0xaf: {  	s6 =	sshll.u32 @!p0 s1, $0xE  }
0xb0: {  	s6 =	sor.u32 @!p0 $0x4000, s6;
	s5 =	simm.s32 @!p0 $0x1B8D  }
0xb1: {  	s4 =	sshll.u32 @!p0 s4, $0x11;
	s6 =	sadd.s32 @!p0 $0x11B8D, s6;
	_ =	swait.eq @!p0 [sflag:s5], $0x1  }
0xb2: {  	s4 =	sor.u32 @!p0 s4, s6;
	[sflag:s5] =	ssyncadd.s32 @!p0 $0xFFFFFFFF  }
0xb3: {  	s25 =	simm.s32 $0x1B8E;
	s24 =	sld [smem:$0x3FFE];
	[sflag:s4] =	ssyncadd.remote.s32 @!p0 $0x1  }
0xb4: {  	s26 =	simm.s32 $execute0_lowered;
	[smem:$0x3FD2] =	sst s25  }
0xb5: {  	s5 =	sshll.u32 s26, $0x1;
	_ =	strace $0x8000004F;
	[dreg:$0x1] =	wrdreg $0xFFFFFFFF  }
0xb6: {  	s28 =	simm.s32 $_size_execute0_lowered;
	s3 =	sadd.s32 s3, s5;
	[dreg:$0x0] =	wrdreg $0x0  }
0xb7: {  	s5 =	sshll.u32 s28, $0x1;
	[dreg:$0x2] =	wrdreg s3  }
0xb8: {  	[dreg:$0x3] =	wrdreg s5  }
0xb9: {  	[dreg:$0x4] =	wrdreg $0xC0  }
0xba: {  	_ =	task [dreg:s22], $0x5FFFF  }
0xbb: {  	[dreg:$0x1] =	wrdreg $0xFFFFFFFF  }
0xbc: {  	[dreg:$0x0] =	wrdreg $0x60  }
0xbd: {  	[dreg:$0x2] =	wrdreg s24  }
0xbe: {  	[dreg:$0x3] =	wrdreg $0xC  }
0xbf: {  	_ =	task.clear_ibuf [dreg:s22], $0x4FFFF;
	_ =	strace $0x9000004F  }
0xc0: {  	s29 =	simm.s32 $0xC;
	_ =	strace $0x80000051  }
0xc1: {  	_ =	swait.ge [sflag:s29], $0x1  }
0xc2: {  	[sflag:s29] =	ssyncadd.s32 $0xFFFFFFFF  }
0xc3: {  	_ =	strace $0x90000051  }
0xc4: {  	_ =	sfence  }
0xc5: {  	s30 =	sld [smem:$0x0];
	_ =	sdelay $0x2  }
0xc6: {  	s31 =	sshll.u32 s1, $0xD;
	s1 =	sshrl.u32 s1, $0x2  }
0xc7: {  	s4 =	sand.u32 $0x4000, s31;
	s1 =	sadd.s32 s1, s30  }
0xc8: {  	s0 =	sor.u32 s4, s0;
	s1 =	sshll.u32 s1, $0x11  }
0xc9: {  	s0 =	sor.u32 s1, s0  }
0xca: {  	s0 =	sadd.s32 $0x8F2B, s0  }
0xcb: {  	[sflag:s0] =	ssyncadd.remote.s32 $0x1  }
0xcc: {  	_ =	sfence.sel $0xFFFF  }
0xcd: {  	[dreg:$0x0] =	wrdreg $0xFFFFFFFF;
	(pc) =	sbr.abs _section_cstart, $3  }
0xce: {  	[dreg:$0x1] =	wrdreg $0xFFFFFFFF  }
0xcf: {  	_ =	task.clear_ibuf [dreg:s22], $0x2FFFF;
	_ =	strace $0x9FFFFFFF  }
0xd0: {  	(tm) =	ssettm $0x7FFFFFFF  }
0xd1: {  	_ =	shalt  }
tec
execute0_lowered:
.L_overlay_start_1:
0x0: {  	(tag) =	ssettag $0x1  }
0x1: {  	s3 =	rddreg [dreg:$0x0];
	s2 =	simm.s32 $0x0  }
0x2: {  	s21 =	simm.s32 $0x100;
	[smem:$0x7FF] =	sst s2  }
0x3: {  	s22 =	simm.s32 $0x180;
	_ =	strace $0x80000050;
	[dreg:$0xb] =	wrdreg s21  }
0x4: {  	s0 =	srdreg.scid;
	s23 =	simm.s32 $0x200;
	[dreg:$0xc] =	wrdreg s22  }
0x5: {  	s19 =	stileid.u32;
	s24 =	simm.s32 $0x280;
	[dreg:$0xd] =	wrdreg s23  }
0x6: {  	s25 =	simm.s32 $0x300;
	s26 =	simm.s32 $0x380;
	[dreg:$0xe] =	wrdreg s24  }
0x7: {  	s5 =	simm.s32 $0x480;
	s6 =	simm.s32 $0x500;
	[dreg:$0xf] =	wrdreg s25  }
0x8: {  	s7 =	simm.s32 $0x580;
	s9 =	simm.s32 $0x600;
	[dreg:$0x10] =	wrdreg s26  }
0x9: {  	s10 =	simm.s32 $0x680;
	s11 =	simm.s32 $0x700;
	[dreg:$0x12] =	wrdreg s5  }
0xa: {  	s31 =	simm.s32 $0x5;
	s12 =	simm.s32 $0x780;
	[dreg:$0x13] =	wrdreg s6  }
0xb: {  	s28 =	simm.s32 $0x1000;
	s29 =	simm.s32 $0x1080;
	[dreg:$0x14] =	wrdreg s7  }
0xc: {  	p0 =	por $0x0, $0x0;
	s30 =	simm.s32 $0x1100;
	[dreg:$0x15] =	wrdreg s9  }
0xd: {  	s0 =	sand.u32 $0x1, s0;
	s1 =	sshll.u32 s19, $0x1;
	[dreg:$0x16] =	wrdreg s10  }
0xe: {  	s1 =	sor.u32 s0, s1;
	s0 =	ssub.s32 $0x2, s0;
	[dreg:$0x17] =	wrdreg s11  }
0xf: {  	s5 =	simm.s32 $0x80;
	[dreg:$0x18] =	wrdreg s12;
	s7 =	simm.s32 $0x3400  }
0x10: {  	s9 =	simm.s32 $0x5400;
	s12 =	simm.s32 $0x7400;
	s21 =	simm.s32 $0xB80  }
0x11: {  	s6 =	simm.s32 $0xB400;
	s22 =	simm.s32 $0xC00;
	[smem:$0x7F8] =	sst s21  }
0x12: {  	s10 =	simm.s32 $0xD400;
	s23 =	simm.s32 $0xC80;
	[smem:$0x7F9] =	sst s22  }
0x13: {  	s24 =	simm.s32 $0xD00;
	s4 =	smul.u32 $0x280, s1;
	[smem:$0x7FA] =	sst s23  }
0x14: {  	s25 =	simm.s32 $0xD80;
	s1 =	smul.u32 $0xA000, s1;
	[smem:$0x7FB] =	sst s24  }
0x15: {  	s26 =	simm.s32 $0xE00;
	[smem:$0x7FC] =	sst s25;
	s4 =	sadd.s32 s4, s3  }
0x16: {  	[smem:$0x7FD] =	sst s26;
	s1 =	sadd.s32 s1, s3;
	s4 =	sadd.s32 $0x152200, s4  }
0x17: {  	s11 =	simm.s32 $0x4;
	s13 =	sadd.s32 $0x3DC200, s1;
	[dreg:$0x2] =	wrdreg s4  }
0x18: {  	s8 =	sshrl.u32 s0, $0x1;
	s14 =	sadd.s32 $0x3DD600, s1;
	[dreg:$0x3] =	wrdreg s13  }
0x19: {  	s25 =	simm.s32 $0xE80;
	s15 =	sadd.s32 $0x3DEA00, s1;
	[dreg:$0x4] =	wrdreg s14  }
0x1a: {  	s26 =	simm.s32 $0xF80;
	s16 =	sadd.s32 $0x3DFE00, s1;
	[dreg:$0x5] =	wrdreg s15  }
0x1b: {  	s21 =	simm.s32 $0x1200;
	s17 =	sadd.s32 $0x3E1200, s1;
	[dreg:$0x6] =	wrdreg s16  }
0x1c: {  	s22 =	simm.s32 $0x1280;
	s18 =	sadd.s32 $0x3E2600, s1;
	[dreg:$0x7] =	wrdreg s17  }
0x1d: {  	s23 =	simm.s32 $0x1300;
	s20 =	sadd.s32 $0x3E3A00, s1;
	[dreg:$0x8] =	wrdreg s18  }
0x1e: {  	s24 =	simm.s32 $0x1380;
	s1 =	sadd.s32 $0x3E4E00, s1;
	[dreg:$0x9] =	wrdreg s20  }
0x1f: {  	s0 =	ssub.s32 s0, s8;
	[dreg:$0xa] =	wrdreg s1;
	s4 =	simm.s32 $0x400  }
0x20: {  	s8 =	simm.s32 $0x3;
	s13 =	simm.s32 $0x800;
	[dreg:$0x11] =	wrdreg s4  }
0x21: {  	s3 =	sadd.s32 $0xF45600, s3;
	s14 =	simm.s32 $0x880;
	[dreg:$0x19] =	wrdreg s13  }
0x22: {  	s0 =	smax.u32 s0, $0x1;
	s15 =	simm.s32 $0x900;
	[dreg:$0x1a] =	wrdreg s14  }
0x23: {  	p1 =	sne.s32 s0, $0x1;
	s16 =	simm.s32 $0x980;
	[dreg:$0x1b] =	wrdreg s15  }
0x24: {  	s17 =	simm.s32 $0xA00;
	s18 =	simm.s32 $0xA80;
	[dreg:$0x1c] =	wrdreg s16  }
.Ltmp0:
0x25: {  	s20 =	simm.s32 $0xB00;
	[dreg:$0x1d] =	wrdreg s17;
	(pc) =	sbr.rel @!p1 .LBB2_1-.Ltmp0, $4  }
0x26: {  	s1 =	sadd.s32 $0xFFFFFFFF, s0;
	s4 =	simm.s32 $0x1400;
	[dreg:$0x1e] =	wrdreg s18  }
0x27: {  	s14 =	simm.s32 $0x9400;
	[dreg:$0x1f] =	wrdreg s20;
	s13 =	simm.s32 $0xF400  }
0x28: {  	s15 =	simm.s32 $0x11400;
	s17 =	simm.s32 $0x13400;
	s16 =	simm.s32 $0x1  }
0x29: {  	s18 =	simm.s32 $0x2;
	s20 =	simm.s32 $0x1180;
	s0 =	rddreg [dreg:$0x2]  }
0x2a: {  	[tilespmem:s2], [sflag:$0x5] =	stream.linear.gather [hbm4b:s0+s2], $0x1400, $0x38;
	[tilespmem:$0x15400] =	vst v63  }
0x2b: {  	_ =	swait.ge [sflag:s31], $0x1400  }
0x2c: {  	[sflag:s31] =	ssyncset.done $0x0  }
0x2d: {  	[sflag:s31] =	ssyncadd.s32 $0xFFFFEC00  }
0x2e: {  	[tilespmem:s4], [sflag:$0x1] =	stream.indirect.gather [hbm4b:s3+s5], $0x40, s2, s5, $0xb8;
	[tilespmem:$0x15400] =	vst v63  }
0x2f: {  	_ = 	snop  }
0x30: {  	[tilespmem:s7], [sflag:$0x1] =	stream.indirect.gather [hbm4b:s3+s5], $0x40, s5, s5, $0xb8;
	[tilespmem:$0x15400] =	vst v63  }
0x31: {  	s0 =	rddreg [dreg:$0xb]  }
0x32: {  	[tilespmem:s9], [sflag:$0x1] =	stream.indirect.gather [hbm4b:s3+s5], $0x40, s0, s5, $0xb8;
	[tilespmem:$0x15400] =	vst v63  }
0x33: {  	s19 =	smov.u32 s1;
	s1 =	rddreg [dreg:$0xc]  }
0x34: {  	[tilespmem:s12], [sflag:$0x1] =	stream.indirect.gather [hbm4b:s3+s5], $0x40, s1, s5, $0xb8;
	[tilespmem:$0x15400] =	vst v63  }
0x35: {  	s0 =	rddreg [dreg:$0xd]  }
0x36: {  	[tilespmem:s14], [sflag:$0x1] =	stream.indirect.gather [hbm4b:s3+s5], $0x40, s0, s5, $0xb8;
	[tilespmem:$0x15400] =	vst v63  }
0x37: {  	s1 =	rddreg [dreg:$0xe]  }
0x38: {  	[tilespmem:s6], [sflag:$0x2] =	stream.indirect.gather [hbm4b:s3+s5], $0x40, s1, s5, $0xb8;
	[tilespmem:$0x15400] =	vst v63  }
0x39: {  	s0 =	rddreg [dreg:$0xf]  }
0x3a: {  	[tilespmem:s10], [sflag:$0x2] =	stream.indirect.gather [hbm4b:s3+s5], $0x40, s0, s5, $0xb8;
	[tilespmem:$0x15400] =	vst v63  }
0x3b: {  	s1 =	rddreg [dreg:$0x10]  }
0x3c: {  	[tilespmem:s13], [sflag:$0x2] =	stream.indirect.gather [hbm4b:s3+s5], $0x40, s1, s5, $0xb8;
	[tilespmem:$0x15400] =	vst v63  }
0x3d: {  	s0 =	rddreg [dreg:$0x11]  }
0x3e: {  	[tilespmem:s15], [sflag:$0x2] =	stream.indirect.gather [hbm4b:s3+s5], $0x40, s0, s5, $0xb8;
	[tilespmem:$0x15400] =	vst v63  }
0x3f: {  	s1 =	rddreg [dreg:$0x12]  }
0x40: {  	[tilespmem:s17], [sflag:$0x2] =	stream.indirect.gather [hbm4b:s3+s5], $0x40, s1, s5, $0xb8;
	[tilespmem:$0x15400] =	vst v63  }
0x41: {  	_ =	swait.ge [sflag:s16], $0xA000  }
0x42: {  	[sflag:s16] =	ssyncset.done $0x0  }
0x43: {  	s1 =	rddreg [dreg:$0x3];
	[sflag:s16] =	ssyncadd.s32 $0xFFFF6000  }
0x44: {  	[hbm4b:s1+s2] =	stream.linear.scatter [tilespmem:s4], [sflag:$0x3], $0xA000, $0x38;
	[tilespmem:$0x15400] =	vst v63  }
0x45: {  	_ =	swait.ge [sflag:s8], $0xA000  }
0x46: {  	[sflag:s8] =	ssyncset.done $0x0  }
0x47: {  	s0 =	rddreg [dreg:$0x13];
	[sflag:s8] =	ssyncadd.s32 $0xFFFF6000  }
0x48: {  	[tilespmem:s4], [sflag:$0x1] =	stream.indirect.gather [hbm4b:s3+s5], $0x40, s0, s5, $0xb8;
	[tilespmem:$0x15400] =	vst v63  }
0x49: {  	s1 =	rddreg [dreg:$0x14]  }
0x4a: {  	[tilespmem:s7], [sflag:$0x1] =	stream.indirect.gather [hbm4b:s3+s5], $0x40, s1, s5, $0xb8;
	[tilespmem:$0x15400] =	vst v63  }
0x4b: {  	s0 =	rddreg [dreg:$0x15]  }
0x4c: {  	[tilespmem:s9], [sflag:$0x1] =	stream.indirect.gather [hbm4b:s3+s5], $0x40, s0, s5, $0xb8;
	[tilespmem:$0x15400] =	vst v63  }
0x4d: {  	s1 =	rddreg [dreg:$0x16]  }
0x4e: {  	[tilespmem:s12], [sflag:$0x1] =	stream.indirect.gather [hbm4b:s3+s5], $0x40, s1, s5, $0xb8;
	[tilespmem:$0x15400] =	vst v63  }
0x4f: {  	s0 =	rddreg [dreg:$0x17]  }
0x50: {  	[tilespmem:s14], [sflag:$0x1] =	stream.indirect.gather [hbm4b:s3+s5], $0x40, s0, s5, $0xb8;
	[tilespmem:$0x15400] =	vst v63  }
0x51: {  	_ =	swait.ge [sflag:s18], $0xA000  }
0x52: {  	[sflag:s18] =	ssyncset.done $0x0  }
0x53: {  	s1 =	rddreg [dreg:$0x4];
	[sflag:s18] =	ssyncadd.s32 $0xFFFF6000  }
0x54: {  	[hbm4b:s1+s2] =	stream.linear.scatter [tilespmem:s6], [sflag:$0x4], $0xA000, $0x38;
	[tilespmem:$0x15400] =	vst v63  }
0x55: {  	_ =	swait.ge [sflag:s11], $0xA000  }
0x56: {  	[sflag:s11] =	ssyncset.done $0x0  }
0x57: {  	s0 =	rddreg [dreg:$0x18];
	[sflag:s11] =	ssyncadd.s32 $0xFFFF6000  }
0x58: {  	[tilespmem:s6], [sflag:$0x2] =	stream.indirect.gather [hbm4b:s3+s5], $0x40, s0, s5, $0xb8;
	[tilespmem:$0x15400] =	vst v63  }
0x59: {  	s1 =	rddreg [dreg:$0x19]  }
0x5a: {  	[tilespmem:s10], [sflag:$0x2] =	stream.indirect.gather [hbm4b:s3+s5], $0x40, s1, s5, $0xb8;
	[tilespmem:$0x15400] =	vst v63  }
0x5b: {  	s0 =	rddreg [dreg:$0x1a]  }
0x5c: {  	[tilespmem:s13], [sflag:$0x2] =	stream.indirect.gather [hbm4b:s3+s5], $0x40, s0, s5, $0xb8;
	[tilespmem:$0x15400] =	vst v63  }
0x5d: {  	s1 =	rddreg [dreg:$0x1b]  }
0x5e: {  	[tilespmem:s15], [sflag:$0x2] =	stream.indirect.gather [hbm4b:s3+s5], $0x40, s1, s5, $0xb8;
	[tilespmem:$0x15400] =	vst v63  }
0x5f: {  	s0 =	rddreg [dreg:$0x1c]  }
0x60: {  	[tilespmem:s17], [sflag:$0x2] =	stream.indirect.gather [hbm4b:s3+s5], $0x40, s0, s5, $0xb8;
	[tilespmem:$0x15400] =	vst v63  }
0x61: {  	_ =	swait.ge [sflag:s16], $0xA000  }
0x62: {  	[sflag:s16] =	ssyncset.done $0x0  }
0x63: {  	s1 =	rddreg [dreg:$0x5];
	[sflag:s16] =	ssyncadd.s32 $0xFFFF6000  }
0x64: {  	[hbm4b:s1+s2] =	stream.linear.scatter [tilespmem:s4], [sflag:$0x3], $0xA000, $0x38;
	[tilespmem:$0x15400] =	vst v63  }
0x65: {  	_ =	swait.ge [sflag:s8], $0xA000  }
0x66: {  	s0 =	rddreg [dreg:$0x1d];
	[sflag:s8] =	ssyncset.done $0x0  }
0x67: {  	s1 =	rddreg [dreg:$0x1e];
	[sflag:s8] =	ssyncadd.s32 $0xFFFF6000  }
0x68: {  	[tilespmem:s4], [sflag:$0x1] =	stream.indirect.gather [hbm4b:s3+s5], $0x40, s0, s5, $0xb8;
	[tilespmem:$0x15400] =	vst v63  }
0x69: {  	s0 =	rddreg [dreg:$0x1f]  }
0x6a: {  	[tilespmem:s7], [sflag:$0x1] =	stream.indirect.gather [hbm4b:s3+s5], $0x40, s1, s5, $0xb8;
	[tilespmem:$0x15400] =	vst v63  }
0x6b: {  	s1 =	sld [smem:$0x7F8]  }
0x6c: {  	[tilespmem:s9], [sflag:$0x1] =	stream.indirect.gather [hbm4b:s3+s5], $0x40, s0, s5, $0xb8;
	[tilespmem:$0x15400] =	vst v63  }
0x6d: {  	s0 =	sld [smem:$0x7F9]  }
0x6e: {  	[tilespmem:s12], [sflag:$0x1] =	stream.indirect.gather [hbm4b:s3+s5], $0x40, s1, s5, $0xb8;
	[tilespmem:$0x15400] =	vst v63  }
0x6f: {  	_ = 	snop  }
0x70: {  	[tilespmem:s14], [sflag:$0x1] =	stream.indirect.gather [hbm4b:s3+s5], $0x40, s0, s5, $0xb8;
	[tilespmem:$0x15400] =	vst v63  }
0x71: {  	_ =	swait.ge [sflag:s18], $0xA000  }
0x72: {  	[sflag:s18] =	ssyncset.done $0x0  }
0x73: {  	s1 =	rddreg [dreg:$0x6];
	[sflag:s18] =	ssyncadd.s32 $0xFFFF6000  }
0x74: {  	[hbm4b:s1+s2] =	stream.linear.scatter [tilespmem:s6], [sflag:$0x4], $0xA000, $0x38;
	[tilespmem:$0x15400] =	vst v63  }
0x75: {  	_ =	swait.ge [sflag:s11], $0xA000  }
0x76: {  	s0 =	sld [smem:$0x7FA]  }
0x77: {  	[sflag:s11] =	ssyncset.done $0x0  }
0x78: {  	s1 =	sld [smem:$0x7FB];
	[sflag:s11] =	ssyncadd.s32 $0xFFFF6000  }
0x79: {  	[tilespmem:s6], [sflag:$0x2] =	stream.indirect.gather [hbm4b:s3+s5], $0x40, s0, s5, $0xb8;
	[tilespmem:$0x15400] =	vst v63  }
0x7a: {  	s0 =	sld [smem:$0x7FC]  }
0x7b: {  	[tilespmem:s10], [sflag:$0x2] =	stream.indirect.gather [hbm4b:s3+s5], $0x40, s1, s5, $0xb8;
	[tilespmem:$0x15400] =	vst v63  }
0x7c: {  	s1 =	sld [smem:$0x7FD]  }
0x7d: {  	[tilespmem:s13], [sflag:$0x2] =	stream.indirect.gather [hbm4b:s3+s5], $0x40, s0, s5, $0xb8;
	[tilespmem:$0x15400] =	vst v63  }
0x7e: {  	_ = 	snop  }
0x7f: {  	[tilespmem:s15], [sflag:$0x2] =	stream.indirect.gather [hbm4b:s3+s5], $0x40, s1, s5, $0xb8;
	[tilespmem:$0x15400] =	vst v63  }
0x80: {  	_ = 	snop  }
0x81: {  	[tilespmem:s17], [sflag:$0x2] =	stream.indirect.gather [hbm4b:s3+s5], $0x40, s25, s5, $0xb8;
	[tilespmem:$0x15400] =	vst v63  }
0x82: {  	_ =	swait.ge [sflag:s16], $0xA000  }
0x83: {  	[sflag:s16] =	ssyncset.done $0x0  }
0x84: {  	s1 =	rddreg [dreg:$0x7];
	[sflag:s16] =	ssyncadd.s32 $0xFFFF6000  }
0x85: {  	[hbm4b:s1+s2] =	stream.linear.scatter [tilespmem:s4], [sflag:$0x3], $0xA000, $0x38;
	[tilespmem:$0x15400] =	vst v63  }
0x86: {  	_ =	swait.ge [sflag:s8], $0xA000  }
0x87: {  	[sflag:s8] =	ssyncset.done $0x0  }
0x88: {  	s1 =	simm.s32 $0xF00;
	[sflag:s8] =	ssyncadd.s32 $0xFFFF6000  }
0x89: {  	[tilespmem:s4], [sflag:$0x1] =	stream.indirect.gather [hbm4b:s3+s5], $0x40, s1, s5, $0xb8;
	[tilespmem:$0x15400] =	vst v63  }
0x8a: {  	_ = 	snop  }
0x8b: {  	[tilespmem:s7], [sflag:$0x1] =	stream.indirect.gather [hbm4b:s3+s5], $0x40, s26, s5, $0xb8;
	[tilespmem:$0x15400] =	vst v63  }
0x8c: {  	_ = 	snop  }
0x8d: {  	[tilespmem:s9], [sflag:$0x1] =	stream.indirect.gather [hbm4b:s3+s5], $0x40, s28, s5, $0xb8;
	[tilespmem:$0x15400] =	vst v63  }
0x8e: {  	_ = 	snop  }
0x8f: {  	[tilespmem:s12], [sflag:$0x1] =	stream.indirect.gather [hbm4b:s3+s5], $0x40, s29, s5, $0xb8;
	[tilespmem:$0x15400] =	vst v63  }
0x90: {  	_ = 	snop  }
0x91: {  	[tilespmem:s14], [sflag:$0x1] =	stream.indirect.gather [hbm4b:s3+s5], $0x40, s30, s5, $0xb8;
	[tilespmem:$0x15400] =	vst v63  }
0x92: {  	_ =	swait.ge [sflag:s18], $0xA000  }
0x93: {  	[sflag:s18] =	ssyncset.done $0x0  }
0x94: {  	s1 =	rddreg [dreg:$0x8];
	[sflag:s18] =	ssyncadd.s32 $0xFFFF6000  }
0x95: {  	[hbm4b:s1+s2] =	stream.linear.scatter [tilespmem:s6], [sflag:$0x4], $0xA000, $0x38;
	[tilespmem:$0x15400] =	vst v63  }
0x96: {  	_ =	swait.ge [sflag:s11], $0xA000  }
0x97: {  	[sflag:s11] =	ssyncset.done $0x0  }
0x98: {  	[sflag:s11] =	ssyncadd.s32 $0xFFFF6000  }
0x99: {  	[tilespmem:s6], [sflag:$0x2] =	stream.indirect.gather [hbm4b:s3+s5], $0x40, s20, s5, $0xb8;
	[tilespmem:$0x15400] =	vst v63  }
0x9a: {  	_ = 	snop  }
0x9b: {  	[tilespmem:s10], [sflag:$0x2] =	stream.indirect.gather [hbm4b:s3+s5], $0x40, s21, s5, $0xb8;
	[tilespmem:$0x15400] =	vst v63  }
0x9c: {  	_ = 	snop  }
0x9d: {  	[tilespmem:s13], [sflag:$0x2] =	stream.indirect.gather [hbm4b:s3+s5], $0x40, s22, s5, $0xb8;
	[tilespmem:$0x15400] =	vst v63  }
0x9e: {  	_ = 	snop  }
0x9f: {  	[tilespmem:s15], [sflag:$0x2] =	stream.indirect.gather [hbm4b:s3+s5], $0x40, s23, s5, $0xb8;
	[tilespmem:$0x15400] =	vst v63  }
0xa0: {  	_ = 	snop  }
0xa1: {  	[tilespmem:s17], [sflag:$0x2] =	stream.indirect.gather [hbm4b:s3+s5], $0x40, s24, s5, $0xb8;
	[tilespmem:$0x15400] =	vst v63  }
0xa2: {  	_ =	swait.ge [sflag:s16], $0xA000  }
0xa3: {  	[sflag:s16] =	ssyncset.done $0x0  }
0xa4: {  	s1 =	rddreg [dreg:$0x9];
	[sflag:s16] =	ssyncadd.s32 $0xFFFF6000  }
0xa5: {  	[hbm4b:s1+s2] =	stream.linear.scatter [tilespmem:s4], [sflag:$0x3], $0xA000, $0x38;
	[tilespmem:$0x15400] =	vst v63  }
0xa6: {  	_ =	swait.ge [sflag:s18], $0xA000  }
0xa7: {  	[sflag:s18] =	ssyncset.done $0x0  }
0xa8: {  	p1 =	sne.s32 s19, $0x1;
	s1 =	rddreg [dreg:$0xa];
	[sflag:s18] =	ssyncadd.s32 $0xFFFF6000  }
0xa9: {  	[hbm4b:s1+s2] =	stream.linear.scatter [tilespmem:s6], [sflag:$0x4], $0xA000, $0x38;
	[tilespmem:$0x15400] =	vst v63  }
.Ltmp1:
0xaa: {  	_ =	swait.ge [sflag:s8], $0xA000;
	(pc) =	sbr.rel @!p1 .LBB2_3-.Ltmp1, $4  }
0xab: {  	[sflag:s8] =	ssyncset.done $0x0  }
0xac: {  	[sflag:s8] =	ssyncadd.s32 $0xFFFF6000  }
0xad: {  	p0 =	por $0x1, $0x1;
	_ =	swait.ge [sflag:s11], $0xA000  }
0xae: {  	s1 =	sadd.s32 $0xFFFFFFFF, s19;
	s0 =	rddreg [dreg:$0x2];
	[sflag:s11] =	ssyncset.done $0x0  }
.LBB2_4:
0xaf: {  	[sflag:s11] =	ssyncadd.s32 $0xFFFF6000  }
0xb0: {  	[tilespmem:s2], [sflag:$0x5] =	stream.linear.gather [hbm4b:s0+s2], $0x1400, $0x38;
	[tilespmem:$0x15400] =	vst v63  }
0xb1: {  	_ =	swait.ge [sflag:s31], $0x1400  }
0xb2: {  	[sflag:s31] =	ssyncset.done $0x0  }
0xb3: {  	[sflag:s31] =	ssyncadd.s32 $0xFFFFEC00  }
0xb4: {  	[tilespmem:s4], [sflag:$0x1] =	stream.indirect.gather [hbm4b:s3+s5], $0x40, s2, s5, $0xb8;
	[tilespmem:$0x15400] =	vst v63  }
0xb5: {  	_ = 	snop  }
0xb6: {  	[tilespmem:s7], [sflag:$0x1] =	stream.indirect.gather [hbm4b:s3+s5], $0x40, s5, s5, $0xb8;
	[tilespmem:$0x15400] =	vst v63  }
0xb7: {  	s0 =	rddreg [dreg:$0xb]  }
0xb8: {  	[tilespmem:s9], [sflag:$0x1] =	stream.indirect.gather [hbm4b:s3+s5], $0x40, s0, s5, $0xb8;
	[tilespmem:$0x15400] =	vst v63  }
0xb9: {  	s19 =	rddreg [dreg:$0xc]  }
0xba: {  	[tilespmem:s12], [sflag:$0x1] =	stream.indirect.gather [hbm4b:s3+s5], $0x40, s19, s5, $0xb8;
	[tilespmem:$0x15400] =	vst v63  }
0xbb: {  	s0 =	rddreg [dreg:$0xd]  }
0xbc: {  	[tilespmem:s14], [sflag:$0x1] =	stream.indirect.gather [hbm4b:s3+s5], $0x40, s0, s5, $0xb8;
	[tilespmem:$0x15400] =	vst v63  }
0xbd: {  	s19 =	rddreg [dreg:$0xe]  }
0xbe: {  	[tilespmem:s6], [sflag:$0x2] =	stream.indirect.gather [hbm4b:s3+s5], $0x40, s19, s5, $0xb8;
	[tilespmem:$0x15400] =	vst v63  }
0xbf: {  	s0 =	rddreg [dreg:$0xf]  }
0xc0: {  	[tilespmem:s10], [sflag:$0x2] =	stream.indirect.gather [hbm4b:s3+s5], $0x40, s0, s5, $0xb8;
	[tilespmem:$0x15400] =	vst v63  }
0xc1: {  	s19 =	rddreg [dreg:$0x10]  }
0xc2: {  	[tilespmem:s13], [sflag:$0x2] =	stream.indirect.gather [hbm4b:s3+s5], $0x40, s19, s5, $0xb8;
	[tilespmem:$0x15400] =	vst v63  }
0xc3: {  	s0 =	rddreg [dreg:$0x11]  }
0xc4: {  	[tilespmem:s15], [sflag:$0x2] =	stream.indirect.gather [hbm4b:s3+s5], $0x40, s0, s5, $0xb8;
	[tilespmem:$0x15400] =	vst v63  }
0xc5: {  	s19 =	rddreg [dreg:$0x12]  }
0xc6: {  	[tilespmem:s17], [sflag:$0x2] =	stream.indirect.gather [hbm4b:s3+s5], $0x40, s19, s5, $0xb8;
	[tilespmem:$0x15400] =	vst v63  }
0xc7: {  	_ =	swait.ge [sflag:s16], $0xA000  }
0xc8: {  	[sflag:s16] =	ssyncset.done $0x0  }
0xc9: {  	s19 =	rddreg [dreg:$0x3];
	[sflag:s16] =	ssyncadd.s32 $0xFFFF6000  }
0xca: {  	[hbm4b:s19+s2] =	stream.linear.scatter [tilespmem:s4], [sflag:$0x3], $0xA000, $0x38;
	[tilespmem:$0x15400] =	vst v63  }
0xcb: {  	_ =	swait.ge [sflag:s8], $0xA000  }
0xcc: {  	[sflag:s8] =	ssyncset.done $0x0  }
0xcd: {  	s0 =	rddreg [dreg:$0x13];
	[sflag:s8] =	ssyncadd.s32 $0xFFFF6000  }
0xce: {  	[tilespmem:s4], [sflag:$0x1] =	stream.indirect.gather [hbm4b:s3+s5], $0x40, s0, s5, $0xb8;
	[tilespmem:$0x15400] =	vst v63  }
0xcf: {  	s19 =	rddreg [dreg:$0x14]  }
0xd0: {  	[tilespmem:s7], [sflag:$0x1] =	stream.indirect.gather [hbm4b:s3+s5], $0x40, s19, s5, $0xb8;
	[tilespmem:$0x15400] =	vst v63  }
0xd1: {  	s0 =	rddreg [dreg:$0x15]  }
0xd2: {  	[tilespmem:s9], [sflag:$0x1] =	stream.indirect.gather [hbm4b:s3+s5], $0x40, s0, s5, $0xb8;
	[tilespmem:$0x15400] =	vst v63  }
0xd3: {  	s19 =	rddreg [dreg:$0x16]  }
0xd4: {  	[tilespmem:s12], [sflag:$0x1] =	stream.indirect.gather [hbm4b:s3+s5], $0x40, s19, s5, $0xb8;
	[tilespmem:$0x15400] =	vst v63  }
0xd5: {  	s0 =	rddreg [dreg:$0x17]  }
0xd6: {  	[tilespmem:s14], [sflag:$0x1] =	stream.indirect.gather [hbm4b:s3+s5], $0x40, s0, s5, $0xb8;
	[tilespmem:$0x15400] =	vst v63  }
0xd7: {  	_ =	swait.ge [sflag:s18], $0xA000  }
0xd8: {  	[sflag:s18] =	ssyncset.done $0x0  }
0xd9: {  	s19 =	rddreg [dreg:$0x4];
	[sflag:s18] =	ssyncadd.s32 $0xFFFF6000  }
0xda: {  	[hbm4b:s19+s2] =	stream.linear.scatter [tilespmem:s6], [sflag:$0x4], $0xA000, $0x38;
	[tilespmem:$0x15400] =	vst v63  }
0xdb: {  	_ =	swait.ge [sflag:s11], $0xA000  }
0xdc: {  	[sflag:s11] =	ssyncset.done $0x0  }
0xdd: {  	s0 =	rddreg [dreg:$0x18];
	[sflag:s11] =	ssyncadd.s32 $0xFFFF6000  }
0xde: {  	[tilespmem:s6], [sflag:$0x2] =	stream.indirect.gather [hbm4b:s3+s5], $0x40, s0, s5, $0xb8;
	[tilespmem:$0x15400] =	vst v63  }
0xdf: {  	s19 =	rddreg [dreg:$0x19]  }
0xe0: {  	[tilespmem:s10], [sflag:$0x2] =	stream.indirect.gather [hbm4b:s3+s5], $0x40, s19, s5, $0xb8;
	[tilespmem:$0x15400] =	vst v63  }
0xe1: {  	s0 =	rddreg [dreg:$0x1a]  }
0xe2: {  	[tilespmem:s13], [sflag:$0x2] =	stream.indirect.gather [hbm4b:s3+s5], $0x40, s0, s5, $0xb8;
	[tilespmem:$0x15400] =	vst v63  }
0xe3: {  	s19 =	rddreg [dreg:$0x1b]  }
0xe4: {  	[tilespmem:s15], [sflag:$0x2] =	stream.indirect.gather [hbm4b:s3+s5], $0x40, s19, s5, $0xb8;
	[tilespmem:$0x15400] =	vst v63  }
0xe5: {  	s0 =	rddreg [dreg:$0x1c]  }
0xe6: {  	[tilespmem:s17], [sflag:$0x2] =	stream.indirect.gather [hbm4b:s3+s5], $0x40, s0, s5, $0xb8;
	[tilespmem:$0x15400] =	vst v63  }
0xe7: {  	_ =	swait.ge [sflag:s16], $0xA000  }
0xe8: {  	[sflag:s16] =	ssyncset.done $0x0  }
0xe9: {  	s19 =	rddreg [dreg:$0x5];
	[sflag:s16] =	ssyncadd.s32 $0xFFFF6000  }
0xea: {  	[hbm4b:s19+s2] =	stream.linear.scatter [tilespmem:s4], [sflag:$0x3], $0xA000, $0x38;
	[tilespmem:$0x15400] =	vst v63  }
0xeb: {  	_ =	swait.ge [sflag:s8], $0xA000  }
0xec: {  	s0 =	rddreg [dreg:$0x1d];
	[sflag:s8] =	ssyncset.done $0x0  }
0xed: {  	s19 =	rddreg [dreg:$0x1e];
	[sflag:s8] =	ssyncadd.s32 $0xFFFF6000  }
0xee: {  	[tilespmem:s4], [sflag:$0x1] =	stream.indirect.gather [hbm4b:s3+s5], $0x40, s0, s5, $0xb8;
	[tilespmem:$0x15400] =	vst v63  }
0xef: {  	s0 =	rddreg [dreg:$0x1f]  }
0xf0: {  	[tilespmem:s7], [sflag:$0x1] =	stream.indirect.gather [hbm4b:s3+s5], $0x40, s19, s5, $0xb8;
	[tilespmem:$0x15400] =	vst v63  }
0xf1: {  	s19 =	sld [smem:$0x7F8]  }
0xf2: {  	[tilespmem:s9], [sflag:$0x1] =	stream.indirect.gather [hbm4b:s3+s5], $0x40, s0, s5, $0xb8;
	[tilespmem:$0x15400] =	vst v63  }
0xf3: {  	s0 =	sld [smem:$0x7F9]  }
0xf4: {  	[tilespmem:s12], [sflag:$0x1] =	stream.indirect.gather [hbm4b:s3+s5], $0x40, s19, s5, $0xb8;
	[tilespmem:$0x15400] =	vst v63  }
0xf5: {  	_ = 	snop  }
0xf6: {  	[tilespmem:s14], [sflag:$0x1] =	stream.indirect.gather [hbm4b:s3+s5], $0x40, s0, s5, $0xb8;
	[tilespmem:$0x15400] =	vst v63  }
0xf7: {  	_ =	swait.ge [sflag:s18], $0xA000  }
0xf8: {  	[sflag:s18] =	ssyncset.done $0x0  }
0xf9: {  	s19 =	rddreg [dreg:$0x6];
	[sflag:s18] =	ssyncadd.s32 $0xFFFF6000  }
0xfa: {  	[hbm4b:s19+s2] =	stream.linear.scatter [tilespmem:s6], [sflag:$0x4], $0xA000, $0x38;
	[tilespmem:$0x15400] =	vst v63  }
0xfb: {  	_ =	swait.ge [sflag:s11], $0xA000  }
0xfc: {  	s0 =	sld [smem:$0x7FA]  }
0xfd: {  	[sflag:s11] =	ssyncset.done $0x0  }
0xfe: {  	s19 =	sld [smem:$0x7FB];
	[sflag:s11] =	ssyncadd.s32 $0xFFFF6000  }
0xff: {  	[tilespmem:s6], [sflag:$0x2] =	stream.indirect.gather [hbm4b:s3+s5], $0x40, s0, s5, $0xb8;
	[tilespmem:$0x15400] =	vst v63  }
0x100: {  	s0 =	sld [smem:$0x7FC]  }
0x101: {  	[tilespmem:s10], [sflag:$0x2] =	stream.indirect.gather [hbm4b:s3+s5], $0x40, s19, s5, $0xb8;
	[tilespmem:$0x15400] =	vst v63  }
0x102: {  	s19 =	sld [smem:$0x7FD]  }
0x103: {  	[tilespmem:s13], [sflag:$0x2] =	stream.indirect.gather [hbm4b:s3+s5], $0x40, s0, s5, $0xb8;
	[tilespmem:$0x15400] =	vst v63  }
0x104: {  	_ = 	snop  }
0x105: {  	[tilespmem:s15], [sflag:$0x2] =	stream.indirect.gather [hbm4b:s3+s5], $0x40, s19, s5, $0xb8;
	[tilespmem:$0x15400] =	vst v63  }
0x106: {  	_ = 	snop  }
0x107: {  	[tilespmem:s17], [sflag:$0x2] =	stream.indirect.gather [hbm4b:s3+s5], $0x40, s25, s5, $0xb8;
	[tilespmem:$0x15400] =	vst v63  }
0x108: {  	_ =	swait.ge [sflag:s16], $0xA000  }
0x109: {  	[sflag:s16] =	ssyncset.done $0x0  }
0x10a: {  	s19 =	rddreg [dreg:$0x7];
	[sflag:s16] =	ssyncadd.s32 $0xFFFF6000  }
0x10b: {  	[hbm4b:s19+s2] =	stream.linear.scatter [tilespmem:s4], [sflag:$0x3], $0xA000, $0x38;
	[tilespmem:$0x15400] =	vst v63  }
0x10c: {  	_ =	swait.ge [sflag:s8], $0xA000  }
0x10d: {  	[sflag:s8] =	ssyncset.done $0x0  }
0x10e: {  	s19 =	simm.s32 $0xF00;
	[sflag:s8] =	ssyncadd.s32 $0xFFFF6000  }
0x10f: {  	[tilespmem:s4], [sflag:$0x1] =	stream.indirect.gather [hbm4b:s3+s5], $0x40, s19, s5, $0xb8;
	[tilespmem:$0x15400] =	vst v63  }
0x110: {  	_ = 	snop  }
0x111: {  	[tilespmem:s7], [sflag:$0x1] =	stream.indirect.gather [hbm4b:s3+s5], $0x40, s26, s5, $0xb8;
	[tilespmem:$0x15400] =	vst v63  }
0x112: {  	_ = 	snop  }
0x113: {  	[tilespmem:s9], [sflag:$0x1] =	stream.indirect.gather [hbm4b:s3+s5], $0x40, s28, s5, $0xb8;
	[tilespmem:$0x15400] =	vst v63  }
0x114: {  	_ = 	snop  }
0x115: {  	[tilespmem:s12], [sflag:$0x1] =	stream.indirect.gather [hbm4b:s3+s5], $0x40, s29, s5, $0xb8;
	[tilespmem:$0x15400] =	vst v63  }
0x116: {  	_ = 	snop  }
0x117: {  	[tilespmem:s14], [sflag:$0x1] =	stream.indirect.gather [hbm4b:s3+s5], $0x40, s30, s5, $0xb8;
	[tilespmem:$0x15400] =	vst v63  }
0x118: {  	_ =	swait.ge [sflag:s18], $0xA000  }
0x119: {  	[sflag:s18] =	ssyncset.done $0x0  }
0x11a: {  	s19 =	rddreg [dreg:$0x8];
	[sflag:s18] =	ssyncadd.s32 $0xFFFF6000  }
0x11b: {  	[hbm4b:s19+s2] =	stream.linear.scatter [tilespmem:s6], [sflag:$0x4], $0xA000, $0x38;
	[tilespmem:$0x15400] =	vst v63  }
0x11c: {  	_ =	swait.ge [sflag:s11], $0xA000  }
0x11d: {  	[sflag:s11] =	ssyncset.done $0x0  }
0x11e: {  	[sflag:s11] =	ssyncadd.s32 $0xFFFF6000  }
0x11f: {  	[tilespmem:s6], [sflag:$0x2] =	stream.indirect.gather [hbm4b:s3+s5], $0x40, s20, s5, $0xb8;
	[tilespmem:$0x15400] =	vst v63  }
0x120: {  	_ = 	snop  }
0x121: {  	[tilespmem:s10], [sflag:$0x2] =	stream.indirect.gather [hbm4b:s3+s5], $0x40, s21, s5, $0xb8;
	[tilespmem:$0x15400] =	vst v63  }
0x122: {  	_ = 	snop  }
0x123: {  	[tilespmem:s13], [sflag:$0x2] =	stream.indirect.gather [hbm4b:s3+s5], $0x40, s22, s5, $0xb8;
	[tilespmem:$0x15400] =	vst v63  }
0x124: {  	_ = 	snop  }
0x125: {  	[tilespmem:s15], [sflag:$0x2] =	stream.indirect.gather [hbm4b:s3+s5], $0x40, s23, s5, $0xb8;
	[tilespmem:$0x15400] =	vst v63  }
0x126: {  	_ = 	snop  }
0x127: {  	[tilespmem:s17], [sflag:$0x2] =	stream.indirect.gather [hbm4b:s3+s5], $0x40, s24, s5, $0xb8;
	[tilespmem:$0x15400] =	vst v63  }
0x128: {  	_ =	swait.ge [sflag:s16], $0xA000  }
0x129: {  	[sflag:s16] =	ssyncset.done $0x0  }
0x12a: {  	s19 =	rddreg [dreg:$0x9];
	[sflag:s16] =	ssyncadd.s32 $0xFFFF6000  }
0x12b: {  	[hbm4b:s19+s2] =	stream.linear.scatter [tilespmem:s4], [sflag:$0x3], $0xA000, $0x38;
	[tilespmem:$0x15400] =	vst v63  }
0x12c: {  	_ =	swait.ge [sflag:s18], $0xA000  }
0x12d: {  	[sflag:s18] =	ssyncset.done $0x0  }
0x12e: {  	p1 =	sne.s32 s1, $0x1;
	s19 =	rddreg [dreg:$0xa];
	[sflag:s18] =	ssyncadd.s32 $0xFFFF6000  }
0x12f: {  	[hbm4b:s19+s2] =	stream.linear.scatter [tilespmem:s6], [sflag:$0x4], $0xA000, $0x38;
	[tilespmem:$0x15400] =	vst v63  }
.Ltmp2:
0x130: {  	_ =	swait.ge [sflag:s8], $0xA000;
	(pc) =	sbr.rel @p1 .LBB2_4-.Ltmp2, $4  }
0x131: {  	[sflag:s8] =	ssyncset.done $0x0  }
0x132: {  	[sflag:s8] =	ssyncadd.s32 $0xFFFF6000  }
0x133: {  	_ =	swait.ge [sflag:s11], $0xA000  }
0x134: {  	s1 =	sadd.s32 $0xFFFFFFFF, s1;
	s0 =	rddreg [dreg:$0x2];
	[sflag:s11] =	ssyncset.done $0x0  }
0x135: {  	s24 =	simm.s32 $0xE80;
	s30 =	simm.s32 $0x1100  }
0x136: {  	s29 =	simm.s32 $0x1080;
	s28 =	simm.s32 $0x1000;
	s26 =	simm.s32 $0xF80  }
0x137: {  	s25 =	simm.s32 $0xF00;
	s23 =	simm.s32 $0x1300;
	s22 =	simm.s32 $0x1280  }
0x138: {  	s21 =	simm.s32 $0x1200;
	s20 =	simm.s32 $0x1180;
	s19 =	stileid.u32  }
.LBB2_6:
0x139: {  	[sflag:s11] =	ssyncadd.s32 @p0 $0xFFFF6000  }
0x13a: {  	[tilespmem:s2], [sflag:$0x5] =	stream.linear.gather [hbm4b:s0+s2], $0x1400, $0x38;
	[tilespmem:$0x15400] =	vst v63  }
0x13b: {  	_ =	swait.ge [sflag:s31], $0x1400  }
0x13c: {  	[sflag:s31] =	ssyncset.done $0x0  }
0x13d: {  	[sflag:s31] =	ssyncadd.s32 $0xFFFFEC00  }
0x13e: {  	[tilespmem:s4], [sflag:$0x1] =	stream.indirect.gather [hbm4b:s3+s5], $0x40, s2, s5, $0xb8;
	[tilespmem:$0x15400] =	vst v63  }
0x13f: {  	_ = 	snop  }
0x140: {  	[tilespmem:s7], [sflag:$0x1] =	stream.indirect.gather [hbm4b:s3+s5], $0x40, s5, s5, $0xb8;
	[tilespmem:$0x15400] =	vst v63  }
0x141: {  	s31 =	rddreg [dreg:$0xb]  }
0x142: {  	[tilespmem:s9], [sflag:$0x1] =	stream.indirect.gather [hbm4b:s3+s5], $0x40, s31, s5, $0xb8;
	[tilespmem:$0x15400] =	vst v63  }
0x143: {  	s1 =	rddreg [dreg:$0xc]  }
0x144: {  	[tilespmem:s12], [sflag:$0x1] =	stream.indirect.gather [hbm4b:s3+s5], $0x40, s1, s5, $0xb8;
	[tilespmem:$0x15400] =	vst v63  }
0x145: {  	s0 =	rddreg [dreg:$0xd]  }
0x146: {  	[tilespmem:s14], [sflag:$0x1] =	stream.indirect.gather [hbm4b:s3+s5], $0x40, s0, s5, $0xb8;
	[tilespmem:$0x15400] =	vst v63  }
0x147: {  	s31 =	rddreg [dreg:$0xe]  }
0x148: {  	[tilespmem:s6], [sflag:$0x2] =	stream.indirect.gather [hbm4b:s3+s5], $0x40, s31, s5, $0xb8;
	[tilespmem:$0x15400] =	vst v63  }
0x149: {  	s0 =	rddreg [dreg:$0xf]  }
0x14a: {  	[tilespmem:s10], [sflag:$0x2] =	stream.indirect.gather [hbm4b:s3+s5], $0x40, s0, s5, $0xb8;
	[tilespmem:$0x15400] =	vst v63  }
0x14b: {  	s31 =	rddreg [dreg:$0x10]  }
0x14c: {  	[tilespmem:s13], [sflag:$0x2] =	stream.indirect.gather [hbm4b:s3+s5], $0x40, s31, s5, $0xb8;
	[tilespmem:$0x15400] =	vst v63  }
0x14d: {  	s0 =	rddreg [dreg:$0x11]  }
0x14e: {  	[tilespmem:s15], [sflag:$0x2] =	stream.indirect.gather [hbm4b:s3+s5], $0x40, s0, s5, $0xb8;
	[tilespmem:$0x15400] =	vst v63  }
0x14f: {  	s31 =	rddreg [dreg:$0x12]  }
0x150: {  	[tilespmem:s17], [sflag:$0x2] =	stream.indirect.gather [hbm4b:s3+s5], $0x40, s31, s5, $0xb8;
	[tilespmem:$0x15400] =	vst v63  }
0x151: {  	_ =	swait.ge [sflag:s16], $0xA000  }
0x152: {  	[sflag:s16] =	ssyncset.done $0x0  }
0x153: {  	s1 =	rddreg [dreg:$0x3];
	[sflag:s16] =	ssyncadd.s32 $0xFFFF6000  }
0x154: {  	[hbm4b:s1+s2] =	stream.linear.scatter [tilespmem:s4], [sflag:$0x3], $0xA000, $0x38;
	[tilespmem:$0x15400] =	vst v63  }
0x155: {  	_ =	swait.ge [sflag:s8], $0xA000  }
0x156: {  	[sflag:s8] =	ssyncset.done $0x0  }
0x157: {  	s31 =	rddreg [dreg:$0x13];
	[sflag:s8] =	ssyncadd.s32 $0xFFFF6000  }
0x158: {  	[tilespmem:s4], [sflag:$0x1] =	stream.indirect.gather [hbm4b:s3+s5], $0x40, s31, s5, $0xb8;
	[tilespmem:$0x15400] =	vst v63  }
0x159: {  	s1 =	rddreg [dreg:$0x14]  }
0x15a: {  	[tilespmem:s7], [sflag:$0x1] =	stream.indirect.gather [hbm4b:s3+s5], $0x40, s1, s5, $0xb8;
	[tilespmem:$0x15400] =	vst v63  }
0x15b: {  	s31 =	rddreg [dreg:$0x15]  }
0x15c: {  	[tilespmem:s9], [sflag:$0x1] =	stream.indirect.gather [hbm4b:s3+s5], $0x40, s31, s5, $0xb8;
	[tilespmem:$0x15400] =	vst v63  }
0x15d: {  	s1 =	rddreg [dreg:$0x16]  }
0x15e: {  	[tilespmem:s12], [sflag:$0x1] =	stream.indirect.gather [hbm4b:s3+s5], $0x40, s1, s5, $0xb8;
	[tilespmem:$0x15400] =	vst v63  }
0x15f: {  	s31 =	rddreg [dreg:$0x17]  }
0x160: {  	[tilespmem:s14], [sflag:$0x1] =	stream.indirect.gather [hbm4b:s3+s5], $0x40, s31, s5, $0xb8;
	[tilespmem:$0x15400] =	vst v63  }
0x161: {  	_ =	swait.ge [sflag:s18], $0xA000  }
0x162: {  	[sflag:s18] =	ssyncset.done $0x0  }
0x163: {  	s1 =	rddreg [dreg:$0x4];
	[sflag:s18] =	ssyncadd.s32 $0xFFFF6000  }
0x164: {  	[hbm4b:s1+s2] =	stream.linear.scatter [tilespmem:s6], [sflag:$0x4], $0xA000, $0x38;
	[tilespmem:$0x15400] =	vst v63  }
0x165: {  	_ =	swait.ge [sflag:s11], $0xA000  }
0x166: {  	[sflag:s11] =	ssyncset.done $0x0  }
0x167: {  	s31 =	rddreg [dreg:$0x18];
	[sflag:s11] =	ssyncadd.s32 $0xFFFF6000  }
0x168: {  	[tilespmem:s6], [sflag:$0x2] =	stream.indirect.gather [hbm4b:s3+s5], $0x40, s31, s5, $0xb8;
	[tilespmem:$0x15400] =	vst v63  }
0x169: {  	s1 =	rddreg [dreg:$0x19]  }
0x16a: {  	[tilespmem:s10], [sflag:$0x2] =	stream.indirect.gather [hbm4b:s3+s5], $0x40, s1, s5, $0xb8;
	[tilespmem:$0x15400] =	vst v63  }
0x16b: {  	s31 =	rddreg [dreg:$0x1a]  }
0x16c: {  	[tilespmem:s13], [sflag:$0x2] =	stream.indirect.gather [hbm4b:s3+s5], $0x40, s31, s5, $0xb8;
	[tilespmem:$0x15400] =	vst v63  }
0x16d: {  	s1 =	rddreg [dreg:$0x1b]  }
0x16e: {  	[tilespmem:s15], [sflag:$0x2] =	stream.indirect.gather [hbm4b:s3+s5], $0x40, s1, s5, $0xb8;
	[tilespmem:$0x15400] =	vst v63  }
0x16f: {  	s31 =	rddreg [dreg:$0x1c]  }
0x170: {  	[tilespmem:s17], [sflag:$0x2] =	stream.indirect.gather [hbm4b:s3+s5], $0x40, s31, s5, $0xb8;
	[tilespmem:$0x15400] =	vst v63  }
0x171: {  	_ =	swait.ge [sflag:s16], $0xA000  }
0x172: {  	[sflag:s16] =	ssyncset.done $0x0  }
0x173: {  	s1 =	rddreg [dreg:$0x5];
	[sflag:s16] =	ssyncadd.s32 $0xFFFF6000  }
0x174: {  	[hbm4b:s1+s2] =	stream.linear.scatter [tilespmem:s4], [sflag:$0x3], $0xA000, $0x38;
	[tilespmem:$0x15400] =	vst v63  }
0x175: {  	_ =	swait.ge [sflag:s8], $0xA000  }
0x176: {  	s31 =	rddreg [dreg:$0x1d];
	[sflag:s8] =	ssyncset.done $0x0  }
0x177: {  	s1 =	rddreg [dreg:$0x1e];
	[sflag:s8] =	ssyncadd.s32 $0xFFFF6000  }
0x178: {  	[tilespmem:s4], [sflag:$0x1] =	stream.indirect.gather [hbm4b:s3+s5], $0x40, s31, s5, $0xb8;
	[tilespmem:$0x15400] =	vst v63  }
0x179: {  	s31 =	rddreg [dreg:$0x1f]  }
0x17a: {  	[tilespmem:s7], [sflag:$0x1] =	stream.indirect.gather [hbm4b:s3+s5], $0x40, s1, s5, $0xb8;
	[tilespmem:$0x15400] =	vst v63  }
0x17b: {  	s1 =	sld [smem:$0x7F8]  }
0x17c: {  	[tilespmem:s9], [sflag:$0x1] =	stream.indirect.gather [hbm4b:s3+s5], $0x40, s31, s5, $0xb8;
	[tilespmem:$0x15400] =	vst v63  }
0x17d: {  	s31 =	sld [smem:$0x7F9]  }
0x17e: {  	[tilespmem:s12], [sflag:$0x1] =	stream.indirect.gather [hbm4b:s3+s5], $0x40, s1, s5, $0xb8;
	[tilespmem:$0x15400] =	vst v63  }
0x17f: {  	_ = 	snop  }
0x180: {  	[tilespmem:s14], [sflag:$0x1] =	stream.indirect.gather [hbm4b:s3+s5], $0x40, s31, s5, $0xb8;
	[tilespmem:$0x15400] =	vst v63  }
0x181: {  	_ =	swait.ge [sflag:s18], $0xA000  }
0x182: {  	[sflag:s18] =	ssyncset.done $0x0  }
0x183: {  	s31 =	rddreg [dreg:$0x6];
	[sflag:s18] =	ssyncadd.s32 $0xFFFF6000  }
0x184: {  	[hbm4b:s31+s2] =	stream.linear.scatter [tilespmem:s6], [sflag:$0x4], $0xA000, $0x38;
	[tilespmem:$0x15400] =	vst v63  }
0x185: {  	_ =	swait.ge [sflag:s11], $0xA000  }
0x186: {  	s1 =	sld [smem:$0x7FA]  }
0x187: {  	[sflag:s11] =	ssyncset.done $0x0  }
0x188: {  	s31 =	sld [smem:$0x7FB];
	[sflag:s11] =	ssyncadd.s32 $0xFFFF6000  }
0x189: {  	[tilespmem:s6], [sflag:$0x2] =	stream.indirect.gather [hbm4b:s3+s5], $0x40, s1, s5, $0xb8;
	[tilespmem:$0x15400] =	vst v63  }
0x18a: {  	s0 =	sld [smem:$0x7FC]  }
0x18b: {  	[tilespmem:s10], [sflag:$0x2] =	stream.indirect.gather [hbm4b:s3+s5], $0x40, s31, s5, $0xb8;
	[tilespmem:$0x15400] =	vst v63  }
0x18c: {  	s31 =	sld [smem:$0x7FD]  }
0x18d: {  	[tilespmem:s13], [sflag:$0x2] =	stream.indirect.gather [hbm4b:s3+s5], $0x40, s0, s5, $0xb8;
	[tilespmem:$0x15400] =	vst v63  }
0x18e: {  	_ = 	snop  }
0x18f: {  	[tilespmem:s15], [sflag:$0x2] =	stream.indirect.gather [hbm4b:s3+s5], $0x40, s31, s5, $0xb8;
	[tilespmem:$0x15400] =	vst v63  }
0x190: {  	_ = 	snop  }
0x191: {  	[tilespmem:s17], [sflag:$0x2] =	stream.indirect.gather [hbm4b:s3+s5], $0x40, s24, s5, $0xb8;
	[tilespmem:$0x15400] =	vst v63  }
0x192: {  	_ =	swait.ge [sflag:s16], $0xA000  }
0x193: {  	[sflag:s16] =	ssyncset.done $0x0  }
0x194: {  	s24 =	rddreg [dreg:$0x7];
	[sflag:s16] =	ssyncadd.s32 $0xFFFF6000  }
0x195: {  	[hbm4b:s24+s2] =	stream.linear.scatter [tilespmem:s4], [sflag:$0x3], $0xA000, $0x38;
	[tilespmem:$0x15400] =	vst v63  }
0x196: {  	_ =	swait.ge [sflag:s8], $0xA000  }
0x197: {  	[sflag:s8] =	ssyncset.done $0x0  }
0x198: {  	[sflag:s8] =	ssyncadd.s32 $0xFFFF6000  }
0x199: {  	[tilespmem:s4], [sflag:$0x1] =	stream.indirect.gather [hbm4b:s3+s5], $0x40, s25, s5, $0xb8;
	[tilespmem:$0x15400] =	vst v63  }
0x19a: {  	_ = 	snop  }
0x19b: {  	[tilespmem:s7], [sflag:$0x1] =	stream.indirect.gather [hbm4b:s3+s5], $0x40, s26, s5, $0xb8;
	[tilespmem:$0x15400] =	vst v63  }
0x19c: {  	_ = 	snop  }
0x19d: {  	[tilespmem:s9], [sflag:$0x1] =	stream.indirect.gather [hbm4b:s3+s5], $0x40, s28, s5, $0xb8;
	[tilespmem:$0x15400] =	vst v63  }
0x19e: {  	_ = 	snop  }
0x19f: {  	[tilespmem:s12], [sflag:$0x1] =	stream.indirect.gather [hbm4b:s3+s5], $0x40, s29, s5, $0xb8;
	[tilespmem:$0x15400] =	vst v63  }
0x1a0: {  	_ = 	snop  }
0x1a1: {  	[tilespmem:s14], [sflag:$0x1] =	stream.indirect.gather [hbm4b:s3+s5], $0x40, s30, s5, $0xb8;
	[tilespmem:$0x15400] =	vst v63  }
0x1a2: {  	_ =	swait.ge [sflag:s18], $0xA000  }
0x1a3: {  	[sflag:s18] =	ssyncset.done $0x0  }
0x1a4: {  	s28 =	rddreg [dreg:$0x8];
	[sflag:s18] =	ssyncadd.s32 $0xFFFF6000  }
0x1a5: {  	[hbm4b:s28+s2] =	stream.linear.scatter [tilespmem:s6], [sflag:$0x4], $0xA000, $0x38;
	[tilespmem:$0x15400] =	vst v63  }
0x1a6: {  	_ =	swait.ge [sflag:s11], $0xA000  }
0x1a7: {  	[sflag:s11] =	ssyncset.done $0x0  }
0x1a8: {  	[sflag:s11] =	ssyncadd.s32 $0xFFFF6000  }
0x1a9: {  	[tilespmem:s6], [sflag:$0x2] =	stream.indirect.gather [hbm4b:s3+s5], $0x40, s20, s5, $0xb8;
	[tilespmem:$0x15400] =	vst v63  }
0x1aa: {  	_ = 	snop  }
0x1ab: {  	[tilespmem:s10], [sflag:$0x2] =	stream.indirect.gather [hbm4b:s3+s5], $0x40, s21, s5, $0xb8;
	[tilespmem:$0x15400] =	vst v63  }
0x1ac: {  	_ = 	snop  }
0x1ad: {  	[tilespmem:s13], [sflag:$0x2] =	stream.indirect.gather [hbm4b:s3+s5], $0x40, s22, s5, $0xb8;
	[tilespmem:$0x15400] =	vst v63  }
0x1ae: {  	_ = 	snop  }
0x1af: {  	[tilespmem:s15], [sflag:$0x2] =	stream.indirect.gather [hbm4b:s3+s5], $0x40, s23, s5, $0xb8;
	[tilespmem:$0x15400] =	vst v63  }
0x1b0: {  	s29 =	simm.s32 $0x1380  }
0x1b1: {  	[tilespmem:s17], [sflag:$0x2] =	stream.indirect.gather [hbm4b:s3+s5], $0x40, s29, s5, $0xb8;
	[tilespmem:$0x15400] =	vst v63  }
0x1b2: {  	_ =	swait.ge [sflag:s16], $0xA000  }
0x1b3: {  	[sflag:s16] =	ssyncset.done $0x0  }
0x1b4: {  	s30 =	rddreg [dreg:$0x9];
	[sflag:s16] =	ssyncadd.s32 $0xFFFF6000  }
0x1b5: {  	[hbm4b:s30+s2] =	stream.linear.scatter [tilespmem:s4], [sflag:$0x3], $0xA000, $0x38;
	[tilespmem:$0x15400] =	vst v63  }
0x1b6: {  	_ =	swait.ge [sflag:s18], $0xA000  }
0x1b7: {  	[sflag:s18] =	ssyncset.done $0x0  }
0x1b8: {  	s31 =	rddreg [dreg:$0xa];
	[sflag:s18] =	ssyncadd.s32 $0xFFFF6000  }
0x1b9: {  	[hbm4b:s31+s2] =	stream.linear.scatter [tilespmem:s6], [sflag:$0x4], $0xA000, $0x38;
	[tilespmem:$0x15400] =	vst v63  }
0x1ba: {  	_ =	swait.ge [sflag:s8], $0xA000  }
0x1bb: {  	[sflag:s8] =	ssyncset.done $0x0  }
0x1bc: {  	[sflag:s8] =	ssyncadd.s32 $0xFFFF6000  }
0x1bd: {  	_ =	swait.ge [sflag:s11], $0xA000  }
0x1be: {  	[sflag:s11] =	ssyncset.done $0x0  }
0x1bf: {  	[sflag:s11] =	ssyncadd.s32 $0xFFFF6000  }
0x1c0: {  	_ =	sfence.sel $0x180000  }
0x1c1: {  	[bflag:$0x0] =	sbarrier.arrive $0xFFFF  }
0x1c2: {  	_ =	strace $0x90000050  }
0x1c3: {  	[bflag:$0x2] =	sbarrier.arrive $0xFFFF  }
0x1c4: {  	p0 =	sne.s32 s19, $0x0;
	s0 =	rddreg [dreg:$0x1]  }
0x1c5: {  	s0 =	sadd.s32 @!p0 $0x100000, s0  }
0x1c6: {  	[sflag:s0] =	ssyncadd.tile.s32 @!p0 $0x1;
	_ =	shalt  }
.LBB2_1:
.Ltmp3:
0x1c7: {  	(pc) =	sbr.rel .LBB2_6-.Ltmp3, $4  }
0x1c8: {  	s24 =	simm.s32 $0xE80  }
0x1c9: {  	s30 =	simm.s32 $0x1100;
	s29 =	simm.s32 $0x1080;
	s28 =	simm.s32 $0x1000  }
0x1ca: {  	s26 =	simm.s32 $0xF80;
	s25 =	simm.s32 $0xF00;
	s23 =	simm.s32 $0x1300  }
0x1cb: {  	s22 =	simm.s32 $0x1280;
	s21 =	simm.s32 $0x1200;
	s20 =	simm.s32 $0x1180  }
.LBB2_3:
.Ltmp4:
0x1cc: {  	(pc) =	sbr.rel .LBB2_6-.Ltmp4, $4  }
0x1cd: {  	s24 =	simm.s32 $0xE80;
	s30 =	simm.s32 $0x1100  }
0x1ce: {  	s29 =	simm.s32 $0x1080;
	s28 =	simm.s32 $0x1000;
	s26 =	simm.s32 $0xF80  }
0x1cf: {  	s25 =	simm.s32 $0xF00;
	s23 =	simm.s32 $0x1300;
	s22 =	simm.s32 $0x1280  }
0x1d0: {  	s21 =	simm.s32 $0x1200;
	s20 =	simm.s32 $0x1180;
	s19 =	stileid.u32  }
.Lfunc_end2:
_tile_overlayer_lowered:
.L_overlay_start_2:
0x1d1: {  	(tag) =	ssettag $0x2  }
0x1d2: {  	s0 =	rddreg [dreg:$0x0];
	s2 =	stileid.u32  }
0x1d3: {  	s1 =	rddreg [dreg:$0x1];
	p0 =	sne.s32 s2, $0x0  }
0x1d4: {  	s3 =	rddreg [dreg:$0x2];
	[bflag:$0x3] =	sbarrier.arrive $0xFFFF;
	s2 =	simm.s32 @!p0 $0x1C05  }
0x1d5: {  	[timem:s3], [sflag:s2] =	dma.local @!p0 [hbm:s0], s1  }
0x1d6: {  	s0 =	simm.s32 @!p0 $0x5  }
0x1d7: {  	_ =	swait.ge @!p0 [sflag:s0], s1  }
0x1d8: {  	s1 =	ssub.s32 @!p0 $0x0, s1;
	[sflag:s0] =	ssyncset.done @!p0 $0x0  }
0x1d9: {  	[sflag:s0] =	ssyncadd.s32 @!p0 s1  }
0x1da: {  	[bflag:$0x3] =	sbarrier.arrive $0xFFFF  }
0x1db: {  	_ =	shalt  }

// kernel: kernel.24.cloned.1.call-start
scs
__scs_entry_jumppad:
0x0: {  	(pc) =	sbr.rel $0x88, $3  }
0x1: {  	(tag) =	ssettag $0x0;
	lr =	simm.s32 $0x1  }
0x2: {  	[smem:$0x3F9C] =	sst lr;
	_ =	strace $0xD0000000  }
0x3: {  	_ = 	snop  }
0x4: {  	_ = 	snop  }
0x5: {  	_ = 	snop  }
0x6: {  	_ = 	snop  }
0x7: {  	_ = 	snop  }
__scs_overlays_trampoline_lowered:
0x8: {  	[smem:$0x3FAB] =	sst s0  }
0x9: {  	[smem:$0x3FAC] =	sst s1  }
0xa: {  	[smem:$0x3FAD] =	sst s2  }
0xb: {  	[smem:$0x3FAE] =	sst s3  }
0xc: {  	[smem:$0x3FAF] =	sst s4  }
0xd: {  	[smem:$0x3FB0] =	sst s5  }
0xe: {  	[smem:$0x3FB1] =	sst s6  }
0xf: {  	[smem:$0x3FB2] =	sst s7  }
0x10: {  	[smem:$0x3FB3] =	sst s8  }
0x11: {  	[smem:$0x3FB4] =	sst s9;
	s0 =	simm.s32 @!p0 $0x0  }
0x12: {  	s1 =	sld [smem:$0x3F9A];
	s0 =	simm.s32 @p0 $0x1  }
0x13: {  	[smem:$0x3FB5] =	sst s0;
	s0 =	simm.s32 @!p1 $0x0  }
0x14: {  	s2 =	sld [smem:$0x3F99];
	s0 =	simm.s32 @p1 $0x1  }
0x15: {  	[smem:$0x3FB6] =	sst s0;
	s0 =	simm.s32 @!p2 $0x0  }
0x16: {  	s3 =	sld [smem:$0x3FDB];
	s0 =	simm.s32 @p2 $0x1  }
0x17: {  	s4 =	simm.s32 $0x1BF5;
	[smem:$0x3FB8] =	sst s0  }
0x18: {  	s0 =	sld [smem:$0x3F9B];
	_ =	swait.ge [sflag:s4], $0x0  }
0x19: {  	s7 =	sld [smem:$0x3F9C]  }
0x1a: {  	s8 =	sadd.s32 $0xFFFFE003, lr  }
0x1b: {  	s9 =	sadd.s32 $0xFFFFFEF7, lr;
	s5 =	simm.s32 $0xFFFFFFFF;
	p2 =	slt.u32 s8, $0xFFFFF086  }
0x1c: {  	p1 =	slt.u32 s9, $0xF7A;
	s5 =	simm.s32 @!p2 $0x0  }
0x1d: {  	s5 =	simm.s32 @p1 $0x1;
	p0 =	seq.s32 s7, s2  }
0x1e: {  	s7 =	smul.u32 @!p0 $0xF7A, s2;
	p2 =	seq.s32 @!p0 s5, $0x0  }
0x1f: {  	s9 =	smul.u32 $0xF7A, s1;
	s8 =	simm.s32 @!p0 $0x1BF5;
	p2 =	por !p2, p0  }
0x20: {  	[sflag:s8] =	ssyncset.s32 @!p0 $0xFFFFF086;
	s6 =	sadd.s32 @!p0 s3, s7;
	s7 =	simm.s32 @!p0 $0x108  }
0x21: {  	s3 =	sadd.s32 s3, s9;
	s6 =	sadd.s32 @!p0 $0x88, s6;
	s7 =	simm.s32 @p2 $0x1082  }
0x22: {  	[simem:s7], [sflag:s8] =	dma.local @!p0 [hbm:s6], $0xF7A  }
0x23: {  	s9 =	sor.u32 $0xD0000000, s2;
	s6 =	simm.s32 $0x108;
	_ =	swait.ge @!p0 [sflag:s8], $0x0  }
0x24: {  	s3 =	sadd.s32 $0x88, s3;
	s6 =	simm.s32 @!p1 $0x1082;
	[sflag:s4] =	ssyncset.s32 $0xFFFFF086  }
0x25: {  	[simem:s6], [sflag:s4] =	dma.local [hbm:s3], $0xF7A  }
0x26: {  	[smem:$0x3F9C] =	sst s1;
	(tag) =	ssettag s2;
	_ =	strace s9  }
0x27: {  	s1 =	sld [smem:$0x3FAC]  }
0x28: {  	s2 =	sld [smem:$0x3FAD]  }
0x29: {  	s4 =	sld [smem:$0x3FAF]  }
0x2a: {  	p0 =	seq.s32 s5, $0x0;
	s5 =	sld [smem:$0x3FB0]  }
0x2b: {  	s6 =	sld [smem:$0x3FB1]  }
0x2c: {  	s7 =	sld [smem:$0x3FB2]  }
0x2d: {  	s3 =	simm.s32 $0x108;
	s8 =	sld [smem:$0x3FB3]  }
0x2e: {  	s3 =	simm.s32 @!p0 $0x1082;
	s9 =	sld [smem:$0x3FB4]  }
0x2f: {  	lr =	sadd.s32 s0, s3;
	s0 =	sld [smem:$0x3FAB]  }
0x30: {  	s3 =	sld [smem:$0x3FAE]  }
0x31: {  	[smem:$0x3FB7] =	sst s10  }
0x32: {  	s10 =	sld [smem:$0x3FB5];
	_ =	sdelay $0x3  }
0x33: {  	p0 =	seq.s32 s10, $0x1;
	s10 =	sld [smem:$0x3FB7];
	_ =	sdelay $0x3  }
0x34: {  	[smem:$0x3FB7] =	sst s10  }
0x35: {  	s10 =	sld [smem:$0x3FB6];
	_ =	sdelay $0x3  }
0x36: {  	p1 =	seq.s32 s10, $0x1;
	s10 =	sld [smem:$0x3FB7];
	_ =	sdelay $0x3  }
0x37: {  	[smem:$0x3FB7] =	sst s10  }
0x38: {  	s10 =	sld [smem:$0x3FB8]  }
0x39: {  	_ = 	snop;
	(pc) =	sbr.ind lr, $3  }
0x3a: {  	_ = 	snop  }
0x3b: {  	_ = 	snop  }
0x3c: {  	p2 =	seq.s32 s10, $0x1;
	s10 =	sld [smem:$0x3FB7]  }
0x3d: {  	_ =	shalt  }
0x3e: {  	_ =	shalt  }
0x3f: {  	_ =	shalt  }
0x40: {  	_ =	shalt  }
0x41: {  	_ =	shalt  }
0x42: {  	_ =	shalt  }
0x43: {  	_ =	shalt  }
0x44: {  	_ =	shalt  }
0x45: {  	_ =	shalt  }
0x46: {  	_ =	shalt  }
0x47: {  	_ =	shalt  }
0x48: {  	_ =	shalt  }
0x49: {  	_ =	shalt  }
0x4a: {  	_ =	shalt  }
0x4b: {  	_ =	shalt  }
0x4c: {  	_ =	shalt  }
0x4d: {  	_ =	shalt  }
0x4e: {  	_ =	shalt  }
0x4f: {  	_ =	shalt  }
0x50: {  	_ =	shalt  }
0x51: {  	_ =	shalt  }
0x52: {  	_ =	shalt  }
0x53: {  	_ =	shalt  }
0x54: {  	_ =	shalt  }
0x55: {  	_ =	shalt  }
0x56: {  	_ =	shalt  }
0x57: {  	_ =	shalt  }
0x58: {  	_ =	shalt  }
0x59: {  	_ =	shalt  }
0x5a: {  	_ =	shalt  }
0x5b: {  	_ =	shalt  }
0x5c: {  	_ =	shalt  }
0x5d: {  	_ =	shalt  }
0x5e: {  	_ =	shalt  }
0x5f: {  	_ =	shalt  }
0x60: {  	_ =	shalt  }
0x61: {  	_ =	shalt  }
0x62: {  	_ =	shalt  }
0x63: {  	_ =	shalt  }
0x64: {  	_ =	shalt  }
0x65: {  	_ =	shalt  }
0x66: {  	_ =	shalt  }
0x67: {  	_ =	shalt  }
0x68: {  	_ =	shalt  }
0x69: {  	_ =	shalt  }
0x6a: {  	_ =	shalt  }
0x6b: {  	_ =	shalt  }
0x6c: {  	_ =	shalt  }
0x6d: {  	_ =	shalt  }
0x6e: {  	_ =	shalt  }
0x6f: {  	_ =	shalt  }
0x70: {  	_ =	shalt  }
0x71: {  	_ =	shalt  }
0x72: {  	_ =	shalt  }
0x73: {  	_ =	shalt  }
0x74: {  	_ =	shalt  }
0x75: {  	_ =	shalt  }
0x76: {  	_ =	shalt  }
0x77: {  	_ =	shalt  }
0x78: {  	_ =	shalt  }
0x79: {  	_ =	shalt  }
0x7a: {  	_ =	shalt  }
0x7b: {  	_ =	shalt  }
0x7c: {  	_ =	shalt  }
0x7d: {  	_ =	shalt  }
0x7e: {  	_ =	shalt  }
0x7f: {  	_ =	shalt  }
0x80: {  	_ =	shalt  }
0x81: {  	_ =	shalt  }
0x82: {  	_ =	shalt  }
0x83: {  	_ =	shalt  }
0x84: {  	_ =	shalt  }
0x85: {  	_ =	shalt  }
0x86: {  	_ =	shalt  }
0x87: {  	_ =	shalt  }
.Lfunc_end0:
.L_simem_size_0:
called_computation.4_lowered:
.L_overlay_start_0:
0x88: {  	s2 =	sld [smem:$0x3FD9]  }
0x89: {  	s3 =	sld [smem:$0x3FFE];
	_ =	sdelay $0x1  }
0x8a: {  	s1 =	srdreg.scid  }
0x8b: {  	s0 =	sand.u32 $0x1, s1  }
0x8c: {  	s17 =	sshll.u32 s0, $0xA;
	s2 =	sadd.s32 s3, s2  }
0x8d: {  	s2 =	sadd.s32 s2, s17  }
0x8e: {  	[smem:$0x3FC3] =	sst s2  }
0x8f: {  	_ = 	snop  }
0x90: {  	s18 =	sld [smem:$0x3FD0];
	(tm) =	ssettm $0x1  }
0x91: {  	s19 =	sld [smem:$0x3FFB];
	_ =	sdelay $0x3  }
0x92: {  	_ =	strace s19  }
0x93: {  	s2 =	sld [smem:$0x3FFC];
	_ =	sdelay $0x3  }
0x94: {  	_ =	strace s2  }
0x95: {  	s2 =	sld [smem:$0x3FFD];
	_ =	sdelay $0x3  }
0x96: {  	_ =	strace s2  }
0x97: {  	_ =	strace $0x8FFFFFFF  }
0x98: {  	s20 =	sld [smem:$0x3FDB];
	_ =	sdelay $0x1  }
0x99: {  	s4 =	simm.s32 $_scs_section_size  }
0x9a: {  	s5 =	simm.s32 $_size__tile_overlayer_lowered;
	s6 =	simm.s32 $_tile_overlayer_lowered  }
0x9b: {  	s7 =	simm.s32 $0x1BFF;
	s21 =	sshll.u32 s6, $0x1;
	s4 =	sadd.s32 s4, s20  }
0x9c: {  	s22 =	simm.s32 $0x0;
	s5 =	sshll.u32 s5, $0x1;
	s6 =	sadd.s32 s21, s4  }
0x9d: {  	[timem:s22], [sflag:s7] =	dma.local [hbm:s6], s5  }
0x9e: {  	_ =	swait.ge [sflag:s7], s5  }
0x9f: {  	s5 =	ssub.s32 $0x0, s5;
	[sflag:s7] =	ssyncset.done $0x0  }
0xa0: {  	[sflag:s7] =	ssyncadd.s32 s5;
	_ =	sdelay $0x1  }
0xa1: {  	s23 =	simm.s32 $0x1B8B  }
0xa2: {  	_ =	swait.ge [sflag:s23], $0x1  }
0xa3: {  	[sflag:s23] =	ssyncset.done $0x0  }
0xa4: {  	[sflag:s23] =	ssyncadd.s32 $0xFFFFFFFF  }
0xa5: {  	s5 =	sld [smem:$0x0]  }
0xa6: {  	s6 =	sand.u32 $0xFFFFFFFE, s1  }
0xa7: {  	p0 =	sne.s32 s1, s6  }
0xa8: {  	s6 =	sshll.u32 @p0 s6, $0xE  }
0xa9: {  	s6 =	sadd.s32 @p0 $0x11B8D, s6;
	s7 =	sshll.u32 @p0 s5, $0x11  }
0xaa: {  	s6 =	sor.u32 @p0 s7, s6  }
0xab: {  	[sflag:s6] =	ssyncadd.remote.s32 @p0 $0x1;
	_ =	sdelay $0x1  }
0xac: {  	s6 =	simm.s32 @p0 $0x1B8D  }
0xad: {  	_ =	swait.eq @p0 [sflag:s6], $0x1  }
0xae: {  	[sflag:s6] =	ssyncadd.s32 @p0 $0xFFFFFFFF  }
0xaf: {  	s7 =	sshll.u32 @!p0 s1, $0xE  }
0xb0: {  	s7 =	sor.u32 @!p0 $0x4000, s7;
	s6 =	simm.s32 @!p0 $0x1B8D  }
0xb1: {  	s5 =	sshll.u32 @!p0 s5, $0x11;
	s7 =	sadd.s32 @!p0 $0x11B8D, s7;
	_ =	swait.eq @!p0 [sflag:s6], $0x1  }
0xb2: {  	s5 =	sor.u32 @!p0 s5, s7;
	[sflag:s6] =	ssyncadd.s32 @!p0 $0xFFFFFFFF  }
0xb3: {  	s25 =	simm.s32 $0x1B8E;
	s24 =	sld [smem:$0x3FFE];
	[sflag:s5] =	ssyncadd.remote.s32 @!p0 $0x1  }
0xb4: {  	s26 =	simm.s32 $execute0_lowered;
	[smem:$0x3FD2] =	sst s25  }
0xb5: {  	s6 =	sshll.u32 s26, $0x1;
	_ =	strace $0x80000052;
	[dreg:$0x1] =	wrdreg $0xFFFFFFFF  }
0xb6: {  	s28 =	simm.s32 $_size_execute0_lowered;
	s4 =	sadd.s32 s4, s6;
	[dreg:$0x0] =	wrdreg $0x0  }
0xb7: {  	s6 =	sshll.u32 s28, $0x1;
	[dreg:$0x2] =	wrdreg s4  }
0xb8: {  	[dreg:$0x3] =	wrdreg s6  }
0xb9: {  	[dreg:$0x4] =	wrdreg $0xC0  }
0xba: {  	_ =	task [dreg:s22], $0x5FFFF  }
0xbb: {  	[dreg:$0x1] =	wrdreg $0xFFFFFFFF  }
0xbc: {  	[dreg:$0x0] =	wrdreg $0x60  }
0xbd: {  	[dreg:$0x2] =	wrdreg s24  }
0xbe: {  	[dreg:$0x3] =	wrdreg s18  }
0xbf: {  	[dreg:$0x4] =	wrdreg $0xD  }
0xc0: {  	_ =	task.clear_ibuf [dreg:s22], $0x5FFFF;
	_ =	strace $0x90000052  }
0xc1: {  	s29 =	simm.s32 $0xD;
	_ =	strace $0x80000054  }
0xc2: {  	_ =	swait.ge [sflag:s29], $0x1  }
0xc3: {  	[sflag:s29] =	ssyncadd.s32 $0xFFFFFFFF  }
0xc4: {  	_ =	strace $0x90000054  }
0xc5: {  	_ =	sfence  }
0xc6: {  	s30 =	sld [smem:$0x0];
	_ =	sdelay $0x2  }
0xc7: {  	s31 =	sshll.u32 s1, $0xD;
	s1 =	sshrl.u32 s1, $0x2  }
0xc8: {  	s4 =	sand.u32 $0x4000, s31;
	s1 =	sadd.s32 s1, s30  }
0xc9: {  	s0 =	sor.u32 s4, s0;
	s1 =	sshll.u32 s1, $0x11  }
0xca: {  	s0 =	sor.u32 s1, s0  }
0xcb: {  	s0 =	sadd.s32 $0x8F2B, s0  }
0xcc: {  	[sflag:s0] =	ssyncadd.remote.s32 $0x1  }
0xcd: {  	_ =	sfence.sel $0xFFFF  }
0xce: {  	[dreg:$0x0] =	wrdreg $0xFFFFFFFF;
	(pc) =	sbr.abs _section_cstart, $3  }
0xcf: {  	[dreg:$0x1] =	wrdreg $0xFFFFFFFF  }
0xd0: {  	_ =	task.clear_ibuf [dreg:s22], $0x2FFFF;
	_ =	strace $0x9FFFFFFF  }
0xd1: {  	(tm) =	ssettm $0x7FFFFFFF  }
tec
execute0_lowered:
.L_overlay_start_1:
0x0: {  	(tag) =	ssettag $0x1  }
0x1: {  	s3 =	rddreg [dreg:$0x0]  }
0x2: {  	s4 =	rddreg [dreg:$0x1];
	s2 =	simm.s32 $0x0  }
0x3: {  	s15 =	simm.s32 $0x100;
	[smem:$0x7FF] =	sst s2  }
0x4: {  	s16 =	simm.s32 $0x180;
	_ =	strace $0x80000053;
	[dreg:$0xb] =	wrdreg s15  }
0x5: {  	s17 =	simm.s32 $0x200;
	[dreg:$0xc] =	wrdreg s16  }
0x6: {  	s0 =	srdreg.scid;
	s18 =	simm.s32 $0x280;
	[dreg:$0xd] =	wrdreg s17  }
0x7: {  	s20 =	stileid.u32;
	s21 =	simm.s32 $0x300;
	[dreg:$0xe] =	wrdreg s18  }
0x8: {  	s22 =	simm.s32 $0x380;
	s23 =	simm.s32 $0x400;
	[dreg:$0xf] =	wrdreg s21  }
0x9: {  	s24 =	simm.s32 $0x480;
	s25 =	simm.s32 $0x500;
	[dreg:$0x10] =	wrdreg s22  }
0xa: {  	s6 =	simm.s32 $0x600;
	s7 =	simm.s32 $0x680;
	[dreg:$0x11] =	wrdreg s23  }
0xb: {  	s31 =	simm.s32 $0x5;
	s8 =	simm.s32 $0x700;
	[dreg:$0x12] =	wrdreg s24  }
0xc: {  	s28 =	simm.s32 $0xF80;
	s29 =	simm.s32 $0x1000;
	[dreg:$0x13] =	wrdreg s25  }
0xd: {  	s30 =	simm.s32 $0x1080;
	p0 =	por $0x0, $0x0;
	[dreg:$0x15] =	wrdreg s6  }
0xe: {  	s0 =	sand.u32 $0x1, s0;
	s1 =	sshll.u32 s20, $0x1;
	[dreg:$0x16] =	wrdreg s7  }
0xf: {  	s1 =	sor.u32 s0, s1;
	s0 =	ssub.s32 $0x2, s0;
	[dreg:$0x17] =	wrdreg s8  }
0x10: {  	s7 =	simm.s32 $0x3400;
	s15 =	simm.s32 $0xA00;
	s6 =	simm.s32 $0xB400  }
0x11: {  	s16 =	simm.s32 $0xA80;
	s17 =	simm.s32 $0xB00;
	[dreg:$0x1d] =	wrdreg s15  }
0x12: {  	s18 =	simm.s32 $0xB80;
	s21 =	simm.s32 $0xC00;
	[dreg:$0x1e] =	wrdreg s16  }
0x13: {  	s22 =	simm.s32 $0xC80;
	s23 =	simm.s32 $0xD00;
	[dreg:$0x1f] =	wrdreg s17  }
0x14: {  	s8 =	simm.s32 $0x3;
	s24 =	simm.s32 $0xD80;
	[smem:$0x7F7] =	sst s18  }
0x15: {  	s25 =	simm.s32 $0xE00;
	s5 =	smul.u32 $0x280, s1;
	[smem:$0x7F8] =	sst s21  }
0x16: {  	s1 =	smul.u32 $0xA000, s1;
	s26 =	sshrl.u32 s0, $0x1;
	[smem:$0x7F9] =	sst s22  }
0x17: {  	s15 =	simm.s32 $0x11400;
	s17 =	simm.s32 $0x13400;
	[smem:$0x7FA] =	sst s23  }
0x18: {  	s16 =	simm.s32 $0x1;
	s18 =	simm.s32 $0x2;
	[smem:$0x7FB] =	sst s24  }
0x19: {  	[smem:$0x7FC] =	sst s25;
	s21 =	simm.s32 $0x1180;
	s22 =	simm.s32 $0x1200  }
0x1a: {  	s0 =	ssub.s32 s0, s26;
	s26 =	simm.s32 $0xE80;
	s5 =	sadd.s32 s5, s3  }
0x1b: {  	s19 =	sadd.s32 s4, s1;
	[smem:$0x7FD] =	sst s26;
	s5 =	sadd.s32 $0x157200, s5  }
0x1c: {  	s23 =	simm.s32 $0x1280;
	s1 =	sadd.s32 $0x1400, s19;
	[dreg:$0x3] =	wrdreg s5  }
0x1d: {  	s24 =	simm.s32 $0x1300;
	s9 =	sadd.s32 $0x2800, s19;
	[dreg:$0x4] =	wrdreg s1  }
0x1e: {  	s25 =	simm.s32 $0x1380;
	s10 =	sadd.s32 $0x3C00, s19;
	[dreg:$0x5] =	wrdreg s9  }
0x1f: {  	s3 =	sadd.s32 $0xF45600, s3;
	s11 =	sadd.s32 $0x5000, s19;
	[dreg:$0x6] =	wrdreg s10  }
0x20: {  	s0 =	smax.u32 s0, $0x1;
	s12 =	sadd.s32 $0x6400, s19;
	[dreg:$0x7] =	wrdreg s11  }
0x21: {  	s4 =	simm.s32 $0x1400;
	s13 =	sadd.s32 $0x7800, s19;
	[dreg:$0x8] =	wrdreg s12  }
0x22: {  	s26 =	simm.s32 $0x1100;
	s14 =	sadd.s32 $0x8C00, s19;
	[dreg:$0x9] =	wrdreg s13  }
0x23: {  	p1 =	sne.s32 s0, $0x1;
	[dreg:$0xa] =	wrdreg s14;
	s5 =	simm.s32 $0x580  }
0x24: {  	s9 =	simm.s32 $0x780;
	s10 =	simm.s32 $0x800;
	[dreg:$0x14] =	wrdreg s5  }
0x25: {  	s11 =	simm.s32 $0x880;
	s12 =	simm.s32 $0x900;
	[dreg:$0x18] =	wrdreg s9  }
.Ltmp0:
0x26: {  	s13 =	simm.s32 $0x980;
	[dreg:$0x19] =	wrdreg s10;
	(pc) =	sbr.rel @!p1 .LBB2_1-.Ltmp0, $4  }
0x27: {  	s14 =	simm.s32 $0x9400;
	s1 =	sadd.s32 $0xFFFFFFFF, s0;
	[dreg:$0x1a] =	wrdreg s11  }
0x28: {  	s5 =	simm.s32 $0x80;
	s9 =	simm.s32 $0x5400;
	[dreg:$0x1b] =	wrdreg s12  }
0x29: {  	s11 =	simm.s32 $0x7400;
	[dreg:$0x1c] =	wrdreg s13;
	s10 =	simm.s32 $0xD400  }
0x2a: {  	s12 =	simm.s32 $0xF400;
	s13 =	simm.s32 $0x4;
	s0 =	rddreg [dreg:$0x3]  }
0x2b: {  	[tilespmem:s2], [sflag:$0x5] =	stream.linear.gather [hbm4b:s0+s2], $0x1400, $0x38;
	[tilespmem:$0x15400] =	vst v63  }
0x2c: {  	_ =	swait.ge [sflag:s31], $0x1400  }
0x2d: {  	[sflag:s31] =	ssyncset.done $0x0  }
0x2e: {  	[sflag:s31] =	ssyncadd.s32 $0xFFFFEC00  }
0x2f: {  	[tilespmem:s4], [sflag:$0x1] =	stream.indirect.gather [hbm4b:s3+s5], $0x40, s2, s5, $0xb8;
	[tilespmem:$0x15400] =	vst v63  }
0x30: {  	_ = 	snop  }
0x31: {  	[tilespmem:s7], [sflag:$0x1] =	stream.indirect.gather [hbm4b:s3+s5], $0x40, s5, s5, $0xb8;
	[tilespmem:$0x15400] =	vst v63  }
0x32: {  	s0 =	rddreg [dreg:$0xb]  }
0x33: {  	[tilespmem:s9], [sflag:$0x1] =	stream.indirect.gather [hbm4b:s3+s5], $0x40, s0, s5, $0xb8;
	[tilespmem:$0x15400] =	vst v63  }
0x34: {  	s20 =	smov.u32 s1;
	s1 =	rddreg [dreg:$0xc]  }
0x35: {  	[tilespmem:s11], [sflag:$0x1] =	stream.indirect.gather [hbm4b:s3+s5], $0x40, s1, s5, $0xb8;
	[tilespmem:$0x15400] =	vst v63  }
0x36: {  	s0 =	rddreg [dreg:$0xd]  }
0x37: {  	[tilespmem:s14], [sflag:$0x1] =	stream.indirect.gather [hbm4b:s3+s5], $0x40, s0, s5, $0xb8;
	[tilespmem:$0x15400] =	vst v63  }
0x38: {  	s1 =	rddreg [dreg:$0xe]  }
0x39: {  	[tilespmem:s6], [sflag:$0x2] =	stream.indirect.gather [hbm4b:s3+s5], $0x40, s1, s5, $0xb8;
	[tilespmem:$0x15400] =	vst v63  }
0x3a: {  	s0 =	rddreg [dreg:$0xf]  }
0x3b: {  	[tilespmem:s10], [sflag:$0x2] =	stream.indirect.gather [hbm4b:s3+s5], $0x40, s0, s5, $0xb8;
	[tilespmem:$0x15400] =	vst v63  }
0x3c: {  	s1 =	rddreg [dreg:$0x10]  }
0x3d: {  	[tilespmem:s12], [sflag:$0x2] =	stream.indirect.gather [hbm4b:s3+s5], $0x40, s1, s5, $0xb8;
	[tilespmem:$0x15400] =	vst v63  }
0x3e: {  	s0 =	rddreg [dreg:$0x11]  }
0x3f: {  	[tilespmem:s15], [sflag:$0x2] =	stream.indirect.gather [hbm4b:s3+s5], $0x40, s0, s5, $0xb8;
	[tilespmem:$0x15400] =	vst v63  }
0x40: {  	s1 =	rddreg [dreg:$0x12]  }
0x41: {  	[tilespmem:s17], [sflag:$0x2] =	stream.indirect.gather [hbm4b:s3+s5], $0x40, s1, s5, $0xb8;
	[tilespmem:$0x15400] =	vst v63  }
0x42: {  	_ =	swait.ge [sflag:s16], $0xA000  }
0x43: {  	[sflag:s16] =	ssyncset.done $0x0  }
0x44: {  	[sflag:s16] =	ssyncadd.s32 $0xFFFF6000  }
0x45: {  	[hbm4b:s19+s2] =	stream.linear.scatter [tilespmem:s4], [sflag:$0x3], $0xA000, $0x38;
	[tilespmem:$0x15400] =	vst v63  }
0x46: {  	_ =	swait.ge [sflag:s8], $0xA000  }
0x47: {  	[sflag:s8] =	ssyncset.done $0x0  }
0x48: {  	s0 =	rddreg [dreg:$0x13];
	[sflag:s8] =	ssyncadd.s32 $0xFFFF6000  }
0x49: {  	[tilespmem:s4], [sflag:$0x1] =	stream.indirect.gather [hbm4b:s3+s5], $0x40, s0, s5, $0xb8;
	[tilespmem:$0x15400] =	vst v63  }
0x4a: {  	s1 =	rddreg [dreg:$0x14]  }
0x4b: {  	[tilespmem:s7], [sflag:$0x1] =	stream.indirect.gather [hbm4b:s3+s5], $0x40, s1, s5, $0xb8;
	[tilespmem:$0x15400] =	vst v63  }
0x4c: {  	s0 =	rddreg [dreg:$0x15]  }
0x4d: {  	[tilespmem:s9], [sflag:$0x1] =	stream.indirect.gather [hbm4b:s3+s5], $0x40, s0, s5, $0xb8;
	[tilespmem:$0x15400] =	vst v63  }
0x4e: {  	s1 =	rddreg [dreg:$0x16]  }
0x4f: {  	[tilespmem:s11], [sflag:$0x1] =	stream.indirect.gather [hbm4b:s3+s5], $0x40, s1, s5, $0xb8;
	[tilespmem:$0x15400] =	vst v63  }
0x50: {  	s0 =	rddreg [dreg:$0x17]  }
0x51: {  	[tilespmem:s14], [sflag:$0x1] =	stream.indirect.gather [hbm4b:s3+s5], $0x40, s0, s5, $0xb8;
	[tilespmem:$0x15400] =	vst v63  }
0x52: {  	_ =	swait.ge [sflag:s18], $0xA000  }
0x53: {  	[sflag:s18] =	ssyncset.done $0x0  }
0x54: {  	s1 =	rddreg [dreg:$0x4];
	[sflag:s18] =	ssyncadd.s32 $0xFFFF6000  }
0x55: {  	[hbm4b:s1+s2] =	stream.linear.scatter [tilespmem:s6], [sflag:$0x4], $0xA000, $0x38;
	[tilespmem:$0x15400] =	vst v63  }
0x56: {  	_ =	swait.ge [sflag:s13], $0xA000  }
0x57: {  	[sflag:s13] =	ssyncset.done $0x0  }
0x58: {  	s0 =	rddreg [dreg:$0x18];
	[sflag:s13] =	ssyncadd.s32 $0xFFFF6000  }
0x59: {  	[tilespmem:s6], [sflag:$0x2] =	stream.indirect.gather [hbm4b:s3+s5], $0x40, s0, s5, $0xb8;
	[tilespmem:$0x15400] =	vst v63  }
0x5a: {  	s1 =	rddreg [dreg:$0x19]  }
0x5b: {  	[tilespmem:s10], [sflag:$0x2] =	stream.indirect.gather [hbm4b:s3+s5], $0x40, s1, s5, $0xb8;
	[tilespmem:$0x15400] =	vst v63  }
0x5c: {  	s0 =	rddreg [dreg:$0x1a]  }
0x5d: {  	[tilespmem:s12], [sflag:$0x2] =	stream.indirect.gather [hbm4b:s3+s5], $0x40, s0, s5, $0xb8;
	[tilespmem:$0x15400] =	vst v63  }
0x5e: {  	s1 =	rddreg [dreg:$0x1b]  }
0x5f: {  	[tilespmem:s15], [sflag:$0x2] =	stream.indirect.gather [hbm4b:s3+s5], $0x40, s1, s5, $0xb8;
	[tilespmem:$0x15400] =	vst v63  }
0x60: {  	s0 =	rddreg [dreg:$0x1c]  }
0x61: {  	[tilespmem:s17], [sflag:$0x2] =	stream.indirect.gather [hbm4b:s3+s5], $0x40, s0, s5, $0xb8;
	[tilespmem:$0x15400] =	vst v63  }
0x62: {  	_ =	swait.ge [sflag:s16], $0xA000  }
0x63: {  	[sflag:s16] =	ssyncset.done $0x0  }
0x64: {  	s1 =	rddreg [dreg:$0x5];
	[sflag:s16] =	ssyncadd.s32 $0xFFFF6000  }
0x65: {  	[hbm4b:s1+s2] =	stream.linear.scatter [tilespmem:s4], [sflag:$0x3], $0xA000, $0x38;
	[tilespmem:$0x15400] =	vst v63  }
0x66: {  	_ =	swait.ge [sflag:s8], $0xA000  }
0x67: {  	s0 =	rddreg [dreg:$0x1d];
	[sflag:s8] =	ssyncset.done $0x0  }
0x68: {  	s1 =	rddreg [dreg:$0x1e];
	[sflag:s8] =	ssyncadd.s32 $0xFFFF6000  }
0x69: {  	[tilespmem:s4], [sflag:$0x1] =	stream.indirect.gather [hbm4b:s3+s5], $0x40, s0, s5, $0xb8;
	[tilespmem:$0x15400] =	vst v63  }
0x6a: {  	s0 =	rddreg [dreg:$0x1f]  }
0x6b: {  	[tilespmem:s7], [sflag:$0x1] =	stream.indirect.gather [hbm4b:s3+s5], $0x40, s1, s5, $0xb8;
	[tilespmem:$0x15400] =	vst v63  }
0x6c: {  	s1 =	sld [smem:$0x7F7]  }
0x6d: {  	[tilespmem:s9], [sflag:$0x1] =	stream.indirect.gather [hbm4b:s3+s5], $0x40, s0, s5, $0xb8;
	[tilespmem:$0x15400] =	vst v63  }
0x6e: {  	s0 =	sld [smem:$0x7F8]  }
0x6f: {  	[tilespmem:s11], [sflag:$0x1] =	stream.indirect.gather [hbm4b:s3+s5], $0x40, s1, s5, $0xb8;
	[tilespmem:$0x15400] =	vst v63  }
0x70: {  	_ = 	snop  }
0x71: {  	[tilespmem:s14], [sflag:$0x1] =	stream.indirect.gather [hbm4b:s3+s5], $0x40, s0, s5, $0xb8;
	[tilespmem:$0x15400] =	vst v63  }
0x72: {  	_ =	swait.ge [sflag:s18], $0xA000  }
0x73: {  	[sflag:s18] =	ssyncset.done $0x0  }
0x74: {  	s1 =	rddreg [dreg:$0x6];
	[sflag:s18] =	ssyncadd.s32 $0xFFFF6000  }
0x75: {  	[hbm4b:s1+s2] =	stream.linear.scatter [tilespmem:s6], [sflag:$0x4], $0xA000, $0x38;
	[tilespmem:$0x15400] =	vst v63  }
0x76: {  	_ =	swait.ge [sflag:s13], $0xA000  }
0x77: {  	s0 =	sld [smem:$0x7F9]  }
0x78: {  	[sflag:s13] =	ssyncset.done $0x0  }
0x79: {  	s1 =	sld [smem:$0x7FA];
	[sflag:s13] =	ssyncadd.s32 $0xFFFF6000  }
0x7a: {  	[tilespmem:s6], [sflag:$0x2] =	stream.indirect.gather [hbm4b:s3+s5], $0x40, s0, s5, $0xb8;
	[tilespmem:$0x15400] =	vst v63  }
0x7b: {  	s0 =	sld [smem:$0x7FB]  }
0x7c: {  	[tilespmem:s10], [sflag:$0x2] =	stream.indirect.gather [hbm4b:s3+s5], $0x40, s1, s5, $0xb8;
	[tilespmem:$0x15400] =	vst v63  }
0x7d: {  	s1 =	sld [smem:$0x7FC]  }
0x7e: {  	[tilespmem:s12], [sflag:$0x2] =	stream.indirect.gather [hbm4b:s3+s5], $0x40, s0, s5, $0xb8;
	[tilespmem:$0x15400] =	vst v63  }
0x7f: {  	s0 =	sld [smem:$0x7FD]  }
0x80: {  	[tilespmem:s15], [sflag:$0x2] =	stream.indirect.gather [hbm4b:s3+s5], $0x40, s1, s5, $0xb8;
	[tilespmem:$0x15400] =	vst v63  }
0x81: {  	_ = 	snop  }
0x82: {  	[tilespmem:s17], [sflag:$0x2] =	stream.indirect.gather [hbm4b:s3+s5], $0x40, s0, s5, $0xb8;
	[tilespmem:$0x15400] =	vst v63  }
0x83: {  	_ =	swait.ge [sflag:s16], $0xA000  }
0x84: {  	[sflag:s16] =	ssyncset.done $0x0  }
0x85: {  	s1 =	rddreg [dreg:$0x7];
	[sflag:s16] =	ssyncadd.s32 $0xFFFF6000  }
0x86: {  	[hbm4b:s1+s2] =	stream.linear.scatter [tilespmem:s4], [sflag:$0x3], $0xA000, $0x38;
	[tilespmem:$0x15400] =	vst v63  }
0x87: {  	_ =	swait.ge [sflag:s8], $0xA000  }
0x88: {  	[sflag:s8] =	ssyncset.done $0x0  }
0x89: {  	s1 =	simm.s32 $0xF00;
	[sflag:s8] =	ssyncadd.s32 $0xFFFF6000  }
0x8a: {  	[tilespmem:s4], [sflag:$0x1] =	stream.indirect.gather [hbm4b:s3+s5], $0x40, s1, s5, $0xb8;
	[tilespmem:$0x15400] =	vst v63  }
0x8b: {  	_ = 	snop  }
0x8c: {  	[tilespmem:s7], [sflag:$0x1] =	stream.indirect.gather [hbm4b:s3+s5], $0x40, s28, s5, $0xb8;
	[tilespmem:$0x15400] =	vst v63  }
0x8d: {  	_ = 	snop  }
0x8e: {  	[tilespmem:s9], [sflag:$0x1] =	stream.indirect.gather [hbm4b:s3+s5], $0x40, s29, s5, $0xb8;
	[tilespmem:$0x15400] =	vst v63  }
0x8f: {  	_ = 	snop  }
0x90: {  	[tilespmem:s11], [sflag:$0x1] =	stream.indirect.gather [hbm4b:s3+s5], $0x40, s30, s5, $0xb8;
	[tilespmem:$0x15400] =	vst v63  }
0x91: {  	_ = 	snop  }
0x92: {  	[tilespmem:s14], [sflag:$0x1] =	stream.indirect.gather [hbm4b:s3+s5], $0x40, s26, s5, $0xb8;
	[tilespmem:$0x15400] =	vst v63  }
0x93: {  	_ =	swait.ge [sflag:s18], $0xA000  }
0x94: {  	[sflag:s18] =	ssyncset.done $0x0  }
0x95: {  	s1 =	rddreg [dreg:$0x8];
	[sflag:s18] =	ssyncadd.s32 $0xFFFF6000  }
0x96: {  	[hbm4b:s1+s2] =	stream.linear.scatter [tilespmem:s6], [sflag:$0x4], $0xA000, $0x38;
	[tilespmem:$0x15400] =	vst v63  }
0x97: {  	_ =	swait.ge [sflag:s13], $0xA000  }
0x98: {  	[sflag:s13] =	ssyncset.done $0x0  }
0x99: {  	[sflag:s13] =	ssyncadd.s32 $0xFFFF6000  }
0x9a: {  	[tilespmem:s6], [sflag:$0x2] =	stream.indirect.gather [hbm4b:s3+s5], $0x40, s21, s5, $0xb8;
	[tilespmem:$0x15400] =	vst v63  }
0x9b: {  	_ = 	snop  }
0x9c: {  	[tilespmem:s10], [sflag:$0x2] =	stream.indirect.gather [hbm4b:s3+s5], $0x40, s22, s5, $0xb8;
	[tilespmem:$0x15400] =	vst v63  }
0x9d: {  	_ = 	snop  }
0x9e: {  	[tilespmem:s12], [sflag:$0x2] =	stream.indirect.gather [hbm4b:s3+s5], $0x40, s23, s5, $0xb8;
	[tilespmem:$0x15400] =	vst v63  }
0x9f: {  	_ = 	snop  }
0xa0: {  	[tilespmem:s15], [sflag:$0x2] =	stream.indirect.gather [hbm4b:s3+s5], $0x40, s24, s5, $0xb8;
	[tilespmem:$0x15400] =	vst v63  }
0xa1: {  	_ = 	snop  }
0xa2: {  	[tilespmem:s17], [sflag:$0x2] =	stream.indirect.gather [hbm4b:s3+s5], $0x40, s25, s5, $0xb8;
	[tilespmem:$0x15400] =	vst v63  }
0xa3: {  	_ =	swait.ge [sflag:s16], $0xA000  }
0xa4: {  	[sflag:s16] =	ssyncset.done $0x0  }
0xa5: {  	s1 =	rddreg [dreg:$0x9];
	[sflag:s16] =	ssyncadd.s32 $0xFFFF6000  }
0xa6: {  	[hbm4b:s1+s2] =	stream.linear.scatter [tilespmem:s4], [sflag:$0x3], $0xA000, $0x38;
	[tilespmem:$0x15400] =	vst v63  }
0xa7: {  	_ =	swait.ge [sflag:s18], $0xA000  }
0xa8: {  	[sflag:s18] =	ssyncset.done $0x0  }
0xa9: {  	p1 =	sne.s32 s20, $0x1;
	s1 =	rddreg [dreg:$0xa];
	[sflag:s18] =	ssyncadd.s32 $0xFFFF6000  }
0xaa: {  	[hbm4b:s1+s2] =	stream.linear.scatter [tilespmem:s6], [sflag:$0x4], $0xA000, $0x38;
	[tilespmem:$0x15400] =	vst v63  }
.Ltmp1:
0xab: {  	_ =	swait.ge [sflag:s8], $0xA000;
	(pc) =	sbr.rel @!p1 .LBB2_3-.Ltmp1, $4  }
0xac: {  	[sflag:s8] =	ssyncset.done $0x0  }
0xad: {  	[sflag:s8] =	ssyncadd.s32 $0xFFFF6000  }
0xae: {  	p0 =	por $0x1, $0x1;
	_ =	swait.ge [sflag:s13], $0xA000  }
0xaf: {  	s1 =	sadd.s32 $0xFFFFFFFF, s20;
	s0 =	rddreg [dreg:$0x3];
	[sflag:s13] =	ssyncset.done $0x0  }
.LBB2_4:
0xb0: {  	[sflag:s13] =	ssyncadd.s32 $0xFFFF6000  }
0xb1: {  	[tilespmem:s2], [sflag:$0x5] =	stream.linear.gather [hbm4b:s0+s2], $0x1400, $0x38;
	[tilespmem:$0x15400] =	vst v63  }
0xb2: {  	_ =	swait.ge [sflag:s31], $0x1400  }
0xb3: {  	[sflag:s31] =	ssyncset.done $0x0  }
0xb4: {  	[sflag:s31] =	ssyncadd.s32 $0xFFFFEC00  }
0xb5: {  	[tilespmem:s4], [sflag:$0x1] =	stream.indirect.gather [hbm4b:s3+s5], $0x40, s2, s5, $0xb8;
	[tilespmem:$0x15400] =	vst v63  }
0xb6: {  	_ = 	snop  }
0xb7: {  	[tilespmem:s7], [sflag:$0x1] =	stream.indirect.gather [hbm4b:s3+s5], $0x40, s5, s5, $0xb8;
	[tilespmem:$0x15400] =	vst v63  }
0xb8: {  	s0 =	rddreg [dreg:$0xb]  }
0xb9: {  	[tilespmem:s9], [sflag:$0x1] =	stream.indirect.gather [hbm4b:s3+s5], $0x40, s0, s5, $0xb8;
	[tilespmem:$0x15400] =	vst v63  }
0xba: {  	s20 =	rddreg [dreg:$0xc]  }
0xbb: {  	[tilespmem:s11], [sflag:$0x1] =	stream.indirect.gather [hbm4b:s3+s5], $0x40, s20, s5, $0xb8;
	[tilespmem:$0x15400] =	vst v63  }
0xbc: {  	s0 =	rddreg [dreg:$0xd]  }
0xbd: {  	[tilespmem:s14], [sflag:$0x1] =	stream.indirect.gather [hbm4b:s3+s5], $0x40, s0, s5, $0xb8;
	[tilespmem:$0x15400] =	vst v63  }
0xbe: {  	s20 =	rddreg [dreg:$0xe]  }
0xbf: {  	[tilespmem:s6], [sflag:$0x2] =	stream.indirect.gather [hbm4b:s3+s5], $0x40, s20, s5, $0xb8;
	[tilespmem:$0x15400] =	vst v63  }
0xc0: {  	s0 =	rddreg [dreg:$0xf]  }
0xc1: {  	[tilespmem:s10], [sflag:$0x2] =	stream.indirect.gather [hbm4b:s3+s5], $0x40, s0, s5, $0xb8;
	[tilespmem:$0x15400] =	vst v63  }
0xc2: {  	s20 =	rddreg [dreg:$0x10]  }
0xc3: {  	[tilespmem:s12], [sflag:$0x2] =	stream.indirect.gather [hbm4b:s3+s5], $0x40, s20, s5, $0xb8;
	[tilespmem:$0x15400] =	vst v63  }
0xc4: {  	s0 =	rddreg [dreg:$0x11]  }
0xc5: {  	[tilespmem:s15], [sflag:$0x2] =	stream.indirect.gather [hbm4b:s3+s5], $0x40, s0, s5, $0xb8;
	[tilespmem:$0x15400] =	vst v63  }
0xc6: {  	s20 =	rddreg [dreg:$0x12]  }
0xc7: {  	[tilespmem:s17], [sflag:$0x2] =	stream.indirect.gather [hbm4b:s3+s5], $0x40, s20, s5, $0xb8;
	[tilespmem:$0x15400] =	vst v63  }
0xc8: {  	_ =	swait.ge [sflag:s16], $0xA000  }
0xc9: {  	[sflag:s16] =	ssyncset.done $0x0  }
0xca: {  	[sflag:s16] =	ssyncadd.s32 $0xFFFF6000  }
0xcb: {  	[hbm4b:s19+s2] =	stream.linear.scatter [tilespmem:s4], [sflag:$0x3], $0xA000, $0x38;
	[tilespmem:$0x15400] =	vst v63  }
0xcc: {  	_ =	swait.ge [sflag:s8], $0xA000  }
0xcd: {  	[sflag:s8] =	ssyncset.done $0x0  }
0xce: {  	s0 =	rddreg [dreg:$0x13];
	[sflag:s8] =	ssyncadd.s32 $0xFFFF6000  }
0xcf: {  	[tilespmem:s4], [sflag:$0x1] =	stream.indirect.gather [hbm4b:s3+s5], $0x40, s0, s5, $0xb8;
	[tilespmem:$0x15400] =	vst v63  }
0xd0: {  	s20 =	rddreg [dreg:$0x14]  }
0xd1: {  	[tilespmem:s7], [sflag:$0x1] =	stream.indirect.gather [hbm4b:s3+s5], $0x40, s20, s5, $0xb8;
	[tilespmem:$0x15400] =	vst v63  }
0xd2: {  	s0 =	rddreg [dreg:$0x15]  }
0xd3: {  	[tilespmem:s9], [sflag:$0x1] =	stream.indirect.gather [hbm4b:s3+s5], $0x40, s0, s5, $0xb8;
	[tilespmem:$0x15400] =	vst v63  }
0xd4: {  	s20 =	rddreg [dreg:$0x16]  }
0xd5: {  	[tilespmem:s11], [sflag:$0x1] =	stream.indirect.gather [hbm4b:s3+s5], $0x40, s20, s5, $0xb8;
	[tilespmem:$0x15400] =	vst v63  }
0xd6: {  	s0 =	rddreg [dreg:$0x17]  }
0xd7: {  	[tilespmem:s14], [sflag:$0x1] =	stream.indirect.gather [hbm4b:s3+s5], $0x40, s0, s5, $0xb8;
	[tilespmem:$0x15400] =	vst v63  }
0xd8: {  	_ =	swait.ge [sflag:s18], $0xA000  }
0xd9: {  	[sflag:s18] =	ssyncset.done $0x0  }
0xda: {  	s20 =	rddreg [dreg:$0x4];
	[sflag:s18] =	ssyncadd.s32 $0xFFFF6000  }
0xdb: {  	[hbm4b:s20+s2] =	stream.linear.scatter [tilespmem:s6], [sflag:$0x4], $0xA000, $0x38;
	[tilespmem:$0x15400] =	vst v63  }
0xdc: {  	_ =	swait.ge [sflag:s13], $0xA000  }
0xdd: {  	[sflag:s13] =	ssyncset.done $0x0  }
0xde: {  	s0 =	rddreg [dreg:$0x18];
	[sflag:s13] =	ssyncadd.s32 $0xFFFF6000  }
0xdf: {  	[tilespmem:s6], [sflag:$0x2] =	stream.indirect.gather [hbm4b:s3+s5], $0x40, s0, s5, $0xb8;
	[tilespmem:$0x15400] =	vst v63  }
0xe0: {  	s20 =	rddreg [dreg:$0x19]  }
0xe1: {  	[tilespmem:s10], [sflag:$0x2] =	stream.indirect.gather [hbm4b:s3+s5], $0x40, s20, s5, $0xb8;
	[tilespmem:$0x15400] =	vst v63  }
0xe2: {  	s0 =	rddreg [dreg:$0x1a]  }
0xe3: {  	[tilespmem:s12], [sflag:$0x2] =	stream.indirect.gather [hbm4b:s3+s5], $0x40, s0, s5, $0xb8;
	[tilespmem:$0x15400] =	vst v63  }
0xe4: {  	s20 =	rddreg [dreg:$0x1b]  }
0xe5: {  	[tilespmem:s15], [sflag:$0x2] =	stream.indirect.gather [hbm4b:s3+s5], $0x40, s20, s5, $0xb8;
	[tilespmem:$0x15400] =	vst v63  }
0xe6: {  	s0 =	rddreg [dreg:$0x1c]  }
0xe7: {  	[tilespmem:s17], [sflag:$0x2] =	stream.indirect.gather [hbm4b:s3+s5], $0x40, s0, s5, $0xb8;
	[tilespmem:$0x15400] =	vst v63  }
0xe8: {  	_ =	swait.ge [sflag:s16], $0xA000  }
0xe9: {  	[sflag:s16] =	ssyncset.done $0x0  }
0xea: {  	s20 =	rddreg [dreg:$0x5];
	[sflag:s16] =	ssyncadd.s32 $0xFFFF6000  }
0xeb: {  	[hbm4b:s20+s2] =	stream.linear.scatter [tilespmem:s4], [sflag:$0x3], $0xA000, $0x38;
	[tilespmem:$0x15400] =	vst v63  }
0xec: {  	_ =	swait.ge [sflag:s8], $0xA000  }
0xed: {  	s0 =	rddreg [dreg:$0x1d];
	[sflag:s8] =	ssyncset.done $0x0  }
0xee: {  	s20 =	rddreg [dreg:$0x1e];
	[sflag:s8] =	ssyncadd.s32 $0xFFFF6000  }
0xef: {  	[tilespmem:s4], [sflag:$0x1] =	stream.indirect.gather [hbm4b:s3+s5], $0x40, s0, s5, $0xb8;
	[tilespmem:$0x15400] =	vst v63  }
0xf0: {  	s0 =	rddreg [dreg:$0x1f]  }
0xf1: {  	[tilespmem:s7], [sflag:$0x1] =	stream.indirect.gather [hbm4b:s3+s5], $0x40, s20, s5, $0xb8;
	[tilespmem:$0x15400] =	vst v63  }
0xf2: {  	s20 =	sld [smem:$0x7F7]  }
0xf3: {  	[tilespmem:s9], [sflag:$0x1] =	stream.indirect.gather [hbm4b:s3+s5], $0x40, s0, s5, $0xb8;
	[tilespmem:$0x15400] =	vst v63  }
0xf4: {  	s0 =	sld [smem:$0x7F8]  }
0xf5: {  	[tilespmem:s11], [sflag:$0x1] =	stream.indirect.gather [hbm4b:s3+s5], $0x40, s20, s5, $0xb8;
	[tilespmem:$0x15400] =	vst v63  }
0xf6: {  	_ = 	snop  }
0xf7: {  	[tilespmem:s14], [sflag:$0x1] =	stream.indirect.gather [hbm4b:s3+s5], $0x40, s0, s5, $0xb8;
	[tilespmem:$0x15400] =	vst v63  }
0xf8: {  	_ =	swait.ge [sflag:s18], $0xA000  }
0xf9: {  	[sflag:s18] =	ssyncset.done $0x0  }
0xfa: {  	s20 =	rddreg [dreg:$0x6];
	[sflag:s18] =	ssyncadd.s32 $0xFFFF6000  }
0xfb: {  	[hbm4b:s20+s2] =	stream.linear.scatter [tilespmem:s6], [sflag:$0x4], $0xA000, $0x38;
	[tilespmem:$0x15400] =	vst v63  }
0xfc: {  	_ =	swait.ge [sflag:s13], $0xA000  }
0xfd: {  	s0 =	sld [smem:$0x7F9]  }
0xfe: {  	[sflag:s13] =	ssyncset.done $0x0  }
0xff: {  	s20 =	sld [smem:$0x7FA];
	[sflag:s13] =	ssyncadd.s32 $0xFFFF6000  }
0x100: {  	[tilespmem:s6], [sflag:$0x2] =	stream.indirect.gather [hbm4b:s3+s5], $0x40, s0, s5, $0xb8;
	[tilespmem:$0x15400] =	vst v63  }
0x101: {  	s0 =	sld [smem:$0x7FB]  }
0x102: {  	[tilespmem:s10], [sflag:$0x2] =	stream.indirect.gather [hbm4b:s3+s5], $0x40, s20, s5, $0xb8;
	[tilespmem:$0x15400] =	vst v63  }
0x103: {  	s20 =	sld [smem:$0x7FC]  }
0x104: {  	[tilespmem:s12], [sflag:$0x2] =	stream.indirect.gather [hbm4b:s3+s5], $0x40, s0, s5, $0xb8;
	[tilespmem:$0x15400] =	vst v63  }
0x105: {  	s0 =	sld [smem:$0x7FD]  }
0x106: {  	[tilespmem:s15], [sflag:$0x2] =	stream.indirect.gather [hbm4b:s3+s5], $0x40, s20, s5, $0xb8;
	[tilespmem:$0x15400] =	vst v63  }
0x107: {  	_ = 	snop  }
0x108: {  	[tilespmem:s17], [sflag:$0x2] =	stream.indirect.gather [hbm4b:s3+s5], $0x40, s0, s5, $0xb8;
	[tilespmem:$0x15400] =	vst v63  }
0x109: {  	_ =	swait.ge [sflag:s16], $0xA000  }
0x10a: {  	[sflag:s16] =	ssyncset.done $0x0  }
0x10b: {  	s20 =	rddreg [dreg:$0x7];
	[sflag:s16] =	ssyncadd.s32 $0xFFFF6000  }
0x10c: {  	[hbm4b:s20+s2] =	stream.linear.scatter [tilespmem:s4], [sflag:$0x3], $0xA000, $0x38;
	[tilespmem:$0x15400] =	vst v63  }
0x10d: {  	_ =	swait.ge [sflag:s8], $0xA000  }
0x10e: {  	[sflag:s8] =	ssyncset.done $0x0  }
0x10f: {  	s20 =	simm.s32 $0xF00;
	[sflag:s8] =	ssyncadd.s32 $0xFFFF6000  }
0x110: {  	[tilespmem:s4], [sflag:$0x1] =	stream.indirect.gather [hbm4b:s3+s5], $0x40, s20, s5, $0xb8;
	[tilespmem:$0x15400] =	vst v63  }
0x111: {  	_ = 	snop  }
0x112: {  	[tilespmem:s7], [sflag:$0x1] =	stream.indirect.gather [hbm4b:s3+s5], $0x40, s28, s5, $0xb8;
	[tilespmem:$0x15400] =	vst v63  }
0x113: {  	_ = 	snop  }
0x114: {  	[tilespmem:s9], [sflag:$0x1] =	stream.indirect.gather [hbm4b:s3+s5], $0x40, s29, s5, $0xb8;
	[tilespmem:$0x15400] =	vst v63  }
0x115: {  	_ = 	snop  }
0x116: {  	[tilespmem:s11], [sflag:$0x1] =	stream.indirect.gather [hbm4b:s3+s5], $0x40, s30, s5, $0xb8;
	[tilespmem:$0x15400] =	vst v63  }
0x117: {  	_ = 	snop  }
0x118: {  	[tilespmem:s14], [sflag:$0x1] =	stream.indirect.gather [hbm4b:s3+s5], $0x40, s26, s5, $0xb8;
	[tilespmem:$0x15400] =	vst v63  }
0x119: {  	_ =	swait.ge [sflag:s18], $0xA000  }
0x11a: {  	[sflag:s18] =	ssyncset.done $0x0  }
0x11b: {  	s20 =	rddreg [dreg:$0x8];
	[sflag:s18] =	ssyncadd.s32 $0xFFFF6000  }
0x11c: {  	[hbm4b:s20+s2] =	stream.linear.scatter [tilespmem:s6], [sflag:$0x4], $0xA000, $0x38;
	[tilespmem:$0x15400] =	vst v63  }
0x11d: {  	_ =	swait.ge [sflag:s13], $0xA000  }
0x11e: {  	[sflag:s13] =	ssyncset.done $0x0  }
0x11f: {  	[sflag:s13] =	ssyncadd.s32 $0xFFFF6000  }
0x120: {  	[tilespmem:s6], [sflag:$0x2] =	stream.indirect.gather [hbm4b:s3+s5], $0x40, s21, s5, $0xb8;
	[tilespmem:$0x15400] =	vst v63  }
0x121: {  	_ = 	snop  }
0x122: {  	[tilespmem:s10], [sflag:$0x2] =	stream.indirect.gather [hbm4b:s3+s5], $0x40, s22, s5, $0xb8;
	[tilespmem:$0x15400] =	vst v63  }
0x123: {  	_ = 	snop  }
0x124: {  	[tilespmem:s12], [sflag:$0x2] =	stream.indirect.gather [hbm4b:s3+s5], $0x40, s23, s5, $0xb8;
	[tilespmem:$0x15400] =	vst v63  }
0x125: {  	_ = 	snop  }
0x126: {  	[tilespmem:s15], [sflag:$0x2] =	stream.indirect.gather [hbm4b:s3+s5], $0x40, s24, s5, $0xb8;
	[tilespmem:$0x15400] =	vst v63  }
0x127: {  	_ = 	snop  }
0x128: {  	[tilespmem:s17], [sflag:$0x2] =	stream.indirect.gather [hbm4b:s3+s5], $0x40, s25, s5, $0xb8;
	[tilespmem:$0x15400] =	vst v63  }
0x129: {  	_ =	swait.ge [sflag:s16], $0xA000  }
0x12a: {  	[sflag:s16] =	ssyncset.done $0x0  }
0x12b: {  	s20 =	rddreg [dreg:$0x9];
	[sflag:s16] =	ssyncadd.s32 $0xFFFF6000  }
0x12c: {  	[hbm4b:s20+s2] =	stream.linear.scatter [tilespmem:s4], [sflag:$0x3], $0xA000, $0x38;
	[tilespmem:$0x15400] =	vst v63  }
0x12d: {  	_ =	swait.ge [sflag:s18], $0xA000  }
0x12e: {  	[sflag:s18] =	ssyncset.done $0x0  }
0x12f: {  	p1 =	sne.s32 s1, $0x1;
	s20 =	rddreg [dreg:$0xa];
	[sflag:s18] =	ssyncadd.s32 $0xFFFF6000  }
0x130: {  	[hbm4b:s20+s2] =	stream.linear.scatter [tilespmem:s6], [sflag:$0x4], $0xA000, $0x38;
	[tilespmem:$0x15400] =	vst v63  }
.Ltmp2:
0x131: {  	_ =	swait.ge [sflag:s8], $0xA000;
	(pc) =	sbr.rel @p1 .LBB2_4-.Ltmp2, $4  }
0x132: {  	[sflag:s8] =	ssyncset.done $0x0  }
0x133: {  	[sflag:s8] =	ssyncadd.s32 $0xFFFF6000  }
0x134: {  	_ =	swait.ge [sflag:s13], $0xA000  }
0x135: {  	s1 =	sadd.s32 $0xFFFFFFFF, s1;
	s0 =	rddreg [dreg:$0x3];
	[sflag:s13] =	ssyncset.done $0x0  }
0x136: {  	s25 =	simm.s32 $0x1100  }
0x137: {  	s30 =	simm.s32 $0x1080;
	s29 =	simm.s32 $0x1000;
	s28 =	simm.s32 $0xF80  }
0x138: {  	s26 =	simm.s32 $0xF00;
	s24 =	simm.s32 $0x1300;
	s23 =	simm.s32 $0x1280  }
0x139: {  	s22 =	simm.s32 $0x1200;
	s21 =	simm.s32 $0x1180;
	s20 =	stileid.u32  }
.LBB2_6:
0x13a: {  	[sflag:s13] =	ssyncadd.s32 @p0 $0xFFFF6000  }
0x13b: {  	[tilespmem:s2], [sflag:$0x5] =	stream.linear.gather [hbm4b:s0+s2], $0x1400, $0x38;
	[tilespmem:$0x15400] =	vst v63  }
0x13c: {  	_ =	swait.ge [sflag:s31], $0x1400  }
0x13d: {  	[sflag:s31] =	ssyncset.done $0x0  }
0x13e: {  	[sflag:s31] =	ssyncadd.s32 $0xFFFFEC00  }
0x13f: {  	[tilespmem:s4], [sflag:$0x1] =	stream.indirect.gather [hbm4b:s3+s5], $0x40, s2, s5, $0xb8;
	[tilespmem:$0x15400] =	vst v63  }
0x140: {  	_ = 	snop  }
0x141: {  	[tilespmem:s7], [sflag:$0x1] =	stream.indirect.gather [hbm4b:s3+s5], $0x40, s5, s5, $0xb8;
	[tilespmem:$0x15400] =	vst v63  }
0x142: {  	s31 =	rddreg [dreg:$0xb]  }
0x143: {  	[tilespmem:s9], [sflag:$0x1] =	stream.indirect.gather [hbm4b:s3+s5], $0x40, s31, s5, $0xb8;
	[tilespmem:$0x15400] =	vst v63  }
0x144: {  	s1 =	rddreg [dreg:$0xc]  }
0x145: {  	[tilespmem:s11], [sflag:$0x1] =	stream.indirect.gather [hbm4b:s3+s5], $0x40, s1, s5, $0xb8;
	[tilespmem:$0x15400] =	vst v63  }
0x146: {  	s0 =	rddreg [dreg:$0xd]  }
0x147: {  	[tilespmem:s14], [sflag:$0x1] =	stream.indirect.gather [hbm4b:s3+s5], $0x40, s0, s5, $0xb8;
	[tilespmem:$0x15400] =	vst v63  }
0x148: {  	s31 =	rddreg [dreg:$0xe]  }
0x149: {  	[tilespmem:s6], [sflag:$0x2] =	stream.indirect.gather [hbm4b:s3+s5], $0x40, s31, s5, $0xb8;
	[tilespmem:$0x15400] =	vst v63  }
0x14a: {  	s0 =	rddreg [dreg:$0xf]  }
0x14b: {  	[tilespmem:s10], [sflag:$0x2] =	stream.indirect.gather [hbm4b:s3+s5], $0x40, s0, s5, $0xb8;
	[tilespmem:$0x15400] =	vst v63  }
0x14c: {  	s31 =	rddreg [dreg:$0x10]  }
0x14d: {  	[tilespmem:s12], [sflag:$0x2] =	stream.indirect.gather [hbm4b:s3+s5], $0x40, s31, s5, $0xb8;
	[tilespmem:$0x15400] =	vst v63  }
0x14e: {  	s0 =	rddreg [dreg:$0x11]  }
0x14f: {  	[tilespmem:s15], [sflag:$0x2] =	stream.indirect.gather [hbm4b:s3+s5], $0x40, s0, s5, $0xb8;
	[tilespmem:$0x15400] =	vst v63  }
0x150: {  	s31 =	rddreg [dreg:$0x12]  }
0x151: {  	[tilespmem:s17], [sflag:$0x2] =	stream.indirect.gather [hbm4b:s3+s5], $0x40, s31, s5, $0xb8;
	[tilespmem:$0x15400] =	vst v63  }
0x152: {  	_ =	swait.ge [sflag:s16], $0xA000  }
0x153: {  	[sflag:s16] =	ssyncset.done $0x0  }
0x154: {  	[sflag:s16] =	ssyncadd.s32 $0xFFFF6000  }
0x155: {  	[hbm4b:s19+s2] =	stream.linear.scatter [tilespmem:s4], [sflag:$0x3], $0xA000, $0x38;
	[tilespmem:$0x15400] =	vst v63  }
0x156: {  	_ =	swait.ge [sflag:s8], $0xA000  }
0x157: {  	[sflag:s8] =	ssyncset.done $0x0  }
0x158: {  	s19 =	rddreg [dreg:$0x13];
	[sflag:s8] =	ssyncadd.s32 $0xFFFF6000  }
0x159: {  	[tilespmem:s4], [sflag:$0x1] =	stream.indirect.gather [hbm4b:s3+s5], $0x40, s19, s5, $0xb8;
	[tilespmem:$0x15400] =	vst v63  }
0x15a: {  	s31 =	rddreg [dreg:$0x14]  }
0x15b: {  	[tilespmem:s7], [sflag:$0x1] =	stream.indirect.gather [hbm4b:s3+s5], $0x40, s31, s5, $0xb8;
	[tilespmem:$0x15400] =	vst v63  }
0x15c: {  	s19 =	rddreg [dreg:$0x15]  }
0x15d: {  	[tilespmem:s9], [sflag:$0x1] =	stream.indirect.gather [hbm4b:s3+s5], $0x40, s19, s5, $0xb8;
	[tilespmem:$0x15400] =	vst v63  }
0x15e: {  	s31 =	rddreg [dreg:$0x16]  }
0x15f: {  	[tilespmem:s11], [sflag:$0x1] =	stream.indirect.gather [hbm4b:s3+s5], $0x40, s31, s5, $0xb8;
	[tilespmem:$0x15400] =	vst v63  }
0x160: {  	s19 =	rddreg [dreg:$0x17]  }
0x161: {  	[tilespmem:s14], [sflag:$0x1] =	stream.indirect.gather [hbm4b:s3+s5], $0x40, s19, s5, $0xb8;
	[tilespmem:$0x15400] =	vst v63  }
0x162: {  	_ =	swait.ge [sflag:s18], $0xA000  }
0x163: {  	[sflag:s18] =	ssyncset.done $0x0  }
0x164: {  	s31 =	rddreg [dreg:$0x4];
	[sflag:s18] =	ssyncadd.s32 $0xFFFF6000  }
0x165: {  	[hbm4b:s31+s2] =	stream.linear.scatter [tilespmem:s6], [sflag:$0x4], $0xA000, $0x38;
	[tilespmem:$0x15400] =	vst v63  }
0x166: {  	_ =	swait.ge [sflag:s13], $0xA000  }
0x167: {  	[sflag:s13] =	ssyncset.done $0x0  }
0x168: {  	s1 =	rddreg [dreg:$0x18];
	[sflag:s13] =	ssyncadd.s32 $0xFFFF6000  }
0x169: {  	[tilespmem:s6], [sflag:$0x2] =	stream.indirect.gather [hbm4b:s3+s5], $0x40, s1, s5, $0xb8;
	[tilespmem:$0x15400] =	vst v63  }
0x16a: {  	s19 =	rddreg [dreg:$0x19]  }
0x16b: {  	[tilespmem:s10], [sflag:$0x2] =	stream.indirect.gather [hbm4b:s3+s5], $0x40, s19, s5, $0xb8;
	[tilespmem:$0x15400] =	vst v63  }
0x16c: {  	s31 =	rddreg [dreg:$0x1a]  }
0x16d: {  	[tilespmem:s12], [sflag:$0x2] =	stream.indirect.gather [hbm4b:s3+s5], $0x40, s31, s5, $0xb8;
	[tilespmem:$0x15400] =	vst v63  }
0x16e: {  	s19 =	rddreg [dreg:$0x1b]  }
0x16f: {  	[tilespmem:s15], [sflag:$0x2] =	stream.indirect.gather [hbm4b:s3+s5], $0x40, s19, s5, $0xb8;
	[tilespmem:$0x15400] =	vst v63  }
0x170: {  	s31 =	rddreg [dreg:$0x1c]  }
0x171: {  	[tilespmem:s17], [sflag:$0x2] =	stream.indirect.gather [hbm4b:s3+s5], $0x40, s31, s5, $0xb8;
	[tilespmem:$0x15400] =	vst v63  }
0x172: {  	_ =	swait.ge [sflag:s16], $0xA000  }
0x173: {  	[sflag:s16] =	ssyncset.done $0x0  }
0x174: {  	s1 =	rddreg [dreg:$0x5];
	[sflag:s16] =	ssyncadd.s32 $0xFFFF6000  }
0x175: {  	[hbm4b:s1+s2] =	stream.linear.scatter [tilespmem:s4], [sflag:$0x3], $0xA000, $0x38;
	[tilespmem:$0x15400] =	vst v63  }
0x176: {  	_ =	swait.ge [sflag:s8], $0xA000  }
0x177: {  	s19 =	rddreg [dreg:$0x1d];
	[sflag:s8] =	ssyncset.done $0x0  }
0x178: {  	s31 =	rddreg [dreg:$0x1e];
	[sflag:s8] =	ssyncadd.s32 $0xFFFF6000  }
0x179: {  	[tilespmem:s4], [sflag:$0x1] =	stream.indirect.gather [hbm4b:s3+s5], $0x40, s19, s5, $0xb8;
	[tilespmem:$0x15400] =	vst v63  }
0x17a: {  	s19 =	rddreg [dreg:$0x1f]  }
0x17b: {  	[tilespmem:s7], [sflag:$0x1] =	stream.indirect.gather [hbm4b:s3+s5], $0x40, s31, s5, $0xb8;
	[tilespmem:$0x15400] =	vst v63  }
0x17c: {  	s31 =	sld [smem:$0x7F7]  }
0x17d: {  	[tilespmem:s9], [sflag:$0x1] =	stream.indirect.gather [hbm4b:s3+s5], $0x40, s19, s5, $0xb8;
	[tilespmem:$0x15400] =	vst v63  }
0x17e: {  	s19 =	sld [smem:$0x7F8]  }
0x17f: {  	[tilespmem:s11], [sflag:$0x1] =	stream.indirect.gather [hbm4b:s3+s5], $0x40, s31, s5, $0xb8;
	[tilespmem:$0x15400] =	vst v63  }
0x180: {  	_ = 	snop  }
0x181: {  	[tilespmem:s14], [sflag:$0x1] =	stream.indirect.gather [hbm4b:s3+s5], $0x40, s19, s5, $0xb8;
	[tilespmem:$0x15400] =	vst v63  }
0x182: {  	_ =	swait.ge [sflag:s18], $0xA000  }
0x183: {  	[sflag:s18] =	ssyncset.done $0x0  }
0x184: {  	s31 =	rddreg [dreg:$0x6];
	[sflag:s18] =	ssyncadd.s32 $0xFFFF6000  }
0x185: {  	[hbm4b:s31+s2] =	stream.linear.scatter [tilespmem:s6], [sflag:$0x4], $0xA000, $0x38;
	[tilespmem:$0x15400] =	vst v63  }
0x186: {  	_ =	swait.ge [sflag:s13], $0xA000  }
0x187: {  	s1 =	sld [smem:$0x7F9]  }
0x188: {  	[sflag:s13] =	ssyncset.done $0x0  }
0x189: {  	s19 =	sld [smem:$0x7FA];
	[sflag:s13] =	ssyncadd.s32 $0xFFFF6000  }
0x18a: {  	[tilespmem:s6], [sflag:$0x2] =	stream.indirect.gather [hbm4b:s3+s5], $0x40, s1, s5, $0xb8;
	[tilespmem:$0x15400] =	vst v63  }
0x18b: {  	s31 =	sld [smem:$0x7FB]  }
0x18c: {  	[tilespmem:s10], [sflag:$0x2] =	stream.indirect.gather [hbm4b:s3+s5], $0x40, s19, s5, $0xb8;
	[tilespmem:$0x15400] =	vst v63  }
0x18d: {  	s19 =	sld [smem:$0x7FC]  }
0x18e: {  	[tilespmem:s12], [sflag:$0x2] =	stream.indirect.gather [hbm4b:s3+s5], $0x40, s31, s5, $0xb8;
	[tilespmem:$0x15400] =	vst v63  }
0x18f: {  	s31 =	sld [smem:$0x7FD]  }
0x190: {  	[tilespmem:s15], [sflag:$0x2] =	stream.indirect.gather [hbm4b:s3+s5], $0x40, s19, s5, $0xb8;
	[tilespmem:$0x15400] =	vst v63  }
0x191: {  	_ = 	snop  }
0x192: {  	[tilespmem:s17], [sflag:$0x2] =	stream.indirect.gather [hbm4b:s3+s5], $0x40, s31, s5, $0xb8;
	[tilespmem:$0x15400] =	vst v63  }
0x193: {  	_ =	swait.ge [sflag:s16], $0xA000  }
0x194: {  	[sflag:s16] =	ssyncset.done $0x0  }
0x195: {  	s19 =	rddreg [dreg:$0x7];
	[sflag:s16] =	ssyncadd.s32 $0xFFFF6000  }
0x196: {  	[hbm4b:s19+s2] =	stream.linear.scatter [tilespmem:s4], [sflag:$0x3], $0xA000, $0x38;
	[tilespmem:$0x15400] =	vst v63  }
0x197: {  	_ =	swait.ge [sflag:s8], $0xA000  }
0x198: {  	[sflag:s8] =	ssyncset.done $0x0  }
0x199: {  	[sflag:s8] =	ssyncadd.s32 $0xFFFF6000  }
0x19a: {  	[tilespmem:s4], [sflag:$0x1] =	stream.indirect.gather [hbm4b:s3+s5], $0x40, s26, s5, $0xb8;
	[tilespmem:$0x15400] =	vst v63  }
0x19b: {  	_ = 	snop  }
0x19c: {  	[tilespmem:s7], [sflag:$0x1] =	stream.indirect.gather [hbm4b:s3+s5], $0x40, s28, s5, $0xb8;
	[tilespmem:$0x15400] =	vst v63  }
0x19d: {  	_ = 	snop  }
0x19e: {  	[tilespmem:s9], [sflag:$0x1] =	stream.indirect.gather [hbm4b:s3+s5], $0x40, s29, s5, $0xb8;
	[tilespmem:$0x15400] =	vst v63  }
0x19f: {  	_ = 	snop  }
0x1a0: {  	[tilespmem:s11], [sflag:$0x1] =	stream.indirect.gather [hbm4b:s3+s5], $0x40, s30, s5, $0xb8;
	[tilespmem:$0x15400] =	vst v63  }
0x1a1: {  	_ = 	snop  }
0x1a2: {  	[tilespmem:s14], [sflag:$0x1] =	stream.indirect.gather [hbm4b:s3+s5], $0x40, s25, s5, $0xb8;
	[tilespmem:$0x15400] =	vst v63  }
0x1a3: {  	_ =	swait.ge [sflag:s18], $0xA000  }
0x1a4: {  	[sflag:s18] =	ssyncset.done $0x0  }
0x1a5: {  	s28 =	rddreg [dreg:$0x8];
	[sflag:s18] =	ssyncadd.s32 $0xFFFF6000  }
0x1a6: {  	[hbm4b:s28+s2] =	stream.linear.scatter [tilespmem:s6], [sflag:$0x4], $0xA000, $0x38;
	[tilespmem:$0x15400] =	vst v63  }
0x1a7: {  	_ =	swait.ge [sflag:s13], $0xA000  }
0x1a8: {  	[sflag:s13] =	ssyncset.done $0x0  }
0x1a9: {  	[sflag:s13] =	ssyncadd.s32 $0xFFFF6000  }
0x1aa: {  	[tilespmem:s6], [sflag:$0x2] =	stream.indirect.gather [hbm4b:s3+s5], $0x40, s21, s5, $0xb8;
	[tilespmem:$0x15400] =	vst v63  }
0x1ab: {  	_ = 	snop  }
0x1ac: {  	[tilespmem:s10], [sflag:$0x2] =	stream.indirect.gather [hbm4b:s3+s5], $0x40, s22, s5, $0xb8;
	[tilespmem:$0x15400] =	vst v63  }
0x1ad: {  	_ = 	snop  }
0x1ae: {  	[tilespmem:s12], [sflag:$0x2] =	stream.indirect.gather [hbm4b:s3+s5], $0x40, s23, s5, $0xb8;
	[tilespmem:$0x15400] =	vst v63  }
0x1af: {  	_ = 	snop  }
0x1b0: {  	[tilespmem:s15], [sflag:$0x2] =	stream.indirect.gather [hbm4b:s3+s5], $0x40, s24, s5, $0xb8;
	[tilespmem:$0x15400] =	vst v63  }
0x1b1: {  	s29 =	simm.s32 $0x1380  }
0x1b2: {  	[tilespmem:s17], [sflag:$0x2] =	stream.indirect.gather [hbm4b:s3+s5], $0x40, s29, s5, $0xb8;
	[tilespmem:$0x15400] =	vst v63  }
0x1b3: {  	_ =	swait.ge [sflag:s16], $0xA000  }
0x1b4: {  	[sflag:s16] =	ssyncset.done $0x0  }
0x1b5: {  	s30 =	rddreg [dreg:$0x9];
	[sflag:s16] =	ssyncadd.s32 $0xFFFF6000  }
0x1b6: {  	[hbm4b:s30+s2] =	stream.linear.scatter [tilespmem:s4], [sflag:$0x3], $0xA000, $0x38;
	[tilespmem:$0x15400] =	vst v63  }
0x1b7: {  	_ =	swait.ge [sflag:s18], $0xA000  }
0x1b8: {  	[sflag:s18] =	ssyncset.done $0x0  }
0x1b9: {  	s31 =	rddreg [dreg:$0xa];
	[sflag:s18] =	ssyncadd.s32 $0xFFFF6000  }
0x1ba: {  	[hbm4b:s31+s2] =	stream.linear.scatter [tilespmem:s6], [sflag:$0x4], $0xA000, $0x38;
	[tilespmem:$0x15400] =	vst v63  }
0x1bb: {  	_ =	swait.ge [sflag:s8], $0xA000  }
0x1bc: {  	[sflag:s8] =	ssyncset.done $0x0  }
0x1bd: {  	[sflag:s8] =	ssyncadd.s32 $0xFFFF6000  }
0x1be: {  	_ =	swait.ge [sflag:s13], $0xA000  }
0x1bf: {  	[sflag:s13] =	ssyncset.done $0x0  }
0x1c0: {  	[sflag:s13] =	ssyncadd.s32 $0xFFFF6000  }
0x1c1: {  	_ =	sfence.sel $0x180000  }
0x1c2: {  	[bflag:$0x0] =	sbarrier.arrive $0xFFFF  }
0x1c3: {  	_ =	strace $0x90000053  }
0x1c4: {  	[bflag:$0x2] =	sbarrier.arrive $0xFFFF  }
0x1c5: {  	p0 =	sne.s32 s20, $0x0;
	s0 =	rddreg [dreg:$0x2]  }
0x1c6: {  	s0 =	sadd.s32 @!p0 $0x100000, s0  }
0x1c7: {  	[sflag:s0] =	ssyncadd.tile.s32 @!p0 $0x1;
	_ =	shalt  }
.LBB2_1:
.Ltmp3:
0x1c8: {  	(pc) =	sbr.rel .LBB2_6-.Ltmp3, $4  }
0x1c9: {  	_ = 	snop  }
0x1ca: {  	s25 =	simm.s32 $0x1100;
	s30 =	simm.s32 $0x1080;
	s29 =	simm.s32 $0x1000  }
0x1cb: {  	s28 =	simm.s32 $0xF80;
	s26 =	simm.s32 $0xF00;
	s24 =	simm.s32 $0x1300  }
0x1cc: {  	s23 =	simm.s32 $0x1280;
	s22 =	simm.s32 $0x1200;
	s21 =	simm.s32 $0x1180  }
.LBB2_3:
.Ltmp4:
0x1cd: {  	(pc) =	sbr.rel .LBB2_6-.Ltmp4, $4  }
0x1ce: {  	s25 =	simm.s32 $0x1100  }
0x1cf: {  	s30 =	simm.s32 $0x1080;
	s29 =	simm.s32 $0x1000;
	s28 =	simm.s32 $0xF80  }
0x1d0: {  	s26 =	simm.s32 $0xF00;
	s24 =	simm.s32 $0x1300;
	s23 =	simm.s32 $0x1280  }
0x1d1: {  	s22 =	simm.s32 $0x1200;
	s21 =	simm.s32 $0x1180;
	s20 =	stileid.u32  }
.Lfunc_end2:
_tile_overlayer_lowered:
.L_overlay_start_2:
0x1d2: {  	(tag) =	ssettag $0x2  }
0x1d3: {  	s0 =	rddreg [dreg:$0x0];
	s2 =	stileid.u32  }
0x1d4: {  	s1 =	rddreg [dreg:$0x1];
	p0 =	sne.s32 s2, $0x0  }
0x1d5: {  	s3 =	rddreg [dreg:$0x2];
	[bflag:$0x3] =	sbarrier.arrive $0xFFFF;
	s2 =	simm.s32 @!p0 $0x1C05  }
0x1d6: {  	[timem:s3], [sflag:s2] =	dma.local @!p0 [hbm:s0], s1  }
0x1d7: {  	s0 =	simm.s32 @!p0 $0x5  }
0x1d8: {  	_ =	swait.ge @!p0 [sflag:s0], s1  }
0x1d9: {  	s1 =	ssub.s32 @!p0 $0x0, s1;
	[sflag:s0] =	ssyncset.done @!p0 $0x0  }
0x1da: {  	[sflag:s0] =	ssyncadd.s32 @!p0 s1  }
0x1db: {  	[bflag:$0x3] =	sbarrier.arrive $0xFFFF  }
0x1dc: {  	_ =	shalt  }

</sc_bundles>
